<compile_context>
chip_gen: v7x
topology: tpu7x:2x2x1
jax: 0.10.2.dev20260603
libtpu: 0.0.44.dev20260713+nightly
codegen_flags: <defaults>
</compile_context>

<pallas_src>
import functools

import numpy as np
import jax
import jax.numpy as jnp
from jax import lax
from jax.experimental import pallas as pl
from jax.experimental.pallas import tpu as pltpu

_B, _D, _S = 128, 512, 512
_RATE_CONST = 1.0
_EPS = 1e-9
_TINY = np.float32(np.finfo(np.float32).tiny)
_JC = 16
_NB = 4


def _np_threefry_block(k0, k1, x0, x1):
    k0 = np.uint32(k0); k1 = np.uint32(k1)
    ks = [k0, k1, k0 ^ k1 ^ np.uint32(0x1BD11BDA)]
    rots = [(13, 15, 26, 6), (17, 29, 16, 24)]
    x0 = np.uint32(x0) + ks[0]
    x1 = np.uint32(x1) + ks[1]
    for i in range(5):
        for r in rots[i % 2]:
            x0 = np.uint32(x0 + x1)
            x1 = np.uint32((np.uint32(x1 << np.uint32(r))) | (x1 >> np.uint32(32 - r)))
            x1 = x1 ^ x0
        x0 = np.uint32(x0 + ks[(i + 1) % 3])
        x1 = np.uint32(x1 + ks[(i + 2) % 3] + np.uint32(i + 1))
    return x0, x1


_SUBKEYS = [_np_threefry_block(0, 42, np.uint32(0), np.uint32(i)) for i in range(3)]


def _i32(v):
    return jnp.int32(np.int32(np.uint32(v)))


def _tf_bits(kpair, x1):
    k0, k1 = np.uint32(kpair[0]), np.uint32(kpair[1])
    ks = [k0, k1, k0 ^ k1 ^ np.uint32(0x1BD11BDA)]
    rots = [(13, 15, 26, 6), (17, 29, 16, 24)]
    a = jnp.full(x1.shape, _i32(ks[0]), dtype=jnp.int32)
    b = x1 + _i32(ks[1])
    for i in range(5):
        for r in rots[i % 2]:
            a = a + b
            b = lax.shift_left(b, jnp.int32(r)) | lax.shift_right_logical(
                b, jnp.int32(32 - r))
            b = b ^ a
        a = a + _i32(ks[(i + 1) % 3])
        b = b + _i32(np.uint32(ks[(i + 2) % 3] + np.uint32(i + 1)))
    return a ^ b


def _g_of(m):
    fb = m | jnp.int32(0x3F800000)
    fl = lax.bitcast_convert_type(fb, jnp.float32) - jnp.float32(1.0)
    u = jnp.maximum(_TINY, fl + _TINY)
    return -jnp.log(-jnp.log(u))


def _sample_body(xs_ref, bm_ref, bj_ref, mxs_ref):
    g = pl.program_id(0)
    jj_c = lax.broadcasted_iota(jnp.int32, (_JC, _D), 0)
    dd_c = lax.broadcasted_iota(jnp.int32, (_JC, _D), 1)
    big = jnp.int32(1 << 30)

    bases = [(g * _NB + p) * jnp.int32(_D * _S) for p in range(_NB)]
    xss = [xs_ref[p, 0, :] for p in range(_NB)]

    def chunk(c, carry):
        j0 = c * _JC
        jj = jj_c + j0
        off = dd_c * jnp.int32(_S) + jj
        out = []
        for p in range(_NB):
            best_m, best_j, mxs = carry[3 * p:3 * p + 3]
            m = lax.shift_right_logical(_tf_bits(_SUBKEYS[0], bases[p] + off), 9)
            is_xs = jj == xss[p][None, :]
            mm = jnp.where(is_xs, jnp.int32(-1), m)
            cmax = jnp.max(mm, axis=0)
            cj = jnp.min(jnp.where(mm == cmax[None, :], jj, big), axis=0)
            upd = cmax > best_m
            best_m = jnp.where(upd, cmax, best_m)
            best_j = jnp.where(upd, cj, best_j)
            mxs = jnp.maximum(mxs, jnp.max(jnp.where(is_xs, m, jnp.int32(-1)),
                                           axis=0))
            out += [best_m, best_j, mxs]
        return tuple(out)

    init = (jnp.full((_D,), -1, jnp.int32), jnp.full((_D,), 0, jnp.int32),
            jnp.full((_D,), -1, jnp.int32)) * _NB
    carry = lax.fori_loop(0, _S // _JC, chunk, init)

    for p in range(_NB):
        bm_ref[p, 0, :] = carry[3 * p]
        bj_ref[p, 0, :] = carry[3 * p + 1]
        mxs_ref[p, 0, :] = carry[3 * p + 2]


def _finalize_body(xs_ref, lo_ref, hi_ref, bm_ref, bj_ref, mxs_ref, out_ref):
    xs = xs_ref[:, 0, :]
    best_m = bm_ref[:, 0, :]
    best_j = bj_ref[:, 0, :]
    mxs = mxs_ref[:, 0, :]
    big = jnp.int32(1 << 30)

    vstar = _g_of(best_m) + lo_ref[:, 0, :]
    vxs = _g_of(mxs) + hi_ref[:, 0, :]
    xt = jnp.where(vxs > vstar, xs, best_j)
    xt = jnp.where(vxs == vstar, jnp.minimum(xs, best_j), xt)

    rows = lax.broadcasted_iota(jnp.int32, (_B, _D), 0)
    dvec = lax.broadcasted_iota(jnp.int32, (_B, _D), 1)
    f2 = rows * jnp.int32(_D) + dvec
    m2 = lax.shift_right_logical(_tf_bits(_SUBKEYS[1], f2), 9)
    mx2 = jnp.max(m2, axis=1, keepdims=True)
    sd = jnp.min(jnp.where(m2 == mx2, dvec, big), axis=1, keepdims=True)
    xtstar = jnp.max(jnp.where(dvec == sd, xt, jnp.int32(-1)), axis=1,
                     keepdims=True)
    m3 = lax.shift_right_logical(_tf_bits(_SUBKEYS[2], f2), 9)
    m3m = jnp.where(dvec == xtstar, jnp.int32(-1), m3)
    mx3 = jnp.max(m3m, axis=1, keepdims=True)
    nv = jnp.min(jnp.where(m3m == mx3, dvec, big), axis=1, keepdims=True)

    out_ref[...] = jnp.where(dvec == sd, nv, xt)


def _onehot_body(xt_ref, out_ref):
    xt = xt_ref[...]
    sidx = lax.broadcasted_iota(jnp.int32, (8, _B, _S), 2)
    out_ref[...] = (xt[:, :, None] == sidx).astype(jnp.float32)


_NW = 32
_RPW = _D * _B // _NW


def _sc_scatter_body(xt_hbm, out_hbm, xtv, idxv, ones_v):
    from jax.experimental.pallas import tpu_sc as plsc
    wid = lax.axis_index("s") * 2 + lax.axis_index("c")
    rbase = wid * _RPW
    pltpu.sync_copy(xt_hbm.at[pl.ds(rbase * 1, _RPW)], xtv)
    iot = lax.iota(jnp.int32, 16)
    ones16 = jnp.ones((16,), jnp.float32)
    for k in range(8):
        ones_v[pl.ds(k * 16, 16)] = ones16
    for j in range(16):
        for i in range(8):
            r0 = j * 128 + i * 16
            xt16 = xtv[pl.ds(r0, 16)]
            idx16 = (rbase + r0 + iot) * jnp.int32(_S) + xt16
            idxv[j, pl.ds(i * 16, 16)] = idx16
    for j in range(16):
        pltpu.sync_copy(ones_v, out_hbm.at[idxv.at[j]])


def _sc_scatter(xt_flat, buf_ref):
    from jax.experimental.pallas import tpu_sc as plsc
    mesh = plsc.VectorSubcoreMesh(core_axis_name="c", subcore_axis_name="s")
    k = pl.kernel(
        _sc_scatter_body,
        out_type=(),
        mesh=mesh,
        scratch_types=[
            pltpu.VMEM((_RPW,), jnp.int32),
            pltpu.VMEM((16, 128), jnp.int32),
            pltpu.VMEM((128,), jnp.float32),
        ],
    )
    k(xt_flat, buf_ref)


@jax.jit
def kernel(x_start, t):
    xs3 = x_start.astype(jnp.int32).reshape(_B, 1, _D)
    w = jnp.exp(-_S * _RATE_CONST * t)
    lo = jnp.log((1.0 - w) / _S + _EPS).astype(jnp.float32)
    hi = jnp.log(w + (1.0 - w) / _S + _EPS).astype(jnp.float32)
    lo3 = jnp.broadcast_to(lo[:, None, None], (_B, 1, _D))
    hi3 = jnp.broadcast_to(hi[:, None, None], (_B, 1, _D))

    i3 = jax.ShapeDtypeStruct((_B, 1, _D), jnp.int32)
    bspec = pl.BlockSpec((_NB, 1, _D), lambda b: (b, 0, 0))
    bm, bj, mxs = pl.pallas_call(
        _sample_body,
        grid=(_B // _NB,),
        in_specs=[bspec],
        out_specs=(bspec, bspec, bspec),
        out_shape=(i3, i3, i3),
    )(xs3)

    full = pl.BlockSpec((_B, 1, _D), lambda: (0, 0, 0))
    xtilde = pl.pallas_call(
        _finalize_body,
        grid=(),
        in_specs=[full] * 6,
        out_specs=pl.BlockSpec((_B, _D), lambda: (0, 0)),
        out_shape=jax.ShapeDtypeStruct((_B, _D), jnp.int32),
    )(xs3, lo3, hi3, bm, bj, mxs)

    xt_T = jnp.transpose(xtilde)

    buf = jax.new_ref(jnp.zeros((_D * _B * _S,), jnp.float32))
    _sc_scatter(xt_T.reshape(-1), buf)
    return buf[...].reshape(_D, _B, _S)

# --- scband reference (transcript-rebuilt; emitter-appended) ---
"""Pipeline reference for scband-continuous-diffuser-53506702573864 (READ-ONLY COPY).

The authoritative reference and input builder live on the scoring server;
editing this copy changes nothing except your own understanding.
"""

import jax, jax.numpy as jnp
import numpy as np

B = 128
D = 512
S = 512
RATE_CONST = 1.0
MIN_TIME = 0.01
EPS = 1e-9


def _transition(t):
    # Uniform-rate CTMC closed-form transition: qt0 = w*I + (1-w)/S * ones, w = exp(-S*c*t)
    w = jnp.exp(-S * RATE_CONST * t)  # [B]
    eye = jnp.eye(S, dtype=jnp.float32)
    qt0 = w[:, None, None] * eye[None, :, :] + ((1.0 - w) / S)[:, None, None] * jnp.ones((S, S), dtype=jnp.float32)
    return qt0  # [B, S, S]


def _rate(t):
    # Uniform rate matrix: off-diagonal = c, diagonal = -(S-1)*c; constant in t.
    r = RATE_CONST * (jnp.ones((S, S), dtype=jnp.float32) - S * jnp.eye(S, dtype=jnp.float32))
    return jnp.broadcast_to(r[None, :, :], (t.shape[0], S, S))


def setup_inputs(seed: int = 0) -> dict:
    key = jax.random.key(seed)
    k1, k2 = jax.random.split(key)
    x_start = jax.random.randint(k1, (B, D), 0, S, dtype=jnp.int64)
    t = jax.random.uniform(k2, (B,), dtype=jnp.float32) * (1.0 - MIN_TIME) + MIN_TIME
    return {"x_start": x_start, "t": t}


def reference(x_start, t):
    # Faithful port of ContinuousDiffuser.q_sample followed by one_hot + permute(1,0,2)
    Bv, Dv = x_start.shape
    qt0 = _transition(t)   # [B, S, S]
    rate = _rate(t)        # [B, S, S]
    b_rep = jnp.repeat(jnp.arange(Bv), Dv)                      # [B*D]
    qt0_rows_reg = qt0[b_rep, x_start.reshape(-1), :]           # gather -> [B*D, S]
    key = jax.random.key(42)
    k1, k2, k3 = jax.random.split(key, 3)
    x_t = jax.random.categorical(k1, jnp.log(qt0_rows_reg + EPS), axis=-1).reshape(Bv, Dv)
    rate_vals = rate[b_rep, x_t.reshape(-1), :]                 # gather -> [B*D, S]
    rate_vals = rate_vals.at[jnp.arange(Bv * Dv), x_t.reshape(-1)].set(0.0)  # scatter-overwrite
    rate_vals_square = rate_vals.reshape(Bv, Dv, S)
    rate_vals_square_dimsum = jnp.sum(rate_vals_square, axis=2)  # [B, D]
    square_dims = jax.random.categorical(k2, jnp.log(rate_vals_square_dimsum + EPS), axis=-1)  # [B]
    rate_new_val_probs = rate_vals_square[jnp.arange(Bv), square_dims, :]  # [B, S]
    square_newval_samples = jax.random.categorical(k3, jnp.log(rate_new_val_probs + EPS), axis=-1)  # [B]
    x_tilde = x_t.at[jnp.arange(Bv), square_dims].set(square_newval_samples)
    onehot = jax.nn.one_hot(x_tilde, S, dtype=jnp.float32)       # [B, D, S]
    return jnp.transpose(onehot, (1, 0, 2))                      # [D, B, S]

if __name__ == "__main__":
    import jax
    _d = setup_inputs()
    print(jax.jit(kernel)(*tuple(_d.values())))

</pallas_src>

<mosaic_0001>
#map = affine_map<(d0, d1) -> (0)>
module attributes {stable_mosaic.version = 14 : i64} {
  func.func @new_body(%arg0: i32, %arg1: i32, %arg2: memref<65536xi32, #tpu.memory_space<hbm>>, %arg3: memref<33554432xf32, #tpu.memory_space<hbm>>, %arg4: memref<33554432xf32, #tpu.memory_space<hbm>>, %arg5: memref<2048xi32, #tpu.memory_space<vmem>>, %arg6: memref<16x128xi32, #tpu.memory_space<vmem>>, %arg7: memref<128xf32, #tpu.memory_space<vmem>>) attributes {dimension_semantics = [#tpu.dimension_semantics<core_parallel>, #tpu.dimension_semantics<subcore_parallel>], iteration_bounds = array<i64: 2, 16>, scalar_prefetch = 0 : i64, scratch_operands = 3 : i64, tpu.core_type = #tpu.core_type<sc_vector_subcore>, window_params = [{transform_indices = #map}, {transform_indices = #map}, {transform_indices = #map}]} {
    %mul3A = arith.constant 2 : i32
    %mul3A_0 = arith.muli %arg1, %mul3A : i32
    %add3A = arith.addi %mul3A_0, %arg0 : i32
    %mul3A_1 = arith.constant 2048 : i32
    %mul3A_2 = arith.muli %add3A, %mul3A_1 : i32
    %mul3A_3 = arith.constant 1 : i32
    %mul3A_4 = arith.muli %mul3A_2, %mul3A_3 : i32
    "tpu.region"() ({
      %run_scoped3A_2227 = tpu.sem_alloc : memref<!tpu.dma_semaphore, #tpu.memory_space<semaphore_mem>>
      %dma_start3A = tpu.memref_slice %arg2[%mul3A_4] : memref<65536xi32, #tpu.memory_space<hbm>> -> memref<2048xi32, #tpu.memory_space<hbm>>
      %dma_start3A_2228 = tpu.memref_slice %arg2[%mul3A_4] : memref<65536xi32, #tpu.memory_space<hbm>> -> memref<2048xi32, #tpu.memory_space<hbm>>
      tpu.enqueue_dma source(%dma_start3A_2228 : memref<2048xi32, #tpu.memory_space<hbm>>) target(%arg5 : memref<2048xi32, #tpu.memory_space<vmem>>) target_semaphore(%run_scoped3A_2227 : memref<!tpu.dma_semaphore, #tpu.memory_space<semaphore_mem>>)
      %dma_wait3A = tpu.memref_slice %arg2[%mul3A_4] : memref<65536xi32, #tpu.memory_space<hbm>> -> memref<2048xi32, #tpu.memory_space<hbm>>
      %dma_wait3A_2229 = tpu.memref_slice %arg2[%mul3A_4] : memref<65536xi32, #tpu.memory_space<hbm>> -> memref<2048xi32, #tpu.memory_space<hbm>>
      tpu.wait_dma2 semaphore(%run_scoped3A_2227 : memref<!tpu.dma_semaphore, #tpu.memory_space<semaphore_mem>>) src(%dma_wait3A_2229 : memref<2048xi32, #tpu.memory_space<hbm>>) dst(%arg5 : memref<2048xi32, #tpu.memory_space<vmem>>)
      tpu.yield
    }) : () -> ()
    %iota3A = tpu.iota {dimensions = array<i32: 0>} : vector<16xi32>
    %broadcast_in_dim3A = arith.constant 1.000000e+00 : f32
    %broadcast_in_dim3A_5 = vector.broadcast %broadcast_in_dim3A : f32 to vector<16xf32>
    %swap3A = arith.constant 0 : index
    %swap3A_6 = tpu.vector_load %arg7[%swap3A] {strides = array<i32>} : memref<128xf32, #tpu.memory_space<vmem>>, vector<16xf32>,
    %swap3A_7 = vector.shape_cast %swap3A_6 : vector<16xf32> to vector<16xf32>
    %swap3A_8 = vector.shape_cast %broadcast_in_dim3A_5 : vector<16xf32> to vector<16xf32>
    tpu.vector_store %arg7[%swap3A], %swap3A_8 {strides = array<i32>} : memref<128xf32, #tpu.memory_space<vmem>>, vector<16xf32>,
    %swap3A_9 = arith.constant 16 : index
    %swap3A_10 = tpu.vector_load %arg7[%swap3A_9] {strides = array<i32>} : memref<128xf32, #tpu.memory_space<vmem>>, vector<16xf32>,
    %swap3A_11 = vector.shape_cast %swap3A_10 : vector<16xf32> to vector<16xf32>
    %swap3A_12 = vector.shape_cast %broadcast_in_dim3A_5 : vector<16xf32> to vector<16xf32>
    tpu.vector_store %arg7[%swap3A_9], %swap3A_12 {strides = array<i32>} : memref<128xf32, #tpu.memory_space<vmem>>, vector<16xf32>,
    %swap3A_13 = arith.constant 32 : index
    %swap3A_14 = tpu.vector_load %arg7[%swap3A_13] {strides = array<i32>} : memref<128xf32, #tpu.memory_space<vmem>>, vector<16xf32>,
    %swap3A_15 = vector.shape_cast %swap3A_14 : vector<16xf32> to vector<16xf32>
    %swap3A_16 = vector.shape_cast %broadcast_in_dim3A_5 : vector<16xf32> to vector<16xf32>
    tpu.vector_store %arg7[%swap3A_13], %swap3A_16 {strides = array<i32>} : memref<128xf32, #tpu.memory_space<vmem>>, vector<16xf32>,
    %swap3A_17 = arith.constant 48 : index
    %swap3A_18 = tpu.vector_load %arg7[%swap3A_17] {strides = array<i32>} : memref<128xf32, #tpu.memory_space<vmem>>, vector<16xf32>,
    %swap3A_19 = vector.shape_cast %swap3A_18 : vector<16xf32> to vector<16xf32>
    %swap3A_20 = vector.shape_cast %broadcast_in_dim3A_5 : vector<16xf32> to vector<16xf32>
    tpu.vector_store %arg7[%swap3A_17], %swap3A_20 {strides = array<i32>} : memref<128xf32, #tpu.memory_space<vmem>>, vector<16xf32>,
    %swap3A_21 = arith.constant 64 : index
    %swap3A_22 = tpu.vector_load %arg7[%swap3A_21] {strides = array<i32>} : memref<128xf32, #tpu.memory_space<vmem>>, vector<16xf32>,
    %swap3A_23 = vector.shape_cast %swap3A_22 : vector<16xf32> to vector<16xf32>
    %swap3A_24 = vector.shape_cast %broadcast_in_dim3A_5 : vector<16xf32> to vector<16xf32>
    tpu.vector_store %arg7[%swap3A_21], %swap3A_24 {strides = array<i32>} : memref<128xf32, #tpu.memory_space<vmem>>, vector<16xf32>,
    %swap3A_25 = arith.constant 80 : index
    %swap3A_26 = tpu.vector_load %arg7[%swap3A_25] {strides = array<i32>} : memref<128xf32, #tpu.memory_space<vmem>>, vector<16xf32>,
    %swap3A_27 = vector.shape_cast %swap3A_26 : vector<16xf32> to vector<16xf32>
    %swap3A_28 = vector.shape_cast %broadcast_in_dim3A_5 : vector<16xf32> to vector<16xf32>
    tpu.vector_store %arg7[%swap3A_25], %swap3A_28 {strides = array<i32>} : memref<128xf32, #tpu.memory_space<vmem>>, vector<16xf32>,
    %swap3A_29 = arith.constant 96 : index
    %swap3A_30 = tpu.vector_load %arg7[%swap3A_29] {strides = array<i32>} : memref<128xf32, #tpu.memory_space<vmem>>, vector<16xf32>,
    %swap3A_31 = vector.shape_cast %swap3A_30 : vector<16xf32> to vector<16xf32>
    %swap3A_32 = vector.shape_cast %broadcast_in_dim3A_5 : vector<16xf32> to vector<16xf32>
    tpu.vector_store %arg7[%swap3A_29], %swap3A_32 {strides = array<i32>} : memref<128xf32, #tpu.memory_space<vmem>>, vector<16xf32>,
    %swap3A_33 = arith.constant 112 : index
    %swap3A_34 = tpu.vector_load %arg7[%swap3A_33] {strides = array<i32>} : memref<128xf32, #tpu.memory_space<vmem>>, vector<16xf32>,
    %swap3A_35 = vector.shape_cast %swap3A_34 : vector<16xf32> to vector<16xf32>
    %swap3A_36 = vector.shape_cast %broadcast_in_dim3A_5 : vector<16xf32> to vector<16xf32>
    tpu.vector_store %arg7[%swap3A_33], %swap3A_36 {strides = array<i32>} : memref<128xf32, #tpu.memory_space<vmem>>, vector<16xf32>,
    %get3A = arith.constant 0 : index
    %get3A_37 = tpu.vector_load %arg5[%get3A] {strides = array<i32>} : memref<2048xi32, #tpu.memory_space<vmem>>, vector<16xi32>,
    %get3A_38 = vector.shape_cast %get3A_37 : vector<16xi32> to vector<16xi32>
    %add3A_39 = arith.constant 0 : i32
    %add3A_40 = arith.addi %mul3A_2, %add3A_39 : i32
    %add3A_41 = vector.broadcast %add3A_40 : i32 to vector<16xi32>
    %add3A_42 = arith.addi %add3A_41, %iota3A : vector<16xi32>
    %mul3A_43 = arith.constant 512 : i32
    %mul3A_44 = vector.broadcast %mul3A_43 : i32 to vector<16xi32>
    %mul3A_45 = arith.muli %add3A_42, %mul3A_44 : vector<16xi32>
    %add3A_46 = arith.addi %mul3A_45, %get3A_38 : vector<16xi32>
    %swap3A_47 = arith.constant 0 : i32
    %swap3A_48 = arith.index_cast %swap3A_47 : i32 to index
    %swap3A_49 = arith.constant 0 : index
    %swap3A_50 = tpu.vector_load %arg6[%swap3A_48, %swap3A_49] {strides = array<i32>} : memref<16x128xi32, #tpu.memory_space<vmem>>, vector<1x16xi32>,
    %swap3A_51 = vector.shape_cast %swap3A_50 : vector<1x16xi32> to vector<16xi32>
    %swap3A_52 = vector.shape_cast %add3A_46 : vector<16xi32> to vector<1x16xi32>
    tpu.vector_store %arg6[%swap3A_48, %swap3A_49], %swap3A_52 {strides = array<i32>} : memref<16x128xi32, #tpu.memory_space<vmem>>, vector<1x16xi32>,
    %get3A_53 = arith.constant 16 : index
    %get3A_54 = tpu.vector_load %arg5[%get3A_53] {strides = array<i32>} : memref<2048xi32, #tpu.memory_space<vmem>>, vector<16xi32>,
    %get3A_55 = vector.shape_cast %get3A_54 : vector<16xi32> to vector<16xi32>
    %add3A_56 = arith.constant 16 : i32
    %add3A_57 = arith.addi %mul3A_2, %add3A_56 : i32
    %add3A_58 = vector.broadcast %add3A_57 : i32 to vector<16xi32>
    %add3A_59 = arith.addi %add3A_58, %iota3A : vector<16xi32>
    %mul3A_60 = arith.constant 512 : i32
    %mul3A_61 = vector.broadcast %mul3A_60 : i32 to vector<16xi32>
    %mul3A_62 = arith.muli %add3A_59, %mul3A_61 : vector<16xi32>
    %add3A_63 = arith.addi %mul3A_62, %get3A_55 : vector<16xi32>
    %swap3A_64 = arith.constant 0 : i32
    %swap3A_65 = arith.index_cast %swap3A_64 : i32 to index
    %swap3A_66 = arith.constant 16 : index
    %swap3A_67 = tpu.vector_load %arg6[%swap3A_65, %swap3A_66] {strides = array<i32>} : memref<16x128xi32, #tpu.memory_space<vmem>>, vector<1x16xi32>,
    %swap3A_68 = vector.shape_cast %swap3A_67 : vector<1x16xi32> to vector<16xi32>
    %swap3A_69 = vector.shape_cast %add3A_63 : vector<16xi32> to vector<1x16xi32>
    tpu.vector_store %arg6[%swap3A_65, %swap3A_66], %swap3A_69 {strides = array<i32>} : memref<16x128xi32, #tpu.memory_space<vmem>>, vector<1x16xi32>,
    %get3A_70 = arith.constant 32 : index
    %get3A_71 = tpu.vector_load %arg5[%get3A_70] {strides = array<i32>} : memref<2048xi32, #tpu.memory_space<vmem>>, vector<16xi32>,
    %get3A_72 = vector.shape_cast %get3A_71 : vector<16xi32> to vector<16xi32>
    %add3A_73 = arith.constant 32 : i32
    %add3A_74 = arith.addi %mul3A_2, %add3A_73 : i32
    %add3A_75 = vector.broadcast %add3A_74 : i32 to vector<16xi32>
    %add3A_76 = arith.addi %add3A_75, %iota3A : vector<16xi32>
    %mul3A_77 = arith.constant 512 : i32
    %mul3A_78 = vector.broadcast %mul3A_77 : i32 to vector<16xi32>
    %mul3A_79 = arith.muli %add3A_76, %mul3A_78 : vector<16xi32>
    %add3A_80 = arith.addi %mul3A_79, %get3A_72 : vector<16xi32>
    %swap3A_81 = arith.constant 0 : i32
    %swap3A_82 = arith.index_cast %swap3A_81 : i32 to index
    %swap3A_83 = arith.constant 32 : index
    %swap3A_84 = tpu.vector_load %arg6[%swap3A_82, %swap3A_83] {strides = array<i32>} : memref<16x128xi32, #tpu.memory_space<vmem>>, vector<1x16xi32>,
    %swap3A_85 = vector.shape_cast %swap3A_84 : vector<1x16xi32> to vector<16xi32>
    %swap3A_86 = vector.shape_cast %add3A_80 : vector<16xi32> to vector<1x16xi32>
    tpu.vector_store %arg6[%swap3A_82, %swap3A_83], %swap3A_86 {strides = array<i32>} : memref<16x128xi32, #tpu.memory_space<vmem>>, vector<1x16xi32>,
    %get3A_87 = arith.constant 48 : index
    %get3A_88 = tpu.vector_load %arg5[%get3A_87] {strides = array<i32>} : memref<2048xi32, #tpu.memory_space<vmem>>, vector<16xi32>,
    %get3A_89 = vector.shape_cast %get3A_88 : vector<16xi32> to vector<16xi32>
    %add3A_90 = arith.constant 48 : i32
    %add3A_91 = arith.addi %mul3A_2, %add3A_90 : i32
    %add3A_92 = vector.broadcast %add3A_91 : i32 to vector<16xi32>
    %add3A_93 = arith.addi %add3A_92, %iota3A : vector<16xi32>
    %mul3A_94 = arith.constant 512 : i32
    %mul3A_95 = vector.broadcast %mul3A_94 : i32 to vector<16xi32>
    %mul3A_96 = arith.muli %add3A_93, %mul3A_95 : vector<16xi32>
    %add3A_97 = arith.addi %mul3A_96, %get3A_89 : vector<16xi32>
    %swap3A_98 = arith.constant 0 : i32
    %swap3A_99 = arith.index_cast %swap3A_98 : i32 to index
    %swap3A_100 = arith.constant 48 : index
    %swap3A_101 = tpu.vector_load %arg6[%swap3A_99, %swap3A_100] {strides = array<i32>} : memref<16x128xi32, #tpu.memory_space<vmem>>, vector<1x16xi32>,
    %swap3A_102 = vector.shape_cast %swap3A_101 : vector<1x16xi32> to vector<16xi32>
    %swap3A_103 = vector.shape_cast %add3A_97 : vector<16xi32> to vector<1x16xi32>
    tpu.vector_store %arg6[%swap3A_99, %swap3A_100], %swap3A_103 {strides = array<i32>} : memref<16x128xi32, #tpu.memory_space<vmem>>, vector<1x16xi32>,
    %get3A_104 = arith.constant 64 : index
    %get3A_105 = tpu.vector_load %arg5[%get3A_104] {strides = array<i32>} : memref<2048xi32, #tpu.memory_space<vmem>>, vector<16xi32>,
    %get3A_106 = vector.shape_cast %get3A_105 : vector<16xi32> to vector<16xi32>
    %add3A_107 = arith.constant 64 : i32
    %add3A_108 = arith.addi %mul3A_2, %add3A_107 : i32
    %add3A_109 = vector.broadcast %add3A_108 : i32 to vector<16xi32>
    %add3A_110 = arith.addi %add3A_109, %iota3A : vector<16xi32>
    %mul3A_111 = arith.constant 512 : i32
    %mul3A_112 = vector.broadcast %mul3A_111 : i32 to vector<16xi32>
    %mul3A_113 = arith.muli %add3A_110, %mul3A_112 : vector<16xi32>
    %add3A_114 = arith.addi %mul3A_113, %get3A_106 : vector<16xi32>
    %swap3A_115 = arith.constant 0 : i32
    %swap3A_116 = arith.index_cast %swap3A_115 : i32 to index
    %swap3A_117 = arith.constant 64 : index
    %swap3A_118 = tpu.vector_load %arg6[%swap3A_116, %swap3A_117] {strides = array<i32>} : memref<16x128xi32, #tpu.memory_space<vmem>>, vector<1x16xi32>,
    %swap3A_119 = vector.shape_cast %swap3A_118 : vector<1x16xi32> to vector<16xi32>
    %swap3A_120 = vector.shape_cast %add3A_114 : vector<16xi32> to vector<1x16xi32>
    tpu.vector_store %arg6[%swap3A_116, %swap3A_117], %swap3A_120 {strides = array<i32>} : memref<16x128xi32, #tpu.memory_space<vmem>>, vector<1x16xi32>,
    %get3A_121 = arith.constant 80 : index
    %get3A_122 = tpu.vector_load %arg5[%get3A_121] {strides = array<i32>} : memref<2048xi32, #tpu.memory_space<vmem>>, vector<16xi32>,
    %get3A_123 = vector.shape_cast %get3A_122 : vector<16xi32> to vector<16xi32>
    %add3A_124 = arith.constant 80 : i32
    %add3A_125 = arith.addi %mul3A_2, %add3A_124 : i32
    %add3A_126 = vector.broadcast %add3A_125 : i32 to vector<16xi32>
    %add3A_127 = arith.addi %add3A_126, %iota3A : vector<16xi32>
    %mul3A_128 = arith.constant 512 : i32
    %mul3A_129 = vector.broadcast %mul3A_128 : i32 to vector<16xi32>
    %mul3A_130 = arith.muli %add3A_127, %mul3A_129 : vector<16xi32>
    %add3A_131 = arith.addi %mul3A_130, %get3A_123 : vector<16xi32>
    %swap3A_132 = arith.constant 0 : i32
    %swap3A_133 = arith.index_cast %swap3A_132 : i32 to index
    %swap3A_134 = arith.constant 80 : index
    %swap3A_135 = tpu.vector_load %arg6[%swap3A_133, %swap3A_134] {strides = array<i32>} : memref<16x128xi32, #tpu.memory_space<vmem>>, vector<1x16xi32>,
    %swap3A_136 = vector.shape_cast %swap3A_135 : vector<1x16xi32> to vector<16xi32>
    %swap3A_137 = vector.shape_cast %add3A_131 : vector<16xi32> to vector<1x16xi32>
    tpu.vector_store %arg6[%swap3A_133, %swap3A_134], %swap3A_137 {strides = array<i32>} : memref<16x128xi32, #tpu.memory_space<vmem>>, vector<1x16xi32>,
    %get3A_138 = arith.constant 96 : index
    %get3A_139 = tpu.vector_load %arg5[%get3A_138] {strides = array<i32>} : memref<2048xi32, #tpu.memory_space<vmem>>, vector<16xi32>,
    %get3A_140 = vector.shape_cast %get3A_139 : vector<16xi32> to vector<16xi32>
    %add3A_141 = arith.constant 96 : i32
    %add3A_142 = arith.addi %mul3A_2, %add3A_141 : i32
    %add3A_143 = vector.broadcast %add3A_142 : i32 to vector<16xi32>
    %add3A_144 = arith.addi %add3A_143, %iota3A : vector<16xi32>
    %mul3A_145 = arith.constant 512 : i32
    %mul3A_146 = vector.broadcast %mul3A_145 : i32 to vector<16xi32>
    %mul3A_147 = arith.muli %add3A_144, %mul3A_146 : vector<16xi32>
    %add3A_148 = arith.addi %mul3A_147, %get3A_140 : vector<16xi32>
    %swap3A_149 = arith.constant 0 : i32
    %swap3A_150 = arith.index_cast %swap3A_149 : i32 to index
    %swap3A_151 = arith.constant 96 : index
    %swap3A_152 = tpu.vector_load %arg6[%swap3A_150, %swap3A_151] {strides = array<i32>} : memref<16x128xi32, #tpu.memory_space<vmem>>, vector<1x16xi32>,
    %swap3A_153 = vector.shape_cast %swap3A_152 : vector<1x16xi32> to vector<16xi32>
    %swap3A_154 = vector.shape_cast %add3A_148 : vector<16xi32> to vector<1x16xi32>
    tpu.vector_store %arg6[%swap3A_150, %swap3A_151], %swap3A_154 {strides = array<i32>} : memref<16x128xi32, #tpu.memory_space<vmem>>, vector<1x16xi32>,
    %get3A_155 = arith.constant 112 : index
    %get3A_156 = tpu.vector_load %arg5[%get3A_155] {strides = array<i32>} : memref<2048xi32, #tpu.memory_space<vmem>>, vector<16xi32>,
    %get3A_157 = vector.shape_cast %get3A_156 : vector<16xi32> to vector<16xi32>
    %add3A_158 = arith.constant 112 : i32
    %add3A_159 = arith.addi %mul3A_2, %add3A_158 : i32
    %add3A_160 = vector.broadcast %add3A_159 : i32 to vector<16xi32>
    %add3A_161 = arith.addi %add3A_160, %iota3A : vector<16xi32>
    %mul3A_162 = arith.constant 512 : i32
    %mul3A_163 = vector.broadcast %mul3A_162 : i32 to vector<16xi32>
    %mul3A_164 = arith.muli %add3A_161, %mul3A_163 : vector<16xi32>
    %add3A_165 = arith.addi %mul3A_164, %get3A_157 : vector<16xi32>
    %swap3A_166 = arith.constant 0 : i32
    %swap3A_167 = arith.index_cast %swap3A_166 : i32 to index
    %swap3A_168 = arith.constant 112 : index
    %swap3A_169 = tpu.vector_load %arg6[%swap3A_167, %swap3A_168] {strides = array<i32>} : memref<16x128xi32, #tpu.memory_space<vmem>>, vector<1x16xi32>,
    %swap3A_170 = vector.shape_cast %swap3A_169 : vector<1x16xi32> to vector<16xi32>
    %swap3A_171 = vector.shape_cast %add3A_165 : vector<16xi32> to vector<1x16xi32>
    tpu.vector_store %arg6[%swap3A_167, %swap3A_168], %swap3A_171 {strides = array<i32>} : memref<16x128xi32, #tpu.memory_space<vmem>>, vector<1x16xi32>,
    %get3A_172 = arith.constant 128 : index
    %get3A_173 = tpu.vector_load %arg5[%get3A_172] {strides = array<i32>} : memref<2048xi32, #tpu.memory_space<vmem>>, vector<16xi32>,
    %get3A_174 = vector.shape_cast %get3A_173 : vector<16xi32> to vector<16xi32>
    %add3A_175 = arith.constant 128 : i32
    %add3A_176 = arith.addi %mul3A_2, %add3A_175 : i32
    %add3A_177 = vector.broadcast %add3A_176 : i32 to vector<16xi32>
    %add3A_178 = arith.addi %add3A_177, %iota3A : vector<16xi32>
    %mul3A_179 = arith.constant 512 : i32
    %mul3A_180 = vector.broadcast %mul3A_179 : i32 to vector<16xi32>
    %mul3A_181 = arith.muli %add3A_178, %mul3A_180 : vector<16xi32>
    %add3A_182 = arith.addi %mul3A_181, %get3A_174 : vector<16xi32>
    %swap3A_183 = arith.constant 1 : i32
    %swap3A_184 = arith.index_cast %swap3A_183 : i32 to index
    %swap3A_185 = arith.constant 0 : index
    %swap3A_186 = tpu.vector_load %arg6[%swap3A_184, %swap3A_185] {strides = array<i32>} : memref<16x128xi32, #tpu.memory_space<vmem>>, vector<1x16xi32>,
    %swap3A_187 = vector.shape_cast %swap3A_186 : vector<1x16xi32> to vector<16xi32>
    %swap3A_188 = vector.shape_cast %add3A_182 : vector<16xi32> to vector<1x16xi32>
    tpu.vector_store %arg6[%swap3A_184, %swap3A_185], %swap3A_188 {strides = array<i32>} : memref<16x128xi32, #tpu.memory_space<vmem>>, vector<1x16xi32>,
    %get3A_189 = arith.constant 144 : index
    %get3A_190 = tpu.vector_load %arg5[%get3A_189] {strides = array<i32>} : memref<2048xi32, #tpu.memory_space<vmem>>, vector<16xi32>,
    %get3A_191 = vector.shape_cast %get3A_190 : vector<16xi32> to vector<16xi32>
    %add3A_192 = arith.constant 144 : i32
    %add3A_193 = arith.addi %mul3A_2, %add3A_192 : i32
    %add3A_194 = vector.broadcast %add3A_193 : i32 to vector<16xi32>
    %add3A_195 = arith.addi %add3A_194, %iota3A : vector<16xi32>
    %mul3A_196 = arith.constant 512 : i32
    %mul3A_197 = vector.broadcast %mul3A_196 : i32 to vector<16xi32>
    %mul3A_198 = arith.muli %add3A_195, %mul3A_197 : vector<16xi32>
    %add3A_199 = arith.addi %mul3A_198, %get3A_191 : vector<16xi32>
    %swap3A_200 = arith.constant 1 : i32
    %swap3A_201 = arith.index_cast %swap3A_200 : i32 to index
    %swap3A_202 = arith.constant 16 : index
    %swap3A_203 = tpu.vector_load %arg6[%swap3A_201, %swap3A_202] {strides = array<i32>} : memref<16x128xi32, #tpu.memory_space<vmem>>, vector<1x16xi32>,
    %swap3A_204 = vector.shape_cast %swap3A_203 : vector<1x16xi32> to vector<16xi32>
    %swap3A_205 = vector.shape_cast %add3A_199 : vector<16xi32> to vector<1x16xi32>
    tpu.vector_store %arg6[%swap3A_201, %swap3A_202], %swap3A_205 {strides = array<i32>} : memref<16x128xi32, #tpu.memory_space<vmem>>, vector<1x16xi32>,
    %get3A_206 = arith.constant 160 : index
    %get3A_207 = tpu.vector_load %arg5[%get3A_206] {strides = array<i32>} : memref<2048xi32, #tpu.memory_space<vmem>>, vector<16xi32>,
    %get3A_208 = vector.shape_cast %get3A_207 : vector<16xi32> to vector<16xi32>
    %add3A_209 = arith.constant 160 : i32
    %add3A_210 = arith.addi %mul3A_2, %add3A_209 : i32
    %add3A_211 = vector.broadcast %add3A_210 : i32 to vector<16xi32>
    %add3A_212 = arith.addi %add3A_211, %iota3A : vector<16xi32>
    %mul3A_213 = arith.constant 512 : i32
    %mul3A_214 = vector.broadcast %mul3A_213 : i32 to vector<16xi32>
    %mul3A_215 = arith.muli %add3A_212, %mul3A_214 : vector<16xi32>
    %add3A_216 = arith.addi %mul3A_215, %get3A_208 : vector<16xi32>
    %swap3A_217 = arith.constant 1 : i32
    %swap3A_218 = arith.index_cast %swap3A_217 : i32 to index
    %swap3A_219 = arith.constant 32 : index
    %swap3A_220 = tpu.vector_load %arg6[%swap3A_218, %swap3A_219] {strides = array<i32>} : memref<16x128xi32, #tpu.memory_space<vmem>>, vector<1x16xi32>,
    %swap3A_221 = vector.shape_cast %swap3A_220 : vector<1x16xi32> to vector<16xi32>
    %swap3A_222 = vector.shape_cast %add3A_216 : vector<16xi32> to vector<1x16xi32>
    tpu.vector_store %arg6[%swap3A_218, %swap3A_219], %swap3A_222 {strides = array<i32>} : memref<16x128xi32, #tpu.memory_space<vmem>>, vector<1x16xi32>,
    %get3A_223 = arith.constant 176 : index
    %get3A_224 = tpu.vector_load %arg5[%get3A_223] {strides = array<i32>} : memref<2048xi32, #tpu.memory_space<vmem>>, vector<16xi32>,
    %get3A_225 = vector.shape_cast %get3A_224 : vector<16xi32> to vector<16xi32>
    %add3A_226 = arith.constant 176 : i32
    %add3A_227 = arith.addi %mul3A_2, %add3A_226 : i32
    %add3A_228 = vector.broadcast %add3A_227 : i32 to vector<16xi32>
    %add3A_229 = arith.addi %add3A_228, %iota3A : vector<16xi32>
    %mul3A_230 = arith.constant 512 : i32
    %mul3A_231 = vector.broadcast %mul3A_230 : i32 to vector<16xi32>
    %mul3A_232 = arith.muli %add3A_229, %mul3A_231 : vector<16xi32>
    %add3A_233 = arith.addi %mul3A_232, %get3A_225 : vector<16xi32>
    %swap3A_234 = arith.constant 1 : i32
    %swap3A_235 = arith.index_cast %swap3A_234 : i32 to index
    %swap3A_236 = arith.constant 48 : index
    %swap3A_237 = tpu.vector_load %arg6[%swap3A_235, %swap3A_236] {strides = array<i32>} : memref<16x128xi32, #tpu.memory_space<vmem>>, vector<1x16xi32>,
    %swap3A_238 = vector.shape_cast %swap3A_237 : vector<1x16xi32> to vector<16xi32>
    %swap3A_239 = vector.shape_cast %add3A_233 : vector<16xi32> to vector<1x16xi32>
    tpu.vector_store %arg6[%swap3A_235, %swap3A_236], %swap3A_239 {strides = array<i32>} : memref<16x128xi32, #tpu.memory_space<vmem>>, vector<1x16xi32>,
    %get3A_240 = arith.constant 192 : index
    %get3A_241 = tpu.vector_load %arg5[%get3A_240] {strides = array<i32>} : memref<2048xi32, #tpu.memory_space<vmem>>, vector<16xi32>,
    %get3A_242 = vector.shape_cast %get3A_241 : vector<16xi32> to vector<16xi32>
    %add3A_243 = arith.constant 192 : i32
    %add3A_244 = arith.addi %mul3A_2, %add3A_243 : i32
    %add3A_245 = vector.broadcast %add3A_244 : i32 to vector<16xi32>
    %add3A_246 = arith.addi %add3A_245, %iota3A : vector<16xi32>
    %mul3A_247 = arith.constant 512 : i32
    %mul3A_248 = vector.broadcast %mul3A_247 : i32 to vector<16xi32>
    %mul3A_249 = arith.muli %add3A_246, %mul3A_248 : vector<16xi32>
    %add3A_250 = arith.addi %mul3A_249, %get3A_242 : vector<16xi32>
    %swap3A_251 = arith.constant 1 : i32
    %swap3A_252 = arith.index_cast %swap3A_251 : i32 to index
    %swap3A_253 = arith.constant 64 : index
    %swap3A_254 = tpu.vector_load %arg6[%swap3A_252, %swap3A_253] {strides = array<i32>} : memref<16x128xi32, #tpu.memory_space<vmem>>, vector<1x16xi32>,
    %swap3A_255 = vector.shape_cast %swap3A_254 : vector<1x16xi32> to vector<16xi32>
    %swap3A_256 = vector.shape_cast %add3A_250 : vector<16xi32> to vector<1x16xi32>
    tpu.vector_store %arg6[%swap3A_252, %swap3A_253], %swap3A_256 {strides = array<i32>} : memref<16x128xi32, #tpu.memory_space<vmem>>, vector<1x16xi32>,
    %get3A_257 = arith.constant 208 : index
    %get3A_258 = tpu.vector_load %arg5[%get3A_257] {strides = array<i32>} : memref<2048xi32, #tpu.memory_space<vmem>>, vector<16xi32>,
    %get3A_259 = vector.shape_cast %get3A_258 : vector<16xi32> to vector<16xi32>
    %add3A_260 = arith.constant 208 : i32
    %add3A_261 = arith.addi %mul3A_2, %add3A_260 : i32
    %add3A_262 = vector.broadcast %add3A_261 : i32 to vector<16xi32>
    %add3A_263 = arith.addi %add3A_262, %iota3A : vector<16xi32>
    %mul3A_264 = arith.constant 512 : i32
    %mul3A_265 = vector.broadcast %mul3A_264 : i32 to vector<16xi32>
    %mul3A_266 = arith.muli %add3A_263, %mul3A_265 : vector<16xi32>
    %add3A_267 = arith.addi %mul3A_266, %get3A_259 : vector<16xi32>
    %swap3A_268 = arith.constant 1 : i32
    %swap3A_269 = arith.index_cast %swap3A_268 : i32 to index
    %swap3A_270 = arith.constant 80 : index
    %swap3A_271 = tpu.vector_load %arg6[%swap3A_269, %swap3A_270] {strides = array<i32>} : memref<16x128xi32, #tpu.memory_space<vmem>>, vector<1x16xi32>,
    %swap3A_272 = vector.shape_cast %swap3A_271 : vector<1x16xi32> to vector<16xi32>
    %swap3A_273 = vector.shape_cast %add3A_267 : vector<16xi32> to vector<1x16xi32>
    tpu.vector_store %arg6[%swap3A_269, %swap3A_270], %swap3A_273 {strides = array<i32>} : memref<16x128xi32, #tpu.memory_space<vmem>>, vector<1x16xi32>,
    %get3A_274 = arith.constant 224 : index
    %get3A_275 = tpu.vector_load %arg5[%get3A_274] {strides = array<i32>} : memref<2048xi32, #tpu.memory_space<vmem>>, vector<16xi32>,
    %get3A_276 = vector.shape_cast %get3A_275 : vector<16xi32> to vector<16xi32>
    %add3A_277 = arith.constant 224 : i32
    %add3A_278 = arith.addi %mul3A_2, %add3A_277 : i32
    %add3A_279 = vector.broadcast %add3A_278 : i32 to vector<16xi32>
    %add3A_280 = arith.addi %add3A_279, %iota3A : vector<16xi32>
    %mul3A_281 = arith.constant 512 : i32
    %mul3A_282 = vector.broadcast %mul3A_281 : i32 to vector<16xi32>
    %mul3A_283 = arith.muli %add3A_280, %mul3A_282 : vector<16xi32>
    %add3A_284 = arith.addi %mul3A_283, %get3A_276 : vector<16xi32>
    %swap3A_285 = arith.constant 1 : i32
    %swap3A_286 = arith.index_cast %swap3A_285 : i32 to index
    %swap3A_287 = arith.constant 96 : index
    %swap3A_288 = tpu.vector_load %arg6[%swap3A_286, %swap3A_287] {strides = array<i32>} : memref<16x128xi32, #tpu.memory_space<vmem>>, vector<1x16xi32>,
    %swap3A_289 = vector.shape_cast %swap3A_288 : vector<1x16xi32> to vector<16xi32>
    %swap3A_290 = vector.shape_cast %add3A_284 : vector<16xi32> to vector<1x16xi32>
    tpu.vector_store %arg6[%swap3A_286, %swap3A_287], %swap3A_290 {strides = array<i32>} : memref<16x128xi32, #tpu.memory_space<vmem>>, vector<1x16xi32>,
    %get3A_291 = arith.constant 240 : index
    %get3A_292 = tpu.vector_load %arg5[%get3A_291] {strides = array<i32>} : memref<2048xi32, #tpu.memory_space<vmem>>, vector<16xi32>,
    %get3A_293 = vector.shape_cast %get3A_292 : vector<16xi32> to vector<16xi32>
    %add3A_294 = arith.constant 240 : i32
    %add3A_295 = arith.addi %mul3A_2, %add3A_294 : i32
    %add3A_296 = vector.broadcast %add3A_295 : i32 to vector<16xi32>
    %add3A_297 = arith.addi %add3A_296, %iota3A : vector<16xi32>
    %mul3A_298 = arith.constant 512 : i32
    %mul3A_299 = vector.broadcast %mul3A_298 : i32 to vector<16xi32>
    %mul3A_300 = arith.muli %add3A_297, %mul3A_299 : vector<16xi32>
    %add3A_301 = arith.addi %mul3A_300, %get3A_293 : vector<16xi32>
    %swap3A_302 = arith.constant 1 : i32
    %swap3A_303 = arith.index_cast %swap3A_302 : i32 to index
    %swap3A_304 = arith.constant 112 : index
    %swap3A_305 = tpu.vector_load %arg6[%swap3A_303, %swap3A_304] {strides = array<i32>} : memref<16x128xi32, #tpu.memory_space<vmem>>, vector<1x16xi32>,
    %swap3A_306 = vector.shape_cast %swap3A_305 : vector<1x16xi32> to vector<16xi32>
    %swap3A_307 = vector.shape_cast %add3A_301 : vector<16xi32> to vector<1x16xi32>
    tpu.vector_store %arg6[%swap3A_303, %swap3A_304], %swap3A_307 {strides = array<i32>} : memref<16x128xi32, #tpu.memory_space<vmem>>, vector<1x16xi32>,
    %get3A_308 = arith.constant 256 : index
    %get3A_309 = tpu.vector_load %arg5[%get3A_308] {strides = array<i32>} : memref<2048xi32, #tpu.memory_space<vmem>>, vector<16xi32>,
    %get3A_310 = vector.shape_cast %get3A_309 : vector<16xi32> to vector<16xi32>
    %add3A_311 = arith.constant 256 : i32
    %add3A_312 = arith.addi %mul3A_2, %add3A_311 : i32
    %add3A_313 = vector.broadcast %add3A_312 : i32 to vector<16xi32>
    %add3A_314 = arith.addi %add3A_313, %iota3A : vector<16xi32>
    %mul3A_315 = arith.constant 512 : i32
    %mul3A_316 = vector.broadcast %mul3A_315 : i32 to vector<16xi32>
    %mul3A_317 = arith.muli %add3A_314, %mul3A_316 : vector<16xi32>
    %add3A_318 = arith.addi %mul3A_317, %get3A_310 : vector<16xi32>
    %swap3A_319 = arith.constant 2 : i32
    %swap3A_320 = arith.index_cast %swap3A_319 : i32 to index
    %swap3A_321 = arith.constant 0 : index
    %swap3A_322 = tpu.vector_load %arg6[%swap3A_320, %swap3A_321] {strides = array<i32>} : memref<16x128xi32, #tpu.memory_space<vmem>>, vector<1x16xi32>,
    %swap3A_323 = vector.shape_cast %swap3A_322 : vector<1x16xi32> to vector<16xi32>
    %swap3A_324 = vector.shape_cast %add3A_318 : vector<16xi32> to vector<1x16xi32>
    tpu.vector_store %arg6[%swap3A_320, %swap3A_321], %swap3A_324 {strides = array<i32>} : memref<16x128xi32, #tpu.memory_space<vmem>>, vector<1x16xi32>,
    %get3A_325 = arith.constant 272 : index
    %get3A_326 = tpu.vector_load %arg5[%get3A_325] {strides = array<i32>} : memref<2048xi32, #tpu.memory_space<vmem>>, vector<16xi32>,
    %get3A_327 = vector.shape_cast %get3A_326 : vector<16xi32> to vector<16xi32>
    %add3A_328 = arith.constant 272 : i32
    %add3A_329 = arith.addi %mul3A_2, %add3A_328 : i32
    %add3A_330 = vector.broadcast %add3A_329 : i32 to vector<16xi32>
    %add3A_331 = arith.addi %add3A_330, %iota3A : vector<16xi32>
    %mul3A_332 = arith.constant 512 : i32
    %mul3A_333 = vector.broadcast %mul3A_332 : i32 to vector<16xi32>
    %mul3A_334 = arith.muli %add3A_331, %mul3A_333 : vector<16xi32>
    %add3A_335 = arith.addi %mul3A_334, %get3A_327 : vector<16xi32>
    %swap3A_336 = arith.constant 2 : i32
    %swap3A_337 = arith.index_cast %swap3A_336 : i32 to index
    %swap3A_338 = arith.constant 16 : index
    %swap3A_339 = tpu.vector_load %arg6[%swap3A_337, %swap3A_338] {strides = array<i32>} : memref<16x128xi32, #tpu.memory_space<vmem>>, vector<1x16xi32>,
    %swap3A_340 = vector.shape_cast %swap3A_339 : vector<1x16xi32> to vector<16xi32>
    %swap3A_341 = vector.shape_cast %add3A_335 : vector<16xi32> to vector<1x16xi32>
    tpu.vector_store %arg6[%swap3A_337, %swap3A_338], %swap3A_341 {strides = array<i32>} : memref<16x128xi32, #tpu.memory_space<vmem>>, vector<1x16xi32>,
    %get3A_342 = arith.constant 288 : index
    %get3A_343 = tpu.vector_load %arg5[%get3A_342] {strides = array<i32>} : memref<2048xi32, #tpu.memory_space<vmem>>, vector<16xi32>,
    %get3A_344 = vector.shape_cast %get3A_343 : vector<16xi32> to vector<16xi32>
    %add3A_345 = arith.constant 288 : i32
    %add3A_346 = arith.addi %mul3A_2, %add3A_345 : i32
    %add3A_347 = vector.broadcast %add3A_346 : i32 to vector<16xi32>
    %add3A_348 = arith.addi %add3A_347, %iota3A : vector<16xi32>
    %mul3A_349 = arith.constant 512 : i32
    %mul3A_350 = vector.broadcast %mul3A_349 : i32 to vector<16xi32>
    %mul3A_351 = arith.muli %add3A_348, %mul3A_350 : vector<16xi32>
    %add3A_352 = arith.addi %mul3A_351, %get3A_344 : vector<16xi32>
    %swap3A_353 = arith.constant 2 : i32
    %swap3A_354 = arith.index_cast %swap3A_353 : i32 to index
    %swap3A_355 = arith.constant 32 : index
    %swap3A_356 = tpu.vector_load %arg6[%swap3A_354, %swap3A_355] {strides = array<i32>} : memref<16x128xi32, #tpu.memory_space<vmem>>, vector<1x16xi32>,
    %swap3A_357 = vector.shape_cast %swap3A_356 : vector<1x16xi32> to vector<16xi32>
    %swap3A_358 = vector.shape_cast %add3A_352 : vector<16xi32> to vector<1x16xi32>
    tpu.vector_store %arg6[%swap3A_354, %swap3A_355], %swap3A_358 {strides = array<i32>} : memref<16x128xi32, #tpu.memory_space<vmem>>, vector<1x16xi32>,
    %get3A_359 = arith.constant 304 : index
    %get3A_360 = tpu.vector_load %arg5[%get3A_359] {strides = array<i32>} : memref<2048xi32, #tpu.memory_space<vmem>>, vector<16xi32>,
    %get3A_361 = vector.shape_cast %get3A_360 : vector<16xi32> to vector<16xi32>
    %add3A_362 = arith.constant 304 : i32
    %add3A_363 = arith.addi %mul3A_2, %add3A_362 : i32
    %add3A_364 = vector.broadcast %add3A_363 : i32 to vector<16xi32>
    %add3A_365 = arith.addi %add3A_364, %iota3A : vector<16xi32>
    %mul3A_366 = arith.constant 512 : i32
    %mul3A_367 = vector.broadcast %mul3A_366 : i32 to vector<16xi32>
    %mul3A_368 = arith.muli %add3A_365, %mul3A_367 : vector<16xi32>
    %add3A_369 = arith.addi %mul3A_368, %get3A_361 : vector<16xi32>
    %swap3A_370 = arith.constant 2 : i32
    %swap3A_371 = arith.index_cast %swap3A_370 : i32 to index
    %swap3A_372 = arith.constant 48 : index
    %swap3A_373 = tpu.vector_load %arg6[%swap3A_371, %swap3A_372] {strides = array<i32>} : memref<16x128xi32, #tpu.memory_space<vmem>>, vector<1x16xi32>,
    %swap3A_374 = vector.shape_cast %swap3A_373 : vector<1x16xi32> to vector<16xi32>
    %swap3A_375 = vector.shape_cast %add3A_369 : vector<16xi32> to vector<1x16xi32>
    tpu.vector_store %arg6[%swap3A_371, %swap3A_372], %swap3A_375 {strides = array<i32>} : memref<16x128xi32, #tpu.memory_space<vmem>>, vector<1x16xi32>,
    %get3A_376 = arith.constant 320 : index
    %get3A_377 = tpu.vector_load %arg5[%get3A_376] {strides = array<i32>} : memref<2048xi32, #tpu.memory_space<vmem>>, vector<16xi32>,
    %get3A_378 = vector.shape_cast %get3A_377 : vector<16xi32> to vector<16xi32>
    %add3A_379 = arith.constant 320 : i32
    %add3A_380 = arith.addi %mul3A_2, %add3A_379 : i32
    %add3A_381 = vector.broadcast %add3A_380 : i32 to vector<16xi32>
    %add3A_382 = arith.addi %add3A_381, %iota3A : vector<16xi32>
    %mul3A_383 = arith.constant 512 : i32
    %mul3A_384 = vector.broadcast %mul3A_383 : i32 to vector<16xi32>
    %mul3A_385 = arith.muli %add3A_382, %mul3A_384 : vector<16xi32>
    %add3A_386 = arith.addi %mul3A_385, %get3A_378 : vector<16xi32>
    %swap3A_387 = arith.constant 2 : i32
    %swap3A_388 = arith.index_cast %swap3A_387 : i32 to index
    %swap3A_389 = arith.constant 64 : index
    %swap3A_390 = tpu.vector_load %arg6[%swap3A_388, %swap3A_389] {strides = array<i32>} : memref<16x128xi32, #tpu.memory_space<vmem>>, vector<1x16xi32>,
    %swap3A_391 = vector.shape_cast %swap3A_390 : vector<1x16xi32> to vector<16xi32>
    %swap3A_392 = vector.shape_cast %add3A_386 : vector<16xi32> to vector<1x16xi32>
    tpu.vector_store %arg6[%swap3A_388, %swap3A_389], %swap3A_392 {strides = array<i32>} : memref<16x128xi32, #tpu.memory_space<vmem>>, vector<1x16xi32>,
    %get3A_393 = arith.constant 336 : index
    %get3A_394 = tpu.vector_load %arg5[%get3A_393] {strides = array<i32>} : memref<2048xi32, #tpu.memory_space<vmem>>, vector<16xi32>,
    %get3A_395 = vector.shape_cast %get3A_394 : vector<16xi32> to vector<16xi32>
    %add3A_396 = arith.constant 336 : i32
    %add3A_397 = arith.addi %mul3A_2, %add3A_396 : i32
    %add3A_398 = vector.broadcast %add3A_397 : i32 to vector<16xi32>
    %add3A_399 = arith.addi %add3A_398, %iota3A : vector<16xi32>
    %mul3A_400 = arith.constant 512 : i32
    %mul3A_401 = vector.broadcast %mul3A_400 : i32 to vector<16xi32>
    %mul3A_402 = arith.muli %add3A_399, %mul3A_401 : vector<16xi32>
    %add3A_403 = arith.addi %mul3A_402, %get3A_395 : vector<16xi32>
    %swap3A_404 = arith.constant 2 : i32
    %swap3A_405 = arith.index_cast %swap3A_404 : i32 to index
    %swap3A_406 = arith.constant 80 : index
    %swap3A_407 = tpu.vector_load %arg6[%swap3A_405, %swap3A_406] {strides = array<i32>} : memref<16x128xi32, #tpu.memory_space<vmem>>, vector<1x16xi32>,
    %swap3A_408 = vector.shape_cast %swap3A_407 : vector<1x16xi32> to vector<16xi32>
    %swap3A_409 = vector.shape_cast %add3A_403 : vector<16xi32> to vector<1x16xi32>
    tpu.vector_store %arg6[%swap3A_405, %swap3A_406], %swap3A_409 {strides = array<i32>} : memref<16x128xi32, #tpu.memory_space<vmem>>, vector<1x16xi32>,
    %get3A_410 = arith.constant 352 : index
    %get3A_411 = tpu.vector_load %arg5[%get3A_410] {strides = array<i32>} : memref<2048xi32, #tpu.memory_space<vmem>>, vector<16xi32>,
    %get3A_412 = vector.shape_cast %get3A_411 : vector<16xi32> to vector<16xi32>
    %add3A_413 = arith.constant 352 : i32
    %add3A_414 = arith.addi %mul3A_2, %add3A_413 : i32
    %add3A_415 = vector.broadcast %add3A_414 : i32 to vector<16xi32>
    %add3A_416 = arith.addi %add3A_415, %iota3A : vector<16xi32>
    %mul3A_417 = arith.constant 512 : i32
    %mul3A_418 = vector.broadcast %mul3A_417 : i32 to vector<16xi32>
    %mul3A_419 = arith.muli %add3A_416, %mul3A_418 : vector<16xi32>
    %add3A_420 = arith.addi %mul3A_419, %get3A_412 : vector<16xi32>
    %swap3A_421 = arith.constant 2 : i32
    %swap3A_422 = arith.index_cast %swap3A_421 : i32 to index
    %swap3A_423 = arith.constant 96 : index
    %swap3A_424 = tpu.vector_load %arg6[%swap3A_422, %swap3A_423] {strides = array<i32>} : memref<16x128xi32, #tpu.memory_space<vmem>>, vector<1x16xi32>,
    %swap3A_425 = vector.shape_cast %swap3A_424 : vector<1x16xi32> to vector<16xi32>
    %swap3A_426 = vector.shape_cast %add3A_420 : vector<16xi32> to vector<1x16xi32>
    tpu.vector_store %arg6[%swap3A_422, %swap3A_423], %swap3A_426 {strides = array<i32>} : memref<16x128xi32, #tpu.memory_space<vmem>>, vector<1x16xi32>,
    %get3A_427 = arith.constant 368 : index
    %get3A_428 = tpu.vector_load %arg5[%get3A_427] {strides = array<i32>} : memref<2048xi32, #tpu.memory_space<vmem>>, vector<16xi32>,
    %get3A_429 = vector.shape_cast %get3A_428 : vector<16xi32> to vector<16xi32>
    %add3A_430 = arith.constant 368 : i32
    %add3A_431 = arith.addi %mul3A_2, %add3A_430 : i32
    %add3A_432 = vector.broadcast %add3A_431 : i32 to vector<16xi32>
    %add3A_433 = arith.addi %add3A_432, %iota3A : vector<16xi32>
    %mul3A_434 = arith.constant 512 : i32
    %mul3A_435 = vector.broadcast %mul3A_434 : i32 to vector<16xi32>
    %mul3A_436 = arith.muli %add3A_433, %mul3A_435 : vector<16xi32>
    %add3A_437 = arith.addi %mul3A_436, %get3A_429 : vector<16xi32>
    %swap3A_438 = arith.constant 2 : i32
    %swap3A_439 = arith.index_cast %swap3A_438 : i32 to index
    %swap3A_440 = arith.constant 112 : index
    %swap3A_441 = tpu.vector_load %arg6[%swap3A_439, %swap3A_440] {strides = array<i32>} : memref<16x128xi32, #tpu.memory_space<vmem>>, vector<1x16xi32>,
    %swap3A_442 = vector.shape_cast %swap3A_441 : vector<1x16xi32> to vector<16xi32>
    %swap3A_443 = vector.shape_cast %add3A_437 : vector<16xi32> to vector<1x16xi32>
    tpu.vector_store %arg6[%swap3A_439, %swap3A_440], %swap3A_443 {strides = array<i32>} : memref<16x128xi32, #tpu.memory_space<vmem>>, vector<1x16xi32>,
    %get3A_444 = arith.constant 384 : index
    %get3A_445 = tpu.vector_load %arg5[%get3A_444] {strides = array<i32>} : memref<2048xi32, #tpu.memory_space<vmem>>, vector<16xi32>,
    %get3A_446 = vector.shape_cast %get3A_445 : vector<16xi32> to vector<16xi32>
    %add3A_447 = arith.constant 384 : i32
    %add3A_448 = arith.addi %mul3A_2, %add3A_447 : i32
    %add3A_449 = vector.broadcast %add3A_448 : i32 to vector<16xi32>
    %add3A_450 = arith.addi %add3A_449, %iota3A : vector<16xi32>
    %mul3A_451 = arith.constant 512 : i32
    %mul3A_452 = vector.broadcast %mul3A_451 : i32 to vector<16xi32>
    %mul3A_453 = arith.muli %add3A_450, %mul3A_452 : vector<16xi32>
    %add3A_454 = arith.addi %mul3A_453, %get3A_446 : vector<16xi32>
    %swap3A_455 = arith.constant 3 : i32
    %swap3A_456 = arith.index_cast %swap3A_455 : i32 to index
    %swap3A_457 = arith.constant 0 : index
    %swap3A_458 = tpu.vector_load %arg6[%swap3A_456, %swap3A_457] {strides = array<i32>} : memref<16x128xi32, #tpu.memory_space<vmem>>, vector<1x16xi32>,
    %swap3A_459 = vector.shape_cast %swap3A_458 : vector<1x16xi32> to vector<16xi32>
    %swap3A_460 = vector.shape_cast %add3A_454 : vector<16xi32> to vector<1x16xi32>
    tpu.vector_store %arg6[%swap3A_456, %swap3A_457], %swap3A_460 {strides = array<i32>} : memref<16x128xi32, #tpu.memory_space<vmem>>, vector<1x16xi32>,
    %get3A_461 = arith.constant 400 : index
    %get3A_462 = tpu.vector_load %arg5[%get3A_461] {strides = array<i32>} : memref<2048xi32, #tpu.memory_space<vmem>>, vector<16xi32>,
    %get3A_463 = vector.shape_cast %get3A_462 : vector<16xi32> to vector<16xi32>
    %add3A_464 = arith.constant 400 : i32
    %add3A_465 = arith.addi %mul3A_2, %add3A_464 : i32
    %add3A_466 = vector.broadcast %add3A_465 : i32 to vector<16xi32>
    %add3A_467 = arith.addi %add3A_466, %iota3A : vector<16xi32>
    %mul3A_468 = arith.constant 512 : i32
    %mul3A_469 = vector.broadcast %mul3A_468 : i32 to vector<16xi32>
    %mul3A_470 = arith.muli %add3A_467, %mul3A_469 : vector<16xi32>
    %add3A_471 = arith.addi %mul3A_470, %get3A_463 : vector<16xi32>
    %swap3A_472 = arith.constant 3 : i32
    %swap3A_473 = arith.index_cast %swap3A_472 : i32 to index
    %swap3A_474 = arith.constant 16 : index
    %swap3A_475 = tpu.vector_load %arg6[%swap3A_473, %swap3A_474] {strides = array<i32>} : memref<16x128xi32, #tpu.memory_space<vmem>>, vector<1x16xi32>,
    %swap3A_476 = vector.shape_cast %swap3A_475 : vector<1x16xi32> to vector<16xi32>
    %swap3A_477 = vector.shape_cast %add3A_471 : vector<16xi32> to vector<1x16xi32>
    tpu.vector_store %arg6[%swap3A_473, %swap3A_474], %swap3A_477 {strides = array<i32>} : memref<16x128xi32, #tpu.memory_space<vmem>>, vector<1x16xi32>,
    %get3A_478 = arith.constant 416 : index
    %get3A_479 = tpu.vector_load %arg5[%get3A_478] {strides = array<i32>} : memref<2048xi32, #tpu.memory_space<vmem>>, vector<16xi32>,
    %get3A_480 = vector.shape_cast %get3A_479 : vector<16xi32> to vector<16xi32>
    %add3A_481 = arith.constant 416 : i32
    %add3A_482 = arith.addi %mul3A_2, %add3A_481 : i32
    %add3A_483 = vector.broadcast %add3A_482 : i32 to vector<16xi32>
    %add3A_484 = arith.addi %add3A_483, %iota3A : vector<16xi32>
    %mul3A_485 = arith.constant 512 : i32
    %mul3A_486 = vector.broadcast %mul3A_485 : i32 to vector<16xi32>
    %mul3A_487 = arith.muli %add3A_484, %mul3A_486 : vector<16xi32>
    %add3A_488 = arith.addi %mul3A_487, %get3A_480 : vector<16xi32>
    %swap3A_489 = arith.constant 3 : i32
    %swap3A_490 = arith.index_cast %swap3A_489 : i32 to index
    %swap3A_491 = arith.constant 32 : index
    %swap3A_492 = tpu.vector_load %arg6[%swap3A_490, %swap3A_491] {strides = array<i32>} : memref<16x128xi32, #tpu.memory_space<vmem>>, vector<1x16xi32>,
    %swap3A_493 = vector.shape_cast %swap3A_492 : vector<1x16xi32> to vector<16xi32>
    %swap3A_494 = vector.shape_cast %add3A_488 : vector<16xi32> to vector<1x16xi32>
    tpu.vector_store %arg6[%swap3A_490, %swap3A_491], %swap3A_494 {strides = array<i32>} : memref<16x128xi32, #tpu.memory_space<vmem>>, vector<1x16xi32>,
    %get3A_495 = arith.constant 432 : index
    %get3A_496 = tpu.vector_load %arg5[%get3A_495] {strides = array<i32>} : memref<2048xi32, #tpu.memory_space<vmem>>, vector<16xi32>,
    %get3A_497 = vector.shape_cast %get3A_496 : vector<16xi32> to vector<16xi32>
    %add3A_498 = arith.constant 432 : i32
    %add3A_499 = arith.addi %mul3A_2, %add3A_498 : i32
    %add3A_500 = vector.broadcast %add3A_499 : i32 to vector<16xi32>
    %add3A_501 = arith.addi %add3A_500, %iota3A : vector<16xi32>
    %mul3A_502 = arith.constant 512 : i32
    %mul3A_503 = vector.broadcast %mul3A_502 : i32 to vector<16xi32>
    %mul3A_504 = arith.muli %add3A_501, %mul3A_503 : vector<16xi32>
    %add3A_505 = arith.addi %mul3A_504, %get3A_497 : vector<16xi32>
    %swap3A_506 = arith.constant 3 : i32
    %swap3A_507 = arith.index_cast %swap3A_506 : i32 to index
    %swap3A_508 = arith.constant 48 : index
    %swap3A_509 = tpu.vector_load %arg6[%swap3A_507, %swap3A_508] {strides = array<i32>} : memref<16x128xi32, #tpu.memory_space<vmem>>, vector<1x16xi32>,
    %swap3A_510 = vector.shape_cast %swap3A_509 : vector<1x16xi32> to vector<16xi32>
    %swap3A_511 = vector.shape_cast %add3A_505 : vector<16xi32> to vector<1x16xi32>
    tpu.vector_store %arg6[%swap3A_507, %swap3A_508], %swap3A_511 {strides = array<i32>} : memref<16x128xi32, #tpu.memory_space<vmem>>, vector<1x16xi32>,
    %get3A_512 = arith.constant 448 : index
    %get3A_513 = tpu.vector_load %arg5[%get3A_512] {strides = array<i32>} : memref<2048xi32, #tpu.memory_space<vmem>>, vector<16xi32>,
    %get3A_514 = vector.shape_cast %get3A_513 : vector<16xi32> to vector<16xi32>
    %add3A_515 = arith.constant 448 : i32
    %add3A_516 = arith.addi %mul3A_2, %add3A_515 : i32
    %add3A_517 = vector.broadcast %add3A_516 : i32 to vector<16xi32>
    %add3A_518 = arith.addi %add3A_517, %iota3A : vector<16xi32>
    %mul3A_519 = arith.constant 512 : i32
    %mul3A_520 = vector.broadcast %mul3A_519 : i32 to vector<16xi32>
    %mul3A_521 = arith.muli %add3A_518, %mul3A_520 : vector<16xi32>
    %add3A_522 = arith.addi %mul3A_521, %get3A_514 : vector<16xi32>
    %swap3A_523 = arith.constant 3 : i32
    %swap3A_524 = arith.index_cast %swap3A_523 : i32 to index
    %swap3A_525 = arith.constant 64 : index
    %swap3A_526 = tpu.vector_load %arg6[%swap3A_524, %swap3A_525] {strides = array<i32>} : memref<16x128xi32, #tpu.memory_space<vmem>>, vector<1x16xi32>,
    %swap3A_527 = vector.shape_cast %swap3A_526 : vector<1x16xi32> to vector<16xi32>
    %swap3A_528 = vector.shape_cast %add3A_522 : vector<16xi32> to vector<1x16xi32>
    tpu.vector_store %arg6[%swap3A_524, %swap3A_525], %swap3A_528 {strides = array<i32>} : memref<16x128xi32, #tpu.memory_space<vmem>>, vector<1x16xi32>,
    %get3A_529 = arith.constant 464 : index
    %get3A_530 = tpu.vector_load %arg5[%get3A_529] {strides = array<i32>} : memref<2048xi32, #tpu.memory_space<vmem>>, vector<16xi32>,
    %get3A_531 = vector.shape_cast %get3A_530 : vector<16xi32> to vector<16xi32>
    %add3A_532 = arith.constant 464 : i32
    %add3A_533 = arith.addi %mul3A_2, %add3A_532 : i32
    %add3A_534 = vector.broadcast %add3A_533 : i32 to vector<16xi32>
    %add3A_535 = arith.addi %add3A_534, %iota3A : vector<16xi32>
    %mul3A_536 = arith.constant 512 : i32
    %mul3A_537 = vector.broadcast %mul3A_536 : i32 to vector<16xi32>
    %mul3A_538 = arith.muli %add3A_535, %mul3A_537 : vector<16xi32>
    %add3A_539 = arith.addi %mul3A_538, %get3A_531 : vector<16xi32>
    %swap3A_540 = arith.constant 3 : i32
    %swap3A_541 = arith.index_cast %swap3A_540 : i32 to index
    %swap3A_542 = arith.constant 80 : index
    %swap3A_543 = tpu.vector_load %arg6[%swap3A_541, %swap3A_542] {strides = array<i32>} : memref<16x128xi32, #tpu.memory_space<vmem>>, vector<1x16xi32>,
    %swap3A_544 = vector.shape_cast %swap3A_543 : vector<1x16xi32> to vector<16xi32>
    %swap3A_545 = vector.shape_cast %add3A_539 : vector<16xi32> to vector<1x16xi32>
    tpu.vector_store %arg6[%swap3A_541, %swap3A_542], %swap3A_545 {strides = array<i32>} : memref<16x128xi32, #tpu.memory_space<vmem>>, vector<1x16xi32>,
    %get3A_546 = arith.constant 480 : index
    %get3A_547 = tpu.vector_load %arg5[%get3A_546] {strides = array<i32>} : memref<2048xi32, #tpu.memory_space<vmem>>, vector<16xi32>,
    %get3A_548 = vector.shape_cast %get3A_547 : vector<16xi32> to vector<16xi32>
    %add3A_549 = arith.constant 480 : i32
    %add3A_550 = arith.addi %mul3A_2, %add3A_549 : i32
    %add3A_551 = vector.broadcast %add3A_550 : i32 to vector<16xi32>
    %add3A_552 = arith.addi %add3A_551, %iota3A : vector<16xi32>
    %mul3A_553 = arith.constant 512 : i32
    %mul3A_554 = vector.broadcast %mul3A_553 : i32 to vector<16xi32>
    %mul3A_555 = arith.muli %add3A_552, %mul3A_554 : vector<16xi32>
    %add3A_556 = arith.addi %mul3A_555, %get3A_548 : vector<16xi32>
    %swap3A_557 = arith.constant 3 : i32
    %swap3A_558 = arith.index_cast %swap3A_557 : i32 to index
    %swap3A_559 = arith.constant 96 : index
    %swap3A_560 = tpu.vector_load %arg6[%swap3A_558, %swap3A_559] {strides = array<i32>} : memref<16x128xi32, #tpu.memory_space<vmem>>, vector<1x16xi32>,
    %swap3A_561 = vector.shape_cast %swap3A_560 : vector<1x16xi32> to vector<16xi32>
    %swap3A_562 = vector.shape_cast %add3A_556 : vector<16xi32> to vector<1x16xi32>
    tpu.vector_store %arg6[%swap3A_558, %swap3A_559], %swap3A_562 {strides = array<i32>} : memref<16x128xi32, #tpu.memory_space<vmem>>, vector<1x16xi32>,
    %get3A_563 = arith.constant 496 : index
    %get3A_564 = tpu.vector_load %arg5[%get3A_563] {strides = array<i32>} : memref<2048xi32, #tpu.memory_space<vmem>>, vector<16xi32>,
    %get3A_565 = vector.shape_cast %get3A_564 : vector<16xi32> to vector<16xi32>
    %add3A_566 = arith.constant 496 : i32
    %add3A_567 = arith.addi %mul3A_2, %add3A_566 : i32
    %add3A_568 = vector.broadcast %add3A_567 : i32 to vector<16xi32>
    %add3A_569 = arith.addi %add3A_568, %iota3A : vector<16xi32>
    %mul3A_570 = arith.constant 512 : i32
    %mul3A_571 = vector.broadcast %mul3A_570 : i32 to vector<16xi32>
    %mul3A_572 = arith.muli %add3A_569, %mul3A_571 : vector<16xi32>
    %add3A_573 = arith.addi %mul3A_572, %get3A_565 : vector<16xi32>
    %swap3A_574 = arith.constant 3 : i32
    %swap3A_575 = arith.index_cast %swap3A_574 : i32 to index
    %swap3A_576 = arith.constant 112 : index
    %swap3A_577 = tpu.vector_load %arg6[%swap3A_575, %swap3A_576] {strides = array<i32>} : memref<16x128xi32, #tpu.memory_space<vmem>>, vector<1x16xi32>,
    %swap3A_578 = vector.shape_cast %swap3A_577 : vector<1x16xi32> to vector<16xi32>
    %swap3A_579 = vector.shape_cast %add3A_573 : vector<16xi32> to vector<1x16xi32>
    tpu.vector_store %arg6[%swap3A_575, %swap3A_576], %swap3A_579 {strides = array<i32>} : memref<16x128xi32, #tpu.memory_space<vmem>>, vector<1x16xi32>,
    %get3A_580 = arith.constant 512 : index
    %get3A_581 = tpu.vector_load %arg5[%get3A_580] {strides = array<i32>} : memref<2048xi32, #tpu.memory_space<vmem>>, vector<16xi32>,
    %get3A_582 = vector.shape_cast %get3A_581 : vector<16xi32> to vector<16xi32>
    %add3A_583 = arith.constant 512 : i32
    %add3A_584 = arith.addi %mul3A_2, %add3A_583 : i32
    %add3A_585 = vector.broadcast %add3A_584 : i32 to vector<16xi32>
    %add3A_586 = arith.addi %add3A_585, %iota3A : vector<16xi32>
    %mul3A_587 = arith.constant 512 : i32
    %mul3A_588 = vector.broadcast %mul3A_587 : i32 to vector<16xi32>
    %mul3A_589 = arith.muli %add3A_586, %mul3A_588 : vector<16xi32>
    %add3A_590 = arith.addi %mul3A_589, %get3A_582 : vector<16xi32>
    %swap3A_591 = arith.constant 4 : i32
    %swap3A_592 = arith.index_cast %swap3A_591 : i32 to index
    %swap3A_593 = arith.constant 0 : index
    %swap3A_594 = tpu.vector_load %arg6[%swap3A_592, %swap3A_593] {strides = array<i32>} : memref<16x128xi32, #tpu.memory_space<vmem>>, vector<1x16xi32>,
    %swap3A_595 = vector.shape_cast %swap3A_594 : vector<1x16xi32> to vector<16xi32>
    %swap3A_596 = vector.shape_cast %add3A_590 : vector<16xi32> to vector<1x16xi32>
    tpu.vector_store %arg6[%swap3A_592, %swap3A_593], %swap3A_596 {strides = array<i32>} : memref<16x128xi32, #tpu.memory_space<vmem>>, vector<1x16xi32>,
    %get3A_597 = arith.constant 528 : index
    %get3A_598 = tpu.vector_load %arg5[%get3A_597] {strides = array<i32>} : memref<2048xi32, #tpu.memory_space<vmem>>, vector<16xi32>,
    %get3A_599 = vector.shape_cast %get3A_598 : vector<16xi32> to vector<16xi32>
    %add3A_600 = arith.constant 528 : i32
    %add3A_601 = arith.addi %mul3A_2, %add3A_600 : i32
    %add3A_602 = vector.broadcast %add3A_601 : i32 to vector<16xi32>
    %add3A_603 = arith.addi %add3A_602, %iota3A : vector<16xi32>
    %mul3A_604 = arith.constant 512 : i32
    %mul3A_605 = vector.broadcast %mul3A_604 : i32 to vector<16xi32>
    %mul3A_606 = arith.muli %add3A_603, %mul3A_605 : vector<16xi32>
    %add3A_607 = arith.addi %mul3A_606, %get3A_599 : vector<16xi32>
    %swap3A_608 = arith.constant 4 : i32
    %swap3A_609 = arith.index_cast %swap3A_608 : i32 to index
    %swap3A_610 = arith.constant 16 : index
    %swap3A_611 = tpu.vector_load %arg6[%swap3A_609, %swap3A_610] {strides = array<i32>} : memref<16x128xi32, #tpu.memory_space<vmem>>, vector<1x16xi32>,
    %swap3A_612 = vector.shape_cast %swap3A_611 : vector<1x16xi32> to vector<16xi32>
    %swap3A_613 = vector.shape_cast %add3A_607 : vector<16xi32> to vector<1x16xi32>
    tpu.vector_store %arg6[%swap3A_609, %swap3A_610], %swap3A_613 {strides = array<i32>} : memref<16x128xi32, #tpu.memory_space<vmem>>, vector<1x16xi32>,
    %get3A_614 = arith.constant 544 : index
    %get3A_615 = tpu.vector_load %arg5[%get3A_614] {strides = array<i32>} : memref<2048xi32, #tpu.memory_space<vmem>>, vector<16xi32>,
    %get3A_616 = vector.shape_cast %get3A_615 : vector<16xi32> to vector<16xi32>
    %add3A_617 = arith.constant 544 : i32
    %add3A_618 = arith.addi %mul3A_2, %add3A_617 : i32
    %add3A_619 = vector.broadcast %add3A_618 : i32 to vector<16xi32>
    %add3A_620 = arith.addi %add3A_619, %iota3A : vector<16xi32>
    %mul3A_621 = arith.constant 512 : i32
    %mul3A_622 = vector.broadcast %mul3A_621 : i32 to vector<16xi32>
    %mul3A_623 = arith.muli %add3A_620, %mul3A_622 : vector<16xi32>
    %add3A_624 = arith.addi %mul3A_623, %get3A_616 : vector<16xi32>
    %swap3A_625 = arith.constant 4 : i32
    %swap3A_626 = arith.index_cast %swap3A_625 : i32 to index
    %swap3A_627 = arith.constant 32 : index
    %swap3A_628 = tpu.vector_load %arg6[%swap3A_626, %swap3A_627] {strides = array<i32>} : memref<16x128xi32, #tpu.memory_space<vmem>>, vector<1x16xi32>,
    %swap3A_629 = vector.shape_cast %swap3A_628 : vector<1x16xi32> to vector<16xi32>
    %swap3A_630 = vector.shape_cast %add3A_624 : vector<16xi32> to vector<1x16xi32>
    tpu.vector_store %arg6[%swap3A_626, %swap3A_627], %swap3A_630 {strides = array<i32>} : memref<16x128xi32, #tpu.memory_space<vmem>>, vector<1x16xi32>,
    %get3A_631 = arith.constant 560 : index
    %get3A_632 = tpu.vector_load %arg5[%get3A_631] {strides = array<i32>} : memref<2048xi32, #tpu.memory_space<vmem>>, vector<16xi32>,
    %get3A_633 = vector.shape_cast %get3A_632 : vector<16xi32> to vector<16xi32>
    %add3A_634 = arith.constant 560 : i32
    %add3A_635 = arith.addi %mul3A_2, %add3A_634 : i32
    %add3A_636 = vector.broadcast %add3A_635 : i32 to vector<16xi32>
    %add3A_637 = arith.addi %add3A_636, %iota3A : vector<16xi32>
    %mul3A_638 = arith.constant 512 : i32
    %mul3A_639 = vector.broadcast %mul3A_638 : i32 to vector<16xi32>
    %mul3A_640 = arith.muli %add3A_637, %mul3A_639 : vector<16xi32>
    %add3A_641 = arith.addi %mul3A_640, %get3A_633 : vector<16xi32>
    %swap3A_642 = arith.constant 4 : i32
    %swap3A_643 = arith.index_cast %swap3A_642 : i32 to index
    %swap3A_644 = arith.constant 48 : index
    %swap3A_645 = tpu.vector_load %arg6[%swap3A_643, %swap3A_644] {strides = array<i32>} : memref<16x128xi32, #tpu.memory_space<vmem>>, vector<1x16xi32>,
    %swap3A_646 = vector.shape_cast %swap3A_645 : vector<1x16xi32> to vector<16xi32>
    %swap3A_647 = vector.shape_cast %add3A_641 : vector<16xi32> to vector<1x16xi32>
    tpu.vector_store %arg6[%swap3A_643, %swap3A_644], %swap3A_647 {strides = array<i32>} : memref<16x128xi32, #tpu.memory_space<vmem>>, vector<1x16xi32>,
    %get3A_648 = arith.constant 576 : index
    %get3A_649 = tpu.vector_load %arg5[%get3A_648] {strides = array<i32>} : memref<2048xi32, #tpu.memory_space<vmem>>, vector<16xi32>,
    %get3A_650 = vector.shape_cast %get3A_649 : vector<16xi32> to vector<16xi32>
    %add3A_651 = arith.constant 576 : i32
    %add3A_652 = arith.addi %mul3A_2, %add3A_651 : i32
    %add3A_653 = vector.broadcast %add3A_652 : i32 to vector<16xi32>
    %add3A_654 = arith.addi %add3A_653, %iota3A : vector<16xi32>
    %mul3A_655 = arith.constant 512 : i32
    %mul3A_656 = vector.broadcast %mul3A_655 : i32 to vector<16xi32>
    %mul3A_657 = arith.muli %add3A_654, %mul3A_656 : vector<16xi32>
    %add3A_658 = arith.addi %mul3A_657, %get3A_650 : vector<16xi32>
    %swap3A_659 = arith.constant 4 : i32
    %swap3A_660 = arith.index_cast %swap3A_659 : i32 to index
    %swap3A_661 = arith.constant 64 : index
    %swap3A_662 = tpu.vector_load %arg6[%swap3A_660, %swap3A_661] {strides = array<i32>} : memref<16x128xi32, #tpu.memory_space<vmem>>, vector<1x16xi32>,
    %swap3A_663 = vector.shape_cast %swap3A_662 : vector<1x16xi32> to vector<16xi32>
    %swap3A_664 = vector.shape_cast %add3A_658 : vector<16xi32> to vector<1x16xi32>
    tpu.vector_store %arg6[%swap3A_660, %swap3A_661], %swap3A_664 {strides = array<i32>} : memref<16x128xi32, #tpu.memory_space<vmem>>, vector<1x16xi32>,
    %get3A_665 = arith.constant 592 : index
    %get3A_666 = tpu.vector_load %arg5[%get3A_665] {strides = array<i32>} : memref<2048xi32, #tpu.memory_space<vmem>>, vector<16xi32>,
    %get3A_667 = vector.shape_cast %get3A_666 : vector<16xi32> to vector<16xi32>
    %add3A_668 = arith.constant 592 : i32
    %add3A_669 = arith.addi %mul3A_2, %add3A_668 : i32
    %add3A_670 = vector.broadcast %add3A_669 : i32 to vector<16xi32>
    %add3A_671 = arith.addi %add3A_670, %iota3A : vector<16xi32>
    %mul3A_672 = arith.constant 512 : i32
    %mul3A_673 = vector.broadcast %mul3A_672 : i32 to vector<16xi32>
    %mul3A_674 = arith.muli %add3A_671, %mul3A_673 : vector<16xi32>
    %add3A_675 = arith.addi %mul3A_674, %get3A_667 : vector<16xi32>
    %swap3A_676 = arith.constant 4 : i32
    %swap3A_677 = arith.index_cast %swap3A_676 : i32 to index
    %swap3A_678 = arith.constant 80 : index
    %swap3A_679 = tpu.vector_load %arg6[%swap3A_677, %swap3A_678] {strides = array<i32>} : memref<16x128xi32, #tpu.memory_space<vmem>>, vector<1x16xi32>,
    %swap3A_680 = vector.shape_cast %swap3A_679 : vector<1x16xi32> to vector<16xi32>
    %swap3A_681 = vector.shape_cast %add3A_675 : vector<16xi32> to vector<1x16xi32>
    tpu.vector_store %arg6[%swap3A_677, %swap3A_678], %swap3A_681 {strides = array<i32>} : memref<16x128xi32, #tpu.memory_space<vmem>>, vector<1x16xi32>,
    %get3A_682 = arith.constant 608 : index
    %get3A_683 = tpu.vector_load %arg5[%get3A_682] {strides = array<i32>} : memref<2048xi32, #tpu.memory_space<vmem>>, vector<16xi32>,
    %get3A_684 = vector.shape_cast %get3A_683 : vector<16xi32> to vector<16xi32>
    %add3A_685 = arith.constant 608 : i32
    %add3A_686 = arith.addi %mul3A_2, %add3A_685 : i32
    %add3A_687 = vector.broadcast %add3A_686 : i32 to vector<16xi32>
    %add3A_688 = arith.addi %add3A_687, %iota3A : vector<16xi32>
    %mul3A_689 = arith.constant 512 : i32
    %mul3A_690 = vector.broadcast %mul3A_689 : i32 to vector<16xi32>
    %mul3A_691 = arith.muli %add3A_688, %mul3A_690 : vector<16xi32>
    %add3A_692 = arith.addi %mul3A_691, %get3A_684 : vector<16xi32>
    %swap3A_693 = arith.constant 4 : i32
    %swap3A_694 = arith.index_cast %swap3A_693 : i32 to index
    %swap3A_695 = arith.constant 96 : index
    %swap3A_696 = tpu.vector_load %arg6[%swap3A_694, %swap3A_695] {strides = array<i32>} : memref<16x128xi32, #tpu.memory_space<vmem>>, vector<1x16xi32>,
    %swap3A_697 = vector.shape_cast %swap3A_696 : vector<1x16xi32> to vector<16xi32>
    %swap3A_698 = vector.shape_cast %add3A_692 : vector<16xi32> to vector<1x16xi32>
    tpu.vector_store %arg6[%swap3A_694, %swap3A_695], %swap3A_698 {strides = array<i32>} : memref<16x128xi32, #tpu.memory_space<vmem>>, vector<1x16xi32>,
    %get3A_699 = arith.constant 624 : index
    %get3A_700 = tpu.vector_load %arg5[%get3A_699] {strides = array<i32>} : memref<2048xi32, #tpu.memory_space<vmem>>, vector<16xi32>,
    %get3A_701 = vector.shape_cast %get3A_700 : vector<16xi32> to vector<16xi32>
    %add3A_702 = arith.constant 624 : i32
    %add3A_703 = arith.addi %mul3A_2, %add3A_702 : i32
    %add3A_704 = vector.broadcast %add3A_703 : i32 to vector<16xi32>
    %add3A_705 = arith.addi %add3A_704, %iota3A : vector<16xi32>
    %mul3A_706 = arith.constant 512 : i32
    %mul3A_707 = vector.broadcast %mul3A_706 : i32 to vector<16xi32>
    %mul3A_708 = arith.muli %add3A_705, %mul3A_707 : vector<16xi32>
    %add3A_709 = arith.addi %mul3A_708, %get3A_701 : vector<16xi32>
    %swap3A_710 = arith.constant 4 : i32
    %swap3A_711 = arith.index_cast %swap3A_710 : i32 to index
    %swap3A_712 = arith.constant 112 : index
    %swap3A_713 = tpu.vector_load %arg6[%swap3A_711, %swap3A_712] {strides = array<i32>} : memref<16x128xi32, #tpu.memory_space<vmem>>, vector<1x16xi32>,
    %swap3A_714 = vector.shape_cast %swap3A_713 : vector<1x16xi32> to vector<16xi32>
    %swap3A_715 = vector.shape_cast %add3A_709 : vector<16xi32> to vector<1x16xi32>
    tpu.vector_store %arg6[%swap3A_711, %swap3A_712], %swap3A_715 {strides = array<i32>} : memref<16x128xi32, #tpu.memory_space<vmem>>, vector<1x16xi32>,
    %get3A_716 = arith.constant 640 : index
    %get3A_717 = tpu.vector_load %arg5[%get3A_716] {strides = array<i32>} : memref<2048xi32, #tpu.memory_space<vmem>>, vector<16xi32>,
    %get3A_718 = vector.shape_cast %get3A_717 : vector<16xi32> to vector<16xi32>
    %add3A_719 = arith.constant 640 : i32
    %add3A_720 = arith.addi %mul3A_2, %add3A_719 : i32
    %add3A_721 = vector.broadcast %add3A_720 : i32 to vector<16xi32>
    %add3A_722 = arith.addi %add3A_721, %iota3A : vector<16xi32>
    %mul3A_723 = arith.constant 512 : i32
    %mul3A_724 = vector.broadcast %mul3A_723 : i32 to vector<16xi32>
    %mul3A_725 = arith.muli %add3A_722, %mul3A_724 : vector<16xi32>
    %add3A_726 = arith.addi %mul3A_725, %get3A_718 : vector<16xi32>
    %swap3A_727 = arith.constant 5 : i32
    %swap3A_728 = arith.index_cast %swap3A_727 : i32 to index
    %swap3A_729 = arith.constant 0 : index
    %swap3A_730 = tpu.vector_load %arg6[%swap3A_728, %swap3A_729] {strides = array<i32>} : memref<16x128xi32, #tpu.memory_space<vmem>>, vector<1x16xi32>,
    %swap3A_731 = vector.shape_cast %swap3A_730 : vector<1x16xi32> to vector<16xi32>
    %swap3A_732 = vector.shape_cast %add3A_726 : vector<16xi32> to vector<1x16xi32>
    tpu.vector_store %arg6[%swap3A_728, %swap3A_729], %swap3A_732 {strides = array<i32>} : memref<16x128xi32, #tpu.memory_space<vmem>>, vector<1x16xi32>,
    %get3A_733 = arith.constant 656 : index
    %get3A_734 = tpu.vector_load %arg5[%get3A_733] {strides = array<i32>} : memref<2048xi32, #tpu.memory_space<vmem>>, vector<16xi32>,
    %get3A_735 = vector.shape_cast %get3A_734 : vector<16xi32> to vector<16xi32>
    %add3A_736 = arith.constant 656 : i32
    %add3A_737 = arith.addi %mul3A_2, %add3A_736 : i32
    %add3A_738 = vector.broadcast %add3A_737 : i32 to vector<16xi32>
    %add3A_739 = arith.addi %add3A_738, %iota3A : vector<16xi32>
    %mul3A_740 = arith.constant 512 : i32
    %mul3A_741 = vector.broadcast %mul3A_740 : i32 to vector<16xi32>
    %mul3A_742 = arith.muli %add3A_739, %mul3A_741 : vector<16xi32>
    %add3A_743 = arith.addi %mul3A_742, %get3A_735 : vector<16xi32>
    %swap3A_744 = arith.constant 5 : i32
    %swap3A_745 = arith.index_cast %swap3A_744 : i32 to index
    %swap3A_746 = arith.constant 16 : index
    %swap3A_747 = tpu.vector_load %arg6[%swap3A_745, %swap3A_746] {strides = array<i32>} : memref<16x128xi32, #tpu.memory_space<vmem>>, vector<1x16xi32>,
    %swap3A_748 = vector.shape_cast %swap3A_747 : vector<1x16xi32> to vector<16xi32>
    %swap3A_749 = vector.shape_cast %add3A_743 : vector<16xi32> to vector<1x16xi32>
    tpu.vector_store %arg6[%swap3A_745, %swap3A_746], %swap3A_749 {strides = array<i32>} : memref<16x128xi32, #tpu.memory_space<vmem>>, vector<1x16xi32>,
    %get3A_750 = arith.constant 672 : index
    %get3A_751 = tpu.vector_load %arg5[%get3A_750] {strides = array<i32>} : memref<2048xi32, #tpu.memory_space<vmem>>, vector<16xi32>,
    %get3A_752 = vector.shape_cast %get3A_751 : vector<16xi32> to vector<16xi32>
    %add3A_753 = arith.constant 672 : i32
    %add3A_754 = arith.addi %mul3A_2, %add3A_753 : i32
    %add3A_755 = vector.broadcast %add3A_754 : i32 to vector<16xi32>
    %add3A_756 = arith.addi %add3A_755, %iota3A : vector<16xi32>
    %mul3A_757 = arith.constant 512 : i32
    %mul3A_758 = vector.broadcast %mul3A_757 : i32 to vector<16xi32>
    %mul3A_759 = arith.muli %add3A_756, %mul3A_758 : vector<16xi32>
    %add3A_760 = arith.addi %mul3A_759, %get3A_752 : vector<16xi32>
    %swap3A_761 = arith.constant 5 : i32
    %swap3A_762 = arith.index_cast %swap3A_761 : i32 to index
    %swap3A_763 = arith.constant 32 : index
    %swap3A_764 = tpu.vector_load %arg6[%swap3A_762, %swap3A_763] {strides = array<i32>} : memref<16x128xi32, #tpu.memory_space<vmem>>, vector<1x16xi32>,
    %swap3A_765 = vector.shape_cast %swap3A_764 : vector<1x16xi32> to vector<16xi32>
    %swap3A_766 = vector.shape_cast %add3A_760 : vector<16xi32> to vector<1x16xi32>
    tpu.vector_store %arg6[%swap3A_762, %swap3A_763], %swap3A_766 {strides = array<i32>} : memref<16x128xi32, #tpu.memory_space<vmem>>, vector<1x16xi32>,
    %get3A_767 = arith.constant 688 : index
    %get3A_768 = tpu.vector_load %arg5[%get3A_767] {strides = array<i32>} : memref<2048xi32, #tpu.memory_space<vmem>>, vector<16xi32>,
    %get3A_769 = vector.shape_cast %get3A_768 : vector<16xi32> to vector<16xi32>
    %add3A_770 = arith.constant 688 : i32
    %add3A_771 = arith.addi %mul3A_2, %add3A_770 : i32
    %add3A_772 = vector.broadcast %add3A_771 : i32 to vector<16xi32>
    %add3A_773 = arith.addi %add3A_772, %iota3A : vector<16xi32>
    %mul3A_774 = arith.constant 512 : i32
    %mul3A_775 = vector.broadcast %mul3A_774 : i32 to vector<16xi32>
    %mul3A_776 = arith.muli %add3A_773, %mul3A_775 : vector<16xi32>
    %add3A_777 = arith.addi %mul3A_776, %get3A_769 : vector<16xi32>
    %swap3A_778 = arith.constant 5 : i32
    %swap3A_779 = arith.index_cast %swap3A_778 : i32 to index
    %swap3A_780 = arith.constant 48 : index
    %swap3A_781 = tpu.vector_load %arg6[%swap3A_779, %swap3A_780] {strides = array<i32>} : memref<16x128xi32, #tpu.memory_space<vmem>>, vector<1x16xi32>,
    %swap3A_782 = vector.shape_cast %swap3A_781 : vector<1x16xi32> to vector<16xi32>
    %swap3A_783 = vector.shape_cast %add3A_777 : vector<16xi32> to vector<1x16xi32>
    tpu.vector_store %arg6[%swap3A_779, %swap3A_780], %swap3A_783 {strides = array<i32>} : memref<16x128xi32, #tpu.memory_space<vmem>>, vector<1x16xi32>,
    %get3A_784 = arith.constant 704 : index
    %get3A_785 = tpu.vector_load %arg5[%get3A_784] {strides = array<i32>} : memref<2048xi32, #tpu.memory_space<vmem>>, vector<16xi32>,
    %get3A_786 = vector.shape_cast %get3A_785 : vector<16xi32> to vector<16xi32>
    %add3A_787 = arith.constant 704 : i32
    %add3A_788 = arith.addi %mul3A_2, %add3A_787 : i32
    %add3A_789 = vector.broadcast %add3A_788 : i32 to vector<16xi32>
    %add3A_790 = arith.addi %add3A_789, %iota3A : vector<16xi32>
    %mul3A_791 = arith.constant 512 : i32
    %mul3A_792 = vector.broadcast %mul3A_791 : i32 to vector<16xi32>
    %mul3A_793 = arith.muli %add3A_790, %mul3A_792 : vector<16xi32>
    %add3A_794 = arith.addi %mul3A_793, %get3A_786 : vector<16xi32>
    %swap3A_795 = arith.constant 5 : i32
    %swap3A_796 = arith.index_cast %swap3A_795 : i32 to index
    %swap3A_797 = arith.constant 64 : index
    %swap3A_798 = tpu.vector_load %arg6[%swap3A_796, %swap3A_797] {strides = array<i32>} : memref<16x128xi32, #tpu.memory_space<vmem>>, vector<1x16xi32>,
    %swap3A_799 = vector.shape_cast %swap3A_798 : vector<1x16xi32> to vector<16xi32>
    %swap3A_800 = vector.shape_cast %add3A_794 : vector<16xi32> to vector<1x16xi32>
    tpu.vector_store %arg6[%swap3A_796, %swap3A_797], %swap3A_800 {strides = array<i32>} : memref<16x128xi32, #tpu.memory_space<vmem>>, vector<1x16xi32>,
    %get3A_801 = arith.constant 720 : index
    %get3A_802 = tpu.vector_load %arg5[%get3A_801] {strides = array<i32>} : memref<2048xi32, #tpu.memory_space<vmem>>, vector<16xi32>,
    %get3A_803 = vector.shape_cast %get3A_802 : vector<16xi32> to vector<16xi32>
    %add3A_804 = arith.constant 720 : i32
    %add3A_805 = arith.addi %mul3A_2, %add3A_804 : i32
    %add3A_806 = vector.broadcast %add3A_805 : i32 to vector<16xi32>
    %add3A_807 = arith.addi %add3A_806, %iota3A : vector<16xi32>
    %mul3A_808 = arith.constant 512 : i32
    %mul3A_809 = vector.broadcast %mul3A_808 : i32 to vector<16xi32>
    %mul3A_810 = arith.muli %add3A_807, %mul3A_809 : vector<16xi32>
    %add3A_811 = arith.addi %mul3A_810, %get3A_803 : vector<16xi32>
    %swap3A_812 = arith.constant 5 : i32
    %swap3A_813 = arith.index_cast %swap3A_812 : i32 to index
    %swap3A_814 = arith.constant 80 : index
    %swap3A_815 = tpu.vector_load %arg6[%swap3A_813, %swap3A_814] {strides = array<i32>} : memref<16x128xi32, #tpu.memory_space<vmem>>, vector<1x16xi32>,
    %swap3A_816 = vector.shape_cast %swap3A_815 : vector<1x16xi32> to vector<16xi32>
    %swap3A_817 = vector.shape_cast %add3A_811 : vector<16xi32> to vector<1x16xi32>
    tpu.vector_store %arg6[%swap3A_813, %swap3A_814], %swap3A_817 {strides = array<i32>} : memref<16x128xi32, #tpu.memory_space<vmem>>, vector<1x16xi32>,
    %get3A_818 = arith.constant 736 : index
    %get3A_819 = tpu.vector_load %arg5[%get3A_818] {strides = array<i32>} : memref<2048xi32, #tpu.memory_space<vmem>>, vector<16xi32>,
    %get3A_820 = vector.shape_cast %get3A_819 : vector<16xi32> to vector<16xi32>
    %add3A_821 = arith.constant 736 : i32
    %add3A_822 = arith.addi %mul3A_2, %add3A_821 : i32
    %add3A_823 = vector.broadcast %add3A_822 : i32 to vector<16xi32>
    %add3A_824 = arith.addi %add3A_823, %iota3A : vector<16xi32>
    %mul3A_825 = arith.constant 512 : i32
    %mul3A_826 = vector.broadcast %mul3A_825 : i32 to vector<16xi32>
    %mul3A_827 = arith.muli %add3A_824, %mul3A_826 : vector<16xi32>
    %add3A_828 = arith.addi %mul3A_827, %get3A_820 : vector<16xi32>
    %swap3A_829 = arith.constant 5 : i32
    %swap3A_830 = arith.index_cast %swap3A_829 : i32 to index
    %swap3A_831 = arith.constant 96 : index
    %swap3A_832 = tpu.vector_load %arg6[%swap3A_830, %swap3A_831] {strides = array<i32>} : memref<16x128xi32, #tpu.memory_space<vmem>>, vector<1x16xi32>,
    %swap3A_833 = vector.shape_cast %swap3A_832 : vector<1x16xi32> to vector<16xi32>
    %swap3A_834 = vector.shape_cast %add3A_828 : vector<16xi32> to vector<1x16xi32>
    tpu.vector_store %arg6[%swap3A_830, %swap3A_831], %swap3A_834 {strides = array<i32>} : memref<16x128xi32, #tpu.memory_space<vmem>>, vector<1x16xi32>,
    %get3A_835 = arith.constant 752 : index
    %get3A_836 = tpu.vector_load %arg5[%get3A_835] {strides = array<i32>} : memref<2048xi32, #tpu.memory_space<vmem>>, vector<16xi32>,
    %get3A_837 = vector.shape_cast %get3A_836 : vector<16xi32> to vector<16xi32>
    %add3A_838 = arith.constant 752 : i32
    %add3A_839 = arith.addi %mul3A_2, %add3A_838 : i32
    %add3A_840 = vector.broadcast %add3A_839 : i32 to vector<16xi32>
    %add3A_841 = arith.addi %add3A_840, %iota3A : vector<16xi32>
    %mul3A_842 = arith.constant 512 : i32
    %mul3A_843 = vector.broadcast %mul3A_842 : i32 to vector<16xi32>
    %mul3A_844 = arith.muli %add3A_841, %mul3A_843 : vector<16xi32>
    %add3A_845 = arith.addi %mul3A_844, %get3A_837 : vector<16xi32>
    %swap3A_846 = arith.constant 5 : i32
    %swap3A_847 = arith.index_cast %swap3A_846 : i32 to index
    %swap3A_848 = arith.constant 112 : index
    %swap3A_849 = tpu.vector_load %arg6[%swap3A_847, %swap3A_848] {strides = array<i32>} : memref<16x128xi32, #tpu.memory_space<vmem>>, vector<1x16xi32>,
    %swap3A_850 = vector.shape_cast %swap3A_849 : vector<1x16xi32> to vector<16xi32>
    %swap3A_851 = vector.shape_cast %add3A_845 : vector<16xi32> to vector<1x16xi32>
    tpu.vector_store %arg6[%swap3A_847, %swap3A_848], %swap3A_851 {strides = array<i32>} : memref<16x128xi32, #tpu.memory_space<vmem>>, vector<1x16xi32>,
    %get3A_852 = arith.constant 768 : index
    %get3A_853 = tpu.vector_load %arg5[%get3A_852] {strides = array<i32>} : memref<2048xi32, #tpu.memory_space<vmem>>, vector<16xi32>,
    %get3A_854 = vector.shape_cast %get3A_853 : vector<16xi32> to vector<16xi32>
    %add3A_855 = arith.constant 768 : i32
    %add3A_856 = arith.addi %mul3A_2, %add3A_855 : i32
    %add3A_857 = vector.broadcast %add3A_856 : i32 to vector<16xi32>
    %add3A_858 = arith.addi %add3A_857, %iota3A : vector<16xi32>
    %mul3A_859 = arith.constant 512 : i32
    %mul3A_860 = vector.broadcast %mul3A_859 : i32 to vector<16xi32>
    %mul3A_861 = arith.muli %add3A_858, %mul3A_860 : vector<16xi32>
    %add3A_862 = arith.addi %mul3A_861, %get3A_854 : vector<16xi32>
    %swap3A_863 = arith.constant 6 : i32
    %swap3A_864 = arith.index_cast %swap3A_863 : i32 to index
    %swap3A_865 = arith.constant 0 : index
    %swap3A_866 = tpu.vector_load %arg6[%swap3A_864, %swap3A_865] {strides = array<i32>} : memref<16x128xi32, #tpu.memory_space<vmem>>, vector<1x16xi32>,
    %swap3A_867 = vector.shape_cast %swap3A_866 : vector<1x16xi32> to vector<16xi32>
    %swap3A_868 = vector.shape_cast %add3A_862 : vector<16xi32> to vector<1x16xi32>
    tpu.vector_store %arg6[%swap3A_864, %swap3A_865], %swap3A_868 {strides = array<i32>} : memref<16x128xi32, #tpu.memory_space<vmem>>, vector<1x16xi32>,
    %get3A_869 = arith.constant 784 : index
    %get3A_870 = tpu.vector_load %arg5[%get3A_869] {strides = array<i32>} : memref<2048xi32, #tpu.memory_space<vmem>>, vector<16xi32>,
    %get3A_871 = vector.shape_cast %get3A_870 : vector<16xi32> to vector<16xi32>
    %add3A_872 = arith.constant 784 : i32
    %add3A_873 = arith.addi %mul3A_2, %add3A_872 : i32
    %add3A_874 = vector.broadcast %add3A_873 : i32 to vector<16xi32>
    %add3A_875 = arith.addi %add3A_874, %iota3A : vector<16xi32>
    %mul3A_876 = arith.constant 512 : i32
    %mul3A_877 = vector.broadcast %mul3A_876 : i32 to vector<16xi32>
    %mul3A_878 = arith.muli %add3A_875, %mul3A_877 : vector<16xi32>
    %add3A_879 = arith.addi %mul3A_878, %get3A_871 : vector<16xi32>
    %swap3A_880 = arith.constant 6 : i32
    %swap3A_881 = arith.index_cast %swap3A_880 : i32 to index
    %swap3A_882 = arith.constant 16 : index
    %swap3A_883 = tpu.vector_load %arg6[%swap3A_881, %swap3A_882] {strides = array<i32>} : memref<16x128xi32, #tpu.memory_space<vmem>>, vector<1x16xi32>,
    %swap3A_884 = vector.shape_cast %swap3A_883 : vector<1x16xi32> to vector<16xi32>
    %swap3A_885 = vector.shape_cast %add3A_879 : vector<16xi32> to vector<1x16xi32>
    tpu.vector_store %arg6[%swap3A_881, %swap3A_882], %swap3A_885 {strides = array<i32>} : memref<16x128xi32, #tpu.memory_space<vmem>>, vector<1x16xi32>,
    %get3A_886 = arith.constant 800 : index
    %get3A_887 = tpu.vector_load %arg5[%get3A_886] {strides = array<i32>} : memref<2048xi32, #tpu.memory_space<vmem>>, vector<16xi32>,
    %get3A_888 = vector.shape_cast %get3A_887 : vector<16xi32> to vector<16xi32>
    %add3A_889 = arith.constant 800 : i32
    %add3A_890 = arith.addi %mul3A_2, %add3A_889 : i32
    %add3A_891 = vector.broadcast %add3A_890 : i32 to vector<16xi32>
    %add3A_892 = arith.addi %add3A_891, %iota3A : vector<16xi32>
    %mul3A_893 = arith.constant 512 : i32
    %mul3A_894 = vector.broadcast %mul3A_893 : i32 to vector<16xi32>
    %mul3A_895 = arith.muli %add3A_892, %mul3A_894 : vector<16xi32>
    %add3A_896 = arith.addi %mul3A_895, %get3A_888 : vector<16xi32>
    %swap3A_897 = arith.constant 6 : i32
    %swap3A_898 = arith.index_cast %swap3A_897 : i32 to index
    %swap3A_899 = arith.constant 32 : index
    %swap3A_900 = tpu.vector_load %arg6[%swap3A_898, %swap3A_899] {strides = array<i32>} : memref<16x128xi32, #tpu.memory_space<vmem>>, vector<1x16xi32>,
    %swap3A_901 = vector.shape_cast %swap3A_900 : vector<1x16xi32> to vector<16xi32>
    %swap3A_902 = vector.shape_cast %add3A_896 : vector<16xi32> to vector<1x16xi32>
    tpu.vector_store %arg6[%swap3A_898, %swap3A_899], %swap3A_902 {strides = array<i32>} : memref<16x128xi32, #tpu.memory_space<vmem>>, vector<1x16xi32>,
    %get3A_903 = arith.constant 816 : index
    %get3A_904 = tpu.vector_load %arg5[%get3A_903] {strides = array<i32>} : memref<2048xi32, #tpu.memory_space<vmem>>, vector<16xi32>,
    %get3A_905 = vector.shape_cast %get3A_904 : vector<16xi32> to vector<16xi32>
    %add3A_906 = arith.constant 816 : i32
    %add3A_907 = arith.addi %mul3A_2, %add3A_906 : i32
    %add3A_908 = vector.broadcast %add3A_907 : i32 to vector<16xi32>
    %add3A_909 = arith.addi %add3A_908, %iota3A : vector<16xi32>
    %mul3A_910 = arith.constant 512 : i32
    %mul3A_911 = vector.broadcast %mul3A_910 : i32 to vector<16xi32>
    %mul3A_912 = arith.muli %add3A_909, %mul3A_911 : vector<16xi32>
    %add3A_913 = arith.addi %mul3A_912, %get3A_905 : vector<16xi32>
    %swap3A_914 = arith.constant 6 : i32
    %swap3A_915 = arith.index_cast %swap3A_914 : i32 to index
    %swap3A_916 = arith.constant 48 : index
    %swap3A_917 = tpu.vector_load %arg6[%swap3A_915, %swap3A_916] {strides = array<i32>} : memref<16x128xi32, #tpu.memory_space<vmem>>, vector<1x16xi32>,
    %swap3A_918 = vector.shape_cast %swap3A_917 : vector<1x16xi32> to vector<16xi32>
    %swap3A_919 = vector.shape_cast %add3A_913 : vector<16xi32> to vector<1x16xi32>
    tpu.vector_store %arg6[%swap3A_915, %swap3A_916], %swap3A_919 {strides = array<i32>} : memref<16x128xi32, #tpu.memory_space<vmem>>, vector<1x16xi32>,
    %get3A_920 = arith.constant 832 : index
    %get3A_921 = tpu.vector_load %arg5[%get3A_920] {strides = array<i32>} : memref<2048xi32, #tpu.memory_space<vmem>>, vector<16xi32>,
    %get3A_922 = vector.shape_cast %get3A_921 : vector<16xi32> to vector<16xi32>
    %add3A_923 = arith.constant 832 : i32
    %add3A_924 = arith.addi %mul3A_2, %add3A_923 : i32
    %add3A_925 = vector.broadcast %add3A_924 : i32 to vector<16xi32>
    %add3A_926 = arith.addi %add3A_925, %iota3A : vector<16xi32>
    %mul3A_927 = arith.constant 512 : i32
    %mul3A_928 = vector.broadcast %mul3A_927 : i32 to vector<16xi32>
    %mul3A_929 = arith.muli %add3A_926, %mul3A_928 : vector<16xi32>
    %add3A_930 = arith.addi %mul3A_929, %get3A_922 : vector<16xi32>
    %swap3A_931 = arith.constant 6 : i32
    %swap3A_932 = arith.index_cast %swap3A_931 : i32 to index
    %swap3A_933 = arith.constant 64 : index
    %swap3A_934 = tpu.vector_load %arg6[%swap3A_932, %swap3A_933] {strides = array<i32>} : memref<16x128xi32, #tpu.memory_space<vmem>>, vector<1x16xi32>,
    %swap3A_935 = vector.shape_cast %swap3A_934 : vector<1x16xi32> to vector<16xi32>
    %swap3A_936 = vector.shape_cast %add3A_930 : vector<16xi32> to vector<1x16xi32>
    tpu.vector_store %arg6[%swap3A_932, %swap3A_933], %swap3A_936 {strides = array<i32>} : memref<16x128xi32, #tpu.memory_space<vmem>>, vector<1x16xi32>,
    %get3A_937 = arith.constant 848 : index
    %get3A_938 = tpu.vector_load %arg5[%get3A_937] {strides = array<i32>} : memref<2048xi32, #tpu.memory_space<vmem>>, vector<16xi32>,
    %get3A_939 = vector.shape_cast %get3A_938 : vector<16xi32> to vector<16xi32>
    %add3A_940 = arith.constant 848 : i32
    %add3A_941 = arith.addi %mul3A_2, %add3A_940 : i32
    %add3A_942 = vector.broadcast %add3A_941 : i32 to vector<16xi32>
    %add3A_943 = arith.addi %add3A_942, %iota3A : vector<16xi32>
    %mul3A_944 = arith.constant 512 : i32
    %mul3A_945 = vector.broadcast %mul3A_944 : i32 to vector<16xi32>
    %mul3A_946 = arith.muli %add3A_943, %mul3A_945 : vector<16xi32>
    %add3A_947 = arith.addi %mul3A_946, %get3A_939 : vector<16xi32>
    %swap3A_948 = arith.constant 6 : i32
    %swap3A_949 = arith.index_cast %swap3A_948 : i32 to index
    %swap3A_950 = arith.constant 80 : index
    %swap3A_951 = tpu.vector_load %arg6[%swap3A_949, %swap3A_950] {strides = array<i32>} : memref<16x128xi32, #tpu.memory_space<vmem>>, vector<1x16xi32>,
    %swap3A_952 = vector.shape_cast %swap3A_951 : vector<1x16xi32> to vector<16xi32>
    %swap3A_953 = vector.shape_cast %add3A_947 : vector<16xi32> to vector<1x16xi32>
    tpu.vector_store %arg6[%swap3A_949, %swap3A_950], %swap3A_953 {strides = array<i32>} : memref<16x128xi32, #tpu.memory_space<vmem>>, vector<1x16xi32>,
    %get3A_954 = arith.constant 864 : index
    %get3A_955 = tpu.vector_load %arg5[%get3A_954] {strides = array<i32>} : memref<2048xi32, #tpu.memory_space<vmem>>, vector<16xi32>,
    %get3A_956 = vector.shape_cast %get3A_955 : vector<16xi32> to vector<16xi32>
    %add3A_957 = arith.constant 864 : i32
    %add3A_958 = arith.addi %mul3A_2, %add3A_957 : i32
    %add3A_959 = vector.broadcast %add3A_958 : i32 to vector<16xi32>
    %add3A_960 = arith.addi %add3A_959, %iota3A : vector<16xi32>
    %mul3A_961 = arith.constant 512 : i32
    %mul3A_962 = vector.broadcast %mul3A_961 : i32 to vector<16xi32>
    %mul3A_963 = arith.muli %add3A_960, %mul3A_962 : vector<16xi32>
    %add3A_964 = arith.addi %mul3A_963, %get3A_956 : vector<16xi32>
    %swap3A_965 = arith.constant 6 : i32
    %swap3A_966 = arith.index_cast %swap3A_965 : i32 to index
    %swap3A_967 = arith.constant 96 : index
    %swap3A_968 = tpu.vector_load %arg6[%swap3A_966, %swap3A_967] {strides = array<i32>} : memref<16x128xi32, #tpu.memory_space<vmem>>, vector<1x16xi32>,
    %swap3A_969 = vector.shape_cast %swap3A_968 : vector<1x16xi32> to vector<16xi32>
    %swap3A_970 = vector.shape_cast %add3A_964 : vector<16xi32> to vector<1x16xi32>
    tpu.vector_store %arg6[%swap3A_966, %swap3A_967], %swap3A_970 {strides = array<i32>} : memref<16x128xi32, #tpu.memory_space<vmem>>, vector<1x16xi32>,
    %get3A_971 = arith.constant 880 : index
    %get3A_972 = tpu.vector_load %arg5[%get3A_971] {strides = array<i32>} : memref<2048xi32, #tpu.memory_space<vmem>>, vector<16xi32>,
    %get3A_973 = vector.shape_cast %get3A_972 : vector<16xi32> to vector<16xi32>
    %add3A_974 = arith.constant 880 : i32
    %add3A_975 = arith.addi %mul3A_2, %add3A_974 : i32
    %add3A_976 = vector.broadcast %add3A_975 : i32 to vector<16xi32>
    %add3A_977 = arith.addi %add3A_976, %iota3A : vector<16xi32>
    %mul3A_978 = arith.constant 512 : i32
    %mul3A_979 = vector.broadcast %mul3A_978 : i32 to vector<16xi32>
    %mul3A_980 = arith.muli %add3A_977, %mul3A_979 : vector<16xi32>
    %add3A_981 = arith.addi %mul3A_980, %get3A_973 : vector<16xi32>
    %swap3A_982 = arith.constant 6 : i32
    %swap3A_983 = arith.index_cast %swap3A_982 : i32 to index
    %swap3A_984 = arith.constant 112 : index
    %swap3A_985 = tpu.vector_load %arg6[%swap3A_983, %swap3A_984] {strides = array<i32>} : memref<16x128xi32, #tpu.memory_space<vmem>>, vector<1x16xi32>,
    %swap3A_986 = vector.shape_cast %swap3A_985 : vector<1x16xi32> to vector<16xi32>
    %swap3A_987 = vector.shape_cast %add3A_981 : vector<16xi32> to vector<1x16xi32>
    tpu.vector_store %arg6[%swap3A_983, %swap3A_984], %swap3A_987 {strides = array<i32>} : memref<16x128xi32, #tpu.memory_space<vmem>>, vector<1x16xi32>,
    %get3A_988 = arith.constant 896 : index
    %get3A_989 = tpu.vector_load %arg5[%get3A_988] {strides = array<i32>} : memref<2048xi32, #tpu.memory_space<vmem>>, vector<16xi32>,
    %get3A_990 = vector.shape_cast %get3A_989 : vector<16xi32> to vector<16xi32>
    %add3A_991 = arith.constant 896 : i32
    %add3A_992 = arith.addi %mul3A_2, %add3A_991 : i32
    %add3A_993 = vector.broadcast %add3A_992 : i32 to vector<16xi32>
    %add3A_994 = arith.addi %add3A_993, %iota3A : vector<16xi32>
    %mul3A_995 = arith.constant 512 : i32
    %mul3A_996 = vector.broadcast %mul3A_995 : i32 to vector<16xi32>
    %mul3A_997 = arith.muli %add3A_994, %mul3A_996 : vector<16xi32>
    %add3A_998 = arith.addi %mul3A_997, %get3A_990 : vector<16xi32>
    %swap3A_999 = arith.constant 7 : i32
    %swap3A_1000 = arith.index_cast %swap3A_999 : i32 to index
    %swap3A_1001 = arith.constant 0 : index
    %swap3A_1002 = tpu.vector_load %arg6[%swap3A_1000, %swap3A_1001] {strides = array<i32>} : memref<16x128xi32, #tpu.memory_space<vmem>>, vector<1x16xi32>,
    %swap3A_1003 = vector.shape_cast %swap3A_1002 : vector<1x16xi32> to vector<16xi32>
    %swap3A_1004 = vector.shape_cast %add3A_998 : vector<16xi32> to vector<1x16xi32>
    tpu.vector_store %arg6[%swap3A_1000, %swap3A_1001], %swap3A_1004 {strides = array<i32>} : memref<16x128xi32, #tpu.memory_space<vmem>>, vector<1x16xi32>,
    %get3A_1005 = arith.constant 912 : index
    %get3A_1006 = tpu.vector_load %arg5[%get3A_1005] {strides = array<i32>} : memref<2048xi32, #tpu.memory_space<vmem>>, vector<16xi32>,
    %get3A_1007 = vector.shape_cast %get3A_1006 : vector<16xi32> to vector<16xi32>
    %add3A_1008 = arith.constant 912 : i32
    %add3A_1009 = arith.addi %mul3A_2, %add3A_1008 : i32
    %add3A_1010 = vector.broadcast %add3A_1009 : i32 to vector<16xi32>
    %add3A_1011 = arith.addi %add3A_1010, %iota3A : vector<16xi32>
    %mul3A_1012 = arith.constant 512 : i32
    %mul3A_1013 = vector.broadcast %mul3A_1012 : i32 to vector<16xi32>
    %mul3A_1014 = arith.muli %add3A_1011, %mul3A_1013 : vector<16xi32>
    %add3A_1015 = arith.addi %mul3A_1014, %get3A_1007 : vector<16xi32>
    %swap3A_1016 = arith.constant 7 : i32
    %swap3A_1017 = arith.index_cast %swap3A_1016 : i32 to index
    %swap3A_1018 = arith.constant 16 : index
    %swap3A_1019 = tpu.vector_load %arg6[%swap3A_1017, %swap3A_1018] {strides = array<i32>} : memref<16x128xi32, #tpu.memory_space<vmem>>, vector<1x16xi32>,
    %swap3A_1020 = vector.shape_cast %swap3A_1019 : vector<1x16xi32> to vector<16xi32>
    %swap3A_1021 = vector.shape_cast %add3A_1015 : vector<16xi32> to vector<1x16xi32>
    tpu.vector_store %arg6[%swap3A_1017, %swap3A_1018], %swap3A_1021 {strides = array<i32>} : memref<16x128xi32, #tpu.memory_space<vmem>>, vector<1x16xi32>,
    %get3A_1022 = arith.constant 928 : index
    %get3A_1023 = tpu.vector_load %arg5[%get3A_1022] {strides = array<i32>} : memref<2048xi32, #tpu.memory_space<vmem>>, vector<16xi32>,
    %get3A_1024 = vector.shape_cast %get3A_1023 : vector<16xi32> to vector<16xi32>
    %add3A_1025 = arith.constant 928 : i32
    %add3A_1026 = arith.addi %mul3A_2, %add3A_1025 : i32
    %add3A_1027 = vector.broadcast %add3A_1026 : i32 to vector<16xi32>
    %add3A_1028 = arith.addi %add3A_1027, %iota3A : vector<16xi32>
    %mul3A_1029 = arith.constant 512 : i32
    %mul3A_1030 = vector.broadcast %mul3A_1029 : i32 to vector<16xi32>
    %mul3A_1031 = arith.muli %add3A_1028, %mul3A_1030 : vector<16xi32>
    %add3A_1032 = arith.addi %mul3A_1031, %get3A_1024 : vector<16xi32>
    %swap3A_1033 = arith.constant 7 : i32
    %swap3A_1034 = arith.index_cast %swap3A_1033 : i32 to index
    %swap3A_1035 = arith.constant 32 : index
    %swap3A_1036 = tpu.vector_load %arg6[%swap3A_1034, %swap3A_1035] {strides = array<i32>} : memref<16x128xi32, #tpu.memory_space<vmem>>, vector<1x16xi32>,
    %swap3A_1037 = vector.shape_cast %swap3A_1036 : vector<1x16xi32> to vector<16xi32>
    %swap3A_1038 = vector.shape_cast %add3A_1032 : vector<16xi32> to vector<1x16xi32>
    tpu.vector_store %arg6[%swap3A_1034, %swap3A_1035], %swap3A_1038 {strides = array<i32>} : memref<16x128xi32, #tpu.memory_space<vmem>>, vector<1x16xi32>,
    %get3A_1039 = arith.constant 944 : index
    %get3A_1040 = tpu.vector_load %arg5[%get3A_1039] {strides = array<i32>} : memref<2048xi32, #tpu.memory_space<vmem>>, vector<16xi32>,
    %get3A_1041 = vector.shape_cast %get3A_1040 : vector<16xi32> to vector<16xi32>
    %add3A_1042 = arith.constant 944 : i32
    %add3A_1043 = arith.addi %mul3A_2, %add3A_1042 : i32
    %add3A_1044 = vector.broadcast %add3A_1043 : i32 to vector<16xi32>
    %add3A_1045 = arith.addi %add3A_1044, %iota3A : vector<16xi32>
    %mul3A_1046 = arith.constant 512 : i32
    %mul3A_1047 = vector.broadcast %mul3A_1046 : i32 to vector<16xi32>
    %mul3A_1048 = arith.muli %add3A_1045, %mul3A_1047 : vector<16xi32>
    %add3A_1049 = arith.addi %mul3A_1048, %get3A_1041 : vector<16xi32>
    %swap3A_1050 = arith.constant 7 : i32
    %swap3A_1051 = arith.index_cast %swap3A_1050 : i32 to index
    %swap3A_1052 = arith.constant 48 : index
    %swap3A_1053 = tpu.vector_load %arg6[%swap3A_1051, %swap3A_1052] {strides = array<i32>} : memref<16x128xi32, #tpu.memory_space<vmem>>, vector<1x16xi32>,
    %swap3A_1054 = vector.shape_cast %swap3A_1053 : vector<1x16xi32> to vector<16xi32>
    %swap3A_1055 = vector.shape_cast %add3A_1049 : vector<16xi32> to vector<1x16xi32>
    tpu.vector_store %arg6[%swap3A_1051, %swap3A_1052], %swap3A_1055 {strides = array<i32>} : memref<16x128xi32, #tpu.memory_space<vmem>>, vector<1x16xi32>,
    %get3A_1056 = arith.constant 960 : index
    %get3A_1057 = tpu.vector_load %arg5[%get3A_1056] {strides = array<i32>} : memref<2048xi32, #tpu.memory_space<vmem>>, vector<16xi32>,
    %get3A_1058 = vector.shape_cast %get3A_1057 : vector<16xi32> to vector<16xi32>
    %add3A_1059 = arith.constant 960 : i32
    %add3A_1060 = arith.addi %mul3A_2, %add3A_1059 : i32
    %add3A_1061 = vector.broadcast %add3A_1060 : i32 to vector<16xi32>
    %add3A_1062 = arith.addi %add3A_1061, %iota3A : vector<16xi32>
    %mul3A_1063 = arith.constant 512 : i32
    %mul3A_1064 = vector.broadcast %mul3A_1063 : i32 to vector<16xi32>
    %mul3A_1065 = arith.muli %add3A_1062, %mul3A_1064 : vector<16xi32>
    %add3A_1066 = arith.addi %mul3A_1065, %get3A_1058 : vector<16xi32>
    %swap3A_1067 = arith.constant 7 : i32
    %swap3A_1068 = arith.index_cast %swap3A_1067 : i32 to index
    %swap3A_1069 = arith.constant 64 : index
    %swap3A_1070 = tpu.vector_load %arg6[%swap3A_1068, %swap3A_1069] {strides = array<i32>} : memref<16x128xi32, #tpu.memory_space<vmem>>, vector<1x16xi32>,
    %swap3A_1071 = vector.shape_cast %swap3A_1070 : vector<1x16xi32> to vector<16xi32>
    %swap3A_1072 = vector.shape_cast %add3A_1066 : vector<16xi32> to vector<1x16xi32>
    tpu.vector_store %arg6[%swap3A_1068, %swap3A_1069], %swap3A_1072 {strides = array<i32>} : memref<16x128xi32, #tpu.memory_space<vmem>>, vector<1x16xi32>,
    %get3A_1073 = arith.constant 976 : index
    %get3A_1074 = tpu.vector_load %arg5[%get3A_1073] {strides = array<i32>} : memref<2048xi32, #tpu.memory_space<vmem>>, vector<16xi32>,
    %get3A_1075 = vector.shape_cast %get3A_1074 : vector<16xi32> to vector<16xi32>
    %add3A_1076 = arith.constant 976 : i32
    %add3A_1077 = arith.addi %mul3A_2, %add3A_1076 : i32
    %add3A_1078 = vector.broadcast %add3A_1077 : i32 to vector<16xi32>
    %add3A_1079 = arith.addi %add3A_1078, %iota3A : vector<16xi32>
    %mul3A_1080 = arith.constant 512 : i32
    %mul3A_1081 = vector.broadcast %mul3A_1080 : i32 to vector<16xi32>
    %mul3A_1082 = arith.muli %add3A_1079, %mul3A_1081 : vector<16xi32>
    %add3A_1083 = arith.addi %mul3A_1082, %get3A_1075 : vector<16xi32>
    %swap3A_1084 = arith.constant 7 : i32
    %swap3A_1085 = arith.index_cast %swap3A_1084 : i32 to index
    %swap3A_1086 = arith.constant 80 : index
    %swap3A_1087 = tpu.vector_load %arg6[%swap3A_1085, %swap3A_1086] {strides = array<i32>} : memref<16x128xi32, #tpu.memory_space<vmem>>, vector<1x16xi32>,
    %swap3A_1088 = vector.shape_cast %swap3A_1087 : vector<1x16xi32> to vector<16xi32>
    %swap3A_1089 = vector.shape_cast %add3A_1083 : vector<16xi32> to vector<1x16xi32>
    tpu.vector_store %arg6[%swap3A_1085, %swap3A_1086], %swap3A_1089 {strides = array<i32>} : memref<16x128xi32, #tpu.memory_space<vmem>>, vector<1x16xi32>,
    %get3A_1090 = arith.constant 992 : index
    %get3A_1091 = tpu.vector_load %arg5[%get3A_1090] {strides = array<i32>} : memref<2048xi32, #tpu.memory_space<vmem>>, vector<16xi32>,
    %get3A_1092 = vector.shape_cast %get3A_1091 : vector<16xi32> to vector<16xi32>
    %add3A_1093 = arith.constant 992 : i32
    %add3A_1094 = arith.addi %mul3A_2, %add3A_1093 : i32
    %add3A_1095 = vector.broadcast %add3A_1094 : i32 to vector<16xi32>
    %add3A_1096 = arith.addi %add3A_1095, %iota3A : vector<16xi32>
    %mul3A_1097 = arith.constant 512 : i32
    %mul3A_1098 = vector.broadcast %mul3A_1097 : i32 to vector<16xi32>
    %mul3A_1099 = arith.muli %add3A_1096, %mul3A_1098 : vector<16xi32>
    %add3A_1100 = arith.addi %mul3A_1099, %get3A_1092 : vector<16xi32>
    %swap3A_1101 = arith.constant 7 : i32
    %swap3A_1102 = arith.index_cast %swap3A_1101 : i32 to index
    %swap3A_1103 = arith.constant 96 : index
    %swap3A_1104 = tpu.vector_load %arg6[%swap3A_1102, %swap3A_1103] {strides = array<i32>} : memref<16x128xi32, #tpu.memory_space<vmem>>, vector<1x16xi32>,
    %swap3A_1105 = vector.shape_cast %swap3A_1104 : vector<1x16xi32> to vector<16xi32>
    %swap3A_1106 = vector.shape_cast %add3A_1100 : vector<16xi32> to vector<1x16xi32>
    tpu.vector_store %arg6[%swap3A_1102, %swap3A_1103], %swap3A_1106 {strides = array<i32>} : memref<16x128xi32, #tpu.memory_space<vmem>>, vector<1x16xi32>,
    %get3A_1107 = arith.constant 1008 : index
    %get3A_1108 = tpu.vector_load %arg5[%get3A_1107] {strides = array<i32>} : memref<2048xi32, #tpu.memory_space<vmem>>, vector<16xi32>,
    %get3A_1109 = vector.shape_cast %get3A_1108 : vector<16xi32> to vector<16xi32>
    %add3A_1110 = arith.constant 1008 : i32
    %add3A_1111 = arith.addi %mul3A_2, %add3A_1110 : i32
    %add3A_1112 = vector.broadcast %add3A_1111 : i32 to vector<16xi32>
    %add3A_1113 = arith.addi %add3A_1112, %iota3A : vector<16xi32>
    %mul3A_1114 = arith.constant 512 : i32
    %mul3A_1115 = vector.broadcast %mul3A_1114 : i32 to vector<16xi32>
    %mul3A_1116 = arith.muli %add3A_1113, %mul3A_1115 : vector<16xi32>
    %add3A_1117 = arith.addi %mul3A_1116, %get3A_1109 : vector<16xi32>
    %swap3A_1118 = arith.constant 7 : i32
    %swap3A_1119 = arith.index_cast %swap3A_1118 : i32 to index
    %swap3A_1120 = arith.constant 112 : index
    %swap3A_1121 = tpu.vector_load %arg6[%swap3A_1119, %swap3A_1120] {strides = array<i32>} : memref<16x128xi32, #tpu.memory_space<vmem>>, vector<1x16xi32>,
    %swap3A_1122 = vector.shape_cast %swap3A_1121 : vector<1x16xi32> to vector<16xi32>
    %swap3A_1123 = vector.shape_cast %add3A_1117 : vector<16xi32> to vector<1x16xi32>
    tpu.vector_store %arg6[%swap3A_1119, %swap3A_1120], %swap3A_1123 {strides = array<i32>} : memref<16x128xi32, #tpu.memory_space<vmem>>, vector<1x16xi32>,
    %get3A_1124 = arith.constant 1024 : index
    %get3A_1125 = tpu.vector_load %arg5[%get3A_1124] {strides = array<i32>} : memref<2048xi32, #tpu.memory_space<vmem>>, vector<16xi32>,
    %get3A_1126 = vector.shape_cast %get3A_1125 : vector<16xi32> to vector<16xi32>
    %add3A_1127 = arith.constant 1024 : i32
    %add3A_1128 = arith.addi %mul3A_2, %add3A_1127 : i32
    %add3A_1129 = vector.broadcast %add3A_1128 : i32 to vector<16xi32>
    %add3A_1130 = arith.addi %add3A_1129, %iota3A : vector<16xi32>
    %mul3A_1131 = arith.constant 512 : i32
    %mul3A_1132 = vector.broadcast %mul3A_1131 : i32 to vector<16xi32>
    %mul3A_1133 = arith.muli %add3A_1130, %mul3A_1132 : vector<16xi32>
    %add3A_1134 = arith.addi %mul3A_1133, %get3A_1126 : vector<16xi32>
    %swap3A_1135 = arith.constant 8 : i32
    %swap3A_1136 = arith.index_cast %swap3A_1135 : i32 to index
    %swap3A_1137 = arith.constant 0 : index
    %swap3A_1138 = tpu.vector_load %arg6[%swap3A_1136, %swap3A_1137] {strides = array<i32>} : memref<16x128xi32, #tpu.memory_space<vmem>>, vector<1x16xi32>,
    %swap3A_1139 = vector.shape_cast %swap3A_1138 : vector<1x16xi32> to vector<16xi32>
    %swap3A_1140 = vector.shape_cast %add3A_1134 : vector<16xi32> to vector<1x16xi32>
    tpu.vector_store %arg6[%swap3A_1136, %swap3A_1137], %swap3A_1140 {strides = array<i32>} : memref<16x128xi32, #tpu.memory_space<vmem>>, vector<1x16xi32>,
    %get3A_1141 = arith.constant 1040 : index
    %get3A_1142 = tpu.vector_load %arg5[%get3A_1141] {strides = array<i32>} : memref<2048xi32, #tpu.memory_space<vmem>>, vector<16xi32>,
    %get3A_1143 = vector.shape_cast %get3A_1142 : vector<16xi32> to vector<16xi32>
    %add3A_1144 = arith.constant 1040 : i32
    %add3A_1145 = arith.addi %mul3A_2, %add3A_1144 : i32
    %add3A_1146 = vector.broadcast %add3A_1145 : i32 to vector<16xi32>
    %add3A_1147 = arith.addi %add3A_1146, %iota3A : vector<16xi32>
    %mul3A_1148 = arith.constant 512 : i32
    %mul3A_1149 = vector.broadcast %mul3A_1148 : i32 to vector<16xi32>
    %mul3A_1150 = arith.muli %add3A_1147, %mul3A_1149 : vector<16xi32>
    %add3A_1151 = arith.addi %mul3A_1150, %get3A_1143 : vector<16xi32>
    %swap3A_1152 = arith.constant 8 : i32
    %swap3A_1153 = arith.index_cast %swap3A_1152 : i32 to index
    %swap3A_1154 = arith.constant 16 : index
    %swap3A_1155 = tpu.vector_load %arg6[%swap3A_1153, %swap3A_1154] {strides = array<i32>} : memref<16x128xi32, #tpu.memory_space<vmem>>, vector<1x16xi32>,
    %swap3A_1156 = vector.shape_cast %swap3A_1155 : vector<1x16xi32> to vector<16xi32>
    %swap3A_1157 = vector.shape_cast %add3A_1151 : vector<16xi32> to vector<1x16xi32>
    tpu.vector_store %arg6[%swap3A_1153, %swap3A_1154], %swap3A_1157 {strides = array<i32>} : memref<16x128xi32, #tpu.memory_space<vmem>>, vector<1x16xi32>,
    %get3A_1158 = arith.constant 1056 : index
    %get3A_1159 = tpu.vector_load %arg5[%get3A_1158] {strides = array<i32>} : memref<2048xi32, #tpu.memory_space<vmem>>, vector<16xi32>,
    %get3A_1160 = vector.shape_cast %get3A_1159 : vector<16xi32> to vector<16xi32>
    %add3A_1161 = arith.constant 1056 : i32
    %add3A_1162 = arith.addi %mul3A_2, %add3A_1161 : i32
    %add3A_1163 = vector.broadcast %add3A_1162 : i32 to vector<16xi32>
    %add3A_1164 = arith.addi %add3A_1163, %iota3A : vector<16xi32>
    %mul3A_1165 = arith.constant 512 : i32
    %mul3A_1166 = vector.broadcast %mul3A_1165 : i32 to vector<16xi32>
    %mul3A_1167 = arith.muli %add3A_1164, %mul3A_1166 : vector<16xi32>
    %add3A_1168 = arith.addi %mul3A_1167, %get3A_1160 : vector<16xi32>
    %swap3A_1169 = arith.constant 8 : i32
    %swap3A_1170 = arith.index_cast %swap3A_1169 : i32 to index
    %swap3A_1171 = arith.constant 32 : index
    %swap3A_1172 = tpu.vector_load %arg6[%swap3A_1170, %swap3A_1171] {strides = array<i32>} : memref<16x128xi32, #tpu.memory_space<vmem>>, vector<1x16xi32>,
    %swap3A_1173 = vector.shape_cast %swap3A_1172 : vector<1x16xi32> to vector<16xi32>
    %swap3A_1174 = vector.shape_cast %add3A_1168 : vector<16xi32> to vector<1x16xi32>
    tpu.vector_store %arg6[%swap3A_1170, %swap3A_1171], %swap3A_1174 {strides = array<i32>} : memref<16x128xi32, #tpu.memory_space<vmem>>, vector<1x16xi32>,
    %get3A_1175 = arith.constant 1072 : index
    %get3A_1176 = tpu.vector_load %arg5[%get3A_1175] {strides = array<i32>} : memref<2048xi32, #tpu.memory_space<vmem>>, vector<16xi32>,
    %get3A_1177 = vector.shape_cast %get3A_1176 : vector<16xi32> to vector<16xi32>
    %add3A_1178 = arith.constant 1072 : i32
    %add3A_1179 = arith.addi %mul3A_2, %add3A_1178 : i32
    %add3A_1180 = vector.broadcast %add3A_1179 : i32 to vector<16xi32>
    %add3A_1181 = arith.addi %add3A_1180, %iota3A : vector<16xi32>
    %mul3A_1182 = arith.constant 512 : i32
    %mul3A_1183 = vector.broadcast %mul3A_1182 : i32 to vector<16xi32>
    %mul3A_1184 = arith.muli %add3A_1181, %mul3A_1183 : vector<16xi32>
    %add3A_1185 = arith.addi %mul3A_1184, %get3A_1177 : vector<16xi32>
    %swap3A_1186 = arith.constant 8 : i32
    %swap3A_1187 = arith.index_cast %swap3A_1186 : i32 to index
    %swap3A_1188 = arith.constant 48 : index
    %swap3A_1189 = tpu.vector_load %arg6[%swap3A_1187, %swap3A_1188] {strides = array<i32>} : memref<16x128xi32, #tpu.memory_space<vmem>>, vector<1x16xi32>,
    %swap3A_1190 = vector.shape_cast %swap3A_1189 : vector<1x16xi32> to vector<16xi32>
    %swap3A_1191 = vector.shape_cast %add3A_1185 : vector<16xi32> to vector<1x16xi32>
    tpu.vector_store %arg6[%swap3A_1187, %swap3A_1188], %swap3A_1191 {strides = array<i32>} : memref<16x128xi32, #tpu.memory_space<vmem>>, vector<1x16xi32>,
    %get3A_1192 = arith.constant 1088 : index
    %get3A_1193 = tpu.vector_load %arg5[%get3A_1192] {strides = array<i32>} : memref<2048xi32, #tpu.memory_space<vmem>>, vector<16xi32>,
    %get3A_1194 = vector.shape_cast %get3A_1193 : vector<16xi32> to vector<16xi32>
    %add3A_1195 = arith.constant 1088 : i32
    %add3A_1196 = arith.addi %mul3A_2, %add3A_1195 : i32
    %add3A_1197 = vector.broadcast %add3A_1196 : i32 to vector<16xi32>
    %add3A_1198 = arith.addi %add3A_1197, %iota3A : vector<16xi32>
    %mul3A_1199 = arith.constant 512 : i32
    %mul3A_1200 = vector.broadcast %mul3A_1199 : i32 to vector<16xi32>
    %mul3A_1201 = arith.muli %add3A_1198, %mul3A_1200 : vector<16xi32>
    %add3A_1202 = arith.addi %mul3A_1201, %get3A_1194 : vector<16xi32>
    %swap3A_1203 = arith.constant 8 : i32
    %swap3A_1204 = arith.index_cast %swap3A_1203 : i32 to index
    %swap3A_1205 = arith.constant 64 : index
    %swap3A_1206 = tpu.vector_load %arg6[%swap3A_1204, %swap3A_1205] {strides = array<i32>} : memref<16x128xi32, #tpu.memory_space<vmem>>, vector<1x16xi32>,
    %swap3A_1207 = vector.shape_cast %swap3A_1206 : vector<1x16xi32> to vector<16xi32>
    %swap3A_1208 = vector.shape_cast %add3A_1202 : vector<16xi32> to vector<1x16xi32>
    tpu.vector_store %arg6[%swap3A_1204, %swap3A_1205], %swap3A_1208 {strides = array<i32>} : memref<16x128xi32, #tpu.memory_space<vmem>>, vector<1x16xi32>,
    %get3A_1209 = arith.constant 1104 : index
    %get3A_1210 = tpu.vector_load %arg5[%get3A_1209] {strides = array<i32>} : memref<2048xi32, #tpu.memory_space<vmem>>, vector<16xi32>,
    %get3A_1211 = vector.shape_cast %get3A_1210 : vector<16xi32> to vector<16xi32>
    %add3A_1212 = arith.constant 1104 : i32
    %add3A_1213 = arith.addi %mul3A_2, %add3A_1212 : i32
    %add3A_1214 = vector.broadcast %add3A_1213 : i32 to vector<16xi32>
    %add3A_1215 = arith.addi %add3A_1214, %iota3A : vector<16xi32>
    %mul3A_1216 = arith.constant 512 : i32
    %mul3A_1217 = vector.broadcast %mul3A_1216 : i32 to vector<16xi32>
    %mul3A_1218 = arith.muli %add3A_1215, %mul3A_1217 : vector<16xi32>
    %add3A_1219 = arith.addi %mul3A_1218, %get3A_1211 : vector<16xi32>
    %swap3A_1220 = arith.constant 8 : i32
    %swap3A_1221 = arith.index_cast %swap3A_1220 : i32 to index
    %swap3A_1222 = arith.constant 80 : index
    %swap3A_1223 = tpu.vector_load %arg6[%swap3A_1221, %swap3A_1222] {strides = array<i32>} : memref<16x128xi32, #tpu.memory_space<vmem>>, vector<1x16xi32>,
    %swap3A_1224 = vector.shape_cast %swap3A_1223 : vector<1x16xi32> to vector<16xi32>
    %swap3A_1225 = vector.shape_cast %add3A_1219 : vector<16xi32> to vector<1x16xi32>
    tpu.vector_store %arg6[%swap3A_1221, %swap3A_1222], %swap3A_1225 {strides = array<i32>} : memref<16x128xi32, #tpu.memory_space<vmem>>, vector<1x16xi32>,
    %get3A_1226 = arith.constant 1120 : index
    %get3A_1227 = tpu.vector_load %arg5[%get3A_1226] {strides = array<i32>} : memref<2048xi32, #tpu.memory_space<vmem>>, vector<16xi32>,
    %get3A_1228 = vector.shape_cast %get3A_1227 : vector<16xi32> to vector<16xi32>
    %add3A_1229 = arith.constant 1120 : i32
    %add3A_1230 = arith.addi %mul3A_2, %add3A_1229 : i32
    %add3A_1231 = vector.broadcast %add3A_1230 : i32 to vector<16xi32>
    %add3A_1232 = arith.addi %add3A_1231, %iota3A : vector<16xi32>
    %mul3A_1233 = arith.constant 512 : i32
    %mul3A_1234 = vector.broadcast %mul3A_1233 : i32 to vector<16xi32>
    %mul3A_1235 = arith.muli %add3A_1232, %mul3A_1234 : vector<16xi32>
    %add3A_1236 = arith.addi %mul3A_1235, %get3A_1228 : vector<16xi32>
    %swap3A_1237 = arith.constant 8 : i32
    %swap3A_1238 = arith.index_cast %swap3A_1237 : i32 to index
    %swap3A_1239 = arith.constant 96 : index
    %swap3A_1240 = tpu.vector_load %arg6[%swap3A_1238, %swap3A_1239] {strides = array<i32>} : memref<16x128xi32, #tpu.memory_space<vmem>>, vector<1x16xi32>,
    %swap3A_1241 = vector.shape_cast %swap3A_1240 : vector<1x16xi32> to vector<16xi32>
    %swap3A_1242 = vector.shape_cast %add3A_1236 : vector<16xi32> to vector<1x16xi32>
    tpu.vector_store %arg6[%swap3A_1238, %swap3A_1239], %swap3A_1242 {strides = array<i32>} : memref<16x128xi32, #tpu.memory_space<vmem>>, vector<1x16xi32>,
    %get3A_1243 = arith.constant 1136 : index
    %get3A_1244 = tpu.vector_load %arg5[%get3A_1243] {strides = array<i32>} : memref<2048xi32, #tpu.memory_space<vmem>>, vector<16xi32>,
    %get3A_1245 = vector.shape_cast %get3A_1244 : vector<16xi32> to vector<16xi32>
    %add3A_1246 = arith.constant 1136 : i32
    %add3A_1247 = arith.addi %mul3A_2, %add3A_1246 : i32
    %add3A_1248 = vector.broadcast %add3A_1247 : i32 to vector<16xi32>
    %add3A_1249 = arith.addi %add3A_1248, %iota3A : vector<16xi32>
    %mul3A_1250 = arith.constant 512 : i32
    %mul3A_1251 = vector.broadcast %mul3A_1250 : i32 to vector<16xi32>
    %mul3A_1252 = arith.muli %add3A_1249, %mul3A_1251 : vector<16xi32>
    %add3A_1253 = arith.addi %mul3A_1252, %get3A_1245 : vector<16xi32>
    %swap3A_1254 = arith.constant 8 : i32
    %swap3A_1255 = arith.index_cast %swap3A_1254 : i32 to index
    %swap3A_1256 = arith.constant 112 : index
    %swap3A_1257 = tpu.vector_load %arg6[%swap3A_1255, %swap3A_1256] {strides = array<i32>} : memref<16x128xi32, #tpu.memory_space<vmem>>, vector<1x16xi32>,
    %swap3A_1258 = vector.shape_cast %swap3A_1257 : vector<1x16xi32> to vector<16xi32>
    %swap3A_1259 = vector.shape_cast %add3A_1253 : vector<16xi32> to vector<1x16xi32>
    tpu.vector_store %arg6[%swap3A_1255, %swap3A_1256], %swap3A_1259 {strides = array<i32>} : memref<16x128xi32, #tpu.memory_space<vmem>>, vector<1x16xi32>,
    %get3A_1260 = arith.constant 1152 : index
    %get3A_1261 = tpu.vector_load %arg5[%get3A_1260] {strides = array<i32>} : memref<2048xi32, #tpu.memory_space<vmem>>, vector<16xi32>,
    %get3A_1262 = vector.shape_cast %get3A_1261 : vector<16xi32> to vector<16xi32>
    %add3A_1263 = arith.constant 1152 : i32
    %add3A_1264 = arith.addi %mul3A_2, %add3A_1263 : i32
    %add3A_1265 = vector.broadcast %add3A_1264 : i32 to vector<16xi32>
    %add3A_1266 = arith.addi %add3A_1265, %iota3A : vector<16xi32>
    %mul3A_1267 = arith.constant 512 : i32
    %mul3A_1268 = vector.broadcast %mul3A_1267 : i32 to vector<16xi32>
    %mul3A_1269 = arith.muli %add3A_1266, %mul3A_1268 : vector<16xi32>
    %add3A_1270 = arith.addi %mul3A_1269, %get3A_1262 : vector<16xi32>
    %swap3A_1271 = arith.constant 9 : i32
    %swap3A_1272 = arith.index_cast %swap3A_1271 : i32 to index
    %swap3A_1273 = arith.constant 0 : index
    %swap3A_1274 = tpu.vector_load %arg6[%swap3A_1272, %swap3A_1273] {strides = array<i32>} : memref<16x128xi32, #tpu.memory_space<vmem>>, vector<1x16xi32>,
    %swap3A_1275 = vector.shape_cast %swap3A_1274 : vector<1x16xi32> to vector<16xi32>
    %swap3A_1276 = vector.shape_cast %add3A_1270 : vector<16xi32> to vector<1x16xi32>
    tpu.vector_store %arg6[%swap3A_1272, %swap3A_1273], %swap3A_1276 {strides = array<i32>} : memref<16x128xi32, #tpu.memory_space<vmem>>, vector<1x16xi32>,
    %get3A_1277 = arith.constant 1168 : index
    %get3A_1278 = tpu.vector_load %arg5[%get3A_1277] {strides = array<i32>} : memref<2048xi32, #tpu.memory_space<vmem>>, vector<16xi32>,
    %get3A_1279 = vector.shape_cast %get3A_1278 : vector<16xi32> to vector<16xi32>
    %add3A_1280 = arith.constant 1168 : i32
    %add3A_1281 = arith.addi %mul3A_2, %add3A_1280 : i32
    %add3A_1282 = vector.broadcast %add3A_1281 : i32 to vector<16xi32>
    %add3A_1283 = arith.addi %add3A_1282, %iota3A : vector<16xi32>
    %mul3A_1284 = arith.constant 512 : i32
    %mul3A_1285 = vector.broadcast %mul3A_1284 : i32 to vector<16xi32>
    %mul3A_1286 = arith.muli %add3A_1283, %mul3A_1285 : vector<16xi32>
    %add3A_1287 = arith.addi %mul3A_1286, %get3A_1279 : vector<16xi32>
    %swap3A_1288 = arith.constant 9 : i32
    %swap3A_1289 = arith.index_cast %swap3A_1288 : i32 to index
    %swap3A_1290 = arith.constant 16 : index
    %swap3A_1291 = tpu.vector_load %arg6[%swap3A_1289, %swap3A_1290] {strides = array<i32>} : memref<16x128xi32, #tpu.memory_space<vmem>>, vector<1x16xi32>,
    %swap3A_1292 = vector.shape_cast %swap3A_1291 : vector<1x16xi32> to vector<16xi32>
    %swap3A_1293 = vector.shape_cast %add3A_1287 : vector<16xi32> to vector<1x16xi32>
    tpu.vector_store %arg6[%swap3A_1289, %swap3A_1290], %swap3A_1293 {strides = array<i32>} : memref<16x128xi32, #tpu.memory_space<vmem>>, vector<1x16xi32>,
    %get3A_1294 = arith.constant 1184 : index
    %get3A_1295 = tpu.vector_load %arg5[%get3A_1294] {strides = array<i32>} : memref<2048xi32, #tpu.memory_space<vmem>>, vector<16xi32>,
    %get3A_1296 = vector.shape_cast %get3A_1295 : vector<16xi32> to vector<16xi32>
    %add3A_1297 = arith.constant 1184 : i32
    %add3A_1298 = arith.addi %mul3A_2, %add3A_1297 : i32
    %add3A_1299 = vector.broadcast %add3A_1298 : i32 to vector<16xi32>
    %add3A_1300 = arith.addi %add3A_1299, %iota3A : vector<16xi32>
    %mul3A_1301 = arith.constant 512 : i32
    %mul3A_1302 = vector.broadcast %mul3A_1301 : i32 to vector<16xi32>
    %mul3A_1303 = arith.muli %add3A_1300, %mul3A_1302 : vector<16xi32>
    %add3A_1304 = arith.addi %mul3A_1303, %get3A_1296 : vector<16xi32>
    %swap3A_1305 = arith.constant 9 : i32
    %swap3A_1306 = arith.index_cast %swap3A_1305 : i32 to index
    %swap3A_1307 = arith.constant 32 : index
    %swap3A_1308 = tpu.vector_load %arg6[%swap3A_1306, %swap3A_1307] {strides = array<i32>} : memref<16x128xi32, #tpu.memory_space<vmem>>, vector<1x16xi32>,
    %swap3A_1309 = vector.shape_cast %swap3A_1308 : vector<1x16xi32> to vector<16xi32>
    %swap3A_1310 = vector.shape_cast %add3A_1304 : vector<16xi32> to vector<1x16xi32>
    tpu.vector_store %arg6[%swap3A_1306, %swap3A_1307], %swap3A_1310 {strides = array<i32>} : memref<16x128xi32, #tpu.memory_space<vmem>>, vector<1x16xi32>,
    %get3A_1311 = arith.constant 1200 : index
    %get3A_1312 = tpu.vector_load %arg5[%get3A_1311] {strides = array<i32>} : memref<2048xi32, #tpu.memory_space<vmem>>, vector<16xi32>,
    %get3A_1313 = vector.shape_cast %get3A_1312 : vector<16xi32> to vector<16xi32>
    %add3A_1314 = arith.constant 1200 : i32
    %add3A_1315 = arith.addi %mul3A_2, %add3A_1314 : i32
    %add3A_1316 = vector.broadcast %add3A_1315 : i32 to vector<16xi32>
    %add3A_1317 = arith.addi %add3A_1316, %iota3A : vector<16xi32>
    %mul3A_1318 = arith.constant 512 : i32
    %mul3A_1319 = vector.broadcast %mul3A_1318 : i32 to vector<16xi32>
    %mul3A_1320 = arith.muli %add3A_1317, %mul3A_1319 : vector<16xi32>
    %add3A_1321 = arith.addi %mul3A_1320, %get3A_1313 : vector<16xi32>
    %swap3A_1322 = arith.constant 9 : i32
    %swap3A_1323 = arith.index_cast %swap3A_1322 : i32 to index
    %swap3A_1324 = arith.constant 48 : index
    %swap3A_1325 = tpu.vector_load %arg6[%swap3A_1323, %swap3A_1324] {strides = array<i32>} : memref<16x128xi32, #tpu.memory_space<vmem>>, vector<1x16xi32>,
    %swap3A_1326 = vector.shape_cast %swap3A_1325 : vector<1x16xi32> to vector<16xi32>
    %swap3A_1327 = vector.shape_cast %add3A_1321 : vector<16xi32> to vector<1x16xi32>
    tpu.vector_store %arg6[%swap3A_1323, %swap3A_1324], %swap3A_1327 {strides = array<i32>} : memref<16x128xi32, #tpu.memory_space<vmem>>, vector<1x16xi32>,
    %get3A_1328 = arith.constant 1216 : index
    %get3A_1329 = tpu.vector_load %arg5[%get3A_1328] {strides = array<i32>} : memref<2048xi32, #tpu.memory_space<vmem>>, vector<16xi32>,
    %get3A_1330 = vector.shape_cast %get3A_1329 : vector<16xi32> to vector<16xi32>
    %add3A_1331 = arith.constant 1216 : i32
    %add3A_1332 = arith.addi %mul3A_2, %add3A_1331 : i32
    %add3A_1333 = vector.broadcast %add3A_1332 : i32 to vector<16xi32>
    %add3A_1334 = arith.addi %add3A_1333, %iota3A : vector<16xi32>
    %mul3A_1335 = arith.constant 512 : i32
    %mul3A_1336 = vector.broadcast %mul3A_1335 : i32 to vector<16xi32>
    %mul3A_1337 = arith.muli %add3A_1334, %mul3A_1336 : vector<16xi32>
    %add3A_1338 = arith.addi %mul3A_1337, %get3A_1330 : vector<16xi32>
    %swap3A_1339 = arith.constant 9 : i32
    %swap3A_1340 = arith.index_cast %swap3A_1339 : i32 to index
    %swap3A_1341 = arith.constant 64 : index
    %swap3A_1342 = tpu.vector_load %arg6[%swap3A_1340, %swap3A_1341] {strides = array<i32>} : memref<16x128xi32, #tpu.memory_space<vmem>>, vector<1x16xi32>,
    %swap3A_1343 = vector.shape_cast %swap3A_1342 : vector<1x16xi32> to vector<16xi32>
    %swap3A_1344 = vector.shape_cast %add3A_1338 : vector<16xi32> to vector<1x16xi32>
    tpu.vector_store %arg6[%swap3A_1340, %swap3A_1341], %swap3A_1344 {strides = array<i32>} : memref<16x128xi32, #tpu.memory_space<vmem>>, vector<1x16xi32>,
    %get3A_1345 = arith.constant 1232 : index
    %get3A_1346 = tpu.vector_load %arg5[%get3A_1345] {strides = array<i32>} : memref<2048xi32, #tpu.memory_space<vmem>>, vector<16xi32>,
    %get3A_1347 = vector.shape_cast %get3A_1346 : vector<16xi32> to vector<16xi32>
    %add3A_1348 = arith.constant 1232 : i32
    %add3A_1349 = arith.addi %mul3A_2, %add3A_1348 : i32
    %add3A_1350 = vector.broadcast %add3A_1349 : i32 to vector<16xi32>
    %add3A_1351 = arith.addi %add3A_1350, %iota3A : vector<16xi32>
    %mul3A_1352 = arith.constant 512 : i32
    %mul3A_1353 = vector.broadcast %mul3A_1352 : i32 to vector<16xi32>
    %mul3A_1354 = arith.muli %add3A_1351, %mul3A_1353 : vector<16xi32>
    %add3A_1355 = arith.addi %mul3A_1354, %get3A_1347 : vector<16xi32>
    %swap3A_1356 = arith.constant 9 : i32
    %swap3A_1357 = arith.index_cast %swap3A_1356 : i32 to index
    %swap3A_1358 = arith.constant 80 : index
    %swap3A_1359 = tpu.vector_load %arg6[%swap3A_1357, %swap3A_1358] {strides = array<i32>} : memref<16x128xi32, #tpu.memory_space<vmem>>, vector<1x16xi32>,
    %swap3A_1360 = vector.shape_cast %swap3A_1359 : vector<1x16xi32> to vector<16xi32>
    %swap3A_1361 = vector.shape_cast %add3A_1355 : vector<16xi32> to vector<1x16xi32>
    tpu.vector_store %arg6[%swap3A_1357, %swap3A_1358], %swap3A_1361 {strides = array<i32>} : memref<16x128xi32, #tpu.memory_space<vmem>>, vector<1x16xi32>,
    %get3A_1362 = arith.constant 1248 : index
    %get3A_1363 = tpu.vector_load %arg5[%get3A_1362] {strides = array<i32>} : memref<2048xi32, #tpu.memory_space<vmem>>, vector<16xi32>,
    %get3A_1364 = vector.shape_cast %get3A_1363 : vector<16xi32> to vector<16xi32>
    %add3A_1365 = arith.constant 1248 : i32
    %add3A_1366 = arith.addi %mul3A_2, %add3A_1365 : i32
    %add3A_1367 = vector.broadcast %add3A_1366 : i32 to vector<16xi32>
    %add3A_1368 = arith.addi %add3A_1367, %iota3A : vector<16xi32>
    %mul3A_1369 = arith.constant 512 : i32
    %mul3A_1370 = vector.broadcast %mul3A_1369 : i32 to vector<16xi32>
    %mul3A_1371 = arith.muli %add3A_1368, %mul3A_1370 : vector<16xi32>
    %add3A_1372 = arith.addi %mul3A_1371, %get3A_1364 : vector<16xi32>
    %swap3A_1373 = arith.constant 9 : i32
    %swap3A_1374 = arith.index_cast %swap3A_1373 : i32 to index
    %swap3A_1375 = arith.constant 96 : index
    %swap3A_1376 = tpu.vector_load %arg6[%swap3A_1374, %swap3A_1375] {strides = array<i32>} : memref<16x128xi32, #tpu.memory_space<vmem>>, vector<1x16xi32>,
    %swap3A_1377 = vector.shape_cast %swap3A_1376 : vector<1x16xi32> to vector<16xi32>
    %swap3A_1378 = vector.shape_cast %add3A_1372 : vector<16xi32> to vector<1x16xi32>
    tpu.vector_store %arg6[%swap3A_1374, %swap3A_1375], %swap3A_1378 {strides = array<i32>} : memref<16x128xi32, #tpu.memory_space<vmem>>, vector<1x16xi32>,
    %get3A_1379 = arith.constant 1264 : index
    %get3A_1380 = tpu.vector_load %arg5[%get3A_1379] {strides = array<i32>} : memref<2048xi32, #tpu.memory_space<vmem>>, vector<16xi32>,
    %get3A_1381 = vector.shape_cast %get3A_1380 : vector<16xi32> to vector<16xi32>
    %add3A_1382 = arith.constant 1264 : i32
    %add3A_1383 = arith.addi %mul3A_2, %add3A_1382 : i32
    %add3A_1384 = vector.broadcast %add3A_1383 : i32 to vector<16xi32>
    %add3A_1385 = arith.addi %add3A_1384, %iota3A : vector<16xi32>
    %mul3A_1386 = arith.constant 512 : i32
    %mul3A_1387 = vector.broadcast %mul3A_1386 : i32 to vector<16xi32>
    %mul3A_1388 = arith.muli %add3A_1385, %mul3A_1387 : vector<16xi32>
    %add3A_1389 = arith.addi %mul3A_1388, %get3A_1381 : vector<16xi32>
    %swap3A_1390 = arith.constant 9 : i32
    %swap3A_1391 = arith.index_cast %swap3A_1390 : i32 to index
    %swap3A_1392 = arith.constant 112 : index
    %swap3A_1393 = tpu.vector_load %arg6[%swap3A_1391, %swap3A_1392] {strides = array<i32>} : memref<16x128xi32, #tpu.memory_space<vmem>>, vector<1x16xi32>,
    %swap3A_1394 = vector.shape_cast %swap3A_1393 : vector<1x16xi32> to vector<16xi32>
    %swap3A_1395 = vector.shape_cast %add3A_1389 : vector<16xi32> to vector<1x16xi32>
    tpu.vector_store %arg6[%swap3A_1391, %swap3A_1392], %swap3A_1395 {strides = array<i32>} : memref<16x128xi32, #tpu.memory_space<vmem>>, vector<1x16xi32>,
    %get3A_1396 = arith.constant 1280 : index
    %get3A_1397 = tpu.vector_load %arg5[%get3A_1396] {strides = array<i32>} : memref<2048xi32, #tpu.memory_space<vmem>>, vector<16xi32>,
    %get3A_1398 = vector.shape_cast %get3A_1397 : vector<16xi32> to vector<16xi32>
    %add3A_1399 = arith.constant 1280 : i32
    %add3A_1400 = arith.addi %mul3A_2, %add3A_1399 : i32
    %add3A_1401 = vector.broadcast %add3A_1400 : i32 to vector<16xi32>
    %add3A_1402 = arith.addi %add3A_1401, %iota3A : vector<16xi32>
    %mul3A_1403 = arith.constant 512 : i32
    %mul3A_1404 = vector.broadcast %mul3A_1403 : i32 to vector<16xi32>
    %mul3A_1405 = arith.muli %add3A_1402, %mul3A_1404 : vector<16xi32>
    %add3A_1406 = arith.addi %mul3A_1405, %get3A_1398 : vector<16xi32>
    %swap3A_1407 = arith.constant 10 : i32
    %swap3A_1408 = arith.index_cast %swap3A_1407 : i32 to index
    %swap3A_1409 = arith.constant 0 : index
    %swap3A_1410 = tpu.vector_load %arg6[%swap3A_1408, %swap3A_1409] {strides = array<i32>} : memref<16x128xi32, #tpu.memory_space<vmem>>, vector<1x16xi32>,
    %swap3A_1411 = vector.shape_cast %swap3A_1410 : vector<1x16xi32> to vector<16xi32>
    %swap3A_1412 = vector.shape_cast %add3A_1406 : vector<16xi32> to vector<1x16xi32>
    tpu.vector_store %arg6[%swap3A_1408, %swap3A_1409], %swap3A_1412 {strides = array<i32>} : memref<16x128xi32, #tpu.memory_space<vmem>>, vector<1x16xi32>,
    %get3A_1413 = arith.constant 1296 : index
    %get3A_1414 = tpu.vector_load %arg5[%get3A_1413] {strides = array<i32>} : memref<2048xi32, #tpu.memory_space<vmem>>, vector<16xi32>,
    %get3A_1415 = vector.shape_cast %get3A_1414 : vector<16xi32> to vector<16xi32>
    %add3A_1416 = arith.constant 1296 : i32
    %add3A_1417 = arith.addi %mul3A_2, %add3A_1416 : i32
    %add3A_1418 = vector.broadcast %add3A_1417 : i32 to vector<16xi32>
    %add3A_1419 = arith.addi %add3A_1418, %iota3A : vector<16xi32>
    %mul3A_1420 = arith.constant 512 : i32
    %mul3A_1421 = vector.broadcast %mul3A_1420 : i32 to vector<16xi32>
    %mul3A_1422 = arith.muli %add3A_1419, %mul3A_1421 : vector<16xi32>
    %add3A_1423 = arith.addi %mul3A_1422, %get3A_1415 : vector<16xi32>
    %swap3A_1424 = arith.constant 10 : i32
    %swap3A_1425 = arith.index_cast %swap3A_1424 : i32 to index
    %swap3A_1426 = arith.constant 16 : index
    %swap3A_1427 = tpu.vector_load %arg6[%swap3A_1425, %swap3A_1426] {strides = array<i32>} : memref<16x128xi32, #tpu.memory_space<vmem>>, vector<1x16xi32>,
    %swap3A_1428 = vector.shape_cast %swap3A_1427 : vector<1x16xi32> to vector<16xi32>
    %swap3A_1429 = vector.shape_cast %add3A_1423 : vector<16xi32> to vector<1x16xi32>
    tpu.vector_store %arg6[%swap3A_1425, %swap3A_1426], %swap3A_1429 {strides = array<i32>} : memref<16x128xi32, #tpu.memory_space<vmem>>, vector<1x16xi32>,
    %get3A_1430 = arith.constant 1312 : index
    %get3A_1431 = tpu.vector_load %arg5[%get3A_1430] {strides = array<i32>} : memref<2048xi32, #tpu.memory_space<vmem>>, vector<16xi32>,
    %get3A_1432 = vector.shape_cast %get3A_1431 : vector<16xi32> to vector<16xi32>
    %add3A_1433 = arith.constant 1312 : i32
    %add3A_1434 = arith.addi %mul3A_2, %add3A_1433 : i32
    %add3A_1435 = vector.broadcast %add3A_1434 : i32 to vector<16xi32>
    %add3A_1436 = arith.addi %add3A_1435, %iota3A : vector<16xi32>
    %mul3A_1437 = arith.constant 512 : i32
    %mul3A_1438 = vector.broadcast %mul3A_1437 : i32 to vector<16xi32>
    %mul3A_1439 = arith.muli %add3A_1436, %mul3A_1438 : vector<16xi32>
    %add3A_1440 = arith.addi %mul3A_1439, %get3A_1432 : vector<16xi32>
    %swap3A_1441 = arith.constant 10 : i32
    %swap3A_1442 = arith.index_cast %swap3A_1441 : i32 to index
    %swap3A_1443 = arith.constant 32 : index
    %swap3A_1444 = tpu.vector_load %arg6[%swap3A_1442, %swap3A_1443] {strides = array<i32>} : memref<16x128xi32, #tpu.memory_space<vmem>>, vector<1x16xi32>,
    %swap3A_1445 = vector.shape_cast %swap3A_1444 : vector<1x16xi32> to vector<16xi32>
    %swap3A_1446 = vector.shape_cast %add3A_1440 : vector<16xi32> to vector<1x16xi32>
    tpu.vector_store %arg6[%swap3A_1442, %swap3A_1443], %swap3A_1446 {strides = array<i32>} : memref<16x128xi32, #tpu.memory_space<vmem>>, vector<1x16xi32>,
    %get3A_1447 = arith.constant 1328 : index
    %get3A_1448 = tpu.vector_load %arg5[%get3A_1447] {strides = array<i32>} : memref<2048xi32, #tpu.memory_space<vmem>>, vector<16xi32>,
    %get3A_1449 = vector.shape_cast %get3A_1448 : vector<16xi32> to vector<16xi32>
    %add3A_1450 = arith.constant 1328 : i32
    %add3A_1451 = arith.addi %mul3A_2, %add3A_1450 : i32
    %add3A_1452 = vector.broadcast %add3A_1451 : i32 to vector<16xi32>
    %add3A_1453 = arith.addi %add3A_1452, %iota3A : vector<16xi32>
    %mul3A_1454 = arith.constant 512 : i32
    %mul3A_1455 = vector.broadcast %mul3A_1454 : i32 to vector<16xi32>
    %mul3A_1456 = arith.muli %add3A_1453, %mul3A_1455 : vector<16xi32>
    %add3A_1457 = arith.addi %mul3A_1456, %get3A_1449 : vector<16xi32>
    %swap3A_1458 = arith.constant 10 : i32
    %swap3A_1459 = arith.index_cast %swap3A_1458 : i32 to index
    %swap3A_1460 = arith.constant 48 : index
    %swap3A_1461 = tpu.vector_load %arg6[%swap3A_1459, %swap3A_1460] {strides = array<i32>} : memref<16x128xi32, #tpu.memory_space<vmem>>, vector<1x16xi32>,
    %swap3A_1462 = vector.shape_cast %swap3A_1461 : vector<1x16xi32> to vector<16xi32>
    %swap3A_1463 = vector.shape_cast %add3A_1457 : vector<16xi32> to vector<1x16xi32>
    tpu.vector_store %arg6[%swap3A_1459, %swap3A_1460], %swap3A_1463 {strides = array<i32>} : memref<16x128xi32, #tpu.memory_space<vmem>>, vector<1x16xi32>,
    %get3A_1464 = arith.constant 1344 : index
    %get3A_1465 = tpu.vector_load %arg5[%get3A_1464] {strides = array<i32>} : memref<2048xi32, #tpu.memory_space<vmem>>, vector<16xi32>,
    %get3A_1466 = vector.shape_cast %get3A_1465 : vector<16xi32> to vector<16xi32>
    %add3A_1467 = arith.constant 1344 : i32
    %add3A_1468 = arith.addi %mul3A_2, %add3A_1467 : i32
    %add3A_1469 = vector.broadcast %add3A_1468 : i32 to vector<16xi32>
    %add3A_1470 = arith.addi %add3A_1469, %iota3A : vector<16xi32>
    %mul3A_1471 = arith.constant 512 : i32
    %mul3A_1472 = vector.broadcast %mul3A_1471 : i32 to vector<16xi32>
    %mul3A_1473 = arith.muli %add3A_1470, %mul3A_1472 : vector<16xi32>
    %add3A_1474 = arith.addi %mul3A_1473, %get3A_1466 : vector<16xi32>
    %swap3A_1475 = arith.constant 10 : i32
    %swap3A_1476 = arith.index_cast %swap3A_1475 : i32 to index
    %swap3A_1477 = arith.constant 64 : index
    %swap3A_1478 = tpu.vector_load %arg6[%swap3A_1476, %swap3A_1477] {strides = array<i32>} : memref<16x128xi32, #tpu.memory_space<vmem>>, vector<1x16xi32>,
    %swap3A_1479 = vector.shape_cast %swap3A_1478 : vector<1x16xi32> to vector<16xi32>
    %swap3A_1480 = vector.shape_cast %add3A_1474 : vector<16xi32> to vector<1x16xi32>
    tpu.vector_store %arg6[%swap3A_1476, %swap3A_1477], %swap3A_1480 {strides = array<i32>} : memref<16x128xi32, #tpu.memory_space<vmem>>, vector<1x16xi32>,
    %get3A_1481 = arith.constant 1360 : index
    %get3A_1482 = tpu.vector_load %arg5[%get3A_1481] {strides = array<i32>} : memref<2048xi32, #tpu.memory_space<vmem>>, vector<16xi32>,
    %get3A_1483 = vector.shape_cast %get3A_1482 : vector<16xi32> to vector<16xi32>
    %add3A_1484 = arith.constant 1360 : i32
    %add3A_1485 = arith.addi %mul3A_2, %add3A_1484 : i32
    %add3A_1486 = vector.broadcast %add3A_1485 : i32 to vector<16xi32>
    %add3A_1487 = arith.addi %add3A_1486, %iota3A : vector<16xi32>
    %mul3A_1488 = arith.constant 512 : i32
    %mul3A_1489 = vector.broadcast %mul3A_1488 : i32 to vector<16xi32>
    %mul3A_1490 = arith.muli %add3A_1487, %mul3A_1489 : vector<16xi32>
    %add3A_1491 = arith.addi %mul3A_1490, %get3A_1483 : vector<16xi32>
    %swap3A_1492 = arith.constant 10 : i32
    %swap3A_1493 = arith.index_cast %swap3A_1492 : i32 to index
    %swap3A_1494 = arith.constant 80 : index
    %swap3A_1495 = tpu.vector_load %arg6[%swap3A_1493, %swap3A_1494] {strides = array<i32>} : memref<16x128xi32, #tpu.memory_space<vmem>>, vector<1x16xi32>,
    %swap3A_1496 = vector.shape_cast %swap3A_1495 : vector<1x16xi32> to vector<16xi32>
    %swap3A_1497 = vector.shape_cast %add3A_1491 : vector<16xi32> to vector<1x16xi32>
    tpu.vector_store %arg6[%swap3A_1493, %swap3A_1494], %swap3A_1497 {strides = array<i32>} : memref<16x128xi32, #tpu.memory_space<vmem>>, vector<1x16xi32>,
    %get3A_1498 = arith.constant 1376 : index
    %get3A_1499 = tpu.vector_load %arg5[%get3A_1498] {strides = array<i32>} : memref<2048xi32, #tpu.memory_space<vmem>>, vector<16xi32>,
    %get3A_1500 = vector.shape_cast %get3A_1499 : vector<16xi32> to vector<16xi32>
    %add3A_1501 = arith.constant 1376 : i32
    %add3A_1502 = arith.addi %mul3A_2, %add3A_1501 : i32
    %add3A_1503 = vector.broadcast %add3A_1502 : i32 to vector<16xi32>
    %add3A_1504 = arith.addi %add3A_1503, %iota3A : vector<16xi32>
    %mul3A_1505 = arith.constant 512 : i32
    %mul3A_1506 = vector.broadcast %mul3A_1505 : i32 to vector<16xi32>
    %mul3A_1507 = arith.muli %add3A_1504, %mul3A_1506 : vector<16xi32>
    %add3A_1508 = arith.addi %mul3A_1507, %get3A_1500 : vector<16xi32>
    %swap3A_1509 = arith.constant 10 : i32
    %swap3A_1510 = arith.index_cast %swap3A_1509 : i32 to index
    %swap3A_1511 = arith.constant 96 : index
    %swap3A_1512 = tpu.vector_load %arg6[%swap3A_1510, %swap3A_1511] {strides = array<i32>} : memref<16x128xi32, #tpu.memory_space<vmem>>, vector<1x16xi32>,
    %swap3A_1513 = vector.shape_cast %swap3A_1512 : vector<1x16xi32> to vector<16xi32>
    %swap3A_1514 = vector.shape_cast %add3A_1508 : vector<16xi32> to vector<1x16xi32>
    tpu.vector_store %arg6[%swap3A_1510, %swap3A_1511], %swap3A_1514 {strides = array<i32>} : memref<16x128xi32, #tpu.memory_space<vmem>>, vector<1x16xi32>,
    %get3A_1515 = arith.constant 1392 : index
    %get3A_1516 = tpu.vector_load %arg5[%get3A_1515] {strides = array<i32>} : memref<2048xi32, #tpu.memory_space<vmem>>, vector<16xi32>,
    %get3A_1517 = vector.shape_cast %get3A_1516 : vector<16xi32> to vector<16xi32>
    %add3A_1518 = arith.constant 1392 : i32
    %add3A_1519 = arith.addi %mul3A_2, %add3A_1518 : i32
    %add3A_1520 = vector.broadcast %add3A_1519 : i32 to vector<16xi32>
    %add3A_1521 = arith.addi %add3A_1520, %iota3A : vector<16xi32>
    %mul3A_1522 = arith.constant 512 : i32
    %mul3A_1523 = vector.broadcast %mul3A_1522 : i32 to vector<16xi32>
    %mul3A_1524 = arith.muli %add3A_1521, %mul3A_1523 : vector<16xi32>
    %add3A_1525 = arith.addi %mul3A_1524, %get3A_1517 : vector<16xi32>
    %swap3A_1526 = arith.constant 10 : i32
    %swap3A_1527 = arith.index_cast %swap3A_1526 : i32 to index
    %swap3A_1528 = arith.constant 112 : index
    %swap3A_1529 = tpu.vector_load %arg6[%swap3A_1527, %swap3A_1528] {strides = array<i32>} : memref<16x128xi32, #tpu.memory_space<vmem>>, vector<1x16xi32>,
    %swap3A_1530 = vector.shape_cast %swap3A_1529 : vector<1x16xi32> to vector<16xi32>
    %swap3A_1531 = vector.shape_cast %add3A_1525 : vector<16xi32> to vector<1x16xi32>
    tpu.vector_store %arg6[%swap3A_1527, %swap3A_1528], %swap3A_1531 {strides = array<i32>} : memref<16x128xi32, #tpu.memory_space<vmem>>, vector<1x16xi32>,
    %get3A_1532 = arith.constant 1408 : index
    %get3A_1533 = tpu.vector_load %arg5[%get3A_1532] {strides = array<i32>} : memref<2048xi32, #tpu.memory_space<vmem>>, vector<16xi32>,
    %get3A_1534 = vector.shape_cast %get3A_1533 : vector<16xi32> to vector<16xi32>
    %add3A_1535 = arith.constant 1408 : i32
    %add3A_1536 = arith.addi %mul3A_2, %add3A_1535 : i32
    %add3A_1537 = vector.broadcast %add3A_1536 : i32 to vector<16xi32>
    %add3A_1538 = arith.addi %add3A_1537, %iota3A : vector<16xi32>
    %mul3A_1539 = arith.constant 512 : i32
    %mul3A_1540 = vector.broadcast %mul3A_1539 : i32 to vector<16xi32>
    %mul3A_1541 = arith.muli %add3A_1538, %mul3A_1540 : vector<16xi32>
    %add3A_1542 = arith.addi %mul3A_1541, %get3A_1534 : vector<16xi32>
    %swap3A_1543 = arith.constant 11 : i32
    %swap3A_1544 = arith.index_cast %swap3A_1543 : i32 to index
    %swap3A_1545 = arith.constant 0 : index
    %swap3A_1546 = tpu.vector_load %arg6[%swap3A_1544, %swap3A_1545] {strides = array<i32>} : memref<16x128xi32, #tpu.memory_space<vmem>>, vector<1x16xi32>,
    %swap3A_1547 = vector.shape_cast %swap3A_1546 : vector<1x16xi32> to vector<16xi32>
    %swap3A_1548 = vector.shape_cast %add3A_1542 : vector<16xi32> to vector<1x16xi32>
    tpu.vector_store %arg6[%swap3A_1544, %swap3A_1545], %swap3A_1548 {strides = array<i32>} : memref<16x128xi32, #tpu.memory_space<vmem>>, vector<1x16xi32>,
    %get3A_1549 = arith.constant 1424 : index
    %get3A_1550 = tpu.vector_load %arg5[%get3A_1549] {strides = array<i32>} : memref<2048xi32, #tpu.memory_space<vmem>>, vector<16xi32>,
    %get3A_1551 = vector.shape_cast %get3A_1550 : vector<16xi32> to vector<16xi32>
    %add3A_1552 = arith.constant 1424 : i32
    %add3A_1553 = arith.addi %mul3A_2, %add3A_1552 : i32
    %add3A_1554 = vector.broadcast %add3A_1553 : i32 to vector<16xi32>
    %add3A_1555 = arith.addi %add3A_1554, %iota3A : vector<16xi32>
    %mul3A_1556 = arith.constant 512 : i32
    %mul3A_1557 = vector.broadcast %mul3A_1556 : i32 to vector<16xi32>
    %mul3A_1558 = arith.muli %add3A_1555, %mul3A_1557 : vector<16xi32>
    %add3A_1559 = arith.addi %mul3A_1558, %get3A_1551 : vector<16xi32>
    %swap3A_1560 = arith.constant 11 : i32
    %swap3A_1561 = arith.index_cast %swap3A_1560 : i32 to index
    %swap3A_1562 = arith.constant 16 : index
    %swap3A_1563 = tpu.vector_load %arg6[%swap3A_1561, %swap3A_1562] {strides = array<i32>} : memref<16x128xi32, #tpu.memory_space<vmem>>, vector<1x16xi32>,
    %swap3A_1564 = vector.shape_cast %swap3A_1563 : vector<1x16xi32> to vector<16xi32>
    %swap3A_1565 = vector.shape_cast %add3A_1559 : vector<16xi32> to vector<1x16xi32>
    tpu.vector_store %arg6[%swap3A_1561, %swap3A_1562], %swap3A_1565 {strides = array<i32>} : memref<16x128xi32, #tpu.memory_space<vmem>>, vector<1x16xi32>,
    %get3A_1566 = arith.constant 1440 : index
    %get3A_1567 = tpu.vector_load %arg5[%get3A_1566] {strides = array<i32>} : memref<2048xi32, #tpu.memory_space<vmem>>, vector<16xi32>,
    %get3A_1568 = vector.shape_cast %get3A_1567 : vector<16xi32> to vector<16xi32>
    %add3A_1569 = arith.constant 1440 : i32
    %add3A_1570 = arith.addi %mul3A_2, %add3A_1569 : i32
    %add3A_1571 = vector.broadcast %add3A_1570 : i32 to vector<16xi32>
    %add3A_1572 = arith.addi %add3A_1571, %iota3A : vector<16xi32>
    %mul3A_1573 = arith.constant 512 : i32
    %mul3A_1574 = vector.broadcast %mul3A_1573 : i32 to vector<16xi32>
    %mul3A_1575 = arith.muli %add3A_1572, %mul3A_1574 : vector<16xi32>
    %add3A_1576 = arith.addi %mul3A_1575, %get3A_1568 : vector<16xi32>
    %swap3A_1577 = arith.constant 11 : i32
    %swap3A_1578 = arith.index_cast %swap3A_1577 : i32 to index
    %swap3A_1579 = arith.constant 32 : index
    %swap3A_1580 = tpu.vector_load %arg6[%swap3A_1578, %swap3A_1579] {strides = array<i32>} : memref<16x128xi32, #tpu.memory_space<vmem>>, vector<1x16xi32>,
    %swap3A_1581 = vector.shape_cast %swap3A_1580 : vector<1x16xi32> to vector<16xi32>
    %swap3A_1582 = vector.shape_cast %add3A_1576 : vector<16xi32> to vector<1x16xi32>
    tpu.vector_store %arg6[%swap3A_1578, %swap3A_1579], %swap3A_1582 {strides = array<i32>} : memref<16x128xi32, #tpu.memory_space<vmem>>, vector<1x16xi32>,
    %get3A_1583 = arith.constant 1456 : index
    %get3A_1584 = tpu.vector_load %arg5[%get3A_1583] {strides = array<i32>} : memref<2048xi32, #tpu.memory_space<vmem>>, vector<16xi32>,
    %get3A_1585 = vector.shape_cast %get3A_1584 : vector<16xi32> to vector<16xi32>
    %add3A_1586 = arith.constant 1456 : i32
    %add3A_1587 = arith.addi %mul3A_2, %add3A_1586 : i32
    %add3A_1588 = vector.broadcast %add3A_1587 : i32 to vector<16xi32>
    %add3A_1589 = arith.addi %add3A_1588, %iota3A : vector<16xi32>
    %mul3A_1590 = arith.constant 512 : i32
    %mul3A_1591 = vector.broadcast %mul3A_1590 : i32 to vector<16xi32>
    %mul3A_1592 = arith.muli %add3A_1589, %mul3A_1591 : vector<16xi32>
    %add3A_1593 = arith.addi %mul3A_1592, %get3A_1585 : vector<16xi32>
    %swap3A_1594 = arith.constant 11 : i32
    %swap3A_1595 = arith.index_cast %swap3A_1594 : i32 to index
    %swap3A_1596 = arith.constant 48 : index
    %swap3A_1597 = tpu.vector_load %arg6[%swap3A_1595, %swap3A_1596] {strides = array<i32>} : memref<16x128xi32, #tpu.memory_space<vmem>>, vector<1x16xi32>,
    %swap3A_1598 = vector.shape_cast %swap3A_1597 : vector<1x16xi32> to vector<16xi32>
    %swap3A_1599 = vector.shape_cast %add3A_1593 : vector<16xi32> to vector<1x16xi32>
    tpu.vector_store %arg6[%swap3A_1595, %swap3A_1596], %swap3A_1599 {strides = array<i32>} : memref<16x128xi32, #tpu.memory_space<vmem>>, vector<1x16xi32>,
    %get3A_1600 = arith.constant 1472 : index
    %get3A_1601 = tpu.vector_load %arg5[%get3A_1600] {strides = array<i32>} : memref<2048xi32, #tpu.memory_space<vmem>>, vector<16xi32>,
    %get3A_1602 = vector.shape_cast %get3A_1601 : vector<16xi32> to vector<16xi32>
    %add3A_1603 = arith.constant 1472 : i32
    %add3A_1604 = arith.addi %mul3A_2, %add3A_1603 : i32
    %add3A_1605 = vector.broadcast %add3A_1604 : i32 to vector<16xi32>
    %add3A_1606 = arith.addi %add3A_1605, %iota3A : vector<16xi32>
    %mul3A_1607 = arith.constant 512 : i32
    %mul3A_1608 = vector.broadcast %mul3A_1607 : i32 to vector<16xi32>
    %mul3A_1609 = arith.muli %add3A_1606, %mul3A_1608 : vector<16xi32>
    %add3A_1610 = arith.addi %mul3A_1609, %get3A_1602 : vector<16xi32>
    %swap3A_1611 = arith.constant 11 : i32
    %swap3A_1612 = arith.index_cast %swap3A_1611 : i32 to index
    %swap3A_1613 = arith.constant 64 : index
    %swap3A_1614 = tpu.vector_load %arg6[%swap3A_1612, %swap3A_1613] {strides = array<i32>} : memref<16x128xi32, #tpu.memory_space<vmem>>, vector<1x16xi32>,
    %swap3A_1615 = vector.shape_cast %swap3A_1614 : vector<1x16xi32> to vector<16xi32>
    %swap3A_1616 = vector.shape_cast %add3A_1610 : vector<16xi32> to vector<1x16xi32>
    tpu.vector_store %arg6[%swap3A_1612, %swap3A_1613], %swap3A_1616 {strides = array<i32>} : memref<16x128xi32, #tpu.memory_space<vmem>>, vector<1x16xi32>,
    %get3A_1617 = arith.constant 1488 : index
    %get3A_1618 = tpu.vector_load %arg5[%get3A_1617] {strides = array<i32>} : memref<2048xi32, #tpu.memory_space<vmem>>, vector<16xi32>,
    %get3A_1619 = vector.shape_cast %get3A_1618 : vector<16xi32> to vector<16xi32>
    %add3A_1620 = arith.constant 1488 : i32
    %add3A_1621 = arith.addi %mul3A_2, %add3A_1620 : i32
    %add3A_1622 = vector.broadcast %add3A_1621 : i32 to vector<16xi32>
    %add3A_1623 = arith.addi %add3A_1622, %iota3A : vector<16xi32>
    %mul3A_1624 = arith.constant 512 : i32
    %mul3A_1625 = vector.broadcast %mul3A_1624 : i32 to vector<16xi32>
    %mul3A_1626 = arith.muli %add3A_1623, %mul3A_1625 : vector<16xi32>
    %add3A_1627 = arith.addi %mul3A_1626, %get3A_1619 : vector<16xi32>
    %swap3A_1628 = arith.constant 11 : i32
    %swap3A_1629 = arith.index_cast %swap3A_1628 : i32 to index
    %swap3A_1630 = arith.constant 80 : index
    %swap3A_1631 = tpu.vector_load %arg6[%swap3A_1629, %swap3A_1630] {strides = array<i32>} : memref<16x128xi32, #tpu.memory_space<vmem>>, vector<1x16xi32>,
    %swap3A_1632 = vector.shape_cast %swap3A_1631 : vector<1x16xi32> to vector<16xi32>
    %swap3A_1633 = vector.shape_cast %add3A_1627 : vector<16xi32> to vector<1x16xi32>
    tpu.vector_store %arg6[%swap3A_1629, %swap3A_1630], %swap3A_1633 {strides = array<i32>} : memref<16x128xi32, #tpu.memory_space<vmem>>, vector<1x16xi32>,
    %get3A_1634 = arith.constant 1504 : index
    %get3A_1635 = tpu.vector_load %arg5[%get3A_1634] {strides = array<i32>} : memref<2048xi32, #tpu.memory_space<vmem>>, vector<16xi32>,
    %get3A_1636 = vector.shape_cast %get3A_1635 : vector<16xi32> to vector<16xi32>
    %add3A_1637 = arith.constant 1504 : i32
    %add3A_1638 = arith.addi %mul3A_2, %add3A_1637 : i32
    %add3A_1639 = vector.broadcast %add3A_1638 : i32 to vector<16xi32>
    %add3A_1640 = arith.addi %add3A_1639, %iota3A : vector<16xi32>
    %mul3A_1641 = arith.constant 512 : i32
    %mul3A_1642 = vector.broadcast %mul3A_1641 : i32 to vector<16xi32>
    %mul3A_1643 = arith.muli %add3A_1640, %mul3A_1642 : vector<16xi32>
    %add3A_1644 = arith.addi %mul3A_1643, %get3A_1636 : vector<16xi32>
    %swap3A_1645 = arith.constant 11 : i32
    %swap3A_1646 = arith.index_cast %swap3A_1645 : i32 to index
    %swap3A_1647 = arith.constant 96 : index
    %swap3A_1648 = tpu.vector_load %arg6[%swap3A_1646, %swap3A_1647] {strides = array<i32>} : memref<16x128xi32, #tpu.memory_space<vmem>>, vector<1x16xi32>,
    %swap3A_1649 = vector.shape_cast %swap3A_1648 : vector<1x16xi32> to vector<16xi32>
    %swap3A_1650 = vector.shape_cast %add3A_1644 : vector<16xi32> to vector<1x16xi32>
    tpu.vector_store %arg6[%swap3A_1646, %swap3A_1647], %swap3A_1650 {strides = array<i32>} : memref<16x128xi32, #tpu.memory_space<vmem>>, vector<1x16xi32>,
    %get3A_1651 = arith.constant 1520 : index
    %get3A_1652 = tpu.vector_load %arg5[%get3A_1651] {strides = array<i32>} : memref<2048xi32, #tpu.memory_space<vmem>>, vector<16xi32>,
    %get3A_1653 = vector.shape_cast %get3A_1652 : vector<16xi32> to vector<16xi32>
    %add3A_1654 = arith.constant 1520 : i32
    %add3A_1655 = arith.addi %mul3A_2, %add3A_1654 : i32
    %add3A_1656 = vector.broadcast %add3A_1655 : i32 to vector<16xi32>
    %add3A_1657 = arith.addi %add3A_1656, %iota3A : vector<16xi32>
    %mul3A_1658 = arith.constant 512 : i32
    %mul3A_1659 = vector.broadcast %mul3A_1658 : i32 to vector<16xi32>
    %mul3A_1660 = arith.muli %add3A_1657, %mul3A_1659 : vector<16xi32>
    %add3A_1661 = arith.addi %mul3A_1660, %get3A_1653 : vector<16xi32>
    %swap3A_1662 = arith.constant 11 : i32
    %swap3A_1663 = arith.index_cast %swap3A_1662 : i32 to index
    %swap3A_1664 = arith.constant 112 : index
    %swap3A_1665 = tpu.vector_load %arg6[%swap3A_1663, %swap3A_1664] {strides = array<i32>} : memref<16x128xi32, #tpu.memory_space<vmem>>, vector<1x16xi32>,
    %swap3A_1666 = vector.shape_cast %swap3A_1665 : vector<1x16xi32> to vector<16xi32>
    %swap3A_1667 = vector.shape_cast %add3A_1661 : vector<16xi32> to vector<1x16xi32>
    tpu.vector_store %arg6[%swap3A_1663, %swap3A_1664], %swap3A_1667 {strides = array<i32>} : memref<16x128xi32, #tpu.memory_space<vmem>>, vector<1x16xi32>,
    %get3A_1668 = arith.constant 1536 : index
    %get3A_1669 = tpu.vector_load %arg5[%get3A_1668] {strides = array<i32>} : memref<2048xi32, #tpu.memory_space<vmem>>, vector<16xi32>,
    %get3A_1670 = vector.shape_cast %get3A_1669 : vector<16xi32> to vector<16xi32>
    %add3A_1671 = arith.constant 1536 : i32
    %add3A_1672 = arith.addi %mul3A_2, %add3A_1671 : i32
    %add3A_1673 = vector.broadcast %add3A_1672 : i32 to vector<16xi32>
    %add3A_1674 = arith.addi %add3A_1673, %iota3A : vector<16xi32>
    %mul3A_1675 = arith.constant 512 : i32
    %mul3A_1676 = vector.broadcast %mul3A_1675 : i32 to vector<16xi32>
    %mul3A_1677 = arith.muli %add3A_1674, %mul3A_1676 : vector<16xi32>
    %add3A_1678 = arith.addi %mul3A_1677, %get3A_1670 : vector<16xi32>
    %swap3A_1679 = arith.constant 12 : i32
    %swap3A_1680 = arith.index_cast %swap3A_1679 : i32 to index
    %swap3A_1681 = arith.constant 0 : index
    %swap3A_1682 = tpu.vector_load %arg6[%swap3A_1680, %swap3A_1681] {strides = array<i32>} : memref<16x128xi32, #tpu.memory_space<vmem>>, vector<1x16xi32>,
    %swap3A_1683 = vector.shape_cast %swap3A_1682 : vector<1x16xi32> to vector<16xi32>
    %swap3A_1684 = vector.shape_cast %add3A_1678 : vector<16xi32> to vector<1x16xi32>
    tpu.vector_store %arg6[%swap3A_1680, %swap3A_1681], %swap3A_1684 {strides = array<i32>} : memref<16x128xi32, #tpu.memory_space<vmem>>, vector<1x16xi32>,
    %get3A_1685 = arith.constant 1552 : index
    %get3A_1686 = tpu.vector_load %arg5[%get3A_1685] {strides = array<i32>} : memref<2048xi32, #tpu.memory_space<vmem>>, vector<16xi32>,
    %get3A_1687 = vector.shape_cast %get3A_1686 : vector<16xi32> to vector<16xi32>
    %add3A_1688 = arith.constant 1552 : i32
    %add3A_1689 = arith.addi %mul3A_2, %add3A_1688 : i32
    %add3A_1690 = vector.broadcast %add3A_1689 : i32 to vector<16xi32>
    %add3A_1691 = arith.addi %add3A_1690, %iota3A : vector<16xi32>
    %mul3A_1692 = arith.constant 512 : i32
    %mul3A_1693 = vector.broadcast %mul3A_1692 : i32 to vector<16xi32>
    %mul3A_1694 = arith.muli %add3A_1691, %mul3A_1693 : vector<16xi32>
    %add3A_1695 = arith.addi %mul3A_1694, %get3A_1687 : vector<16xi32>
    %swap3A_1696 = arith.constant 12 : i32
    %swap3A_1697 = arith.index_cast %swap3A_1696 : i32 to index
    %swap3A_1698 = arith.constant 16 : index
    %swap3A_1699 = tpu.vector_load %arg6[%swap3A_1697, %swap3A_1698] {strides = array<i32>} : memref<16x128xi32, #tpu.memory_space<vmem>>, vector<1x16xi32>,
    %swap3A_1700 = vector.shape_cast %swap3A_1699 : vector<1x16xi32> to vector<16xi32>
    %swap3A_1701 = vector.shape_cast %add3A_1695 : vector<16xi32> to vector<1x16xi32>
    tpu.vector_store %arg6[%swap3A_1697, %swap3A_1698], %swap3A_1701 {strides = array<i32>} : memref<16x128xi32, #tpu.memory_space<vmem>>, vector<1x16xi32>,
    %get3A_1702 = arith.constant 1568 : index
    %get3A_1703 = tpu.vector_load %arg5[%get3A_1702] {strides = array<i32>} : memref<2048xi32, #tpu.memory_space<vmem>>, vector<16xi32>,
    %get3A_1704 = vector.shape_cast %get3A_1703 : vector<16xi32> to vector<16xi32>
    %add3A_1705 = arith.constant 1568 : i32
    %add3A_1706 = arith.addi %mul3A_2, %add3A_1705 : i32
    %add3A_1707 = vector.broadcast %add3A_1706 : i32 to vector<16xi32>
    %add3A_1708 = arith.addi %add3A_1707, %iota3A : vector<16xi32>
    %mul3A_1709 = arith.constant 512 : i32
    %mul3A_1710 = vector.broadcast %mul3A_1709 : i32 to vector<16xi32>
    %mul3A_1711 = arith.muli %add3A_1708, %mul3A_1710 : vector<16xi32>
    %add3A_1712 = arith.addi %mul3A_1711, %get3A_1704 : vector<16xi32>
    %swap3A_1713 = arith.constant 12 : i32
    %swap3A_1714 = arith.index_cast %swap3A_1713 : i32 to index
    %swap3A_1715 = arith.constant 32 : index
    %swap3A_1716 = tpu.vector_load %arg6[%swap3A_1714, %swap3A_1715] {strides = array<i32>} : memref<16x128xi32, #tpu.memory_space<vmem>>, vector<1x16xi32>,
    %swap3A_1717 = vector.shape_cast %swap3A_1716 : vector<1x16xi32> to vector<16xi32>
    %swap3A_1718 = vector.shape_cast %add3A_1712 : vector<16xi32> to vector<1x16xi32>
    tpu.vector_store %arg6[%swap3A_1714, %swap3A_1715], %swap3A_1718 {strides = array<i32>} : memref<16x128xi32, #tpu.memory_space<vmem>>, vector<1x16xi32>,
    %get3A_1719 = arith.constant 1584 : index
    %get3A_1720 = tpu.vector_load %arg5[%get3A_1719] {strides = array<i32>} : memref<2048xi32, #tpu.memory_space<vmem>>, vector<16xi32>,
    %get3A_1721 = vector.shape_cast %get3A_1720 : vector<16xi32> to vector<16xi32>
    %add3A_1722 = arith.constant 1584 : i32
    %add3A_1723 = arith.addi %mul3A_2, %add3A_1722 : i32
    %add3A_1724 = vector.broadcast %add3A_1723 : i32 to vector<16xi32>
    %add3A_1725 = arith.addi %add3A_1724, %iota3A : vector<16xi32>
    %mul3A_1726 = arith.constant 512 : i32
    %mul3A_1727 = vector.broadcast %mul3A_1726 : i32 to vector<16xi32>
    %mul3A_1728 = arith.muli %add3A_1725, %mul3A_1727 : vector<16xi32>
    %add3A_1729 = arith.addi %mul3A_1728, %get3A_1721 : vector<16xi32>
    %swap3A_1730 = arith.constant 12 : i32
    %swap3A_1731 = arith.index_cast %swap3A_1730 : i32 to index
    %swap3A_1732 = arith.constant 48 : index
    %swap3A_1733 = tpu.vector_load %arg6[%swap3A_1731, %swap3A_1732] {strides = array<i32>} : memref<16x128xi32, #tpu.memory_space<vmem>>, vector<1x16xi32>,
    %swap3A_1734 = vector.shape_cast %swap3A_1733 : vector<1x16xi32> to vector<16xi32>
    %swap3A_1735 = vector.shape_cast %add3A_1729 : vector<16xi32> to vector<1x16xi32>
    tpu.vector_store %arg6[%swap3A_1731, %swap3A_1732], %swap3A_1735 {strides = array<i32>} : memref<16x128xi32, #tpu.memory_space<vmem>>, vector<1x16xi32>,
    %get3A_1736 = arith.constant 1600 : index
    %get3A_1737 = tpu.vector_load %arg5[%get3A_1736] {strides = array<i32>} : memref<2048xi32, #tpu.memory_space<vmem>>, vector<16xi32>,
    %get3A_1738 = vector.shape_cast %get3A_1737 : vector<16xi32> to vector<16xi32>
    %add3A_1739 = arith.constant 1600 : i32
    %add3A_1740 = arith.addi %mul3A_2, %add3A_1739 : i32
    %add3A_1741 = vector.broadcast %add3A_1740 : i32 to vector<16xi32>
    %add3A_1742 = arith.addi %add3A_1741, %iota3A : vector<16xi32>
    %mul3A_1743 = arith.constant 512 : i32
    %mul3A_1744 = vector.broadcast %mul3A_1743 : i32 to vector<16xi32>
    %mul3A_1745 = arith.muli %add3A_1742, %mul3A_1744 : vector<16xi32>
    %add3A_1746 = arith.addi %mul3A_1745, %get3A_1738 : vector<16xi32>
    %swap3A_1747 = arith.constant 12 : i32
    %swap3A_1748 = arith.index_cast %swap3A_1747 : i32 to index
    %swap3A_1749 = arith.constant 64 : index
    %swap3A_1750 = tpu.vector_load %arg6[%swap3A_1748, %swap3A_1749] {strides = array<i32>} : memref<16x128xi32, #tpu.memory_space<vmem>>, vector<1x16xi32>,
    %swap3A_1751 = vector.shape_cast %swap3A_1750 : vector<1x16xi32> to vector<16xi32>
    %swap3A_1752 = vector.shape_cast %add3A_1746 : vector<16xi32> to vector<1x16xi32>
    tpu.vector_store %arg6[%swap3A_1748, %swap3A_1749], %swap3A_1752 {strides = array<i32>} : memref<16x128xi32, #tpu.memory_space<vmem>>, vector<1x16xi32>,
    %get3A_1753 = arith.constant 1616 : index
    %get3A_1754 = tpu.vector_load %arg5[%get3A_1753] {strides = array<i32>} : memref<2048xi32, #tpu.memory_space<vmem>>, vector<16xi32>,
    %get3A_1755 = vector.shape_cast %get3A_1754 : vector<16xi32> to vector<16xi32>
    %add3A_1756 = arith.constant 1616 : i32
    %add3A_1757 = arith.addi %mul3A_2, %add3A_1756 : i32
    %add3A_1758 = vector.broadcast %add3A_1757 : i32 to vector<16xi32>
    %add3A_1759 = arith.addi %add3A_1758, %iota3A : vector<16xi32>
    %mul3A_1760 = arith.constant 512 : i32
    %mul3A_1761 = vector.broadcast %mul3A_1760 : i32 to vector<16xi32>
    %mul3A_1762 = arith.muli %add3A_1759, %mul3A_1761 : vector<16xi32>
    %add3A_1763 = arith.addi %mul3A_1762, %get3A_1755 : vector<16xi32>
    %swap3A_1764 = arith.constant 12 : i32
    %swap3A_1765 = arith.index_cast %swap3A_1764 : i32 to index
    %swap3A_1766 = arith.constant 80 : index
    %swap3A_1767 = tpu.vector_load %arg6[%swap3A_1765, %swap3A_1766] {strides = array<i32>} : memref<16x128xi32, #tpu.memory_space<vmem>>, vector<1x16xi32>,
    %swap3A_1768 = vector.shape_cast %swap3A_1767 : vector<1x16xi32> to vector<16xi32>
    %swap3A_1769 = vector.shape_cast %add3A_1763 : vector<16xi32> to vector<1x16xi32>
    tpu.vector_store %arg6[%swap3A_1765, %swap3A_1766], %swap3A_1769 {strides = array<i32>} : memref<16x128xi32, #tpu.memory_space<vmem>>, vector<1x16xi32>,
    %get3A_1770 = arith.constant 1632 : index
    %get3A_1771 = tpu.vector_load %arg5[%get3A_1770] {strides = array<i32>} : memref<2048xi32, #tpu.memory_space<vmem>>, vector<16xi32>,
    %get3A_1772 = vector.shape_cast %get3A_1771 : vector<16xi32> to vector<16xi32>
    %add3A_1773 = arith.constant 1632 : i32
    %add3A_1774 = arith.addi %mul3A_2, %add3A_1773 : i32
    %add3A_1775 = vector.broadcast %add3A_1774 : i32 to vector<16xi32>
    %add3A_1776 = arith.addi %add3A_1775, %iota3A : vector<16xi32>
    %mul3A_1777 = arith.constant 512 : i32
    %mul3A_1778 = vector.broadcast %mul3A_1777 : i32 to vector<16xi32>
    %mul3A_1779 = arith.muli %add3A_1776, %mul3A_1778 : vector<16xi32>
    %add3A_1780 = arith.addi %mul3A_1779, %get3A_1772 : vector<16xi32>
    %swap3A_1781 = arith.constant 12 : i32
    %swap3A_1782 = arith.index_cast %swap3A_1781 : i32 to index
    %swap3A_1783 = arith.constant 96 : index
    %swap3A_1784 = tpu.vector_load %arg6[%swap3A_1782, %swap3A_1783] {strides = array<i32>} : memref<16x128xi32, #tpu.memory_space<vmem>>, vector<1x16xi32>,
    %swap3A_1785 = vector.shape_cast %swap3A_1784 : vector<1x16xi32> to vector<16xi32>
    %swap3A_1786 = vector.shape_cast %add3A_1780 : vector<16xi32> to vector<1x16xi32>
    tpu.vector_store %arg6[%swap3A_1782, %swap3A_1783], %swap3A_1786 {strides = array<i32>} : memref<16x128xi32, #tpu.memory_space<vmem>>, vector<1x16xi32>,
    %get3A_1787 = arith.constant 1648 : index
    %get3A_1788 = tpu.vector_load %arg5[%get3A_1787] {strides = array<i32>} : memref<2048xi32, #tpu.memory_space<vmem>>, vector<16xi32>,
    %get3A_1789 = vector.shape_cast %get3A_1788 : vector<16xi32> to vector<16xi32>
    %add3A_1790 = arith.constant 1648 : i32
    %add3A_1791 = arith.addi %mul3A_2, %add3A_1790 : i32
    %add3A_1792 = vector.broadcast %add3A_1791 : i32 to vector<16xi32>
    %add3A_1793 = arith.addi %add3A_1792, %iota3A : vector<16xi32>
    %mul3A_1794 = arith.constant 512 : i32
    %mul3A_1795 = vector.broadcast %mul3A_1794 : i32 to vector<16xi32>
    %mul3A_1796 = arith.muli %add3A_1793, %mul3A_1795 : vector<16xi32>
    %add3A_1797 = arith.addi %mul3A_1796, %get3A_1789 : vector<16xi32>
    %swap3A_1798 = arith.constant 12 : i32
    %swap3A_1799 = arith.index_cast %swap3A_1798 : i32 to index
    %swap3A_1800 = arith.constant 112 : index
    %swap3A_1801 = tpu.vector_load %arg6[%swap3A_1799, %swap3A_1800] {strides = array<i32>} : memref<16x128xi32, #tpu.memory_space<vmem>>, vector<1x16xi32>,
    %swap3A_1802 = vector.shape_cast %swap3A_1801 : vector<1x16xi32> to vector<16xi32>
    %swap3A_1803 = vector.shape_cast %add3A_1797 : vector<16xi32> to vector<1x16xi32>
    tpu.vector_store %arg6[%swap3A_1799, %swap3A_1800], %swap3A_1803 {strides = array<i32>} : memref<16x128xi32, #tpu.memory_space<vmem>>, vector<1x16xi32>,
    %get3A_1804 = arith.constant 1664 : index
    %get3A_1805 = tpu.vector_load %arg5[%get3A_1804] {strides = array<i32>} : memref<2048xi32, #tpu.memory_space<vmem>>, vector<16xi32>,
    %get3A_1806 = vector.shape_cast %get3A_1805 : vector<16xi32> to vector<16xi32>
    %add3A_1807 = arith.constant 1664 : i32
    %add3A_1808 = arith.addi %mul3A_2, %add3A_1807 : i32
    %add3A_1809 = vector.broadcast %add3A_1808 : i32 to vector<16xi32>
    %add3A_1810 = arith.addi %add3A_1809, %iota3A : vector<16xi32>
    %mul3A_1811 = arith.constant 512 : i32
    %mul3A_1812 = vector.broadcast %mul3A_1811 : i32 to vector<16xi32>
    %mul3A_1813 = arith.muli %add3A_1810, %mul3A_1812 : vector<16xi32>
    %add3A_1814 = arith.addi %mul3A_1813, %get3A_1806 : vector<16xi32>
    %swap3A_1815 = arith.constant 13 : i32
    %swap3A_1816 = arith.index_cast %swap3A_1815 : i32 to index
    %swap3A_1817 = arith.constant 0 : index
    %swap3A_1818 = tpu.vector_load %arg6[%swap3A_1816, %swap3A_1817] {strides = array<i32>} : memref<16x128xi32, #tpu.memory_space<vmem>>, vector<1x16xi32>,
    %swap3A_1819 = vector.shape_cast %swap3A_1818 : vector<1x16xi32> to vector<16xi32>
    %swap3A_1820 = vector.shape_cast %add3A_1814 : vector<16xi32> to vector<1x16xi32>
    tpu.vector_store %arg6[%swap3A_1816, %swap3A_1817], %swap3A_1820 {strides = array<i32>} : memref<16x128xi32, #tpu.memory_space<vmem>>, vector<1x16xi32>,
    %get3A_1821 = arith.constant 1680 : index
    %get3A_1822 = tpu.vector_load %arg5[%get3A_1821] {strides = array<i32>} : memref<2048xi32, #tpu.memory_space<vmem>>, vector<16xi32>,
    %get3A_1823 = vector.shape_cast %get3A_1822 : vector<16xi32> to vector<16xi32>
    %add3A_1824 = arith.constant 1680 : i32
    %add3A_1825 = arith.addi %mul3A_2, %add3A_1824 : i32
    %add3A_1826 = vector.broadcast %add3A_1825 : i32 to vector<16xi32>
    %add3A_1827 = arith.addi %add3A_1826, %iota3A : vector<16xi32>
    %mul3A_1828 = arith.constant 512 : i32
    %mul3A_1829 = vector.broadcast %mul3A_1828 : i32 to vector<16xi32>
    %mul3A_1830 = arith.muli %add3A_1827, %mul3A_1829 : vector<16xi32>
    %add3A_1831 = arith.addi %mul3A_1830, %get3A_1823 : vector<16xi32>
    %swap3A_1832 = arith.constant 13 : i32
    %swap3A_1833 = arith.index_cast %swap3A_1832 : i32 to index
    %swap3A_1834 = arith.constant 16 : index
    %swap3A_1835 = tpu.vector_load %arg6[%swap3A_1833, %swap3A_1834] {strides = array<i32>} : memref<16x128xi32, #tpu.memory_space<vmem>>, vector<1x16xi32>,
    %swap3A_1836 = vector.shape_cast %swap3A_1835 : vector<1x16xi32> to vector<16xi32>
    %swap3A_1837 = vector.shape_cast %add3A_1831 : vector<16xi32> to vector<1x16xi32>
    tpu.vector_store %arg6[%swap3A_1833, %swap3A_1834], %swap3A_1837 {strides = array<i32>} : memref<16x128xi32, #tpu.memory_space<vmem>>, vector<1x16xi32>,
    %get3A_1838 = arith.constant 1696 : index
    %get3A_1839 = tpu.vector_load %arg5[%get3A_1838] {strides = array<i32>} : memref<2048xi32, #tpu.memory_space<vmem>>, vector<16xi32>,
    %get3A_1840 = vector.shape_cast %get3A_1839 : vector<16xi32> to vector<16xi32>
    %add3A_1841 = arith.constant 1696 : i32
    %add3A_1842 = arith.addi %mul3A_2, %add3A_1841 : i32
    %add3A_1843 = vector.broadcast %add3A_1842 : i32 to vector<16xi32>
    %add3A_1844 = arith.addi %add3A_1843, %iota3A : vector<16xi32>
    %mul3A_1845 = arith.constant 512 : i32
    %mul3A_1846 = vector.broadcast %mul3A_1845 : i32 to vector<16xi32>
    %mul3A_1847 = arith.muli %add3A_1844, %mul3A_1846 : vector<16xi32>
    %add3A_1848 = arith.addi %mul3A_1847, %get3A_1840 : vector<16xi32>
    %swap3A_1849 = arith.constant 13 : i32
    %swap3A_1850 = arith.index_cast %swap3A_1849 : i32 to index
    %swap3A_1851 = arith.constant 32 : index
    %swap3A_1852 = tpu.vector_load %arg6[%swap3A_1850, %swap3A_1851] {strides = array<i32>} : memref<16x128xi32, #tpu.memory_space<vmem>>, vector<1x16xi32>,
    %swap3A_1853 = vector.shape_cast %swap3A_1852 : vector<1x16xi32> to vector<16xi32>
    %swap3A_1854 = vector.shape_cast %add3A_1848 : vector<16xi32> to vector<1x16xi32>
    tpu.vector_store %arg6[%swap3A_1850, %swap3A_1851], %swap3A_1854 {strides = array<i32>} : memref<16x128xi32, #tpu.memory_space<vmem>>, vector<1x16xi32>,
    %get3A_1855 = arith.constant 1712 : index
    %get3A_1856 = tpu.vector_load %arg5[%get3A_1855] {strides = array<i32>} : memref<2048xi32, #tpu.memory_space<vmem>>, vector<16xi32>,
    %get3A_1857 = vector.shape_cast %get3A_1856 : vector<16xi32> to vector<16xi32>
    %add3A_1858 = arith.constant 1712 : i32
    %add3A_1859 = arith.addi %mul3A_2, %add3A_1858 : i32
    %add3A_1860 = vector.broadcast %add3A_1859 : i32 to vector<16xi32>
    %add3A_1861 = arith.addi %add3A_1860, %iota3A : vector<16xi32>
    %mul3A_1862 = arith.constant 512 : i32
    %mul3A_1863 = vector.broadcast %mul3A_1862 : i32 to vector<16xi32>
    %mul3A_1864 = arith.muli %add3A_1861, %mul3A_1863 : vector<16xi32>
    %add3A_1865 = arith.addi %mul3A_1864, %get3A_1857 : vector<16xi32>
    %swap3A_1866 = arith.constant 13 : i32
    %swap3A_1867 = arith.index_cast %swap3A_1866 : i32 to index
    %swap3A_1868 = arith.constant 48 : index
    %swap3A_1869 = tpu.vector_load %arg6[%swap3A_1867, %swap3A_1868] {strides = array<i32>} : memref<16x128xi32, #tpu.memory_space<vmem>>, vector<1x16xi32>,
    %swap3A_1870 = vector.shape_cast %swap3A_1869 : vector<1x16xi32> to vector<16xi32>
    %swap3A_1871 = vector.shape_cast %add3A_1865 : vector<16xi32> to vector<1x16xi32>
    tpu.vector_store %arg6[%swap3A_1867, %swap3A_1868], %swap3A_1871 {strides = array<i32>} : memref<16x128xi32, #tpu.memory_space<vmem>>, vector<1x16xi32>,
    %get3A_1872 = arith.constant 1728 : index
    %get3A_1873 = tpu.vector_load %arg5[%get3A_1872] {strides = array<i32>} : memref<2048xi32, #tpu.memory_space<vmem>>, vector<16xi32>,
    %get3A_1874 = vector.shape_cast %get3A_1873 : vector<16xi32> to vector<16xi32>
    %add3A_1875 = arith.constant 1728 : i32
    %add3A_1876 = arith.addi %mul3A_2, %add3A_1875 : i32
    %add3A_1877 = vector.broadcast %add3A_1876 : i32 to vector<16xi32>
    %add3A_1878 = arith.addi %add3A_1877, %iota3A : vector<16xi32>
    %mul3A_1879 = arith.constant 512 : i32
    %mul3A_1880 = vector.broadcast %mul3A_1879 : i32 to vector<16xi32>
    %mul3A_1881 = arith.muli %add3A_1878, %mul3A_1880 : vector<16xi32>
    %add3A_1882 = arith.addi %mul3A_1881, %get3A_1874 : vector<16xi32>
    %swap3A_1883 = arith.constant 13 : i32
    %swap3A_1884 = arith.index_cast %swap3A_1883 : i32 to index
    %swap3A_1885 = arith.constant 64 : index
    %swap3A_1886 = tpu.vector_load %arg6[%swap3A_1884, %swap3A_1885] {strides = array<i32>} : memref<16x128xi32, #tpu.memory_space<vmem>>, vector<1x16xi32>,
    %swap3A_1887 = vector.shape_cast %swap3A_1886 : vector<1x16xi32> to vector<16xi32>
    %swap3A_1888 = vector.shape_cast %add3A_1882 : vector<16xi32> to vector<1x16xi32>
    tpu.vector_store %arg6[%swap3A_1884, %swap3A_1885], %swap3A_1888 {strides = array<i32>} : memref<16x128xi32, #tpu.memory_space<vmem>>, vector<1x16xi32>,
    %get3A_1889 = arith.constant 1744 : index
    %get3A_1890 = tpu.vector_load %arg5[%get3A_1889] {strides = array<i32>} : memref<2048xi32, #tpu.memory_space<vmem>>, vector<16xi32>,
    %get3A_1891 = vector.shape_cast %get3A_1890 : vector<16xi32> to vector<16xi32>
    %add3A_1892 = arith.constant 1744 : i32
    %add3A_1893 = arith.addi %mul3A_2, %add3A_1892 : i32
    %add3A_1894 = vector.broadcast %add3A_1893 : i32 to vector<16xi32>
    %add3A_1895 = arith.addi %add3A_1894, %iota3A : vector<16xi32>
    %mul3A_1896 = arith.constant 512 : i32
    %mul3A_1897 = vector.broadcast %mul3A_1896 : i32 to vector<16xi32>
    %mul3A_1898 = arith.muli %add3A_1895, %mul3A_1897 : vector<16xi32>
    %add3A_1899 = arith.addi %mul3A_1898, %get3A_1891 : vector<16xi32>
    %swap3A_1900 = arith.constant 13 : i32
    %swap3A_1901 = arith.index_cast %swap3A_1900 : i32 to index
    %swap3A_1902 = arith.constant 80 : index
    %swap3A_1903 = tpu.vector_load %arg6[%swap3A_1901, %swap3A_1902] {strides = array<i32>} : memref<16x128xi32, #tpu.memory_space<vmem>>, vector<1x16xi32>,
    %swap3A_1904 = vector.shape_cast %swap3A_1903 : vector<1x16xi32> to vector<16xi32>
    %swap3A_1905 = vector.shape_cast %add3A_1899 : vector<16xi32> to vector<1x16xi32>
    tpu.vector_store %arg6[%swap3A_1901, %swap3A_1902], %swap3A_1905 {strides = array<i32>} : memref<16x128xi32, #tpu.memory_space<vmem>>, vector<1x16xi32>,
    %get3A_1906 = arith.constant 1760 : index
    %get3A_1907 = tpu.vector_load %arg5[%get3A_1906] {strides = array<i32>} : memref<2048xi32, #tpu.memory_space<vmem>>, vector<16xi32>,
    %get3A_1908 = vector.shape_cast %get3A_1907 : vector<16xi32> to vector<16xi32>
    %add3A_1909 = arith.constant 1760 : i32
    %add3A_1910 = arith.addi %mul3A_2, %add3A_1909 : i32
    %add3A_1911 = vector.broadcast %add3A_1910 : i32 to vector<16xi32>
    %add3A_1912 = arith.addi %add3A_1911, %iota3A : vector<16xi32>
    %mul3A_1913 = arith.constant 512 : i32
    %mul3A_1914 = vector.broadcast %mul3A_1913 : i32 to vector<16xi32>
    %mul3A_1915 = arith.muli %add3A_1912, %mul3A_1914 : vector<16xi32>
    %add3A_1916 = arith.addi %mul3A_1915, %get3A_1908 : vector<16xi32>
    %swap3A_1917 = arith.constant 13 : i32
    %swap3A_1918 = arith.index_cast %swap3A_1917 : i32 to index
    %swap3A_1919 = arith.constant 96 : index
    %swap3A_1920 = tpu.vector_load %arg6[%swap3A_1918, %swap3A_1919] {strides = array<i32>} : memref<16x128xi32, #tpu.memory_space<vmem>>, vector<1x16xi32>,
    %swap3A_1921 = vector.shape_cast %swap3A_1920 : vector<1x16xi32> to vector<16xi32>
    %swap3A_1922 = vector.shape_cast %add3A_1916 : vector<16xi32> to vector<1x16xi32>
    tpu.vector_store %arg6[%swap3A_1918, %swap3A_1919], %swap3A_1922 {strides = array<i32>} : memref<16x128xi32, #tpu.memory_space<vmem>>, vector<1x16xi32>,
    %get3A_1923 = arith.constant 1776 : index
    %get3A_1924 = tpu.vector_load %arg5[%get3A_1923] {strides = array<i32>} : memref<2048xi32, #tpu.memory_space<vmem>>, vector<16xi32>,
    %get3A_1925 = vector.shape_cast %get3A_1924 : vector<16xi32> to vector<16xi32>
    %add3A_1926 = arith.constant 1776 : i32
    %add3A_1927 = arith.addi %mul3A_2, %add3A_1926 : i32
    %add3A_1928 = vector.broadcast %add3A_1927 : i32 to vector<16xi32>
    %add3A_1929 = arith.addi %add3A_1928, %iota3A : vector<16xi32>
    %mul3A_1930 = arith.constant 512 : i32
    %mul3A_1931 = vector.broadcast %mul3A_1930 : i32 to vector<16xi32>
    %mul3A_1932 = arith.muli %add3A_1929, %mul3A_1931 : vector<16xi32>
    %add3A_1933 = arith.addi %mul3A_1932, %get3A_1925 : vector<16xi32>
    %swap3A_1934 = arith.constant 13 : i32
    %swap3A_1935 = arith.index_cast %swap3A_1934 : i32 to index
    %swap3A_1936 = arith.constant 112 : index
    %swap3A_1937 = tpu.vector_load %arg6[%swap3A_1935, %swap3A_1936] {strides = array<i32>} : memref<16x128xi32, #tpu.memory_space<vmem>>, vector<1x16xi32>,
    %swap3A_1938 = vector.shape_cast %swap3A_1937 : vector<1x16xi32> to vector<16xi32>
    %swap3A_1939 = vector.shape_cast %add3A_1933 : vector<16xi32> to vector<1x16xi32>
    tpu.vector_store %arg6[%swap3A_1935, %swap3A_1936], %swap3A_1939 {strides = array<i32>} : memref<16x128xi32, #tpu.memory_space<vmem>>, vector<1x16xi32>,
    %get3A_1940 = arith.constant 1792 : index
    %get3A_1941 = tpu.vector_load %arg5[%get3A_1940] {strides = array<i32>} : memref<2048xi32, #tpu.memory_space<vmem>>, vector<16xi32>,
    %get3A_1942 = vector.shape_cast %get3A_1941 : vector<16xi32> to vector<16xi32>
    %add3A_1943 = arith.constant 1792 : i32
    %add3A_1944 = arith.addi %mul3A_2, %add3A_1943 : i32
    %add3A_1945 = vector.broadcast %add3A_1944 : i32 to vector<16xi32>
    %add3A_1946 = arith.addi %add3A_1945, %iota3A : vector<16xi32>
    %mul3A_1947 = arith.constant 512 : i32
    %mul3A_1948 = vector.broadcast %mul3A_1947 : i32 to vector<16xi32>
    %mul3A_1949 = arith.muli %add3A_1946, %mul3A_1948 : vector<16xi32>
    %add3A_1950 = arith.addi %mul3A_1949, %get3A_1942 : vector<16xi32>
    %swap3A_1951 = arith.constant 14 : i32
    %swap3A_1952 = arith.index_cast %swap3A_1951 : i32 to index
    %swap3A_1953 = arith.constant 0 : index
    %swap3A_1954 = tpu.vector_load %arg6[%swap3A_1952, %swap3A_1953] {strides = array<i32>} : memref<16x128xi32, #tpu.memory_space<vmem>>, vector<1x16xi32>,
    %swap3A_1955 = vector.shape_cast %swap3A_1954 : vector<1x16xi32> to vector<16xi32>
    %swap3A_1956 = vector.shape_cast %add3A_1950 : vector<16xi32> to vector<1x16xi32>
    tpu.vector_store %arg6[%swap3A_1952, %swap3A_1953], %swap3A_1956 {strides = array<i32>} : memref<16x128xi32, #tpu.memory_space<vmem>>, vector<1x16xi32>,
    %get3A_1957 = arith.constant 1808 : index
    %get3A_1958 = tpu.vector_load %arg5[%get3A_1957] {strides = array<i32>} : memref<2048xi32, #tpu.memory_space<vmem>>, vector<16xi32>,
    %get3A_1959 = vector.shape_cast %get3A_1958 : vector<16xi32> to vector<16xi32>
    %add3A_1960 = arith.constant 1808 : i32
    %add3A_1961 = arith.addi %mul3A_2, %add3A_1960 : i32
    %add3A_1962 = vector.broadcast %add3A_1961 : i32 to vector<16xi32>
    %add3A_1963 = arith.addi %add3A_1962, %iota3A : vector<16xi32>
    %mul3A_1964 = arith.constant 512 : i32
    %mul3A_1965 = vector.broadcast %mul3A_1964 : i32 to vector<16xi32>
    %mul3A_1966 = arith.muli %add3A_1963, %mul3A_1965 : vector<16xi32>
    %add3A_1967 = arith.addi %mul3A_1966, %get3A_1959 : vector<16xi32>
    %swap3A_1968 = arith.constant 14 : i32
    %swap3A_1969 = arith.index_cast %swap3A_1968 : i32 to index
    %swap3A_1970 = arith.constant 16 : index
    %swap3A_1971 = tpu.vector_load %arg6[%swap3A_1969, %swap3A_1970] {strides = array<i32>} : memref<16x128xi32, #tpu.memory_space<vmem>>, vector<1x16xi32>,
    %swap3A_1972 = vector.shape_cast %swap3A_1971 : vector<1x16xi32> to vector<16xi32>
    %swap3A_1973 = vector.shape_cast %add3A_1967 : vector<16xi32> to vector<1x16xi32>
    tpu.vector_store %arg6[%swap3A_1969, %swap3A_1970], %swap3A_1973 {strides = array<i32>} : memref<16x128xi32, #tpu.memory_space<vmem>>, vector<1x16xi32>,
    %get3A_1974 = arith.constant 1824 : index
    %get3A_1975 = tpu.vector_load %arg5[%get3A_1974] {strides = array<i32>} : memref<2048xi32, #tpu.memory_space<vmem>>, vector<16xi32>,
    %get3A_1976 = vector.shape_cast %get3A_1975 : vector<16xi32> to vector<16xi32>
    %add3A_1977 = arith.constant 1824 : i32
    %add3A_1978 = arith.addi %mul3A_2, %add3A_1977 : i32
    %add3A_1979 = vector.broadcast %add3A_1978 : i32 to vector<16xi32>
    %add3A_1980 = arith.addi %add3A_1979, %iota3A : vector<16xi32>
    %mul3A_1981 = arith.constant 512 : i32
    %mul3A_1982 = vector.broadcast %mul3A_1981 : i32 to vector<16xi32>
    %mul3A_1983 = arith.muli %add3A_1980, %mul3A_1982 : vector<16xi32>
    %add3A_1984 = arith.addi %mul3A_1983, %get3A_1976 : vector<16xi32>
    %swap3A_1985 = arith.constant 14 : i32
    %swap3A_1986 = arith.index_cast %swap3A_1985 : i32 to index
    %swap3A_1987 = arith.constant 32 : index
    %swap3A_1988 = tpu.vector_load %arg6[%swap3A_1986, %swap3A_1987] {strides = array<i32>} : memref<16x128xi32, #tpu.memory_space<vmem>>, vector<1x16xi32>,
    %swap3A_1989 = vector.shape_cast %swap3A_1988 : vector<1x16xi32> to vector<16xi32>
    %swap3A_1990 = vector.shape_cast %add3A_1984 : vector<16xi32> to vector<1x16xi32>
    tpu.vector_store %arg6[%swap3A_1986, %swap3A_1987], %swap3A_1990 {strides = array<i32>} : memref<16x128xi32, #tpu.memory_space<vmem>>, vector<1x16xi32>,
    %get3A_1991 = arith.constant 1840 : index
    %get3A_1992 = tpu.vector_load %arg5[%get3A_1991] {strides = array<i32>} : memref<2048xi32, #tpu.memory_space<vmem>>, vector<16xi32>,
    %get3A_1993 = vector.shape_cast %get3A_1992 : vector<16xi32> to vector<16xi32>
    %add3A_1994 = arith.constant 1840 : i32
    %add3A_1995 = arith.addi %mul3A_2, %add3A_1994 : i32
    %add3A_1996 = vector.broadcast %add3A_1995 : i32 to vector<16xi32>
    %add3A_1997 = arith.addi %add3A_1996, %iota3A : vector<16xi32>
    %mul3A_1998 = arith.constant 512 : i32
    %mul3A_1999 = vector.broadcast %mul3A_1998 : i32 to vector<16xi32>
    %mul3A_2000 = arith.muli %add3A_1997, %mul3A_1999 : vector<16xi32>
    %add3A_2001 = arith.addi %mul3A_2000, %get3A_1993 : vector<16xi32>
    %swap3A_2002 = arith.constant 14 : i32
    %swap3A_2003 = arith.index_cast %swap3A_2002 : i32 to index
    %swap3A_2004 = arith.constant 48 : index
    %swap3A_2005 = tpu.vector_load %arg6[%swap3A_2003, %swap3A_2004] {strides = array<i32>} : memref<16x128xi32, #tpu.memory_space<vmem>>, vector<1x16xi32>,
    %swap3A_2006 = vector.shape_cast %swap3A_2005 : vector<1x16xi32> to vector<16xi32>
    %swap3A_2007 = vector.shape_cast %add3A_2001 : vector<16xi32> to vector<1x16xi32>
    tpu.vector_store %arg6[%swap3A_2003, %swap3A_2004], %swap3A_2007 {strides = array<i32>} : memref<16x128xi32, #tpu.memory_space<vmem>>, vector<1x16xi32>,
    %get3A_2008 = arith.constant 1856 : index
    %get3A_2009 = tpu.vector_load %arg5[%get3A_2008] {strides = array<i32>} : memref<2048xi32, #tpu.memory_space<vmem>>, vector<16xi32>,
    %get3A_2010 = vector.shape_cast %get3A_2009 : vector<16xi32> to vector<16xi32>
    %add3A_2011 = arith.constant 1856 : i32
    %add3A_2012 = arith.addi %mul3A_2, %add3A_2011 : i32
    %add3A_2013 = vector.broadcast %add3A_2012 : i32 to vector<16xi32>
    %add3A_2014 = arith.addi %add3A_2013, %iota3A : vector<16xi32>
    %mul3A_2015 = arith.constant 512 : i32
    %mul3A_2016 = vector.broadcast %mul3A_2015 : i32 to vector<16xi32>
    %mul3A_2017 = arith.muli %add3A_2014, %mul3A_2016 : vector<16xi32>
    %add3A_2018 = arith.addi %mul3A_2017, %get3A_2010 : vector<16xi32>
    %swap3A_2019 = arith.constant 14 : i32
    %swap3A_2020 = arith.index_cast %swap3A_2019 : i32 to index
    %swap3A_2021 = arith.constant 64 : index
    %swap3A_2022 = tpu.vector_load %arg6[%swap3A_2020, %swap3A_2021] {strides = array<i32>} : memref<16x128xi32, #tpu.memory_space<vmem>>, vector<1x16xi32>,
    %swap3A_2023 = vector.shape_cast %swap3A_2022 : vector<1x16xi32> to vector<16xi32>
    %swap3A_2024 = vector.shape_cast %add3A_2018 : vector<16xi32> to vector<1x16xi32>
    tpu.vector_store %arg6[%swap3A_2020, %swap3A_2021], %swap3A_2024 {strides = array<i32>} : memref<16x128xi32, #tpu.memory_space<vmem>>, vector<1x16xi32>,
    %get3A_2025 = arith.constant 1872 : index
    %get3A_2026 = tpu.vector_load %arg5[%get3A_2025] {strides = array<i32>} : memref<2048xi32, #tpu.memory_space<vmem>>, vector<16xi32>,
    %get3A_2027 = vector.shape_cast %get3A_2026 : vector<16xi32> to vector<16xi32>
    %add3A_2028 = arith.constant 1872 : i32
    %add3A_2029 = arith.addi %mul3A_2, %add3A_2028 : i32
    %add3A_2030 = vector.broadcast %add3A_2029 : i32 to vector<16xi32>
    %add3A_2031 = arith.addi %add3A_2030, %iota3A : vector<16xi32>
    %mul3A_2032 = arith.constant 512 : i32
    %mul3A_2033 = vector.broadcast %mul3A_2032 : i32 to vector<16xi32>
    %mul3A_2034 = arith.muli %add3A_2031, %mul3A_2033 : vector<16xi32>
    %add3A_2035 = arith.addi %mul3A_2034, %get3A_2027 : vector<16xi32>
    %swap3A_2036 = arith.constant 14 : i32
    %swap3A_2037 = arith.index_cast %swap3A_2036 : i32 to index
    %swap3A_2038 = arith.constant 80 : index
    %swap3A_2039 = tpu.vector_load %arg6[%swap3A_2037, %swap3A_2038] {strides = array<i32>} : memref<16x128xi32, #tpu.memory_space<vmem>>, vector<1x16xi32>,
    %swap3A_2040 = vector.shape_cast %swap3A_2039 : vector<1x16xi32> to vector<16xi32>
    %swap3A_2041 = vector.shape_cast %add3A_2035 : vector<16xi32> to vector<1x16xi32>
    tpu.vector_store %arg6[%swap3A_2037, %swap3A_2038], %swap3A_2041 {strides = array<i32>} : memref<16x128xi32, #tpu.memory_space<vmem>>, vector<1x16xi32>,
    %get3A_2042 = arith.constant 1888 : index
    %get3A_2043 = tpu.vector_load %arg5[%get3A_2042] {strides = array<i32>} : memref<2048xi32, #tpu.memory_space<vmem>>, vector<16xi32>,
    %get3A_2044 = vector.shape_cast %get3A_2043 : vector<16xi32> to vector<16xi32>
    %add3A_2045 = arith.constant 1888 : i32
    %add3A_2046 = arith.addi %mul3A_2, %add3A_2045 : i32
    %add3A_2047 = vector.broadcast %add3A_2046 : i32 to vector<16xi32>
    %add3A_2048 = arith.addi %add3A_2047, %iota3A : vector<16xi32>
    %mul3A_2049 = arith.constant 512 : i32
    %mul3A_2050 = vector.broadcast %mul3A_2049 : i32 to vector<16xi32>
    %mul3A_2051 = arith.muli %add3A_2048, %mul3A_2050 : vector<16xi32>
    %add3A_2052 = arith.addi %mul3A_2051, %get3A_2044 : vector<16xi32>
    %swap3A_2053 = arith.constant 14 : i32
    %swap3A_2054 = arith.index_cast %swap3A_2053 : i32 to index
    %swap3A_2055 = arith.constant 96 : index
    %swap3A_2056 = tpu.vector_load %arg6[%swap3A_2054, %swap3A_2055] {strides = array<i32>} : memref<16x128xi32, #tpu.memory_space<vmem>>, vector<1x16xi32>,
    %swap3A_2057 = vector.shape_cast %swap3A_2056 : vector<1x16xi32> to vector<16xi32>
    %swap3A_2058 = vector.shape_cast %add3A_2052 : vector<16xi32> to vector<1x16xi32>
    tpu.vector_store %arg6[%swap3A_2054, %swap3A_2055], %swap3A_2058 {strides = array<i32>} : memref<16x128xi32, #tpu.memory_space<vmem>>, vector<1x16xi32>,
    %get3A_2059 = arith.constant 1904 : index
    %get3A_2060 = tpu.vector_load %arg5[%get3A_2059] {strides = array<i32>} : memref<2048xi32, #tpu.memory_space<vmem>>, vector<16xi32>,
    %get3A_2061 = vector.shape_cast %get3A_2060 : vector<16xi32> to vector<16xi32>
    %add3A_2062 = arith.constant 1904 : i32
    %add3A_2063 = arith.addi %mul3A_2, %add3A_2062 : i32
    %add3A_2064 = vector.broadcast %add3A_2063 : i32 to vector<16xi32>
    %add3A_2065 = arith.addi %add3A_2064, %iota3A : vector<16xi32>
    %mul3A_2066 = arith.constant 512 : i32
    %mul3A_2067 = vector.broadcast %mul3A_2066 : i32 to vector<16xi32>
    %mul3A_2068 = arith.muli %add3A_2065, %mul3A_2067 : vector<16xi32>
    %add3A_2069 = arith.addi %mul3A_2068, %get3A_2061 : vector<16xi32>
    %swap3A_2070 = arith.constant 14 : i32
    %swap3A_2071 = arith.index_cast %swap3A_2070 : i32 to index
    %swap3A_2072 = arith.constant 112 : index
    %swap3A_2073 = tpu.vector_load %arg6[%swap3A_2071, %swap3A_2072] {strides = array<i32>} : memref<16x128xi32, #tpu.memory_space<vmem>>, vector<1x16xi32>,
    %swap3A_2074 = vector.shape_cast %swap3A_2073 : vector<1x16xi32> to vector<16xi32>
    %swap3A_2075 = vector.shape_cast %add3A_2069 : vector<16xi32> to vector<1x16xi32>
    tpu.vector_store %arg6[%swap3A_2071, %swap3A_2072], %swap3A_2075 {strides = array<i32>} : memref<16x128xi32, #tpu.memory_space<vmem>>, vector<1x16xi32>,
    %get3A_2076 = arith.constant 1920 : index
    %get3A_2077 = tpu.vector_load %arg5[%get3A_2076] {strides = array<i32>} : memref<2048xi32, #tpu.memory_space<vmem>>, vector<16xi32>,
    %get3A_2078 = vector.shape_cast %get3A_2077 : vector<16xi32> to vector<16xi32>
    %add3A_2079 = arith.constant 1920 : i32
    %add3A_2080 = arith.addi %mul3A_2, %add3A_2079 : i32
    %add3A_2081 = vector.broadcast %add3A_2080 : i32 to vector<16xi32>
    %add3A_2082 = arith.addi %add3A_2081, %iota3A : vector<16xi32>
    %mul3A_2083 = arith.constant 512 : i32
    %mul3A_2084 = vector.broadcast %mul3A_2083 : i32 to vector<16xi32>
    %mul3A_2085 = arith.muli %add3A_2082, %mul3A_2084 : vector<16xi32>
    %add3A_2086 = arith.addi %mul3A_2085, %get3A_2078 : vector<16xi32>
    %swap3A_2087 = arith.constant 15 : i32
    %swap3A_2088 = arith.index_cast %swap3A_2087 : i32 to index
    %swap3A_2089 = arith.constant 0 : index
    %swap3A_2090 = tpu.vector_load %arg6[%swap3A_2088, %swap3A_2089] {strides = array<i32>} : memref<16x128xi32, #tpu.memory_space<vmem>>, vector<1x16xi32>,
    %swap3A_2091 = vector.shape_cast %swap3A_2090 : vector<1x16xi32> to vector<16xi32>
    %swap3A_2092 = vector.shape_cast %add3A_2086 : vector<16xi32> to vector<1x16xi32>
    tpu.vector_store %arg6[%swap3A_2088, %swap3A_2089], %swap3A_2092 {strides = array<i32>} : memref<16x128xi32, #tpu.memory_space<vmem>>, vector<1x16xi32>,
    %get3A_2093 = arith.constant 1936 : index
    %get3A_2094 = tpu.vector_load %arg5[%get3A_2093] {strides = array<i32>} : memref<2048xi32, #tpu.memory_space<vmem>>, vector<16xi32>,
    %get3A_2095 = vector.shape_cast %get3A_2094 : vector<16xi32> to vector<16xi32>
    %add3A_2096 = arith.constant 1936 : i32
    %add3A_2097 = arith.addi %mul3A_2, %add3A_2096 : i32
    %add3A_2098 = vector.broadcast %add3A_2097 : i32 to vector<16xi32>
    %add3A_2099 = arith.addi %add3A_2098, %iota3A : vector<16xi32>
    %mul3A_2100 = arith.constant 512 : i32
    %mul3A_2101 = vector.broadcast %mul3A_2100 : i32 to vector<16xi32>
    %mul3A_2102 = arith.muli %add3A_2099, %mul3A_2101 : vector<16xi32>
    %add3A_2103 = arith.addi %mul3A_2102, %get3A_2095 : vector<16xi32>
    %swap3A_2104 = arith.constant 15 : i32
    %swap3A_2105 = arith.index_cast %swap3A_2104 : i32 to index
    %swap3A_2106 = arith.constant 16 : index
    %swap3A_2107 = tpu.vector_load %arg6[%swap3A_2105, %swap3A_2106] {strides = array<i32>} : memref<16x128xi32, #tpu.memory_space<vmem>>, vector<1x16xi32>,
    %swap3A_2108 = vector.shape_cast %swap3A_2107 : vector<1x16xi32> to vector<16xi32>
    %swap3A_2109 = vector.shape_cast %add3A_2103 : vector<16xi32> to vector<1x16xi32>
    tpu.vector_store %arg6[%swap3A_2105, %swap3A_2106], %swap3A_2109 {strides = array<i32>} : memref<16x128xi32, #tpu.memory_space<vmem>>, vector<1x16xi32>,
    %get3A_2110 = arith.constant 1952 : index
    %get3A_2111 = tpu.vector_load %arg5[%get3A_2110] {strides = array<i32>} : memref<2048xi32, #tpu.memory_space<vmem>>, vector<16xi32>,
    %get3A_2112 = vector.shape_cast %get3A_2111 : vector<16xi32> to vector<16xi32>
    %add3A_2113 = arith.constant 1952 : i32
    %add3A_2114 = arith.addi %mul3A_2, %add3A_2113 : i32
    %add3A_2115 = vector.broadcast %add3A_2114 : i32 to vector<16xi32>
    %add3A_2116 = arith.addi %add3A_2115, %iota3A : vector<16xi32>
    %mul3A_2117 = arith.constant 512 : i32
    %mul3A_2118 = vector.broadcast %mul3A_2117 : i32 to vector<16xi32>
    %mul3A_2119 = arith.muli %add3A_2116, %mul3A_2118 : vector<16xi32>
    %add3A_2120 = arith.addi %mul3A_2119, %get3A_2112 : vector<16xi32>
    %swap3A_2121 = arith.constant 15 : i32
    %swap3A_2122 = arith.index_cast %swap3A_2121 : i32 to index
    %swap3A_2123 = arith.constant 32 : index
    %swap3A_2124 = tpu.vector_load %arg6[%swap3A_2122, %swap3A_2123] {strides = array<i32>} : memref<16x128xi32, #tpu.memory_space<vmem>>, vector<1x16xi32>,
    %swap3A_2125 = vector.shape_cast %swap3A_2124 : vector<1x16xi32> to vector<16xi32>
    %swap3A_2126 = vector.shape_cast %add3A_2120 : vector<16xi32> to vector<1x16xi32>
    tpu.vector_store %arg6[%swap3A_2122, %swap3A_2123], %swap3A_2126 {strides = array<i32>} : memref<16x128xi32, #tpu.memory_space<vmem>>, vector<1x16xi32>,
    %get3A_2127 = arith.constant 1968 : index
    %get3A_2128 = tpu.vector_load %arg5[%get3A_2127] {strides = array<i32>} : memref<2048xi32, #tpu.memory_space<vmem>>, vector<16xi32>,
    %get3A_2129 = vector.shape_cast %get3A_2128 : vector<16xi32> to vector<16xi32>
    %add3A_2130 = arith.constant 1968 : i32
    %add3A_2131 = arith.addi %mul3A_2, %add3A_2130 : i32
    %add3A_2132 = vector.broadcast %add3A_2131 : i32 to vector<16xi32>
    %add3A_2133 = arith.addi %add3A_2132, %iota3A : vector<16xi32>
    %mul3A_2134 = arith.constant 512 : i32
    %mul3A_2135 = vector.broadcast %mul3A_2134 : i32 to vector<16xi32>
    %mul3A_2136 = arith.muli %add3A_2133, %mul3A_2135 : vector<16xi32>
    %add3A_2137 = arith.addi %mul3A_2136, %get3A_2129 : vector<16xi32>
    %swap3A_2138 = arith.constant 15 : i32
    %swap3A_2139 = arith.index_cast %swap3A_2138 : i32 to index
    %swap3A_2140 = arith.constant 48 : index
    %swap3A_2141 = tpu.vector_load %arg6[%swap3A_2139, %swap3A_2140] {strides = array<i32>} : memref<16x128xi32, #tpu.memory_space<vmem>>, vector<1x16xi32>,
    %swap3A_2142 = vector.shape_cast %swap3A_2141 : vector<1x16xi32> to vector<16xi32>
    %swap3A_2143 = vector.shape_cast %add3A_2137 : vector<16xi32> to vector<1x16xi32>
    tpu.vector_store %arg6[%swap3A_2139, %swap3A_2140], %swap3A_2143 {strides = array<i32>} : memref<16x128xi32, #tpu.memory_space<vmem>>, vector<1x16xi32>,
    %get3A_2144 = arith.constant 1984 : index
    %get3A_2145 = tpu.vector_load %arg5[%get3A_2144] {strides = array<i32>} : memref<2048xi32, #tpu.memory_space<vmem>>, vector<16xi32>,
    %get3A_2146 = vector.shape_cast %get3A_2145 : vector<16xi32> to vector<16xi32>
    %add3A_2147 = arith.constant 1984 : i32
    %add3A_2148 = arith.addi %mul3A_2, %add3A_2147 : i32
    %add3A_2149 = vector.broadcast %add3A_2148 : i32 to vector<16xi32>
    %add3A_2150 = arith.addi %add3A_2149, %iota3A : vector<16xi32>
    %mul3A_2151 = arith.constant 512 : i32
    %mul3A_2152 = vector.broadcast %mul3A_2151 : i32 to vector<16xi32>
    %mul3A_2153 = arith.muli %add3A_2150, %mul3A_2152 : vector<16xi32>
    %add3A_2154 = arith.addi %mul3A_2153, %get3A_2146 : vector<16xi32>
    %swap3A_2155 = arith.constant 15 : i32
    %swap3A_2156 = arith.index_cast %swap3A_2155 : i32 to index
    %swap3A_2157 = arith.constant 64 : index
    %swap3A_2158 = tpu.vector_load %arg6[%swap3A_2156, %swap3A_2157] {strides = array<i32>} : memref<16x128xi32, #tpu.memory_space<vmem>>, vector<1x16xi32>,
    %swap3A_2159 = vector.shape_cast %swap3A_2158 : vector<1x16xi32> to vector<16xi32>
    %swap3A_2160 = vector.shape_cast %add3A_2154 : vector<16xi32> to vector<1x16xi32>
    tpu.vector_store %arg6[%swap3A_2156, %swap3A_2157], %swap3A_2160 {strides = array<i32>} : memref<16x128xi32, #tpu.memory_space<vmem>>, vector<1x16xi32>,
    %get3A_2161 = arith.constant 2000 : index
    %get3A_2162 = tpu.vector_load %arg5[%get3A_2161] {strides = array<i32>} : memref<2048xi32, #tpu.memory_space<vmem>>, vector<16xi32>,
    %get3A_2163 = vector.shape_cast %get3A_2162 : vector<16xi32> to vector<16xi32>
    %add3A_2164 = arith.constant 2000 : i32
    %add3A_2165 = arith.addi %mul3A_2, %add3A_2164 : i32
    %add3A_2166 = vector.broadcast %add3A_2165 : i32 to vector<16xi32>
    %add3A_2167 = arith.addi %add3A_2166, %iota3A : vector<16xi32>
    %mul3A_2168 = arith.constant 512 : i32
    %mul3A_2169 = vector.broadcast %mul3A_2168 : i32 to vector<16xi32>
    %mul3A_2170 = arith.muli %add3A_2167, %mul3A_2169 : vector<16xi32>
    %add3A_2171 = arith.addi %mul3A_2170, %get3A_2163 : vector<16xi32>
    %swap3A_2172 = arith.constant 15 : i32
    %swap3A_2173 = arith.index_cast %swap3A_2172 : i32 to index
    %swap3A_2174 = arith.constant 80 : index
    %swap3A_2175 = tpu.vector_load %arg6[%swap3A_2173, %swap3A_2174] {strides = array<i32>} : memref<16x128xi32, #tpu.memory_space<vmem>>, vector<1x16xi32>,
    %swap3A_2176 = vector.shape_cast %swap3A_2175 : vector<1x16xi32> to vector<16xi32>
    %swap3A_2177 = vector.shape_cast %add3A_2171 : vector<16xi32> to vector<1x16xi32>
    tpu.vector_store %arg6[%swap3A_2173, %swap3A_2174], %swap3A_2177 {strides = array<i32>} : memref<16x128xi32, #tpu.memory_space<vmem>>, vector<1x16xi32>,
    %get3A_2178 = arith.constant 2016 : index
    %get3A_2179 = tpu.vector_load %arg5[%get3A_2178] {strides = array<i32>} : memref<2048xi32, #tpu.memory_space<vmem>>, vector<16xi32>,
    %get3A_2180 = vector.shape_cast %get3A_2179 : vector<16xi32> to vector<16xi32>
    %add3A_2181 = arith.constant 2016 : i32
    %add3A_2182 = arith.addi %mul3A_2, %add3A_2181 : i32
    %add3A_2183 = vector.broadcast %add3A_2182 : i32 to vector<16xi32>
    %add3A_2184 = arith.addi %add3A_2183, %iota3A : vector<16xi32>
    %mul3A_2185 = arith.constant 512 : i32
    %mul3A_2186 = vector.broadcast %mul3A_2185 : i32 to vector<16xi32>
    %mul3A_2187 = arith.muli %add3A_2184, %mul3A_2186 : vector<16xi32>
    %add3A_2188 = arith.addi %mul3A_2187, %get3A_2180 : vector<16xi32>
    %swap3A_2189 = arith.constant 15 : i32
    %swap3A_2190 = arith.index_cast %swap3A_2189 : i32 to index
    %swap3A_2191 = arith.constant 96 : index
    %swap3A_2192 = tpu.vector_load %arg6[%swap3A_2190, %swap3A_2191] {strides = array<i32>} : memref<16x128xi32, #tpu.memory_space<vmem>>, vector<1x16xi32>,
    %swap3A_2193 = vector.shape_cast %swap3A_2192 : vector<1x16xi32> to vector<16xi32>
    %swap3A_2194 = vector.shape_cast %add3A_2188 : vector<16xi32> to vector<1x16xi32>
    tpu.vector_store %arg6[%swap3A_2190, %swap3A_2191], %swap3A_2194 {strides = array<i32>} : memref<16x128xi32, #tpu.memory_space<vmem>>, vector<1x16xi32>,
    %get3A_2195 = arith.constant 2032 : index
    %get3A_2196 = tpu.vector_load %arg5[%get3A_2195] {strides = array<i32>} : memref<2048xi32, #tpu.memory_space<vmem>>, vector<16xi32>,
    %get3A_2197 = vector.shape_cast %get3A_2196 : vector<16xi32> to vector<16xi32>
    %add3A_2198 = arith.constant 2032 : i32
    %add3A_2199 = arith.addi %mul3A_2, %add3A_2198 : i32
    %add3A_2200 = vector.broadcast %add3A_2199 : i32 to vector<16xi32>
    %add3A_2201 = arith.addi %add3A_2200, %iota3A : vector<16xi32>
    %mul3A_2202 = arith.constant 512 : i32
    %mul3A_2203 = vector.broadcast %mul3A_2202 : i32 to vector<16xi32>
    %mul3A_2204 = arith.muli %add3A_2201, %mul3A_2203 : vector<16xi32>
    %add3A_2205 = arith.addi %mul3A_2204, %get3A_2197 : vector<16xi32>
    %swap3A_2206 = arith.constant 15 : i32
    %swap3A_2207 = arith.index_cast %swap3A_2206 : i32 to index
    %swap3A_2208 = arith.constant 112 : index
    %swap3A_2209 = tpu.vector_load %arg6[%swap3A_2207, %swap3A_2208] {strides = array<i32>} : memref<16x128xi32, #tpu.memory_space<vmem>>, vector<1x16xi32>,
    %swap3A_2210 = vector.shape_cast %swap3A_2209 : vector<1x16xi32> to vector<16xi32>
    %swap3A_2211 = vector.shape_cast %add3A_2205 : vector<16xi32> to vector<1x16xi32>
    tpu.vector_store %arg6[%swap3A_2207, %swap3A_2208], %swap3A_2211 {strides = array<i32>} : memref<16x128xi32, #tpu.memory_space<vmem>>, vector<1x16xi32>,
    %run_scoped3A = arith.constant 0 : i32
    "tpu.region"() ({
      %run_scoped3A_2227 = tpu.sem_alloc : memref<!tpu.dma_semaphore, #tpu.memory_space<semaphore_mem>>
      %dma_start3A = arith.constant 0 : i32
      %dma_start3A_2228 = tpu.memref_slice %arg6[%run_scoped3A, %dma_start3A] : memref<16x128xi32, #tpu.memory_space<vmem>> -> memref<1x128xi32, #tpu.memory_space<vmem>>
      %dma_start3A_2229 = tpu.memref_squeeze %dma_start3A_2228 : memref<1x128xi32, #tpu.memory_space<vmem>> -> memref<128xi32, #tpu.memory_space<vmem>>
      %dma_start3A_2230 = arith.constant 0 : i32
      %dma_start3A_2231 = tpu.memref_slice %arg3[%dma_start3A_2230] : memref<33554432xf32, #tpu.memory_space<hbm>> -> memref<33554432xf32, #tpu.memory_space<hbm>>
      tpu.enqueue_indirect_dma source(%arg7 : memref<128xf32, #tpu.memory_space<vmem>>) target(%dma_start3A_2231 : memref<33554432xf32, #tpu.memory_space<hbm>>) offsets(%dma_start3A_2229 : memref<128xi32, #tpu.memory_space<vmem>>) semaphore(%run_scoped3A_2227 : memref<!tpu.dma_semaphore, #tpu.memory_space<semaphore_mem>>)
      %dma_wait3A = arith.constant 0 : i32
      %dma_wait3A_2232 = tpu.memref_slice %arg6[%run_scoped3A, %dma_wait3A] : memref<16x128xi32, #tpu.memory_space<vmem>> -> memref<1x128xi32, #tpu.memory_space<vmem>>
      %dma_wait3A_2233 = tpu.memref_squeeze %dma_wait3A_2232 : memref<1x128xi32, #tpu.memory_space<vmem>> -> memref<128xi32, #tpu.memory_space<vmem>>
      %dma_wait3A_2234 = arith.constant 0 : i32
      %dma_wait3A_2235 = tpu.memref_slice %arg3[%dma_wait3A_2234] : memref<33554432xf32, #tpu.memory_space<hbm>> -> memref<33554432xf32, #tpu.memory_space<hbm>>
      tpu.wait_indirect_dma semaphore(%run_scoped3A_2227 : memref<!tpu.dma_semaphore, #tpu.memory_space<semaphore_mem>>) src(%arg7 : memref<128xf32, #tpu.memory_space<vmem>>) dst(%dma_wait3A_2235 : memref<33554432xf32, #tpu.memory_space<hbm>>)
      tpu.yield
    }) : () -> ()
    %run_scoped3A_2212 = arith.constant 1 : i32
    "tpu.region"() ({
      %run_scoped3A_2227 = tpu.sem_alloc : memref<!tpu.dma_semaphore, #tpu.memory_space<semaphore_mem>>
      %dma_start3A = arith.constant 0 : i32
      %dma_start3A_2228 = tpu.memref_slice %arg6[%run_scoped3A_2212, %dma_start3A] : memref<16x128xi32, #tpu.memory_space<vmem>> -> memref<1x128xi32, #tpu.memory_space<vmem>>
      %dma_start3A_2229 = tpu.memref_squeeze %dma_start3A_2228 : memref<1x128xi32, #tpu.memory_space<vmem>> -> memref<128xi32, #tpu.memory_space<vmem>>
      %dma_start3A_2230 = arith.constant 0 : i32
      %dma_start3A_2231 = tpu.memref_slice %arg3[%dma_start3A_2230] : memref<33554432xf32, #tpu.memory_space<hbm>> -> memref<33554432xf32, #tpu.memory_space<hbm>>
      tpu.enqueue_indirect_dma source(%arg7 : memref<128xf32, #tpu.memory_space<vmem>>) target(%dma_start3A_2231 : memref<33554432xf32, #tpu.memory_space<hbm>>) offsets(%dma_start3A_2229 : memref<128xi32, #tpu.memory_space<vmem>>) semaphore(%run_scoped3A_2227 : memref<!tpu.dma_semaphore, #tpu.memory_space<semaphore_mem>>)
      %dma_wait3A = arith.constant 0 : i32
      %dma_wait3A_2232 = tpu.memref_slice %arg6[%run_scoped3A_2212, %dma_wait3A] : memref<16x128xi32, #tpu.memory_space<vmem>> -> memref<1x128xi32, #tpu.memory_space<vmem>>
      %dma_wait3A_2233 = tpu.memref_squeeze %dma_wait3A_2232 : memref<1x128xi32, #tpu.memory_space<vmem>> -> memref<128xi32, #tpu.memory_space<vmem>>
      %dma_wait3A_2234 = arith.constant 0 : i32
      %dma_wait3A_2235 = tpu.memref_slice %arg3[%dma_wait3A_2234] : memref<33554432xf32, #tpu.memory_space<hbm>> -> memref<33554432xf32, #tpu.memory_space<hbm>>
      tpu.wait_indirect_dma semaphore(%run_scoped3A_2227 : memref<!tpu.dma_semaphore, #tpu.memory_space<semaphore_mem>>) src(%arg7 : memref<128xf32, #tpu.memory_space<vmem>>) dst(%dma_wait3A_2235 : memref<33554432xf32, #tpu.memory_space<hbm>>)
      tpu.yield
    }) : () -> ()
    %run_scoped3A_2213 = arith.constant 2 : i32
    "tpu.region"() ({
      %run_scoped3A_2227 = tpu.sem_alloc : memref<!tpu.dma_semaphore, #tpu.memory_space<semaphore_mem>>
      %dma_start3A = arith.constant 0 : i32
      %dma_start3A_2228 = tpu.memref_slice %arg6[%run_scoped3A_2213, %dma_start3A] : memref<16x128xi32, #tpu.memory_space<vmem>> -> memref<1x128xi32, #tpu.memory_space<vmem>>
      %dma_start3A_2229 = tpu.memref_squeeze %dma_start3A_2228 : memref<1x128xi32, #tpu.memory_space<vmem>> -> memref<128xi32, #tpu.memory_space<vmem>>
      %dma_start3A_2230 = arith.constant 0 : i32
      %dma_start3A_2231 = tpu.memref_slice %arg3[%dma_start3A_2230] : memref<33554432xf32, #tpu.memory_space<hbm>> -> memref<33554432xf32, #tpu.memory_space<hbm>>
      tpu.enqueue_indirect_dma source(%arg7 : memref<128xf32, #tpu.memory_space<vmem>>) target(%dma_start3A_2231 : memref<33554432xf32, #tpu.memory_space<hbm>>) offsets(%dma_start3A_2229 : memref<128xi32, #tpu.memory_space<vmem>>) semaphore(%run_scoped3A_2227 : memref<!tpu.dma_semaphore, #tpu.memory_space<semaphore_mem>>)
      %dma_wait3A = arith.constant 0 : i32
      %dma_wait3A_2232 = tpu.memref_slice %arg6[%run_scoped3A_2213, %dma_wait3A] : memref<16x128xi32, #tpu.memory_space<vmem>> -> memref<1x128xi32, #tpu.memory_space<vmem>>
      %dma_wait3A_2233 = tpu.memref_squeeze %dma_wait3A_2232 : memref<1x128xi32, #tpu.memory_space<vmem>> -> memref<128xi32, #tpu.memory_space<vmem>>
      %dma_wait3A_2234 = arith.constant 0 : i32
      %dma_wait3A_2235 = tpu.memref_slice %arg3[%dma_wait3A_2234] : memref<33554432xf32, #tpu.memory_space<hbm>> -> memref<33554432xf32, #tpu.memory_space<hbm>>
      tpu.wait_indirect_dma semaphore(%run_scoped3A_2227 : memref<!tpu.dma_semaphore, #tpu.memory_space<semaphore_mem>>) src(%arg7 : memref<128xf32, #tpu.memory_space<vmem>>) dst(%dma_wait3A_2235 : memref<33554432xf32, #tpu.memory_space<hbm>>)
      tpu.yield
    }) : () -> ()
    %run_scoped3A_2214 = arith.constant 3 : i32
    "tpu.region"() ({
      %run_scoped3A_2227 = tpu.sem_alloc : memref<!tpu.dma_semaphore, #tpu.memory_space<semaphore_mem>>
      %dma_start3A = arith.constant 0 : i32
      %dma_start3A_2228 = tpu.memref_slice %arg6[%run_scoped3A_2214, %dma_start3A] : memref<16x128xi32, #tpu.memory_space<vmem>> -> memref<1x128xi32, #tpu.memory_space<vmem>>
      %dma_start3A_2229 = tpu.memref_squeeze %dma_start3A_2228 : memref<1x128xi32, #tpu.memory_space<vmem>> -> memref<128xi32, #tpu.memory_space<vmem>>
      %dma_start3A_2230 = arith.constant 0 : i32
      %dma_start3A_2231 = tpu.memref_slice %arg3[%dma_start3A_2230] : memref<33554432xf32, #tpu.memory_space<hbm>> -> memref<33554432xf32, #tpu.memory_space<hbm>>
      tpu.enqueue_indirect_dma source(%arg7 : memref<128xf32, #tpu.memory_space<vmem>>) target(%dma_start3A_2231 : memref<33554432xf32, #tpu.memory_space<hbm>>) offsets(%dma_start3A_2229 : memref<128xi32, #tpu.memory_space<vmem>>) semaphore(%run_scoped3A_2227 : memref<!tpu.dma_semaphore, #tpu.memory_space<semaphore_mem>>)
      %dma_wait3A = arith.constant 0 : i32
      %dma_wait3A_2232 = tpu.memref_slice %arg6[%run_scoped3A_2214, %dma_wait3A] : memref<16x128xi32, #tpu.memory_space<vmem>> -> memref<1x128xi32, #tpu.memory_space<vmem>>
      %dma_wait3A_2233 = tpu.memref_squeeze %dma_wait3A_2232 : memref<1x128xi32, #tpu.memory_space<vmem>> -> memref<128xi32, #tpu.memory_space<vmem>>
      %dma_wait3A_2234 = arith.constant 0 : i32
      %dma_wait3A_2235 = tpu.memref_slice %arg3[%dma_wait3A_2234] : memref<33554432xf32, #tpu.memory_space<hbm>> -> memref<33554432xf32, #tpu.memory_space<hbm>>
      tpu.wait_indirect_dma semaphore(%run_scoped3A_2227 : memref<!tpu.dma_semaphore, #tpu.memory_space<semaphore_mem>>) src(%arg7 : memref<128xf32, #tpu.memory_space<vmem>>) dst(%dma_wait3A_2235 : memref<33554432xf32, #tpu.memory_space<hbm>>)
      tpu.yield
    }) : () -> ()
    %run_scoped3A_2215 = arith.constant 4 : i32
    "tpu.region"() ({
      %run_scoped3A_2227 = tpu.sem_alloc : memref<!tpu.dma_semaphore, #tpu.memory_space<semaphore_mem>>
      %dma_start3A = arith.constant 0 : i32
      %dma_start3A_2228 = tpu.memref_slice %arg6[%run_scoped3A_2215, %dma_start3A] : memref<16x128xi32, #tpu.memory_space<vmem>> -> memref<1x128xi32, #tpu.memory_space<vmem>>
      %dma_start3A_2229 = tpu.memref_squeeze %dma_start3A_2228 : memref<1x128xi32, #tpu.memory_space<vmem>> -> memref<128xi32, #tpu.memory_space<vmem>>
      %dma_start3A_2230 = arith.constant 0 : i32
      %dma_start3A_2231 = tpu.memref_slice %arg3[%dma_start3A_2230] : memref<33554432xf32, #tpu.memory_space<hbm>> -> memref<33554432xf32, #tpu.memory_space<hbm>>
      tpu.enqueue_indirect_dma source(%arg7 : memref<128xf32, #tpu.memory_space<vmem>>) target(%dma_start3A_2231 : memref<33554432xf32, #tpu.memory_space<hbm>>) offsets(%dma_start3A_2229 : memref<128xi32, #tpu.memory_space<vmem>>) semaphore(%run_scoped3A_2227 : memref<!tpu.dma_semaphore, #tpu.memory_space<semaphore_mem>>)
      %dma_wait3A = arith.constant 0 : i32
      %dma_wait3A_2232 = tpu.memref_slice %arg6[%run_scoped3A_2215, %dma_wait3A] : memref<16x128xi32, #tpu.memory_space<vmem>> -> memref<1x128xi32, #tpu.memory_space<vmem>>
      %dma_wait3A_2233 = tpu.memref_squeeze %dma_wait3A_2232 : memref<1x128xi32, #tpu.memory_space<vmem>> -> memref<128xi32, #tpu.memory_space<vmem>>
      %dma_wait3A_2234 = arith.constant 0 : i32
      %dma_wait3A_2235 = tpu.memref_slice %arg3[%dma_wait3A_2234] : memref<33554432xf32, #tpu.memory_space<hbm>> -> memref<33554432xf32, #tpu.memory_space<hbm>>
      tpu.wait_indirect_dma semaphore(%run_scoped3A_2227 : memref<!tpu.dma_semaphore, #tpu.memory_space<semaphore_mem>>) src(%arg7 : memref<128xf32, #tpu.memory_space<vmem>>) dst(%dma_wait3A_2235 : memref<33554432xf32, #tpu.memory_space<hbm>>)
      tpu.yield
    }) : () -> ()
    %run_scoped3A_2216 = arith.constant 5 : i32
    "tpu.region"() ({
      %run_scoped3A_2227 = tpu.sem_alloc : memref<!tpu.dma_semaphore, #tpu.memory_space<semaphore_mem>>
      %dma_start3A = arith.constant 0 : i32
      %dma_start3A_2228 = tpu.memref_slice %arg6[%run_scoped3A_2216, %dma_start3A] : memref<16x128xi32, #tpu.memory_space<vmem>> -> memref<1x128xi32, #tpu.memory_space<vmem>>
      %dma_start3A_2229 = tpu.memref_squeeze %dma_start3A_2228 : memref<1x128xi32, #tpu.memory_space<vmem>> -> memref<128xi32, #tpu.memory_space<vmem>>
      %dma_start3A_2230 = arith.constant 0 : i32
      %dma_start3A_2231 = tpu.memref_slice %arg3[%dma_start3A_2230] : memref<33554432xf32, #tpu.memory_space<hbm>> -> memref<33554432xf32, #tpu.memory_space<hbm>>
      tpu.enqueue_indirect_dma source(%arg7 : memref<128xf32, #tpu.memory_space<vmem>>) target(%dma_start3A_2231 : memref<33554432xf32, #tpu.memory_space<hbm>>) offsets(%dma_start3A_2229 : memref<128xi32, #tpu.memory_space<vmem>>) semaphore(%run_scoped3A_2227 : memref<!tpu.dma_semaphore, #tpu.memory_space<semaphore_mem>>)
      %dma_wait3A = arith.constant 0 : i32
      %dma_wait3A_2232 = tpu.memref_slice %arg6[%run_scoped3A_2216, %dma_wait3A] : memref<16x128xi32, #tpu.memory_space<vmem>> -> memref<1x128xi32, #tpu.memory_space<vmem>>
      %dma_wait3A_2233 = tpu.memref_squeeze %dma_wait3A_2232 : memref<1x128xi32, #tpu.memory_space<vmem>> -> memref<128xi32, #tpu.memory_space<vmem>>
      %dma_wait3A_2234 = arith.constant 0 : i32
      %dma_wait3A_2235 = tpu.memref_slice %arg3[%dma_wait3A_2234] : memref<33554432xf32, #tpu.memory_space<hbm>> -> memref<33554432xf32, #tpu.memory_space<hbm>>
      tpu.wait_indirect_dma semaphore(%run_scoped3A_2227 : memref<!tpu.dma_semaphore, #tpu.memory_space<semaphore_mem>>) src(%arg7 : memref<128xf32, #tpu.memory_space<vmem>>) dst(%dma_wait3A_2235 : memref<33554432xf32, #tpu.memory_space<hbm>>)
      tpu.yield
    }) : () -> ()
    %run_scoped3A_2217 = arith.constant 6 : i32
    "tpu.region"() ({
      %run_scoped3A_2227 = tpu.sem_alloc : memref<!tpu.dma_semaphore, #tpu.memory_space<semaphore_mem>>
      %dma_start3A = arith.constant 0 : i32
      %dma_start3A_2228 = tpu.memref_slice %arg6[%run_scoped3A_2217, %dma_start3A] : memref<16x128xi32, #tpu.memory_space<vmem>> -> memref<1x128xi32, #tpu.memory_space<vmem>>
      %dma_start3A_2229 = tpu.memref_squeeze %dma_start3A_2228 : memref<1x128xi32, #tpu.memory_space<vmem>> -> memref<128xi32, #tpu.memory_space<vmem>>
      %dma_start3A_2230 = arith.constant 0 : i32
      %dma_start3A_2231 = tpu.memref_slice %arg3[%dma_start3A_2230] : memref<33554432xf32, #tpu.memory_space<hbm>> -> memref<33554432xf32, #tpu.memory_space<hbm>>
      tpu.enqueue_indirect_dma source(%arg7 : memref<128xf32, #tpu.memory_space<vmem>>) target(%dma_start3A_2231 : memref<33554432xf32, #tpu.memory_space<hbm>>) offsets(%dma_start3A_2229 : memref<128xi32, #tpu.memory_space<vmem>>) semaphore(%run_scoped3A_2227 : memref<!tpu.dma_semaphore, #tpu.memory_space<semaphore_mem>>)
      %dma_wait3A = arith.constant 0 : i32
      %dma_wait3A_2232 = tpu.memref_slice %arg6[%run_scoped3A_2217, %dma_wait3A] : memref<16x128xi32, #tpu.memory_space<vmem>> -> memref<1x128xi32, #tpu.memory_space<vmem>>
      %dma_wait3A_2233 = tpu.memref_squeeze %dma_wait3A_2232 : memref<1x128xi32, #tpu.memory_space<vmem>> -> memref<128xi32, #tpu.memory_space<vmem>>
      %dma_wait3A_2234 = arith.constant 0 : i32
      %dma_wait3A_2235 = tpu.memref_slice %arg3[%dma_wait3A_2234] : memref<33554432xf32, #tpu.memory_space<hbm>> -> memref<33554432xf32, #tpu.memory_space<hbm>>
      tpu.wait_indirect_dma semaphore(%run_scoped3A_2227 : memref<!tpu.dma_semaphore, #tpu.memory_space<semaphore_mem>>) src(%arg7 : memref<128xf32, #tpu.memory_space<vmem>>) dst(%dma_wait3A_2235 : memref<33554432xf32, #tpu.memory_space<hbm>>)
      tpu.yield
    }) : () -> ()
    %run_scoped3A_2218 = arith.constant 7 : i32
    "tpu.region"() ({
      %run_scoped3A_2227 = tpu.sem_alloc : memref<!tpu.dma_semaphore, #tpu.memory_space<semaphore_mem>>
      %dma_start3A = arith.constant 0 : i32
      %dma_start3A_2228 = tpu.memref_slice %arg6[%run_scoped3A_2218, %dma_start3A] : memref<16x128xi32, #tpu.memory_space<vmem>> -> memref<1x128xi32, #tpu.memory_space<vmem>>
      %dma_start3A_2229 = tpu.memref_squeeze %dma_start3A_2228 : memref<1x128xi32, #tpu.memory_space<vmem>> -> memref<128xi32, #tpu.memory_space<vmem>>
      %dma_start3A_2230 = arith.constant 0 : i32
      %dma_start3A_2231 = tpu.memref_slice %arg3[%dma_start3A_2230] : memref<33554432xf32, #tpu.memory_space<hbm>> -> memref<33554432xf32, #tpu.memory_space<hbm>>
      tpu.enqueue_indirect_dma source(%arg7 : memref<128xf32, #tpu.memory_space<vmem>>) target(%dma_start3A_2231 : memref<33554432xf32, #tpu.memory_space<hbm>>) offsets(%dma_start3A_2229 : memref<128xi32, #tpu.memory_space<vmem>>) semaphore(%run_scoped3A_2227 : memref<!tpu.dma_semaphore, #tpu.memory_space<semaphore_mem>>)
      %dma_wait3A = arith.constant 0 : i32
      %dma_wait3A_2232 = tpu.memref_slice %arg6[%run_scoped3A_2218, %dma_wait3A] : memref<16x128xi32, #tpu.memory_space<vmem>> -> memref<1x128xi32, #tpu.memory_space<vmem>>
      %dma_wait3A_2233 = tpu.memref_squeeze %dma_wait3A_2232 : memref<1x128xi32, #tpu.memory_space<vmem>> -> memref<128xi32, #tpu.memory_space<vmem>>
      %dma_wait3A_2234 = arith.constant 0 : i32
      %dma_wait3A_2235 = tpu.memref_slice %arg3[%dma_wait3A_2234] : memref<33554432xf32, #tpu.memory_space<hbm>> -> memref<33554432xf32, #tpu.memory_space<hbm>>
      tpu.wait_indirect_dma semaphore(%run_scoped3A_2227 : memref<!tpu.dma_semaphore, #tpu.memory_space<semaphore_mem>>) src(%arg7 : memref<128xf32, #tpu.memory_space<vmem>>) dst(%dma_wait3A_2235 : memref<33554432xf32, #tpu.memory_space<hbm>>)
      tpu.yield
    }) : () -> ()
    %run_scoped3A_2219 = arith.constant 8 : i32
    "tpu.region"() ({
      %run_scoped3A_2227 = tpu.sem_alloc : memref<!tpu.dma_semaphore, #tpu.memory_space<semaphore_mem>>
      %dma_start3A = arith.constant 0 : i32
      %dma_start3A_2228 = tpu.memref_slice %arg6[%run_scoped3A_2219, %dma_start3A] : memref<16x128xi32, #tpu.memory_space<vmem>> -> memref<1x128xi32, #tpu.memory_space<vmem>>
      %dma_start3A_2229 = tpu.memref_squeeze %dma_start3A_2228 : memref<1x128xi32, #tpu.memory_space<vmem>> -> memref<128xi32, #tpu.memory_space<vmem>>
      %dma_start3A_2230 = arith.constant 0 : i32
      %dma_start3A_2231 = tpu.memref_slice %arg3[%dma_start3A_2230] : memref<33554432xf32, #tpu.memory_space<hbm>> -> memref<33554432xf32, #tpu.memory_space<hbm>>
      tpu.enqueue_indirect_dma source(%arg7 : memref<128xf32, #tpu.memory_space<vmem>>) target(%dma_start3A_2231 : memref<33554432xf32, #tpu.memory_space<hbm>>) offsets(%dma_start3A_2229 : memref<128xi32, #tpu.memory_space<vmem>>) semaphore(%run_scoped3A_2227 : memref<!tpu.dma_semaphore, #tpu.memory_space<semaphore_mem>>)
      %dma_wait3A = arith.constant 0 : i32
      %dma_wait3A_2232 = tpu.memref_slice %arg6[%run_scoped3A_2219, %dma_wait3A] : memref<16x128xi32, #tpu.memory_space<vmem>> -> memref<1x128xi32, #tpu.memory_space<vmem>>
      %dma_wait3A_2233 = tpu.memref_squeeze %dma_wait3A_2232 : memref<1x128xi32, #tpu.memory_space<vmem>> -> memref<128xi32, #tpu.memory_space<vmem>>
      %dma_wait3A_2234 = arith.constant 0 : i32
      %dma_wait3A_2235 = tpu.memref_slice %arg3[%dma_wait3A_2234] : memref<33554432xf32, #tpu.memory_space<hbm>> -> memref<33554432xf32, #tpu.memory_space<hbm>>
      tpu.wait_indirect_dma semaphore(%run_scoped3A_2227 : memref<!tpu.dma_semaphore, #tpu.memory_space<semaphore_mem>>) src(%arg7 : memref<128xf32, #tpu.memory_space<vmem>>) dst(%dma_wait3A_2235 : memref<33554432xf32, #tpu.memory_space<hbm>>)
      tpu.yield
    }) : () -> ()
    %run_scoped3A_2220 = arith.constant 9 : i32
    "tpu.region"() ({
      %run_scoped3A_2227 = tpu.sem_alloc : memref<!tpu.dma_semaphore, #tpu.memory_space<semaphore_mem>>
      %dma_start3A = arith.constant 0 : i32
      %dma_start3A_2228 = tpu.memref_slice %arg6[%run_scoped3A_2220, %dma_start3A] : memref<16x128xi32, #tpu.memory_space<vmem>> -> memref<1x128xi32, #tpu.memory_space<vmem>>
      %dma_start3A_2229 = tpu.memref_squeeze %dma_start3A_2228 : memref<1x128xi32, #tpu.memory_space<vmem>> -> memref<128xi32, #tpu.memory_space<vmem>>
      %dma_start3A_2230 = arith.constant 0 : i32
      %dma_start3A_2231 = tpu.memref_slice %arg3[%dma_start3A_2230] : memref<33554432xf32, #tpu.memory_space<hbm>> -> memref<33554432xf32, #tpu.memory_space<hbm>>
      tpu.enqueue_indirect_dma source(%arg7 : memref<128xf32, #tpu.memory_space<vmem>>) target(%dma_start3A_2231 : memref<33554432xf32, #tpu.memory_space<hbm>>) offsets(%dma_start3A_2229 : memref<128xi32, #tpu.memory_space<vmem>>) semaphore(%run_scoped3A_2227 : memref<!tpu.dma_semaphore, #tpu.memory_space<semaphore_mem>>)
      %dma_wait3A = arith.constant 0 : i32
      %dma_wait3A_2232 = tpu.memref_slice %arg6[%run_scoped3A_2220, %dma_wait3A] : memref<16x128xi32, #tpu.memory_space<vmem>> -> memref<1x128xi32, #tpu.memory_space<vmem>>
      %dma_wait3A_2233 = tpu.memref_squeeze %dma_wait3A_2232 : memref<1x128xi32, #tpu.memory_space<vmem>> -> memref<128xi32, #tpu.memory_space<vmem>>
      %dma_wait3A_2234 = arith.constant 0 : i32
      %dma_wait3A_2235 = tpu.memref_slice %arg3[%dma_wait3A_2234] : memref<33554432xf32, #tpu.memory_space<hbm>> -> memref<33554432xf32, #tpu.memory_space<hbm>>
      tpu.wait_indirect_dma semaphore(%run_scoped3A_2227 : memref<!tpu.dma_semaphore, #tpu.memory_space<semaphore_mem>>) src(%arg7 : memref<128xf32, #tpu.memory_space<vmem>>) dst(%dma_wait3A_2235 : memref<33554432xf32, #tpu.memory_space<hbm>>)
      tpu.yield
    }) : () -> ()
    %run_scoped3A_2221 = arith.constant 10 : i32
    "tpu.region"() ({
      %run_scoped3A_2227 = tpu.sem_alloc : memref<!tpu.dma_semaphore, #tpu.memory_space<semaphore_mem>>
      %dma_start3A = arith.constant 0 : i32
      %dma_start3A_2228 = tpu.memref_slice %arg6[%run_scoped3A_2221, %dma_start3A] : memref<16x128xi32, #tpu.memory_space<vmem>> -> memref<1x128xi32, #tpu.memory_space<vmem>>
      %dma_start3A_2229 = tpu.memref_squeeze %dma_start3A_2228 : memref<1x128xi32, #tpu.memory_space<vmem>> -> memref<128xi32, #tpu.memory_space<vmem>>
      %dma_start3A_2230 = arith.constant 0 : i32
      %dma_start3A_2231 = tpu.memref_slice %arg3[%dma_start3A_2230] : memref<33554432xf32, #tpu.memory_space<hbm>> -> memref<33554432xf32, #tpu.memory_space<hbm>>
      tpu.enqueue_indirect_dma source(%arg7 : memref<128xf32, #tpu.memory_space<vmem>>) target(%dma_start3A_2231 : memref<33554432xf32, #tpu.memory_space<hbm>>) offsets(%dma_start3A_2229 : memref<128xi32, #tpu.memory_space<vmem>>) semaphore(%run_scoped3A_2227 : memref<!tpu.dma_semaphore, #tpu.memory_space<semaphore_mem>>)
      %dma_wait3A = arith.constant 0 : i32
      %dma_wait3A_2232 = tpu.memref_slice %arg6[%run_scoped3A_2221, %dma_wait3A] : memref<16x128xi32, #tpu.memory_space<vmem>> -> memref<1x128xi32, #tpu.memory_space<vmem>>
      %dma_wait3A_2233 = tpu.memref_squeeze %dma_wait3A_2232 : memref<1x128xi32, #tpu.memory_space<vmem>> -> memref<128xi32, #tpu.memory_space<vmem>>
      %dma_wait3A_2234 = arith.constant 0 : i32
      %dma_wait3A_2235 = tpu.memref_slice %arg3[%dma_wait3A_2234] : memref<33554432xf32, #tpu.memory_space<hbm>> -> memref<33554432xf32, #tpu.memory_space<hbm>>
      tpu.wait_indirect_dma semaphore(%run_scoped3A_2227 : memref<!tpu.dma_semaphore, #tpu.memory_space<semaphore_mem>>) src(%arg7 : memref<128xf32, #tpu.memory_space<vmem>>) dst(%dma_wait3A_2235 : memref<33554432xf32, #tpu.memory_space<hbm>>)
      tpu.yield
    }) : () -> ()
    %run_scoped3A_2222 = arith.constant 11 : i32
    "tpu.region"() ({
      %run_scoped3A_2227 = tpu.sem_alloc : memref<!tpu.dma_semaphore, #tpu.memory_space<semaphore_mem>>
      %dma_start3A = arith.constant 0 : i32
      %dma_start3A_2228 = tpu.memref_slice %arg6[%run_scoped3A_2222, %dma_start3A] : memref<16x128xi32, #tpu.memory_space<vmem>> -> memref<1x128xi32, #tpu.memory_space<vmem>>
      %dma_start3A_2229 = tpu.memref_squeeze %dma_start3A_2228 : memref<1x128xi32, #tpu.memory_space<vmem>> -> memref<128xi32, #tpu.memory_space<vmem>>
      %dma_start3A_2230 = arith.constant 0 : i32
      %dma_start3A_2231 = tpu.memref_slice %arg3[%dma_start3A_2230] : memref<33554432xf32, #tpu.memory_space<hbm>> -> memref<33554432xf32, #tpu.memory_space<hbm>>
      tpu.enqueue_indirect_dma source(%arg7 : memref<128xf32, #tpu.memory_space<vmem>>) target(%dma_start3A_2231 : memref<33554432xf32, #tpu.memory_space<hbm>>) offsets(%dma_start3A_2229 : memref<128xi32, #tpu.memory_space<vmem>>) semaphore(%run_scoped3A_2227 : memref<!tpu.dma_semaphore, #tpu.memory_space<semaphore_mem>>)
      %dma_wait3A = arith.constant 0 : i32
      %dma_wait3A_2232 = tpu.memref_slice %arg6[%run_scoped3A_2222, %dma_wait3A] : memref<16x128xi32, #tpu.memory_space<vmem>> -> memref<1x128xi32, #tpu.memory_space<vmem>>
      %dma_wait3A_2233 = tpu.memref_squeeze %dma_wait3A_2232 : memref<1x128xi32, #tpu.memory_space<vmem>> -> memref<128xi32, #tpu.memory_space<vmem>>
      %dma_wait3A_2234 = arith.constant 0 : i32
      %dma_wait3A_2235 = tpu.memref_slice %arg3[%dma_wait3A_2234] : memref<33554432xf32, #tpu.memory_space<hbm>> -> memref<33554432xf32, #tpu.memory_space<hbm>>
      tpu.wait_indirect_dma semaphore(%run_scoped3A_2227 : memref<!tpu.dma_semaphore, #tpu.memory_space<semaphore_mem>>) src(%arg7 : memref<128xf32, #tpu.memory_space<vmem>>) dst(%dma_wait3A_2235 : memref<33554432xf32, #tpu.memory_space<hbm>>)
      tpu.yield
    }) : () -> ()
    %run_scoped3A_2223 = arith.constant 12 : i32
    "tpu.region"() ({
      %run_scoped3A_2227 = tpu.sem_alloc : memref<!tpu.dma_semaphore, #tpu.memory_space<semaphore_mem>>
      %dma_start3A = arith.constant 0 : i32
      %dma_start3A_2228 = tpu.memref_slice %arg6[%run_scoped3A_2223, %dma_start3A] : memref<16x128xi32, #tpu.memory_space<vmem>> -> memref<1x128xi32, #tpu.memory_space<vmem>>
      %dma_start3A_2229 = tpu.memref_squeeze %dma_start3A_2228 : memref<1x128xi32, #tpu.memory_space<vmem>> -> memref<128xi32, #tpu.memory_space<vmem>>
      %dma_start3A_2230 = arith.constant 0 : i32
      %dma_start3A_2231 = tpu.memref_slice %arg3[%dma_start3A_2230] : memref<33554432xf32, #tpu.memory_space<hbm>> -> memref<33554432xf32, #tpu.memory_space<hbm>>
      tpu.enqueue_indirect_dma source(%arg7 : memref<128xf32, #tpu.memory_space<vmem>>) target(%dma_start3A_2231 : memref<33554432xf32, #tpu.memory_space<hbm>>) offsets(%dma_start3A_2229 : memref<128xi32, #tpu.memory_space<vmem>>) semaphore(%run_scoped3A_2227 : memref<!tpu.dma_semaphore, #tpu.memory_space<semaphore_mem>>)
      %dma_wait3A = arith.constant 0 : i32
      %dma_wait3A_2232 = tpu.memref_slice %arg6[%run_scoped3A_2223, %dma_wait3A] : memref<16x128xi32, #tpu.memory_space<vmem>> -> memref<1x128xi32, #tpu.memory_space<vmem>>
      %dma_wait3A_2233 = tpu.memref_squeeze %dma_wait3A_2232 : memref<1x128xi32, #tpu.memory_space<vmem>> -> memref<128xi32, #tpu.memory_space<vmem>>
      %dma_wait3A_2234 = arith.constant 0 : i32
      %dma_wait3A_2235 = tpu.memref_slice %arg3[%dma_wait3A_2234] : memref<33554432xf32, #tpu.memory_space<hbm>> -> memref<33554432xf32, #tpu.memory_space<hbm>>
      tpu.wait_indirect_dma semaphore(%run_scoped3A_2227 : memref<!tpu.dma_semaphore, #tpu.memory_space<semaphore_mem>>) src(%arg7 : memref<128xf32, #tpu.memory_space<vmem>>) dst(%dma_wait3A_2235 : memref<33554432xf32, #tpu.memory_space<hbm>>)
      tpu.yield
    }) : () -> ()
    %run_scoped3A_2224 = arith.constant 13 : i32
    "tpu.region"() ({
      %run_scoped3A_2227 = tpu.sem_alloc : memref<!tpu.dma_semaphore, #tpu.memory_space<semaphore_mem>>
      %dma_start3A = arith.constant 0 : i32
      %dma_start3A_2228 = tpu.memref_slice %arg6[%run_scoped3A_2224, %dma_start3A] : memref<16x128xi32, #tpu.memory_space<vmem>> -> memref<1x128xi32, #tpu.memory_space<vmem>>
      %dma_start3A_2229 = tpu.memref_squeeze %dma_start3A_2228 : memref<1x128xi32, #tpu.memory_space<vmem>> -> memref<128xi32, #tpu.memory_space<vmem>>
      %dma_start3A_2230 = arith.constant 0 : i32
      %dma_start3A_2231 = tpu.memref_slice %arg3[%dma_start3A_2230] : memref<33554432xf32, #tpu.memory_space<hbm>> -> memref<33554432xf32, #tpu.memory_space<hbm>>
      tpu.enqueue_indirect_dma source(%arg7 : memref<128xf32, #tpu.memory_space<vmem>>) target(%dma_start3A_2231 : memref<33554432xf32, #tpu.memory_space<hbm>>) offsets(%dma_start3A_2229 : memref<128xi32, #tpu.memory_space<vmem>>) semaphore(%run_scoped3A_2227 : memref<!tpu.dma_semaphore, #tpu.memory_space<semaphore_mem>>)
      %dma_wait3A = arith.constant 0 : i32
      %dma_wait3A_2232 = tpu.memref_slice %arg6[%run_scoped3A_2224, %dma_wait3A] : memref<16x128xi32, #tpu.memory_space<vmem>> -> memref<1x128xi32, #tpu.memory_space<vmem>>
      %dma_wait3A_2233 = tpu.memref_squeeze %dma_wait3A_2232 : memref<1x128xi32, #tpu.memory_space<vmem>> -> memref<128xi32, #tpu.memory_space<vmem>>
      %dma_wait3A_2234 = arith.constant 0 : i32
      %dma_wait3A_2235 = tpu.memref_slice %arg3[%dma_wait3A_2234] : memref<33554432xf32, #tpu.memory_space<hbm>> -> memref<33554432xf32, #tpu.memory_space<hbm>>
      tpu.wait_indirect_dma semaphore(%run_scoped3A_2227 : memref<!tpu.dma_semaphore, #tpu.memory_space<semaphore_mem>>) src(%arg7 : memref<128xf32, #tpu.memory_space<vmem>>) dst(%dma_wait3A_2235 : memref<33554432xf32, #tpu.memory_space<hbm>>)
      tpu.yield
    }) : () -> ()
    %run_scoped3A_2225 = arith.constant 14 : i32
    "tpu.region"() ({
      %run_scoped3A_2227 = tpu.sem_alloc : memref<!tpu.dma_semaphore, #tpu.memory_space<semaphore_mem>>
      %dma_start3A = arith.constant 0 : i32
      %dma_start3A_2228 = tpu.memref_slice %arg6[%run_scoped3A_2225, %dma_start3A] : memref<16x128xi32, #tpu.memory_space<vmem>> -> memref<1x128xi32, #tpu.memory_space<vmem>>
      %dma_start3A_2229 = tpu.memref_squeeze %dma_start3A_2228 : memref<1x128xi32, #tpu.memory_space<vmem>> -> memref<128xi32, #tpu.memory_space<vmem>>
      %dma_start3A_2230 = arith.constant 0 : i32
      %dma_start3A_2231 = tpu.memref_slice %arg3[%dma_start3A_2230] : memref<33554432xf32, #tpu.memory_space<hbm>> -> memref<33554432xf32, #tpu.memory_space<hbm>>
      tpu.enqueue_indirect_dma source(%arg7 : memref<128xf32, #tpu.memory_space<vmem>>) target(%dma_start3A_2231 : memref<33554432xf32, #tpu.memory_space<hbm>>) offsets(%dma_start3A_2229 : memref<128xi32, #tpu.memory_space<vmem>>) semaphore(%run_scoped3A_2227 : memref<!tpu.dma_semaphore, #tpu.memory_space<semaphore_mem>>)
      %dma_wait3A = arith.constant 0 : i32
      %dma_wait3A_2232 = tpu.memref_slice %arg6[%run_scoped3A_2225, %dma_wait3A] : memref<16x128xi32, #tpu.memory_space<vmem>> -> memref<1x128xi32, #tpu.memory_space<vmem>>
      %dma_wait3A_2233 = tpu.memref_squeeze %dma_wait3A_2232 : memref<1x128xi32, #tpu.memory_space<vmem>> -> memref<128xi32, #tpu.memory_space<vmem>>
      %dma_wait3A_2234 = arith.constant 0 : i32
      %dma_wait3A_2235 = tpu.memref_slice %arg3[%dma_wait3A_2234] : memref<33554432xf32, #tpu.memory_space<hbm>> -> memref<33554432xf32, #tpu.memory_space<hbm>>
      tpu.wait_indirect_dma semaphore(%run_scoped3A_2227 : memref<!tpu.dma_semaphore, #tpu.memory_space<semaphore_mem>>) src(%arg7 : memref<128xf32, #tpu.memory_space<vmem>>) dst(%dma_wait3A_2235 : memref<33554432xf32, #tpu.memory_space<hbm>>)
      tpu.yield
    }) : () -> ()
    %run_scoped3A_2226 = arith.constant 15 : i32
    "tpu.region"() ({
      %run_scoped3A_2227 = tpu.sem_alloc : memref<!tpu.dma_semaphore, #tpu.memory_space<semaphore_mem>>
      %dma_start3A = arith.constant 0 : i32
      %dma_start3A_2228 = tpu.memref_slice %arg6[%run_scoped3A_2226, %dma_start3A] : memref<16x128xi32, #tpu.memory_space<vmem>> -> memref<1x128xi32, #tpu.memory_space<vmem>>
      %dma_start3A_2229 = tpu.memref_squeeze %dma_start3A_2228 : memref<1x128xi32, #tpu.memory_space<vmem>> -> memref<128xi32, #tpu.memory_space<vmem>>
      %dma_start3A_2230 = arith.constant 0 : i32
      %dma_start3A_2231 = tpu.memref_slice %arg3[%dma_start3A_2230] : memref<33554432xf32, #tpu.memory_space<hbm>> -> memref<33554432xf32, #tpu.memory_space<hbm>>
      tpu.enqueue_indirect_dma source(%arg7 : memref<128xf32, #tpu.memory_space<vmem>>) target(%dma_start3A_2231 : memref<33554432xf32, #tpu.memory_space<hbm>>) offsets(%dma_start3A_2229 : memref<128xi32, #tpu.memory_space<vmem>>) semaphore(%run_scoped3A_2227 : memref<!tpu.dma_semaphore, #tpu.memory_space<semaphore_mem>>)
      %dma_wait3A = arith.constant 0 : i32
      %dma_wait3A_2232 = tpu.memref_slice %arg6[%run_scoped3A_2226, %dma_wait3A] : memref<16x128xi32, #tpu.memory_space<vmem>> -> memref<1x128xi32, #tpu.memory_space<vmem>>
      %dma_wait3A_2233 = tpu.memref_squeeze %dma_wait3A_2232 : memref<1x128xi32, #tpu.memory_space<vmem>> -> memref<128xi32, #tpu.memory_space<vmem>>
      %dma_wait3A_2234 = arith.constant 0 : i32
      %dma_wait3A_2235 = tpu.memref_slice %arg3[%dma_wait3A_2234] : memref<33554432xf32, #tpu.memory_space<hbm>> -> memref<33554432xf32, #tpu.memory_space<hbm>>
      tpu.wait_indirect_dma semaphore(%run_scoped3A_2227 : memref<!tpu.dma_semaphore, #tpu.memory_space<semaphore_mem>>) src(%arg7 : memref<128xf32, #tpu.memory_space<vmem>>) dst(%dma_wait3A_2235 : memref<33554432xf32, #tpu.memory_space<hbm>>)
      tpu.yield
    }) : () -> ()
    return
  }
}

module attributes {stable_mosaic.version = 14 : i64} {
  func.func @_sample_body(%arg0: i32, %arg1: memref<4x1x512xi32, #tpu.memory_space<vmem>>, %arg2: memref<4x1x512xi32, #tpu.memory_space<vmem>>, %arg3: memref<4x1x512xi32, #tpu.memory_space<vmem>>, %arg4: memref<4x1x512xi32, #tpu.memory_space<vmem>>) attributes {dimension_semantics = [#tpu.dimension_semantics<arbitrary>], iteration_bounds = array<i64: 32>, scalar_prefetch = 0 : i64, scratch_operands = 0 : i64, tpu.core_type = #tpu.core_type<tc>, window_params = [{transform_indices = @transform_0, window_bounds = array<i64: 4, 1, 512>}, {transform_indices = @transform_1, window_bounds = array<i64: 4, 1, 512>}, {transform_indices = @transform_2, window_bounds = array<i64: 4, 1, 512>}, {transform_indices = @transform_3, window_bounds = array<i64: 4, 1, 512>}]} {
    %iota3A = tpu.iota {dimensions = array<i32: 0>} : vector<16x512xi32>
    %iota3A_0 = tpu.iota {dimensions = array<i32: 1>} : vector<16x512xi32>
    %mul3A = arith.constant 4 : i32
    %mul3A_1 = arith.muli %arg0, %mul3A : i32
    %add3A = arith.constant 0 : i32
    %add3A_2 = arith.addi %mul3A_1, %add3A : i32
    %mul3A_3 = arith.constant 262144 : i32
    %mul3A_4 = arith.muli %add3A_2, %mul3A_3 : i32
    %mul3A_5 = arith.constant 4 : i32
    %mul3A_6 = arith.muli %arg0, %mul3A_5 : i32
    %add3A_7 = arith.constant 1 : i32
    %add3A_8 = arith.addi %mul3A_6, %add3A_7 : i32
    %mul3A_9 = arith.constant 262144 : i32
    %mul3A_10 = arith.muli %add3A_8, %mul3A_9 : i32
    %mul3A_11 = arith.constant 4 : i32
    %mul3A_12 = arith.muli %arg0, %mul3A_11 : i32
    %add3A_13 = arith.constant 2 : i32
    %add3A_14 = arith.addi %mul3A_12, %add3A_13 : i32
    %mul3A_15 = arith.constant 262144 : i32
    %mul3A_16 = arith.muli %add3A_14, %mul3A_15 : i32
    %mul3A_17 = arith.constant 4 : i32
    %mul3A_18 = arith.muli %arg0, %mul3A_17 : i32
    %add3A_19 = arith.constant 3 : i32
    %add3A_20 = arith.addi %mul3A_18, %add3A_19 : i32
    %mul3A_21 = arith.constant 262144 : i32
    %mul3A_22 = arith.muli %add3A_20, %mul3A_21 : i32
    %get3A = arith.constant 0 : index
    %get3A_23 = arith.constant 0 : index
    %get3A_24 = arith.constant 0 : index
    %get3A_25 = vector.load %arg1[%get3A, %get3A_23, %get3A_24] : memref<4x1x512xi32, #tpu.memory_space<vmem>>, vector<1x1x512xi32>
    %get3A_26 = vector.shape_cast %get3A_25 : vector<1x1x512xi32> to vector<512xi32>
    %get3A_27 = arith.constant 1 : index
    %get3A_28 = arith.constant 0 : index
    %get3A_29 = arith.constant 0 : index
    %get3A_30 = vector.load %arg1[%get3A_27, %get3A_28, %get3A_29] : memref<4x1x512xi32, #tpu.memory_space<vmem>>, vector<1x1x512xi32>
    %get3A_31 = vector.shape_cast %get3A_30 : vector<1x1x512xi32> to vector<512xi32>
    %get3A_32 = arith.constant 2 : index
    %get3A_33 = arith.constant 0 : index
    %get3A_34 = arith.constant 0 : index
    %get3A_35 = vector.load %arg1[%get3A_32, %get3A_33, %get3A_34] : memref<4x1x512xi32, #tpu.memory_space<vmem>>, vector<1x1x512xi32>
    %get3A_36 = vector.shape_cast %get3A_35 : vector<1x1x512xi32> to vector<512xi32>
    %get3A_37 = arith.constant 3 : index
    %get3A_38 = arith.constant 0 : index
    %get3A_39 = arith.constant 0 : index
    %get3A_40 = vector.load %arg1[%get3A_37, %get3A_38, %get3A_39] : memref<4x1x512xi32, #tpu.memory_space<vmem>>, vector<1x1x512xi32>
    %get3A_41 = vector.shape_cast %get3A_40 : vector<1x1x512xi32> to vector<512xi32>
    %broadcast_in_dim3A = arith.constant -1 : i32
    %broadcast_in_dim3A_42 = vector.broadcast %broadcast_in_dim3A : i32 to vector<512xi32>
    %broadcast_in_dim3A_43 = arith.constant 0 : i32
    %broadcast_in_dim3A_44 = vector.broadcast %broadcast_in_dim3A_43 : i32 to vector<512xi32>
    %broadcast_in_dim3A_45 = arith.constant -1 : i32
    %broadcast_in_dim3A_46 = vector.broadcast %broadcast_in_dim3A_45 : i32 to vector<512xi32>
    %scan3A = arith.constant 1073741824 : i32
    %scan3A_47 = arith.constant 0 : i32
    %scan3A_48 = arith.constant 32 : i32
    %scan3A_49 = arith.addi %scan3A_47, %scan3A_48 : i32
    %scan3A_50 = arith.constant 1 : i32
    %scan3A_51:12 = scf.for %scan3A_124 = %scan3A_47 to %scan3A_49 step %scan3A_50 iter_args(%scan3A_125 = %broadcast_in_dim3A_42, %scan3A_126 = %broadcast_in_dim3A_44, %scan3A_127 = %broadcast_in_dim3A_46, %scan3A_128 = %broadcast_in_dim3A_42, %scan3A_129 = %broadcast_in_dim3A_44, %scan3A_130 = %broadcast_in_dim3A_46, %scan3A_131 = %broadcast_in_dim3A_42, %scan3A_132 = %broadcast_in_dim3A_44, %scan3A_133 = %broadcast_in_dim3A_46, %scan3A_134 = %broadcast_in_dim3A_42, %scan3A_135 = %broadcast_in_dim3A_44, %scan3A_136 = %broadcast_in_dim3A_46) -> (vector<512xi32>, vector<512xi32>, vector<512xi32>, vector<512xi32>, vector<512xi32>, vector<512xi32>, vector<512xi32>, vector<512xi32>, vector<512xi32>, vector<512xi32>, vector<512xi32>, vector<512xi32>)  : i32 {
      %mul3A_137 = arith.constant 16 : i32
      %mul3A_138 = arith.muli %scan3A_124, %mul3A_137 : i32
      %add3A_139 = vector.broadcast %mul3A_138 : i32 to vector<16x512xi32>
      %add3A_140 = arith.addi %iota3A, %add3A_139 : vector<16x512xi32>
      %mul3A_141 = arith.constant 512 : i32
      %mul3A_142 = vector.broadcast %mul3A_141 : i32 to vector<16x512xi32>
      %mul3A_143 = arith.muli %iota3A_0, %mul3A_142 : vector<16x512xi32>
      %add3A_144 = arith.addi %mul3A_143, %add3A_140 : vector<16x512xi32>
      %add3A_145 = vector.broadcast %mul3A_4 : i32 to vector<16x512xi32>
      %add3A_146 = arith.addi %add3A_145, %add3A_144 : vector<16x512xi32>
      %broadcast_in_dim3A_147 = arith.constant 1832780943 : i32
      %broadcast_in_dim3A_148 = vector.broadcast %broadcast_in_dim3A_147 : i32 to vector<16x512xi32>
      %add3A_149 = arith.constant 270669613 : i32
      %add3A_150 = vector.broadcast %add3A_149 : i32 to vector<16x512xi32>
      %add3A_151 = arith.addi %add3A_146, %add3A_150 : vector<16x512xi32>
      %add3A_152 = arith.addi %broadcast_in_dim3A_148, %add3A_151 : vector<16x512xi32>
      %shift_left3A = arith.constant 13 : i32
      %shift_left3A_153 = vector.broadcast %shift_left3A : i32 to vector<16x512xi32>
      %shift_left3A_154 = arith.shli %add3A_151, %shift_left3A_153 : vector<16x512xi32>
      %shift_right_logical3A = arith.constant 19 : i32
      %shift_right_logical3A_155 = vector.broadcast %shift_right_logical3A : i32 to vector<16x512xi32>
      %shift_right_logical3A_156 = arith.shrui %add3A_151, %shift_right_logical3A_155 : vector<16x512xi32>
      %or3A = arith.ori %shift_left3A_154, %shift_right_logical3A_156 : vector<16x512xi32>
      %xor3A = arith.xori %or3A, %add3A_152 : vector<16x512xi32>
      %add3A_157 = arith.addi %add3A_152, %xor3A : vector<16x512xi32>
      %shift_left3A_158 = arith.constant 15 : i32
      %shift_left3A_159 = vector.broadcast %shift_left3A_158 : i32 to vector<16x512xi32>
      %shift_left3A_160 = arith.shli %xor3A, %shift_left3A_159 : vector<16x512xi32>
      %shift_right_logical3A_161 = arith.constant 17 : i32
      %shift_right_logical3A_162 = vector.broadcast %shift_right_logical3A_161 : i32 to vector<16x512xi32>
      %shift_right_logical3A_163 = arith.shrui %xor3A, %shift_right_logical3A_162 : vector<16x512xi32>
      %or3A_164 = arith.ori %shift_left3A_160, %shift_right_logical3A_163 : vector<16x512xi32>
      %xor3A_165 = arith.xori %or3A_164, %add3A_157 : vector<16x512xi32>
      %add3A_166 = arith.addi %add3A_157, %xor3A_165 : vector<16x512xi32>
      %shift_left3A_167 = arith.constant 26 : i32
      %shift_left3A_168 = vector.broadcast %shift_left3A_167 : i32 to vector<16x512xi32>
      %shift_left3A_169 = arith.shli %xor3A_165, %shift_left3A_168 : vector<16x512xi32>
      %shift_right_logical3A_170 = arith.constant 6 : i32
      %shift_right_logical3A_171 = vector.broadcast %shift_right_logical3A_170 : i32 to vector<16x512xi32>
      %shift_right_logical3A_172 = arith.shrui %xor3A_165, %shift_right_logical3A_171 : vector<16x512xi32>
      %or3A_173 = arith.ori %shift_left3A_169, %shift_right_logical3A_172 : vector<16x512xi32>
      %xor3A_174 = arith.xori %or3A_173, %add3A_166 : vector<16x512xi32>
      %add3A_175 = arith.addi %add3A_166, %xor3A_174 : vector<16x512xi32>
      %shift_left3A_176 = arith.constant 6 : i32
      %shift_left3A_177 = vector.broadcast %shift_left3A_176 : i32 to vector<16x512xi32>
      %shift_left3A_178 = arith.shli %xor3A_174, %shift_left3A_177 : vector<16x512xi32>
      %shift_right_logical3A_179 = arith.constant 26 : i32
      %shift_right_logical3A_180 = vector.broadcast %shift_right_logical3A_179 : i32 to vector<16x512xi32>
      %shift_right_logical3A_181 = arith.shrui %xor3A_174, %shift_right_logical3A_180 : vector<16x512xi32>
      %or3A_182 = arith.ori %shift_left3A_178, %shift_right_logical3A_181 : vector<16x512xi32>
      %xor3A_183 = arith.xori %or3A_182, %add3A_175 : vector<16x512xi32>
      %add3A_184 = arith.constant 270669613 : i32
      %add3A_185 = vector.broadcast %add3A_184 : i32 to vector<16x512xi32>
      %add3A_186 = arith.addi %add3A_175, %add3A_185 : vector<16x512xi32>
      %add3A_187 = arith.constant 1724713081 : i32
      %add3A_188 = vector.broadcast %add3A_187 : i32 to vector<16x512xi32>
      %add3A_189 = arith.addi %xor3A_183, %add3A_188 : vector<16x512xi32>
      %add3A_190 = arith.addi %add3A_186, %add3A_189 : vector<16x512xi32>
      %shift_left3A_191 = arith.constant 17 : i32
      %shift_left3A_192 = vector.broadcast %shift_left3A_191 : i32 to vector<16x512xi32>
      %shift_left3A_193 = arith.shli %add3A_189, %shift_left3A_192 : vector<16x512xi32>
      %shift_right_logical3A_194 = arith.constant 15 : i32
      %shift_right_logical3A_195 = vector.broadcast %shift_right_logical3A_194 : i32 to vector<16x512xi32>
      %shift_right_logical3A_196 = arith.shrui %add3A_189, %shift_right_logical3A_195 : vector<16x512xi32>
      %or3A_197 = arith.ori %shift_left3A_193, %shift_right_logical3A_196 : vector<16x512xi32>
      %xor3A_198 = arith.xori %or3A_197, %add3A_190 : vector<16x512xi32>
      %add3A_199 = arith.addi %add3A_190, %xor3A_198 : vector<16x512xi32>
      %shift_left3A_200 = arith.constant 29 : i32
      %shift_left3A_201 = vector.broadcast %shift_left3A_200 : i32 to vector<16x512xi32>
      %shift_left3A_202 = arith.shli %xor3A_198, %shift_left3A_201 : vector<16x512xi32>
      %shift_right_logical3A_203 = arith.constant 3 : i32
      %shift_right_logical3A_204 = vector.broadcast %shift_right_logical3A_203 : i32 to vector<16x512xi32>
      %shift_right_logical3A_205 = arith.shrui %xor3A_198, %shift_right_logical3A_204 : vector<16x512xi32>
      %or3A_206 = arith.ori %shift_left3A_202, %shift_right_logical3A_205 : vector<16x512xi32>
      %xor3A_207 = arith.xori %or3A_206, %add3A_199 : vector<16x512xi32>
      %add3A_208 = arith.addi %add3A_199, %xor3A_207 : vector<16x512xi32>
      %shift_left3A_209 = arith.constant 16 : i32
      %shift_left3A_210 = vector.broadcast %shift_left3A_209 : i32 to vector<16x512xi32>
      %shift_left3A_211 = arith.shli %xor3A_207, %shift_left3A_210 : vector<16x512xi32>
      %shift_right_logical3A_212 = arith.constant 16 : i32
      %shift_right_logical3A_213 = vector.broadcast %shift_right_logical3A_212 : i32 to vector<16x512xi32>
      %shift_right_logical3A_214 = arith.shrui %xor3A_207, %shift_right_logical3A_213 : vector<16x512xi32>
      %or3A_215 = arith.ori %shift_left3A_211, %shift_right_logical3A_214 : vector<16x512xi32>
      %xor3A_216 = arith.xori %or3A_215, %add3A_208 : vector<16x512xi32>
      %add3A_217 = arith.addi %add3A_208, %xor3A_216 : vector<16x512xi32>
      %shift_left3A_218 = arith.constant 24 : i32
      %shift_left3A_219 = vector.broadcast %shift_left3A_218 : i32 to vector<16x512xi32>
      %shift_left3A_220 = arith.shli %xor3A_216, %shift_left3A_219 : vector<16x512xi32>
      %shift_right_logical3A_221 = arith.constant 8 : i32
      %shift_right_logical3A_222 = vector.broadcast %shift_right_logical3A_221 : i32 to vector<16x512xi32>
      %shift_right_logical3A_223 = arith.shrui %xor3A_216, %shift_right_logical3A_222 : vector<16x512xi32>
      %or3A_224 = arith.ori %shift_left3A_220, %shift_right_logical3A_223 : vector<16x512xi32>
      %xor3A_225 = arith.xori %or3A_224, %add3A_217 : vector<16x512xi32>
      %add3A_226 = arith.constant 1724713080 : i32
      %add3A_227 = vector.broadcast %add3A_226 : i32 to vector<16x512xi32>
      %add3A_228 = arith.addi %add3A_217, %add3A_227 : vector<16x512xi32>
      %add3A_229 = arith.constant 1832780945 : i32
      %add3A_230 = vector.broadcast %add3A_229 : i32 to vector<16x512xi32>
      %add3A_231 = arith.addi %xor3A_225, %add3A_230 : vector<16x512xi32>
      %add3A_232 = arith.addi %add3A_228, %add3A_231 : vector<16x512xi32>
      %shift_left3A_233 = arith.constant 13 : i32
      %shift_left3A_234 = vector.broadcast %shift_left3A_233 : i32 to vector<16x512xi32>
      %shift_left3A_235 = arith.shli %add3A_231, %shift_left3A_234 : vector<16x512xi32>
      %shift_right_logical3A_236 = arith.constant 19 : i32
      %shift_right_logical3A_237 = vector.broadcast %shift_right_logical3A_236 : i32 to vector<16x512xi32>
      %shift_right_logical3A_238 = arith.shrui %add3A_231, %shift_right_logical3A_237 : vector<16x512xi32>
      %or3A_239 = arith.ori %shift_left3A_235, %shift_right_logical3A_238 : vector<16x512xi32>
      %xor3A_240 = arith.xori %or3A_239, %add3A_232 : vector<16x512xi32>
      %add3A_241 = arith.addi %add3A_232, %xor3A_240 : vector<16x512xi32>
      %shift_left3A_242 = arith.constant 15 : i32
      %shift_left3A_243 = vector.broadcast %shift_left3A_242 : i32 to vector<16x512xi32>
      %shift_left3A_244 = arith.shli %xor3A_240, %shift_left3A_243 : vector<16x512xi32>
      %shift_right_logical3A_245 = arith.constant 17 : i32
      %shift_right_logical3A_246 = vector.broadcast %shift_right_logical3A_245 : i32 to vector<16x512xi32>
      %shift_right_logical3A_247 = arith.shrui %xor3A_240, %shift_right_logical3A_246 : vector<16x512xi32>
      %or3A_248 = arith.ori %shift_left3A_244, %shift_right_logical3A_247 : vector<16x512xi32>
      %xor3A_249 = arith.xori %or3A_248, %add3A_241 : vector<16x512xi32>
      %add3A_250 = arith.addi %add3A_241, %xor3A_249 : vector<16x512xi32>
      %shift_left3A_251 = arith.constant 26 : i32
      %shift_left3A_252 = vector.broadcast %shift_left3A_251 : i32 to vector<16x512xi32>
      %shift_left3A_253 = arith.shli %xor3A_249, %shift_left3A_252 : vector<16x512xi32>
      %shift_right_logical3A_254 = arith.constant 6 : i32
      %shift_right_logical3A_255 = vector.broadcast %shift_right_logical3A_254 : i32 to vector<16x512xi32>
      %shift_right_logical3A_256 = arith.shrui %xor3A_249, %shift_right_logical3A_255 : vector<16x512xi32>
      %or3A_257 = arith.ori %shift_left3A_253, %shift_right_logical3A_256 : vector<16x512xi32>
      %xor3A_258 = arith.xori %or3A_257, %add3A_250 : vector<16x512xi32>
      %add3A_259 = arith.addi %add3A_250, %xor3A_258 : vector<16x512xi32>
      %shift_left3A_260 = arith.constant 6 : i32
      %shift_left3A_261 = vector.broadcast %shift_left3A_260 : i32 to vector<16x512xi32>
      %shift_left3A_262 = arith.shli %xor3A_258, %shift_left3A_261 : vector<16x512xi32>
      %shift_right_logical3A_263 = arith.constant 26 : i32
      %shift_right_logical3A_264 = vector.broadcast %shift_right_logical3A_263 : i32 to vector<16x512xi32>
      %shift_right_logical3A_265 = arith.shrui %xor3A_258, %shift_right_logical3A_264 : vector<16x512xi32>
      %or3A_266 = arith.ori %shift_left3A_262, %shift_right_logical3A_265 : vector<16x512xi32>
      %xor3A_267 = arith.xori %or3A_266, %add3A_259 : vector<16x512xi32>
      %add3A_268 = arith.constant 1832780943 : i32
      %add3A_269 = vector.broadcast %add3A_268 : i32 to vector<16x512xi32>
      %add3A_270 = arith.addi %add3A_259, %add3A_269 : vector<16x512xi32>
      %add3A_271 = arith.constant 270669616 : i32
      %add3A_272 = vector.broadcast %add3A_271 : i32 to vector<16x512xi32>
      %add3A_273 = arith.addi %xor3A_267, %add3A_272 : vector<16x512xi32>
      %add3A_274 = arith.addi %add3A_270, %add3A_273 : vector<16x512xi32>
      %shift_left3A_275 = arith.constant 17 : i32
      %shift_left3A_276 = vector.broadcast %shift_left3A_275 : i32 to vector<16x512xi32>
      %shift_left3A_277 = arith.shli %add3A_273, %shift_left3A_276 : vector<16x512xi32>
      %shift_right_logical3A_278 = arith.constant 15 : i32
      %shift_right_logical3A_279 = vector.broadcast %shift_right_logical3A_278 : i32 to vector<16x512xi32>
      %shift_right_logical3A_280 = arith.shrui %add3A_273, %shift_right_logical3A_279 : vector<16x512xi32>
      %or3A_281 = arith.ori %shift_left3A_277, %shift_right_logical3A_280 : vector<16x512xi32>
      %xor3A_282 = arith.xori %or3A_281, %add3A_274 : vector<16x512xi32>
      %add3A_283 = arith.addi %add3A_274, %xor3A_282 : vector<16x512xi32>
      %shift_left3A_284 = arith.constant 29 : i32
      %shift_left3A_285 = vector.broadcast %shift_left3A_284 : i32 to vector<16x512xi32>
      %shift_left3A_286 = arith.shli %xor3A_282, %shift_left3A_285 : vector<16x512xi32>
      %shift_right_logical3A_287 = arith.constant 3 : i32
      %shift_right_logical3A_288 = vector.broadcast %shift_right_logical3A_287 : i32 to vector<16x512xi32>
      %shift_right_logical3A_289 = arith.shrui %xor3A_282, %shift_right_logical3A_288 : vector<16x512xi32>
      %or3A_290 = arith.ori %shift_left3A_286, %shift_right_logical3A_289 : vector<16x512xi32>
      %xor3A_291 = arith.xori %or3A_290, %add3A_283 : vector<16x512xi32>
      %add3A_292 = arith.addi %add3A_283, %xor3A_291 : vector<16x512xi32>
      %shift_left3A_293 = arith.constant 16 : i32
      %shift_left3A_294 = vector.broadcast %shift_left3A_293 : i32 to vector<16x512xi32>
      %shift_left3A_295 = arith.shli %xor3A_291, %shift_left3A_294 : vector<16x512xi32>
      %shift_right_logical3A_296 = arith.constant 16 : i32
      %shift_right_logical3A_297 = vector.broadcast %shift_right_logical3A_296 : i32 to vector<16x512xi32>
      %shift_right_logical3A_298 = arith.shrui %xor3A_291, %shift_right_logical3A_297 : vector<16x512xi32>
      %or3A_299 = arith.ori %shift_left3A_295, %shift_right_logical3A_298 : vector<16x512xi32>
      %xor3A_300 = arith.xori %or3A_299, %add3A_292 : vector<16x512xi32>
      %add3A_301 = arith.addi %add3A_292, %xor3A_300 : vector<16x512xi32>
      %shift_left3A_302 = arith.constant 24 : i32
      %shift_left3A_303 = vector.broadcast %shift_left3A_302 : i32 to vector<16x512xi32>
      %shift_left3A_304 = arith.shli %xor3A_300, %shift_left3A_303 : vector<16x512xi32>
      %shift_right_logical3A_305 = arith.constant 8 : i32
      %shift_right_logical3A_306 = vector.broadcast %shift_right_logical3A_305 : i32 to vector<16x512xi32>
      %shift_right_logical3A_307 = arith.shrui %xor3A_300, %shift_right_logical3A_306 : vector<16x512xi32>
      %or3A_308 = arith.ori %shift_left3A_304, %shift_right_logical3A_307 : vector<16x512xi32>
      %xor3A_309 = arith.xori %or3A_308, %add3A_301 : vector<16x512xi32>
      %add3A_310 = arith.constant 270669613 : i32
      %add3A_311 = vector.broadcast %add3A_310 : i32 to vector<16x512xi32>
      %add3A_312 = arith.addi %add3A_301, %add3A_311 : vector<16x512xi32>
      %add3A_313 = arith.constant 1724713084 : i32
      %add3A_314 = vector.broadcast %add3A_313 : i32 to vector<16x512xi32>
      %add3A_315 = arith.addi %xor3A_309, %add3A_314 : vector<16x512xi32>
      %add3A_316 = arith.addi %add3A_312, %add3A_315 : vector<16x512xi32>
      %shift_left3A_317 = arith.constant 13 : i32
      %shift_left3A_318 = vector.broadcast %shift_left3A_317 : i32 to vector<16x512xi32>
      %shift_left3A_319 = arith.shli %add3A_315, %shift_left3A_318 : vector<16x512xi32>
      %shift_right_logical3A_320 = arith.constant 19 : i32
      %shift_right_logical3A_321 = vector.broadcast %shift_right_logical3A_320 : i32 to vector<16x512xi32>
      %shift_right_logical3A_322 = arith.shrui %add3A_315, %shift_right_logical3A_321 : vector<16x512xi32>
      %or3A_323 = arith.ori %shift_left3A_319, %shift_right_logical3A_322 : vector<16x512xi32>
      %xor3A_324 = arith.xori %or3A_323, %add3A_316 : vector<16x512xi32>
      %add3A_325 = arith.addi %add3A_316, %xor3A_324 : vector<16x512xi32>
      %shift_left3A_326 = arith.constant 15 : i32
      %shift_left3A_327 = vector.broadcast %shift_left3A_326 : i32 to vector<16x512xi32>
      %shift_left3A_328 = arith.shli %xor3A_324, %shift_left3A_327 : vector<16x512xi32>
      %shift_right_logical3A_329 = arith.constant 17 : i32
      %shift_right_logical3A_330 = vector.broadcast %shift_right_logical3A_329 : i32 to vector<16x512xi32>
      %shift_right_logical3A_331 = arith.shrui %xor3A_324, %shift_right_logical3A_330 : vector<16x512xi32>
      %or3A_332 = arith.ori %shift_left3A_328, %shift_right_logical3A_331 : vector<16x512xi32>
      %xor3A_333 = arith.xori %or3A_332, %add3A_325 : vector<16x512xi32>
      %add3A_334 = arith.addi %add3A_325, %xor3A_333 : vector<16x512xi32>
      %shift_left3A_335 = arith.constant 26 : i32
      %shift_left3A_336 = vector.broadcast %shift_left3A_335 : i32 to vector<16x512xi32>
      %shift_left3A_337 = arith.shli %xor3A_333, %shift_left3A_336 : vector<16x512xi32>
      %shift_right_logical3A_338 = arith.constant 6 : i32
      %shift_right_logical3A_339 = vector.broadcast %shift_right_logical3A_338 : i32 to vector<16x512xi32>
      %shift_right_logical3A_340 = arith.shrui %xor3A_333, %shift_right_logical3A_339 : vector<16x512xi32>
      %or3A_341 = arith.ori %shift_left3A_337, %shift_right_logical3A_340 : vector<16x512xi32>
      %xor3A_342 = arith.xori %or3A_341, %add3A_334 : vector<16x512xi32>
      %add3A_343 = arith.addi %add3A_334, %xor3A_342 : vector<16x512xi32>
      %shift_left3A_344 = arith.constant 6 : i32
      %shift_left3A_345 = vector.broadcast %shift_left3A_344 : i32 to vector<16x512xi32>
      %shift_left3A_346 = arith.shli %xor3A_342, %shift_left3A_345 : vector<16x512xi32>
      %shift_right_logical3A_347 = arith.constant 26 : i32
      %shift_right_logical3A_348 = vector.broadcast %shift_right_logical3A_347 : i32 to vector<16x512xi32>
      %shift_right_logical3A_349 = arith.shrui %xor3A_342, %shift_right_logical3A_348 : vector<16x512xi32>
      %or3A_350 = arith.ori %shift_left3A_346, %shift_right_logical3A_349 : vector<16x512xi32>
      %xor3A_351 = arith.xori %or3A_350, %add3A_343 : vector<16x512xi32>
      %add3A_352 = arith.constant 1724713080 : i32
      %add3A_353 = vector.broadcast %add3A_352 : i32 to vector<16x512xi32>
      %add3A_354 = arith.addi %add3A_343, %add3A_353 : vector<16x512xi32>
      %add3A_355 = arith.constant 1832780948 : i32
      %add3A_356 = vector.broadcast %add3A_355 : i32 to vector<16x512xi32>
      %add3A_357 = arith.addi %xor3A_351, %add3A_356 : vector<16x512xi32>
      %xor3A_358 = arith.xori %add3A_354, %add3A_357 : vector<16x512xi32>
      %shift_right_logical3A_359 = arith.constant 9 : i32
      %shift_right_logical3A_360 = vector.broadcast %shift_right_logical3A_359 : i32 to vector<16x512xi32>
      %shift_right_logical3A_361 = arith.shrui %xor3A_358, %shift_right_logical3A_360 : vector<16x512xi32>
      %broadcast_in_dim3A_362 = vector.shape_cast %get3A_26 : vector<512xi32> to vector<1x512xi32>
      %eq3A = vector.broadcast %broadcast_in_dim3A_362 : vector<1x512xi32> to vector<16x512xi32>
      %eq3A_363 = arith.cmpi eq, %add3A_140, %eq3A : vector<16x512xi32>
      %jit3A = arith.constant -1 : i32
      %broadcast_in_dim3A_364 = vector.broadcast %jit3A : i32 to vector<16x512xi32>
      %select_n3A = arith.select %eq3A_363, %broadcast_in_dim3A_364, %shift_right_logical3A_361 : vector<16x512xi1>, vector<16x512xi32>
      %reduce_max3A = arith.constant dense<-2147483648> : vector<512xi32>
      %reduce_max3A_365 = vector.multi_reduction <maxsi>, %select_n3A, %reduce_max3A [0] : vector<16x512xi32> to vector<512xi32>
      %broadcast_in_dim3A_366 = vector.shape_cast %reduce_max3A_365 : vector<512xi32> to vector<1x512xi32>
      %eq3A_367 = vector.broadcast %broadcast_in_dim3A_366 : vector<1x512xi32> to vector<16x512xi32>
      %eq3A_368 = arith.cmpi eq, %select_n3A, %eq3A_367 : vector<16x512xi32>
      %broadcast_in_dim3A_369 = vector.broadcast %scan3A : i32 to vector<16x512xi32>
      %select_n3A_370 = arith.select %eq3A_368, %add3A_140, %broadcast_in_dim3A_369 : vector<16x512xi1>, vector<16x512xi32>
      %reduce_min3A = arith.constant dense<2147483647> : vector<512xi32>
      %reduce_min3A_371 = vector.multi_reduction <minsi>, %select_n3A_370, %reduce_min3A [0] : vector<16x512xi32> to vector<512xi32>
      %gt3A = arith.cmpi sgt, %reduce_max3A_365, %scan3A_125 : vector<512xi32>
      %select_n3A_372 = arith.select %gt3A, %reduce_max3A_365, %scan3A_125 : vector<512xi1>, vector<512xi32>
      %select_n3A_373 = arith.select %gt3A, %reduce_min3A_371, %scan3A_126 : vector<512xi1>, vector<512xi32>
      %jit3A_374 = arith.constant -1 : i32
      %broadcast_in_dim3A_375 = vector.broadcast %jit3A_374 : i32 to vector<16x512xi32>
      %select_n3A_376 = arith.select %eq3A_363, %shift_right_logical3A_361, %broadcast_in_dim3A_375 : vector<16x512xi1>, vector<16x512xi32>
      %reduce_max3A_377 = arith.constant dense<-2147483648> : vector<512xi32>
      %reduce_max3A_378 = vector.multi_reduction <maxsi>, %select_n3A_376, %reduce_max3A_377 [0] : vector<16x512xi32> to vector<512xi32>
      %max3A = arith.maxsi %scan3A_127, %reduce_max3A_378 : vector<512xi32>
      %add3A_379 = vector.broadcast %mul3A_10 : i32 to vector<16x512xi32>
      %add3A_380 = arith.addi %add3A_379, %add3A_144 : vector<16x512xi32>
      %broadcast_in_dim3A_381 = arith.constant 1832780943 : i32
      %broadcast_in_dim3A_382 = vector.broadcast %broadcast_in_dim3A_381 : i32 to vector<16x512xi32>
      %add3A_383 = arith.constant 270669613 : i32
      %add3A_384 = vector.broadcast %add3A_383 : i32 to vector<16x512xi32>
      %add3A_385 = arith.addi %add3A_380, %add3A_384 : vector<16x512xi32>
      %add3A_386 = arith.addi %broadcast_in_dim3A_382, %add3A_385 : vector<16x512xi32>
      %shift_left3A_387 = arith.constant 13 : i32
      %shift_left3A_388 = vector.broadcast %shift_left3A_387 : i32 to vector<16x512xi32>
      %shift_left3A_389 = arith.shli %add3A_385, %shift_left3A_388 : vector<16x512xi32>
      %shift_right_logical3A_390 = arith.constant 19 : i32
      %shift_right_logical3A_391 = vector.broadcast %shift_right_logical3A_390 : i32 to vector<16x512xi32>
      %shift_right_logical3A_392 = arith.shrui %add3A_385, %shift_right_logical3A_391 : vector<16x512xi32>
      %or3A_393 = arith.ori %shift_left3A_389, %shift_right_logical3A_392 : vector<16x512xi32>
      %xor3A_394 = arith.xori %or3A_393, %add3A_386 : vector<16x512xi32>
      %add3A_395 = arith.addi %add3A_386, %xor3A_394 : vector<16x512xi32>
      %shift_left3A_396 = arith.constant 15 : i32
      %shift_left3A_397 = vector.broadcast %shift_left3A_396 : i32 to vector<16x512xi32>
      %shift_left3A_398 = arith.shli %xor3A_394, %shift_left3A_397 : vector<16x512xi32>
      %shift_right_logical3A_399 = arith.constant 17 : i32
      %shift_right_logical3A_400 = vector.broadcast %shift_right_logical3A_399 : i32 to vector<16x512xi32>
      %shift_right_logical3A_401 = arith.shrui %xor3A_394, %shift_right_logical3A_400 : vector<16x512xi32>
      %or3A_402 = arith.ori %shift_left3A_398, %shift_right_logical3A_401 : vector<16x512xi32>
      %xor3A_403 = arith.xori %or3A_402, %add3A_395 : vector<16x512xi32>
      %add3A_404 = arith.addi %add3A_395, %xor3A_403 : vector<16x512xi32>
      %shift_left3A_405 = arith.constant 26 : i32
      %shift_left3A_406 = vector.broadcast %shift_left3A_405 : i32 to vector<16x512xi32>
      %shift_left3A_407 = arith.shli %xor3A_403, %shift_left3A_406 : vector<16x512xi32>
      %shift_right_logical3A_408 = arith.constant 6 : i32
      %shift_right_logical3A_409 = vector.broadcast %shift_right_logical3A_408 : i32 to vector<16x512xi32>
      %shift_right_logical3A_410 = arith.shrui %xor3A_403, %shift_right_logical3A_409 : vector<16x512xi32>
      %or3A_411 = arith.ori %shift_left3A_407, %shift_right_logical3A_410 : vector<16x512xi32>
      %xor3A_412 = arith.xori %or3A_411, %add3A_404 : vector<16x512xi32>
      %add3A_413 = arith.addi %add3A_404, %xor3A_412 : vector<16x512xi32>
      %shift_left3A_414 = arith.constant 6 : i32
      %shift_left3A_415 = vector.broadcast %shift_left3A_414 : i32 to vector<16x512xi32>
      %shift_left3A_416 = arith.shli %xor3A_412, %shift_left3A_415 : vector<16x512xi32>
      %shift_right_logical3A_417 = arith.constant 26 : i32
      %shift_right_logical3A_418 = vector.broadcast %shift_right_logical3A_417 : i32 to vector<16x512xi32>
      %shift_right_logical3A_419 = arith.shrui %xor3A_412, %shift_right_logical3A_418 : vector<16x512xi32>
      %or3A_420 = arith.ori %shift_left3A_416, %shift_right_logical3A_419 : vector<16x512xi32>
      %xor3A_421 = arith.xori %or3A_420, %add3A_413 : vector<16x512xi32>
      %add3A_422 = arith.constant 270669613 : i32
      %add3A_423 = vector.broadcast %add3A_422 : i32 to vector<16x512xi32>
      %add3A_424 = arith.addi %add3A_413, %add3A_423 : vector<16x512xi32>
      %add3A_425 = arith.constant 1724713081 : i32
      %add3A_426 = vector.broadcast %add3A_425 : i32 to vector<16x512xi32>
      %add3A_427 = arith.addi %xor3A_421, %add3A_426 : vector<16x512xi32>
      %add3A_428 = arith.addi %add3A_424, %add3A_427 : vector<16x512xi32>
      %shift_left3A_429 = arith.constant 17 : i32
      %shift_left3A_430 = vector.broadcast %shift_left3A_429 : i32 to vector<16x512xi32>
      %shift_left3A_431 = arith.shli %add3A_427, %shift_left3A_430 : vector<16x512xi32>
      %shift_right_logical3A_432 = arith.constant 15 : i32
      %shift_right_logical3A_433 = vector.broadcast %shift_right_logical3A_432 : i32 to vector<16x512xi32>
      %shift_right_logical3A_434 = arith.shrui %add3A_427, %shift_right_logical3A_433 : vector<16x512xi32>
      %or3A_435 = arith.ori %shift_left3A_431, %shift_right_logical3A_434 : vector<16x512xi32>
      %xor3A_436 = arith.xori %or3A_435, %add3A_428 : vector<16x512xi32>
      %add3A_437 = arith.addi %add3A_428, %xor3A_436 : vector<16x512xi32>
      %shift_left3A_438 = arith.constant 29 : i32
      %shift_left3A_439 = vector.broadcast %shift_left3A_438 : i32 to vector<16x512xi32>
      %shift_left3A_440 = arith.shli %xor3A_436, %shift_left3A_439 : vector<16x512xi32>
      %shift_right_logical3A_441 = arith.constant 3 : i32
      %shift_right_logical3A_442 = vector.broadcast %shift_right_logical3A_441 : i32 to vector<16x512xi32>
      %shift_right_logical3A_443 = arith.shrui %xor3A_436, %shift_right_logical3A_442 : vector<16x512xi32>
      %or3A_444 = arith.ori %shift_left3A_440, %shift_right_logical3A_443 : vector<16x512xi32>
      %xor3A_445 = arith.xori %or3A_444, %add3A_437 : vector<16x512xi32>
      %add3A_446 = arith.addi %add3A_437, %xor3A_445 : vector<16x512xi32>
      %shift_left3A_447 = arith.constant 16 : i32
      %shift_left3A_448 = vector.broadcast %shift_left3A_447 : i32 to vector<16x512xi32>
      %shift_left3A_449 = arith.shli %xor3A_445, %shift_left3A_448 : vector<16x512xi32>
      %shift_right_logical3A_450 = arith.constant 16 : i32
      %shift_right_logical3A_451 = vector.broadcast %shift_right_logical3A_450 : i32 to vector<16x512xi32>
      %shift_right_logical3A_452 = arith.shrui %xor3A_445, %shift_right_logical3A_451 : vector<16x512xi32>
      %or3A_453 = arith.ori %shift_left3A_449, %shift_right_logical3A_452 : vector<16x512xi32>
      %xor3A_454 = arith.xori %or3A_453, %add3A_446 : vector<16x512xi32>
      %add3A_455 = arith.addi %add3A_446, %xor3A_454 : vector<16x512xi32>
      %shift_left3A_456 = arith.constant 24 : i32
      %shift_left3A_457 = vector.broadcast %shift_left3A_456 : i32 to vector<16x512xi32>
      %shift_left3A_458 = arith.shli %xor3A_454, %shift_left3A_457 : vector<16x512xi32>
      %shift_right_logical3A_459 = arith.constant 8 : i32
      %shift_right_logical3A_460 = vector.broadcast %shift_right_logical3A_459 : i32 to vector<16x512xi32>
      %shift_right_logical3A_461 = arith.shrui %xor3A_454, %shift_right_logical3A_460 : vector<16x512xi32>
      %or3A_462 = arith.ori %shift_left3A_458, %shift_right_logical3A_461 : vector<16x512xi32>
      %xor3A_463 = arith.xori %or3A_462, %add3A_455 : vector<16x512xi32>
      %add3A_464 = arith.constant 1724713080 : i32
      %add3A_465 = vector.broadcast %add3A_464 : i32 to vector<16x512xi32>
      %add3A_466 = arith.addi %add3A_455, %add3A_465 : vector<16x512xi32>
      %add3A_467 = arith.constant 1832780945 : i32
      %add3A_468 = vector.broadcast %add3A_467 : i32 to vector<16x512xi32>
      %add3A_469 = arith.addi %xor3A_463, %add3A_468 : vector<16x512xi32>
      %add3A_470 = arith.addi %add3A_466, %add3A_469 : vector<16x512xi32>
      %shift_left3A_471 = arith.constant 13 : i32
      %shift_left3A_472 = vector.broadcast %shift_left3A_471 : i32 to vector<16x512xi32>
      %shift_left3A_473 = arith.shli %add3A_469, %shift_left3A_472 : vector<16x512xi32>
      %shift_right_logical3A_474 = arith.constant 19 : i32
      %shift_right_logical3A_475 = vector.broadcast %shift_right_logical3A_474 : i32 to vector<16x512xi32>
      %shift_right_logical3A_476 = arith.shrui %add3A_469, %shift_right_logical3A_475 : vector<16x512xi32>
      %or3A_477 = arith.ori %shift_left3A_473, %shift_right_logical3A_476 : vector<16x512xi32>
      %xor3A_478 = arith.xori %or3A_477, %add3A_470 : vector<16x512xi32>
      %add3A_479 = arith.addi %add3A_470, %xor3A_478 : vector<16x512xi32>
      %shift_left3A_480 = arith.constant 15 : i32
      %shift_left3A_481 = vector.broadcast %shift_left3A_480 : i32 to vector<16x512xi32>
      %shift_left3A_482 = arith.shli %xor3A_478, %shift_left3A_481 : vector<16x512xi32>
      %shift_right_logical3A_483 = arith.constant 17 : i32
      %shift_right_logical3A_484 = vector.broadcast %shift_right_logical3A_483 : i32 to vector<16x512xi32>
      %shift_right_logical3A_485 = arith.shrui %xor3A_478, %shift_right_logical3A_484 : vector<16x512xi32>
      %or3A_486 = arith.ori %shift_left3A_482, %shift_right_logical3A_485 : vector<16x512xi32>
      %xor3A_487 = arith.xori %or3A_486, %add3A_479 : vector<16x512xi32>
      %add3A_488 = arith.addi %add3A_479, %xor3A_487 : vector<16x512xi32>
      %shift_left3A_489 = arith.constant 26 : i32
      %shift_left3A_490 = vector.broadcast %shift_left3A_489 : i32 to vector<16x512xi32>
      %shift_left3A_491 = arith.shli %xor3A_487, %shift_left3A_490 : vector<16x512xi32>
      %shift_right_logical3A_492 = arith.constant 6 : i32
      %shift_right_logical3A_493 = vector.broadcast %shift_right_logical3A_492 : i32 to vector<16x512xi32>
      %shift_right_logical3A_494 = arith.shrui %xor3A_487, %shift_right_logical3A_493 : vector<16x512xi32>
      %or3A_495 = arith.ori %shift_left3A_491, %shift_right_logical3A_494 : vector<16x512xi32>
      %xor3A_496 = arith.xori %or3A_495, %add3A_488 : vector<16x512xi32>
      %add3A_497 = arith.addi %add3A_488, %xor3A_496 : vector<16x512xi32>
      %shift_left3A_498 = arith.constant 6 : i32
      %shift_left3A_499 = vector.broadcast %shift_left3A_498 : i32 to vector<16x512xi32>
      %shift_left3A_500 = arith.shli %xor3A_496, %shift_left3A_499 : vector<16x512xi32>
      %shift_right_logical3A_501 = arith.constant 26 : i32
      %shift_right_logical3A_502 = vector.broadcast %shift_right_logical3A_501 : i32 to vector<16x512xi32>
      %shift_right_logical3A_503 = arith.shrui %xor3A_496, %shift_right_logical3A_502 : vector<16x512xi32>
      %or3A_504 = arith.ori %shift_left3A_500, %shift_right_logical3A_503 : vector<16x512xi32>
      %xor3A_505 = arith.xori %or3A_504, %add3A_497 : vector<16x512xi32>
      %add3A_506 = arith.constant 1832780943 : i32
      %add3A_507 = vector.broadcast %add3A_506 : i32 to vector<16x512xi32>
      %add3A_508 = arith.addi %add3A_497, %add3A_507 : vector<16x512xi32>
      %add3A_509 = arith.constant 270669616 : i32
      %add3A_510 = vector.broadcast %add3A_509 : i32 to vector<16x512xi32>
      %add3A_511 = arith.addi %xor3A_505, %add3A_510 : vector<16x512xi32>
      %add3A_512 = arith.addi %add3A_508, %add3A_511 : vector<16x512xi32>
      %shift_left3A_513 = arith.constant 17 : i32
      %shift_left3A_514 = vector.broadcast %shift_left3A_513 : i32 to vector<16x512xi32>
      %shift_left3A_515 = arith.shli %add3A_511, %shift_left3A_514 : vector<16x512xi32>
      %shift_right_logical3A_516 = arith.constant 15 : i32
      %shift_right_logical3A_517 = vector.broadcast %shift_right_logical3A_516 : i32 to vector<16x512xi32>
      %shift_right_logical3A_518 = arith.shrui %add3A_511, %shift_right_logical3A_517 : vector<16x512xi32>
      %or3A_519 = arith.ori %shift_left3A_515, %shift_right_logical3A_518 : vector<16x512xi32>
      %xor3A_520 = arith.xori %or3A_519, %add3A_512 : vector<16x512xi32>
      %add3A_521 = arith.addi %add3A_512, %xor3A_520 : vector<16x512xi32>
      %shift_left3A_522 = arith.constant 29 : i32
      %shift_left3A_523 = vector.broadcast %shift_left3A_522 : i32 to vector<16x512xi32>
      %shift_left3A_524 = arith.shli %xor3A_520, %shift_left3A_523 : vector<16x512xi32>
      %shift_right_logical3A_525 = arith.constant 3 : i32
      %shift_right_logical3A_526 = vector.broadcast %shift_right_logical3A_525 : i32 to vector<16x512xi32>
      %shift_right_logical3A_527 = arith.shrui %xor3A_520, %shift_right_logical3A_526 : vector<16x512xi32>
      %or3A_528 = arith.ori %shift_left3A_524, %shift_right_logical3A_527 : vector<16x512xi32>
      %xor3A_529 = arith.xori %or3A_528, %add3A_521 : vector<16x512xi32>
      %add3A_530 = arith.addi %add3A_521, %xor3A_529 : vector<16x512xi32>
      %shift_left3A_531 = arith.constant 16 : i32
      %shift_left3A_532 = vector.broadcast %shift_left3A_531 : i32 to vector<16x512xi32>
      %shift_left3A_533 = arith.shli %xor3A_529, %shift_left3A_532 : vector<16x512xi32>
      %shift_right_logical3A_534 = arith.constant 16 : i32
      %shift_right_logical3A_535 = vector.broadcast %shift_right_logical3A_534 : i32 to vector<16x512xi32>
      %shift_right_logical3A_536 = arith.shrui %xor3A_529, %shift_right_logical3A_535 : vector<16x512xi32>
      %or3A_537 = arith.ori %shift_left3A_533, %shift_right_logical3A_536 : vector<16x512xi32>
      %xor3A_538 = arith.xori %or3A_537, %add3A_530 : vector<16x512xi32>
      %add3A_539 = arith.addi %add3A_530, %xor3A_538 : vector<16x512xi32>
      %shift_left3A_540 = arith.constant 24 : i32
      %shift_left3A_541 = vector.broadcast %shift_left3A_540 : i32 to vector<16x512xi32>
      %shift_left3A_542 = arith.shli %xor3A_538, %shift_left3A_541 : vector<16x512xi32>
      %shift_right_logical3A_543 = arith.constant 8 : i32
      %shift_right_logical3A_544 = vector.broadcast %shift_right_logical3A_543 : i32 to vector<16x512xi32>
      %shift_right_logical3A_545 = arith.shrui %xor3A_538, %shift_right_logical3A_544 : vector<16x512xi32>
      %or3A_546 = arith.ori %shift_left3A_542, %shift_right_logical3A_545 : vector<16x512xi32>
      %xor3A_547 = arith.xori %or3A_546, %add3A_539 : vector<16x512xi32>
      %add3A_548 = arith.constant 270669613 : i32
      %add3A_549 = vector.broadcast %add3A_548 : i32 to vector<16x512xi32>
      %add3A_550 = arith.addi %add3A_539, %add3A_549 : vector<16x512xi32>
      %add3A_551 = arith.constant 1724713084 : i32
      %add3A_552 = vector.broadcast %add3A_551 : i32 to vector<16x512xi32>
      %add3A_553 = arith.addi %xor3A_547, %add3A_552 : vector<16x512xi32>
      %add3A_554 = arith.addi %add3A_550, %add3A_553 : vector<16x512xi32>
      %shift_left3A_555 = arith.constant 13 : i32
      %shift_left3A_556 = vector.broadcast %shift_left3A_555 : i32 to vector<16x512xi32>
      %shift_left3A_557 = arith.shli %add3A_553, %shift_left3A_556 : vector<16x512xi32>
      %shift_right_logical3A_558 = arith.constant 19 : i32
      %shift_right_logical3A_559 = vector.broadcast %shift_right_logical3A_558 : i32 to vector<16x512xi32>
      %shift_right_logical3A_560 = arith.shrui %add3A_553, %shift_right_logical3A_559 : vector<16x512xi32>
      %or3A_561 = arith.ori %shift_left3A_557, %shift_right_logical3A_560 : vector<16x512xi32>
      %xor3A_562 = arith.xori %or3A_561, %add3A_554 : vector<16x512xi32>
      %add3A_563 = arith.addi %add3A_554, %xor3A_562 : vector<16x512xi32>
      %shift_left3A_564 = arith.constant 15 : i32
      %shift_left3A_565 = vector.broadcast %shift_left3A_564 : i32 to vector<16x512xi32>
      %shift_left3A_566 = arith.shli %xor3A_562, %shift_left3A_565 : vector<16x512xi32>
      %shift_right_logical3A_567 = arith.constant 17 : i32
      %shift_right_logical3A_568 = vector.broadcast %shift_right_logical3A_567 : i32 to vector<16x512xi32>
      %shift_right_logical3A_569 = arith.shrui %xor3A_562, %shift_right_logical3A_568 : vector<16x512xi32>
      %or3A_570 = arith.ori %shift_left3A_566, %shift_right_logical3A_569 : vector<16x512xi32>
      %xor3A_571 = arith.xori %or3A_570, %add3A_563 : vector<16x512xi32>
      %add3A_572 = arith.addi %add3A_563, %xor3A_571 : vector<16x512xi32>
      %shift_left3A_573 = arith.constant 26 : i32
      %shift_left3A_574 = vector.broadcast %shift_left3A_573 : i32 to vector<16x512xi32>
      %shift_left3A_575 = arith.shli %xor3A_571, %shift_left3A_574 : vector<16x512xi32>
      %shift_right_logical3A_576 = arith.constant 6 : i32
      %shift_right_logical3A_577 = vector.broadcast %shift_right_logical3A_576 : i32 to vector<16x512xi32>
      %shift_right_logical3A_578 = arith.shrui %xor3A_571, %shift_right_logical3A_577 : vector<16x512xi32>
      %or3A_579 = arith.ori %shift_left3A_575, %shift_right_logical3A_578 : vector<16x512xi32>
      %xor3A_580 = arith.xori %or3A_579, %add3A_572 : vector<16x512xi32>
      %add3A_581 = arith.addi %add3A_572, %xor3A_580 : vector<16x512xi32>
      %shift_left3A_582 = arith.constant 6 : i32
      %shift_left3A_583 = vector.broadcast %shift_left3A_582 : i32 to vector<16x512xi32>
      %shift_left3A_584 = arith.shli %xor3A_580, %shift_left3A_583 : vector<16x512xi32>
      %shift_right_logical3A_585 = arith.constant 26 : i32
      %shift_right_logical3A_586 = vector.broadcast %shift_right_logical3A_585 : i32 to vector<16x512xi32>
      %shift_right_logical3A_587 = arith.shrui %xor3A_580, %shift_right_logical3A_586 : vector<16x512xi32>
      %or3A_588 = arith.ori %shift_left3A_584, %shift_right_logical3A_587 : vector<16x512xi32>
      %xor3A_589 = arith.xori %or3A_588, %add3A_581 : vector<16x512xi32>
      %add3A_590 = arith.constant 1724713080 : i32
      %add3A_591 = vector.broadcast %add3A_590 : i32 to vector<16x512xi32>
      %add3A_592 = arith.addi %add3A_581, %add3A_591 : vector<16x512xi32>
      %add3A_593 = arith.constant 1832780948 : i32
      %add3A_594 = vector.broadcast %add3A_593 : i32 to vector<16x512xi32>
      %add3A_595 = arith.addi %xor3A_589, %add3A_594 : vector<16x512xi32>
      %xor3A_596 = arith.xori %add3A_592, %add3A_595 : vector<16x512xi32>
      %shift_right_logical3A_597 = arith.constant 9 : i32
      %shift_right_logical3A_598 = vector.broadcast %shift_right_logical3A_597 : i32 to vector<16x512xi32>
      %shift_right_logical3A_599 = arith.shrui %xor3A_596, %shift_right_logical3A_598 : vector<16x512xi32>
      %broadcast_in_dim3A_600 = vector.shape_cast %get3A_31 : vector<512xi32> to vector<1x512xi32>
      %eq3A_601 = vector.broadcast %broadcast_in_dim3A_600 : vector<1x512xi32> to vector<16x512xi32>
      %eq3A_602 = arith.cmpi eq, %add3A_140, %eq3A_601 : vector<16x512xi32>
      %jit3A_603 = arith.constant -1 : i32
      %broadcast_in_dim3A_604 = vector.broadcast %jit3A_603 : i32 to vector<16x512xi32>
      %select_n3A_605 = arith.select %eq3A_602, %broadcast_in_dim3A_604, %shift_right_logical3A_599 : vector<16x512xi1>, vector<16x512xi32>
      %reduce_max3A_606 = arith.constant dense<-2147483648> : vector<512xi32>
      %reduce_max3A_607 = vector.multi_reduction <maxsi>, %select_n3A_605, %reduce_max3A_606 [0] : vector<16x512xi32> to vector<512xi32>
      %broadcast_in_dim3A_608 = vector.shape_cast %reduce_max3A_607 : vector<512xi32> to vector<1x512xi32>
      %eq3A_609 = vector.broadcast %broadcast_in_dim3A_608 : vector<1x512xi32> to vector<16x512xi32>
      %eq3A_610 = arith.cmpi eq, %select_n3A_605, %eq3A_609 : vector<16x512xi32>
      %broadcast_in_dim3A_611 = vector.broadcast %scan3A : i32 to vector<16x512xi32>
      %select_n3A_612 = arith.select %eq3A_610, %add3A_140, %broadcast_in_dim3A_611 : vector<16x512xi1>, vector<16x512xi32>
      %reduce_min3A_613 = arith.constant dense<2147483647> : vector<512xi32>
      %reduce_min3A_614 = vector.multi_reduction <minsi>, %select_n3A_612, %reduce_min3A_613 [0] : vector<16x512xi32> to vector<512xi32>
      %gt3A_615 = arith.cmpi sgt, %reduce_max3A_607, %scan3A_128 : vector<512xi32>
      %select_n3A_616 = arith.select %gt3A_615, %reduce_max3A_607, %scan3A_128 : vector<512xi1>, vector<512xi32>
      %select_n3A_617 = arith.select %gt3A_615, %reduce_min3A_614, %scan3A_129 : vector<512xi1>, vector<512xi32>
      %jit3A_618 = arith.constant -1 : i32
      %broadcast_in_dim3A_619 = vector.broadcast %jit3A_618 : i32 to vector<16x512xi32>
      %select_n3A_620 = arith.select %eq3A_602, %shift_right_logical3A_599, %broadcast_in_dim3A_619 : vector<16x512xi1>, vector<16x512xi32>
      %reduce_max3A_621 = arith.constant dense<-2147483648> : vector<512xi32>
      %reduce_max3A_622 = vector.multi_reduction <maxsi>, %select_n3A_620, %reduce_max3A_621 [0] : vector<16x512xi32> to vector<512xi32>
      %max3A_623 = arith.maxsi %scan3A_130, %reduce_max3A_622 : vector<512xi32>
      %add3A_624 = vector.broadcast %mul3A_16 : i32 to vector<16x512xi32>
      %add3A_625 = arith.addi %add3A_624, %add3A_144 : vector<16x512xi32>
      %broadcast_in_dim3A_626 = arith.constant 1832780943 : i32
      %broadcast_in_dim3A_627 = vector.broadcast %broadcast_in_dim3A_626 : i32 to vector<16x512xi32>
      %add3A_628 = arith.constant 270669613 : i32
      %add3A_629 = vector.broadcast %add3A_628 : i32 to vector<16x512xi32>
      %add3A_630 = arith.addi %add3A_625, %add3A_629 : vector<16x512xi32>
      %add3A_631 = arith.addi %broadcast_in_dim3A_627, %add3A_630 : vector<16x512xi32>
      %shift_left3A_632 = arith.constant 13 : i32
      %shift_left3A_633 = vector.broadcast %shift_left3A_632 : i32 to vector<16x512xi32>
      %shift_left3A_634 = arith.shli %add3A_630, %shift_left3A_633 : vector<16x512xi32>
      %shift_right_logical3A_635 = arith.constant 19 : i32
      %shift_right_logical3A_636 = vector.broadcast %shift_right_logical3A_635 : i32 to vector<16x512xi32>
      %shift_right_logical3A_637 = arith.shrui %add3A_630, %shift_right_logical3A_636 : vector<16x512xi32>
      %or3A_638 = arith.ori %shift_left3A_634, %shift_right_logical3A_637 : vector<16x512xi32>
      %xor3A_639 = arith.xori %or3A_638, %add3A_631 : vector<16x512xi32>
      %add3A_640 = arith.addi %add3A_631, %xor3A_639 : vector<16x512xi32>
      %shift_left3A_641 = arith.constant 15 : i32
      %shift_left3A_642 = vector.broadcast %shift_left3A_641 : i32 to vector<16x512xi32>
      %shift_left3A_643 = arith.shli %xor3A_639, %shift_left3A_642 : vector<16x512xi32>
      %shift_right_logical3A_644 = arith.constant 17 : i32
      %shift_right_logical3A_645 = vector.broadcast %shift_right_logical3A_644 : i32 to vector<16x512xi32>
      %shift_right_logical3A_646 = arith.shrui %xor3A_639, %shift_right_logical3A_645 : vector<16x512xi32>
      %or3A_647 = arith.ori %shift_left3A_643, %shift_right_logical3A_646 : vector<16x512xi32>
      %xor3A_648 = arith.xori %or3A_647, %add3A_640 : vector<16x512xi32>
      %add3A_649 = arith.addi %add3A_640, %xor3A_648 : vector<16x512xi32>
      %shift_left3A_650 = arith.constant 26 : i32
      %shift_left3A_651 = vector.broadcast %shift_left3A_650 : i32 to vector<16x512xi32>
      %shift_left3A_652 = arith.shli %xor3A_648, %shift_left3A_651 : vector<16x512xi32>
      %shift_right_logical3A_653 = arith.constant 6 : i32
      %shift_right_logical3A_654 = vector.broadcast %shift_right_logical3A_653 : i32 to vector<16x512xi32>
      %shift_right_logical3A_655 = arith.shrui %xor3A_648, %shift_right_logical3A_654 : vector<16x512xi32>
      %or3A_656 = arith.ori %shift_left3A_652, %shift_right_logical3A_655 : vector<16x512xi32>
      %xor3A_657 = arith.xori %or3A_656, %add3A_649 : vector<16x512xi32>
      %add3A_658 = arith.addi %add3A_649, %xor3A_657 : vector<16x512xi32>
      %shift_left3A_659 = arith.constant 6 : i32
      %shift_left3A_660 = vector.broadcast %shift_left3A_659 : i32 to vector<16x512xi32>
      %shift_left3A_661 = arith.shli %xor3A_657, %shift_left3A_660 : vector<16x512xi32>
      %shift_right_logical3A_662 = arith.constant 26 : i32
      %shift_right_logical3A_663 = vector.broadcast %shift_right_logical3A_662 : i32 to vector<16x512xi32>
      %shift_right_logical3A_664 = arith.shrui %xor3A_657, %shift_right_logical3A_663 : vector<16x512xi32>
      %or3A_665 = arith.ori %shift_left3A_661, %shift_right_logical3A_664 : vector<16x512xi32>
      %xor3A_666 = arith.xori %or3A_665, %add3A_658 : vector<16x512xi32>
      %add3A_667 = arith.constant 270669613 : i32
      %add3A_668 = vector.broadcast %add3A_667 : i32 to vector<16x512xi32>
      %add3A_669 = arith.addi %add3A_658, %add3A_668 : vector<16x512xi32>
      %add3A_670 = arith.constant 1724713081 : i32
      %add3A_671 = vector.broadcast %add3A_670 : i32 to vector<16x512xi32>
      %add3A_672 = arith.addi %xor3A_666, %add3A_671 : vector<16x512xi32>
      %add3A_673 = arith.addi %add3A_669, %add3A_672 : vector<16x512xi32>
      %shift_left3A_674 = arith.constant 17 : i32
      %shift_left3A_675 = vector.broadcast %shift_left3A_674 : i32 to vector<16x512xi32>
      %shift_left3A_676 = arith.shli %add3A_672, %shift_left3A_675 : vector<16x512xi32>
      %shift_right_logical3A_677 = arith.constant 15 : i32
      %shift_right_logical3A_678 = vector.broadcast %shift_right_logical3A_677 : i32 to vector<16x512xi32>
      %shift_right_logical3A_679 = arith.shrui %add3A_672, %shift_right_logical3A_678 : vector<16x512xi32>
      %or3A_680 = arith.ori %shift_left3A_676, %shift_right_logical3A_679 : vector<16x512xi32>
      %xor3A_681 = arith.xori %or3A_680, %add3A_673 : vector<16x512xi32>
      %add3A_682 = arith.addi %add3A_673, %xor3A_681 : vector<16x512xi32>
      %shift_left3A_683 = arith.constant 29 : i32
      %shift_left3A_684 = vector.broadcast %shift_left3A_683 : i32 to vector<16x512xi32>
      %shift_left3A_685 = arith.shli %xor3A_681, %shift_left3A_684 : vector<16x512xi32>
      %shift_right_logical3A_686 = arith.constant 3 : i32
      %shift_right_logical3A_687 = vector.broadcast %shift_right_logical3A_686 : i32 to vector<16x512xi32>
      %shift_right_logical3A_688 = arith.shrui %xor3A_681, %shift_right_logical3A_687 : vector<16x512xi32>
      %or3A_689 = arith.ori %shift_left3A_685, %shift_right_logical3A_688 : vector<16x512xi32>
      %xor3A_690 = arith.xori %or3A_689, %add3A_682 : vector<16x512xi32>
      %add3A_691 = arith.addi %add3A_682, %xor3A_690 : vector<16x512xi32>
      %shift_left3A_692 = arith.constant 16 : i32
      %shift_left3A_693 = vector.broadcast %shift_left3A_692 : i32 to vector<16x512xi32>
      %shift_left3A_694 = arith.shli %xor3A_690, %shift_left3A_693 : vector<16x512xi32>
      %shift_right_logical3A_695 = arith.constant 16 : i32
      %shift_right_logical3A_696 = vector.broadcast %shift_right_logical3A_695 : i32 to vector<16x512xi32>
      %shift_right_logical3A_697 = arith.shrui %xor3A_690, %shift_right_logical3A_696 : vector<16x512xi32>
      %or3A_698 = arith.ori %shift_left3A_694, %shift_right_logical3A_697 : vector<16x512xi32>
      %xor3A_699 = arith.xori %or3A_698, %add3A_691 : vector<16x512xi32>
      %add3A_700 = arith.addi %add3A_691, %xor3A_699 : vector<16x512xi32>
      %shift_left3A_701 = arith.constant 24 : i32
      %shift_left3A_702 = vector.broadcast %shift_left3A_701 : i32 to vector<16x512xi32>
      %shift_left3A_703 = arith.shli %xor3A_699, %shift_left3A_702 : vector<16x512xi32>
      %shift_right_logical3A_704 = arith.constant 8 : i32
      %shift_right_logical3A_705 = vector.broadcast %shift_right_logical3A_704 : i32 to vector<16x512xi32>
      %shift_right_logical3A_706 = arith.shrui %xor3A_699, %shift_right_logical3A_705 : vector<16x512xi32>
      %or3A_707 = arith.ori %shift_left3A_703, %shift_right_logical3A_706 : vector<16x512xi32>
      %xor3A_708 = arith.xori %or3A_707, %add3A_700 : vector<16x512xi32>
      %add3A_709 = arith.constant 1724713080 : i32
      %add3A_710 = vector.broadcast %add3A_709 : i32 to vector<16x512xi32>
      %add3A_711 = arith.addi %add3A_700, %add3A_710 : vector<16x512xi32>
      %add3A_712 = arith.constant 1832780945 : i32
      %add3A_713 = vector.broadcast %add3A_712 : i32 to vector<16x512xi32>
      %add3A_714 = arith.addi %xor3A_708, %add3A_713 : vector<16x512xi32>
      %add3A_715 = arith.addi %add3A_711, %add3A_714 : vector<16x512xi32>
      %shift_left3A_716 = arith.constant 13 : i32
      %shift_left3A_717 = vector.broadcast %shift_left3A_716 : i32 to vector<16x512xi32>
      %shift_left3A_718 = arith.shli %add3A_714, %shift_left3A_717 : vector<16x512xi32>
      %shift_right_logical3A_719 = arith.constant 19 : i32
      %shift_right_logical3A_720 = vector.broadcast %shift_right_logical3A_719 : i32 to vector<16x512xi32>
      %shift_right_logical3A_721 = arith.shrui %add3A_714, %shift_right_logical3A_720 : vector<16x512xi32>
      %or3A_722 = arith.ori %shift_left3A_718, %shift_right_logical3A_721 : vector<16x512xi32>
      %xor3A_723 = arith.xori %or3A_722, %add3A_715 : vector<16x512xi32>
      %add3A_724 = arith.addi %add3A_715, %xor3A_723 : vector<16x512xi32>
      %shift_left3A_725 = arith.constant 15 : i32
      %shift_left3A_726 = vector.broadcast %shift_left3A_725 : i32 to vector<16x512xi32>
      %shift_left3A_727 = arith.shli %xor3A_723, %shift_left3A_726 : vector<16x512xi32>
      %shift_right_logical3A_728 = arith.constant 17 : i32
      %shift_right_logical3A_729 = vector.broadcast %shift_right_logical3A_728 : i32 to vector<16x512xi32>
      %shift_right_logical3A_730 = arith.shrui %xor3A_723, %shift_right_logical3A_729 : vector<16x512xi32>
      %or3A_731 = arith.ori %shift_left3A_727, %shift_right_logical3A_730 : vector<16x512xi32>
      %xor3A_732 = arith.xori %or3A_731, %add3A_724 : vector<16x512xi32>
      %add3A_733 = arith.addi %add3A_724, %xor3A_732 : vector<16x512xi32>
      %shift_left3A_734 = arith.constant 26 : i32
      %shift_left3A_735 = vector.broadcast %shift_left3A_734 : i32 to vector<16x512xi32>
      %shift_left3A_736 = arith.shli %xor3A_732, %shift_left3A_735 : vector<16x512xi32>
      %shift_right_logical3A_737 = arith.constant 6 : i32
      %shift_right_logical3A_738 = vector.broadcast %shift_right_logical3A_737 : i32 to vector<16x512xi32>
      %shift_right_logical3A_739 = arith.shrui %xor3A_732, %shift_right_logical3A_738 : vector<16x512xi32>
      %or3A_740 = arith.ori %shift_left3A_736, %shift_right_logical3A_739 : vector<16x512xi32>
      %xor3A_741 = arith.xori %or3A_740, %add3A_733 : vector<16x512xi32>
      %add3A_742 = arith.addi %add3A_733, %xor3A_741 : vector<16x512xi32>
      %shift_left3A_743 = arith.constant 6 : i32
      %shift_left3A_744 = vector.broadcast %shift_left3A_743 : i32 to vector<16x512xi32>
      %shift_left3A_745 = arith.shli %xor3A_741, %shift_left3A_744 : vector<16x512xi32>
      %shift_right_logical3A_746 = arith.constant 26 : i32
      %shift_right_logical3A_747 = vector.broadcast %shift_right_logical3A_746 : i32 to vector<16x512xi32>
      %shift_right_logical3A_748 = arith.shrui %xor3A_741, %shift_right_logical3A_747 : vector<16x512xi32>
      %or3A_749 = arith.ori %shift_left3A_745, %shift_right_logical3A_748 : vector<16x512xi32>
      %xor3A_750 = arith.xori %or3A_749, %add3A_742 : vector<16x512xi32>
      %add3A_751 = arith.constant 1832780943 : i32
      %add3A_752 = vector.broadcast %add3A_751 : i32 to vector<16x512xi32>
      %add3A_753 = arith.addi %add3A_742, %add3A_752 : vector<16x512xi32>
      %add3A_754 = arith.constant 270669616 : i32
      %add3A_755 = vector.broadcast %add3A_754 : i32 to vector<16x512xi32>
      %add3A_756 = arith.addi %xor3A_750, %add3A_755 : vector<16x512xi32>
      %add3A_757 = arith.addi %add3A_753, %add3A_756 : vector<16x512xi32>
      %shift_left3A_758 = arith.constant 17 : i32
      %shift_left3A_759 = vector.broadcast %shift_left3A_758 : i32 to vector<16x512xi32>
      %shift_left3A_760 = arith.shli %add3A_756, %shift_left3A_759 : vector<16x512xi32>
      %shift_right_logical3A_761 = arith.constant 15 : i32
      %shift_right_logical3A_762 = vector.broadcast %shift_right_logical3A_761 : i32 to vector<16x512xi32>
      %shift_right_logical3A_763 = arith.shrui %add3A_756, %shift_right_logical3A_762 : vector<16x512xi32>
      %or3A_764 = arith.ori %shift_left3A_760, %shift_right_logical3A_763 : vector<16x512xi32>
      %xor3A_765 = arith.xori %or3A_764, %add3A_757 : vector<16x512xi32>
      %add3A_766 = arith.addi %add3A_757, %xor3A_765 : vector<16x512xi32>
      %shift_left3A_767 = arith.constant 29 : i32
      %shift_left3A_768 = vector.broadcast %shift_left3A_767 : i32 to vector<16x512xi32>
      %shift_left3A_769 = arith.shli %xor3A_765, %shift_left3A_768 : vector<16x512xi32>
      %shift_right_logical3A_770 = arith.constant 3 : i32
      %shift_right_logical3A_771 = vector.broadcast %shift_right_logical3A_770 : i32 to vector<16x512xi32>
      %shift_right_logical3A_772 = arith.shrui %xor3A_765, %shift_right_logical3A_771 : vector<16x512xi32>
      %or3A_773 = arith.ori %shift_left3A_769, %shift_right_logical3A_772 : vector<16x512xi32>
      %xor3A_774 = arith.xori %or3A_773, %add3A_766 : vector<16x512xi32>
      %add3A_775 = arith.addi %add3A_766, %xor3A_774 : vector<16x512xi32>
      %shift_left3A_776 = arith.constant 16 : i32
      %shift_left3A_777 = vector.broadcast %shift_left3A_776 : i32 to vector<16x512xi32>
      %shift_left3A_778 = arith.shli %xor3A_774, %shift_left3A_777 : vector<16x512xi32>
      %shift_right_logical3A_779 = arith.constant 16 : i32
      %shift_right_logical3A_780 = vector.broadcast %shift_right_logical3A_779 : i32 to vector<16x512xi32>
      %shift_right_logical3A_781 = arith.shrui %xor3A_774, %shift_right_logical3A_780 : vector<16x512xi32>
      %or3A_782 = arith.ori %shift_left3A_778, %shift_right_logical3A_781 : vector<16x512xi32>
      %xor3A_783 = arith.xori %or3A_782, %add3A_775 : vector<16x512xi32>
      %add3A_784 = arith.addi %add3A_775, %xor3A_783 : vector<16x512xi32>
      %shift_left3A_785 = arith.constant 24 : i32
      %shift_left3A_786 = vector.broadcast %shift_left3A_785 : i32 to vector<16x512xi32>
      %shift_left3A_787 = arith.shli %xor3A_783, %shift_left3A_786 : vector<16x512xi32>
      %shift_right_logical3A_788 = arith.constant 8 : i32
      %shift_right_logical3A_789 = vector.broadcast %shift_right_logical3A_788 : i32 to vector<16x512xi32>
      %shift_right_logical3A_790 = arith.shrui %xor3A_783, %shift_right_logical3A_789 : vector<16x512xi32>
      %or3A_791 = arith.ori %shift_left3A_787, %shift_right_logical3A_790 : vector<16x512xi32>
      %xor3A_792 = arith.xori %or3A_791, %add3A_784 : vector<16x512xi32>
      %add3A_793 = arith.constant 270669613 : i32
      %add3A_794 = vector.broadcast %add3A_793 : i32 to vector<16x512xi32>
      %add3A_795 = arith.addi %add3A_784, %add3A_794 : vector<16x512xi32>
      %add3A_796 = arith.constant 1724713084 : i32
      %add3A_797 = vector.broadcast %add3A_796 : i32 to vector<16x512xi32>
      %add3A_798 = arith.addi %xor3A_792, %add3A_797 : vector<16x512xi32>
      %add3A_799 = arith.addi %add3A_795, %add3A_798 : vector<16x512xi32>
      %shift_left3A_800 = arith.constant 13 : i32
      %shift_left3A_801 = vector.broadcast %shift_left3A_800 : i32 to vector<16x512xi32>
      %shift_left3A_802 = arith.shli %add3A_798, %shift_left3A_801 : vector<16x512xi32>
      %shift_right_logical3A_803 = arith.constant 19 : i32
      %shift_right_logical3A_804 = vector.broadcast %shift_right_logical3A_803 : i32 to vector<16x512xi32>
      %shift_right_logical3A_805 = arith.shrui %add3A_798, %shift_right_logical3A_804 : vector<16x512xi32>
      %or3A_806 = arith.ori %shift_left3A_802, %shift_right_logical3A_805 : vector<16x512xi32>
      %xor3A_807 = arith.xori %or3A_806, %add3A_799 : vector<16x512xi32>
      %add3A_808 = arith.addi %add3A_799, %xor3A_807 : vector<16x512xi32>
      %shift_left3A_809 = arith.constant 15 : i32
      %shift_left3A_810 = vector.broadcast %shift_left3A_809 : i32 to vector<16x512xi32>
      %shift_left3A_811 = arith.shli %xor3A_807, %shift_left3A_810 : vector<16x512xi32>
      %shift_right_logical3A_812 = arith.constant 17 : i32
      %shift_right_logical3A_813 = vector.broadcast %shift_right_logical3A_812 : i32 to vector<16x512xi32>
      %shift_right_logical3A_814 = arith.shrui %xor3A_807, %shift_right_logical3A_813 : vector<16x512xi32>
      %or3A_815 = arith.ori %shift_left3A_811, %shift_right_logical3A_814 : vector<16x512xi32>
      %xor3A_816 = arith.xori %or3A_815, %add3A_808 : vector<16x512xi32>
      %add3A_817 = arith.addi %add3A_808, %xor3A_816 : vector<16x512xi32>
      %shift_left3A_818 = arith.constant 26 : i32
      %shift_left3A_819 = vector.broadcast %shift_left3A_818 : i32 to vector<16x512xi32>
      %shift_left3A_820 = arith.shli %xor3A_816, %shift_left3A_819 : vector<16x512xi32>
      %shift_right_logical3A_821 = arith.constant 6 : i32
      %shift_right_logical3A_822 = vector.broadcast %shift_right_logical3A_821 : i32 to vector<16x512xi32>
      %shift_right_logical3A_823 = arith.shrui %xor3A_816, %shift_right_logical3A_822 : vector<16x512xi32>
      %or3A_824 = arith.ori %shift_left3A_820, %shift_right_logical3A_823 : vector<16x512xi32>
      %xor3A_825 = arith.xori %or3A_824, %add3A_817 : vector<16x512xi32>
      %add3A_826 = arith.addi %add3A_817, %xor3A_825 : vector<16x512xi32>
      %shift_left3A_827 = arith.constant 6 : i32
      %shift_left3A_828 = vector.broadcast %shift_left3A_827 : i32 to vector<16x512xi32>
      %shift_left3A_829 = arith.shli %xor3A_825, %shift_left3A_828 : vector<16x512xi32>
      %shift_right_logical3A_830 = arith.constant 26 : i32
      %shift_right_logical3A_831 = vector.broadcast %shift_right_logical3A_830 : i32 to vector<16x512xi32>
      %shift_right_logical3A_832 = arith.shrui %xor3A_825, %shift_right_logical3A_831 : vector<16x512xi32>
      %or3A_833 = arith.ori %shift_left3A_829, %shift_right_logical3A_832 : vector<16x512xi32>
      %xor3A_834 = arith.xori %or3A_833, %add3A_826 : vector<16x512xi32>
      %add3A_835 = arith.constant 1724713080 : i32
      %add3A_836 = vector.broadcast %add3A_835 : i32 to vector<16x512xi32>
      %add3A_837 = arith.addi %add3A_826, %add3A_836 : vector<16x512xi32>
      %add3A_838 = arith.constant 1832780948 : i32
      %add3A_839 = vector.broadcast %add3A_838 : i32 to vector<16x512xi32>
      %add3A_840 = arith.addi %xor3A_834, %add3A_839 : vector<16x512xi32>
      %xor3A_841 = arith.xori %add3A_837, %add3A_840 : vector<16x512xi32>
      %shift_right_logical3A_842 = arith.constant 9 : i32
      %shift_right_logical3A_843 = vector.broadcast %shift_right_logical3A_842 : i32 to vector<16x512xi32>
      %shift_right_logical3A_844 = arith.shrui %xor3A_841, %shift_right_logical3A_843 : vector<16x512xi32>
      %broadcast_in_dim3A_845 = vector.shape_cast %get3A_36 : vector<512xi32> to vector<1x512xi32>
      %eq3A_846 = vector.broadcast %broadcast_in_dim3A_845 : vector<1x512xi32> to vector<16x512xi32>
      %eq3A_847 = arith.cmpi eq, %add3A_140, %eq3A_846 : vector<16x512xi32>
      %jit3A_848 = arith.constant -1 : i32
      %broadcast_in_dim3A_849 = vector.broadcast %jit3A_848 : i32 to vector<16x512xi32>
      %select_n3A_850 = arith.select %eq3A_847, %broadcast_in_dim3A_849, %shift_right_logical3A_844 : vector<16x512xi1>, vector<16x512xi32>
      %reduce_max3A_851 = arith.constant dense<-2147483648> : vector<512xi32>
      %reduce_max3A_852 = vector.multi_reduction <maxsi>, %select_n3A_850, %reduce_max3A_851 [0] : vector<16x512xi32> to vector<512xi32>
      %broadcast_in_dim3A_853 = vector.shape_cast %reduce_max3A_852 : vector<512xi32> to vector<1x512xi32>
      %eq3A_854 = vector.broadcast %broadcast_in_dim3A_853 : vector<1x512xi32> to vector<16x512xi32>
      %eq3A_855 = arith.cmpi eq, %select_n3A_850, %eq3A_854 : vector<16x512xi32>
      %broadcast_in_dim3A_856 = vector.broadcast %scan3A : i32 to vector<16x512xi32>
      %select_n3A_857 = arith.select %eq3A_855, %add3A_140, %broadcast_in_dim3A_856 : vector<16x512xi1>, vector<16x512xi32>
      %reduce_min3A_858 = arith.constant dense<2147483647> : vector<512xi32>
      %reduce_min3A_859 = vector.multi_reduction <minsi>, %select_n3A_857, %reduce_min3A_858 [0] : vector<16x512xi32> to vector<512xi32>
      %gt3A_860 = arith.cmpi sgt, %reduce_max3A_852, %scan3A_131 : vector<512xi32>
      %select_n3A_861 = arith.select %gt3A_860, %reduce_max3A_852, %scan3A_131 : vector<512xi1>, vector<512xi32>
      %select_n3A_862 = arith.select %gt3A_860, %reduce_min3A_859, %scan3A_132 : vector<512xi1>, vector<512xi32>
      %jit3A_863 = arith.constant -1 : i32
      %broadcast_in_dim3A_864 = vector.broadcast %jit3A_863 : i32 to vector<16x512xi32>
      %select_n3A_865 = arith.select %eq3A_847, %shift_right_logical3A_844, %broadcast_in_dim3A_864 : vector<16x512xi1>, vector<16x512xi32>
      %reduce_max3A_866 = arith.constant dense<-2147483648> : vector<512xi32>
      %reduce_max3A_867 = vector.multi_reduction <maxsi>, %select_n3A_865, %reduce_max3A_866 [0] : vector<16x512xi32> to vector<512xi32>
      %max3A_868 = arith.maxsi %scan3A_133, %reduce_max3A_867 : vector<512xi32>
      %add3A_869 = vector.broadcast %mul3A_22 : i32 to vector<16x512xi32>
      %add3A_870 = arith.addi %add3A_869, %add3A_144 : vector<16x512xi32>
      %broadcast_in_dim3A_871 = arith.constant 1832780943 : i32
      %broadcast_in_dim3A_872 = vector.broadcast %broadcast_in_dim3A_871 : i32 to vector<16x512xi32>
      %add3A_873 = arith.constant 270669613 : i32
      %add3A_874 = vector.broadcast %add3A_873 : i32 to vector<16x512xi32>
      %add3A_875 = arith.addi %add3A_870, %add3A_874 : vector<16x512xi32>
      %add3A_876 = arith.addi %broadcast_in_dim3A_872, %add3A_875 : vector<16x512xi32>
      %shift_left3A_877 = arith.constant 13 : i32
      %shift_left3A_878 = vector.broadcast %shift_left3A_877 : i32 to vector<16x512xi32>
      %shift_left3A_879 = arith.shli %add3A_875, %shift_left3A_878 : vector<16x512xi32>
      %shift_right_logical3A_880 = arith.constant 19 : i32
      %shift_right_logical3A_881 = vector.broadcast %shift_right_logical3A_880 : i32 to vector<16x512xi32>
      %shift_right_logical3A_882 = arith.shrui %add3A_875, %shift_right_logical3A_881 : vector<16x512xi32>
      %or3A_883 = arith.ori %shift_left3A_879, %shift_right_logical3A_882 : vector<16x512xi32>
      %xor3A_884 = arith.xori %or3A_883, %add3A_876 : vector<16x512xi32>
      %add3A_885 = arith.addi %add3A_876, %xor3A_884 : vector<16x512xi32>
      %shift_left3A_886 = arith.constant 15 : i32
      %shift_left3A_887 = vector.broadcast %shift_left3A_886 : i32 to vector<16x512xi32>
      %shift_left3A_888 = arith.shli %xor3A_884, %shift_left3A_887 : vector<16x512xi32>
      %shift_right_logical3A_889 = arith.constant 17 : i32
      %shift_right_logical3A_890 = vector.broadcast %shift_right_logical3A_889 : i32 to vector<16x512xi32>
      %shift_right_logical3A_891 = arith.shrui %xor3A_884, %shift_right_logical3A_890 : vector<16x512xi32>
      %or3A_892 = arith.ori %shift_left3A_888, %shift_right_logical3A_891 : vector<16x512xi32>
      %xor3A_893 = arith.xori %or3A_892, %add3A_885 : vector<16x512xi32>
      %add3A_894 = arith.addi %add3A_885, %xor3A_893 : vector<16x512xi32>
      %shift_left3A_895 = arith.constant 26 : i32
      %shift_left3A_896 = vector.broadcast %shift_left3A_895 : i32 to vector<16x512xi32>
      %shift_left3A_897 = arith.shli %xor3A_893, %shift_left3A_896 : vector<16x512xi32>
      %shift_right_logical3A_898 = arith.constant 6 : i32
      %shift_right_logical3A_899 = vector.broadcast %shift_right_logical3A_898 : i32 to vector<16x512xi32>
      %shift_right_logical3A_900 = arith.shrui %xor3A_893, %shift_right_logical3A_899 : vector<16x512xi32>
      %or3A_901 = arith.ori %shift_left3A_897, %shift_right_logical3A_900 : vector<16x512xi32>
      %xor3A_902 = arith.xori %or3A_901, %add3A_894 : vector<16x512xi32>
      %add3A_903 = arith.addi %add3A_894, %xor3A_902 : vector<16x512xi32>
      %shift_left3A_904 = arith.constant 6 : i32
      %shift_left3A_905 = vector.broadcast %shift_left3A_904 : i32 to vector<16x512xi32>
      %shift_left3A_906 = arith.shli %xor3A_902, %shift_left3A_905 : vector<16x512xi32>
      %shift_right_logical3A_907 = arith.constant 26 : i32
      %shift_right_logical3A_908 = vector.broadcast %shift_right_logical3A_907 : i32 to vector<16x512xi32>
      %shift_right_logical3A_909 = arith.shrui %xor3A_902, %shift_right_logical3A_908 : vector<16x512xi32>
      %or3A_910 = arith.ori %shift_left3A_906, %shift_right_logical3A_909 : vector<16x512xi32>
      %xor3A_911 = arith.xori %or3A_910, %add3A_903 : vector<16x512xi32>
      %add3A_912 = arith.constant 270669613 : i32
      %add3A_913 = vector.broadcast %add3A_912 : i32 to vector<16x512xi32>
      %add3A_914 = arith.addi %add3A_903, %add3A_913 : vector<16x512xi32>
      %add3A_915 = arith.constant 1724713081 : i32
      %add3A_916 = vector.broadcast %add3A_915 : i32 to vector<16x512xi32>
      %add3A_917 = arith.addi %xor3A_911, %add3A_916 : vector<16x512xi32>
      %add3A_918 = arith.addi %add3A_914, %add3A_917 : vector<16x512xi32>
      %shift_left3A_919 = arith.constant 17 : i32
      %shift_left3A_920 = vector.broadcast %shift_left3A_919 : i32 to vector<16x512xi32>
      %shift_left3A_921 = arith.shli %add3A_917, %shift_left3A_920 : vector<16x512xi32>
      %shift_right_logical3A_922 = arith.constant 15 : i32
      %shift_right_logical3A_923 = vector.broadcast %shift_right_logical3A_922 : i32 to vector<16x512xi32>
      %shift_right_logical3A_924 = arith.shrui %add3A_917, %shift_right_logical3A_923 : vector<16x512xi32>
      %or3A_925 = arith.ori %shift_left3A_921, %shift_right_logical3A_924 : vector<16x512xi32>
      %xor3A_926 = arith.xori %or3A_925, %add3A_918 : vector<16x512xi32>
      %add3A_927 = arith.addi %add3A_918, %xor3A_926 : vector<16x512xi32>
      %shift_left3A_928 = arith.constant 29 : i32
      %shift_left3A_929 = vector.broadcast %shift_left3A_928 : i32 to vector<16x512xi32>
      %shift_left3A_930 = arith.shli %xor3A_926, %shift_left3A_929 : vector<16x512xi32>
      %shift_right_logical3A_931 = arith.constant 3 : i32
      %shift_right_logical3A_932 = vector.broadcast %shift_right_logical3A_931 : i32 to vector<16x512xi32>
      %shift_right_logical3A_933 = arith.shrui %xor3A_926, %shift_right_logical3A_932 : vector<16x512xi32>
      %or3A_934 = arith.ori %shift_left3A_930, %shift_right_logical3A_933 : vector<16x512xi32>
      %xor3A_935 = arith.xori %or3A_934, %add3A_927 : vector<16x512xi32>
      %add3A_936 = arith.addi %add3A_927, %xor3A_935 : vector<16x512xi32>
      %shift_left3A_937 = arith.constant 16 : i32
      %shift_left3A_938 = vector.broadcast %shift_left3A_937 : i32 to vector<16x512xi32>
      %shift_left3A_939 = arith.shli %xor3A_935, %shift_left3A_938 : vector<16x512xi32>
      %shift_right_logical3A_940 = arith.constant 16 : i32
      %shift_right_logical3A_941 = vector.broadcast %shift_right_logical3A_940 : i32 to vector<16x512xi32>
      %shift_right_logical3A_942 = arith.shrui %xor3A_935, %shift_right_logical3A_941 : vector<16x512xi32>
      %or3A_943 = arith.ori %shift_left3A_939, %shift_right_logical3A_942 : vector<16x512xi32>
      %xor3A_944 = arith.xori %or3A_943, %add3A_936 : vector<16x512xi32>
      %add3A_945 = arith.addi %add3A_936, %xor3A_944 : vector<16x512xi32>
      %shift_left3A_946 = arith.constant 24 : i32
      %shift_left3A_947 = vector.broadcast %shift_left3A_946 : i32 to vector<16x512xi32>
      %shift_left3A_948 = arith.shli %xor3A_944, %shift_left3A_947 : vector<16x512xi32>
      %shift_right_logical3A_949 = arith.constant 8 : i32
      %shift_right_logical3A_950 = vector.broadcast %shift_right_logical3A_949 : i32 to vector<16x512xi32>
      %shift_right_logical3A_951 = arith.shrui %xor3A_944, %shift_right_logical3A_950 : vector<16x512xi32>
      %or3A_952 = arith.ori %shift_left3A_948, %shift_right_logical3A_951 : vector<16x512xi32>
      %xor3A_953 = arith.xori %or3A_952, %add3A_945 : vector<16x512xi32>
      %add3A_954 = arith.constant 1724713080 : i32
      %add3A_955 = vector.broadcast %add3A_954 : i32 to vector<16x512xi32>
      %add3A_956 = arith.addi %add3A_945, %add3A_955 : vector<16x512xi32>
      %add3A_957 = arith.constant 1832780945 : i32
      %add3A_958 = vector.broadcast %add3A_957 : i32 to vector<16x512xi32>
      %add3A_959 = arith.addi %xor3A_953, %add3A_958 : vector<16x512xi32>
      %add3A_960 = arith.addi %add3A_956, %add3A_959 : vector<16x512xi32>
      %shift_left3A_961 = arith.constant 13 : i32
      %shift_left3A_962 = vector.broadcast %shift_left3A_961 : i32 to vector<16x512xi32>
      %shift_left3A_963 = arith.shli %add3A_959, %shift_left3A_962 : vector<16x512xi32>
      %shift_right_logical3A_964 = arith.constant 19 : i32
      %shift_right_logical3A_965 = vector.broadcast %shift_right_logical3A_964 : i32 to vector<16x512xi32>
      %shift_right_logical3A_966 = arith.shrui %add3A_959, %shift_right_logical3A_965 : vector<16x512xi32>
      %or3A_967 = arith.ori %shift_left3A_963, %shift_right_logical3A_966 : vector<16x512xi32>
      %xor3A_968 = arith.xori %or3A_967, %add3A_960 : vector<16x512xi32>
      %add3A_969 = arith.addi %add3A_960, %xor3A_968 : vector<16x512xi32>
      %shift_left3A_970 = arith.constant 15 : i32
      %shift_left3A_971 = vector.broadcast %shift_left3A_970 : i32 to vector<16x512xi32>
      %shift_left3A_972 = arith.shli %xor3A_968, %shift_left3A_971 : vector<16x512xi32>
      %shift_right_logical3A_973 = arith.constant 17 : i32
      %shift_right_logical3A_974 = vector.broadcast %shift_right_logical3A_973 : i32 to vector<16x512xi32>
      %shift_right_logical3A_975 = arith.shrui %xor3A_968, %shift_right_logical3A_974 : vector<16x512xi32>
      %or3A_976 = arith.ori %shift_left3A_972, %shift_right_logical3A_975 : vector<16x512xi32>
      %xor3A_977 = arith.xori %or3A_976, %add3A_969 : vector<16x512xi32>
      %add3A_978 = arith.addi %add3A_969, %xor3A_977 : vector<16x512xi32>
      %shift_left3A_979 = arith.constant 26 : i32
      %shift_left3A_980 = vector.broadcast %shift_left3A_979 : i32 to vector<16x512xi32>
      %shift_left3A_981 = arith.shli %xor3A_977, %shift_left3A_980 : vector<16x512xi32>
      %shift_right_logical3A_982 = arith.constant 6 : i32
      %shift_right_logical3A_983 = vector.broadcast %shift_right_logical3A_982 : i32 to vector<16x512xi32>
      %shift_right_logical3A_984 = arith.shrui %xor3A_977, %shift_right_logical3A_983 : vector<16x512xi32>
      %or3A_985 = arith.ori %shift_left3A_981, %shift_right_logical3A_984 : vector<16x512xi32>
      %xor3A_986 = arith.xori %or3A_985, %add3A_978 : vector<16x512xi32>
      %add3A_987 = arith.addi %add3A_978, %xor3A_986 : vector<16x512xi32>
      %shift_left3A_988 = arith.constant 6 : i32
      %shift_left3A_989 = vector.broadcast %shift_left3A_988 : i32 to vector<16x512xi32>
      %shift_left3A_990 = arith.shli %xor3A_986, %shift_left3A_989 : vector<16x512xi32>
      %shift_right_logical3A_991 = arith.constant 26 : i32
      %shift_right_logical3A_992 = vector.broadcast %shift_right_logical3A_991 : i32 to vector<16x512xi32>
      %shift_right_logical3A_993 = arith.shrui %xor3A_986, %shift_right_logical3A_992 : vector<16x512xi32>
      %or3A_994 = arith.ori %shift_left3A_990, %shift_right_logical3A_993 : vector<16x512xi32>
      %xor3A_995 = arith.xori %or3A_994, %add3A_987 : vector<16x512xi32>
      %add3A_996 = arith.constant 1832780943 : i32
      %add3A_997 = vector.broadcast %add3A_996 : i32 to vector<16x512xi32>
      %add3A_998 = arith.addi %add3A_987, %add3A_997 : vector<16x512xi32>
      %add3A_999 = arith.constant 270669616 : i32
      %add3A_1000 = vector.broadcast %add3A_999 : i32 to vector<16x512xi32>
      %add3A_1001 = arith.addi %xor3A_995, %add3A_1000 : vector<16x512xi32>
      %add3A_1002 = arith.addi %add3A_998, %add3A_1001 : vector<16x512xi32>
      %shift_left3A_1003 = arith.constant 17 : i32
      %shift_left3A_1004 = vector.broadcast %shift_left3A_1003 : i32 to vector<16x512xi32>
      %shift_left3A_1005 = arith.shli %add3A_1001, %shift_left3A_1004 : vector<16x512xi32>
      %shift_right_logical3A_1006 = arith.constant 15 : i32
      %shift_right_logical3A_1007 = vector.broadcast %shift_right_logical3A_1006 : i32 to vector<16x512xi32>
      %shift_right_logical3A_1008 = arith.shrui %add3A_1001, %shift_right_logical3A_1007 : vector<16x512xi32>
      %or3A_1009 = arith.ori %shift_left3A_1005, %shift_right_logical3A_1008 : vector<16x512xi32>
      %xor3A_1010 = arith.xori %or3A_1009, %add3A_1002 : vector<16x512xi32>
      %add3A_1011 = arith.addi %add3A_1002, %xor3A_1010 : vector<16x512xi32>
      %shift_left3A_1012 = arith.constant 29 : i32
      %shift_left3A_1013 = vector.broadcast %shift_left3A_1012 : i32 to vector<16x512xi32>
      %shift_left3A_1014 = arith.shli %xor3A_1010, %shift_left3A_1013 : vector<16x512xi32>
      %shift_right_logical3A_1015 = arith.constant 3 : i32
      %shift_right_logical3A_1016 = vector.broadcast %shift_right_logical3A_1015 : i32 to vector<16x512xi32>
      %shift_right_logical3A_1017 = arith.shrui %xor3A_1010, %shift_right_logical3A_1016 : vector<16x512xi32>
      %or3A_1018 = arith.ori %shift_left3A_1014, %shift_right_logical3A_1017 : vector<16x512xi32>
      %xor3A_1019 = arith.xori %or3A_1018, %add3A_1011 : vector<16x512xi32>
      %add3A_1020 = arith.addi %add3A_1011, %xor3A_1019 : vector<16x512xi32>
      %shift_left3A_1021 = arith.constant 16 : i32
      %shift_left3A_1022 = vector.broadcast %shift_left3A_1021 : i32 to vector<16x512xi32>
      %shift_left3A_1023 = arith.shli %xor3A_1019, %shift_left3A_1022 : vector<16x512xi32>
      %shift_right_logical3A_1024 = arith.constant 16 : i32
      %shift_right_logical3A_1025 = vector.broadcast %shift_right_logical3A_1024 : i32 to vector<16x512xi32>
      %shift_right_logical3A_1026 = arith.shrui %xor3A_1019, %shift_right_logical3A_1025 : vector<16x512xi32>
      %or3A_1027 = arith.ori %shift_left3A_1023, %shift_right_logical3A_1026 : vector<16x512xi32>
      %xor3A_1028 = arith.xori %or3A_1027, %add3A_1020 : vector<16x512xi32>
      %add3A_1029 = arith.addi %add3A_1020, %xor3A_1028 : vector<16x512xi32>
      %shift_left3A_1030 = arith.constant 24 : i32
      %shift_left3A_1031 = vector.broadcast %shift_left3A_1030 : i32 to vector<16x512xi32>
      %shift_left3A_1032 = arith.shli %xor3A_1028, %shift_left3A_1031 : vector<16x512xi32>
      %shift_right_logical3A_1033 = arith.constant 8 : i32
      %shift_right_logical3A_1034 = vector.broadcast %shift_right_logical3A_1033 : i32 to vector<16x512xi32>
      %shift_right_logical3A_1035 = arith.shrui %xor3A_1028, %shift_right_logical3A_1034 : vector<16x512xi32>
      %or3A_1036 = arith.ori %shift_left3A_1032, %shift_right_logical3A_1035 : vector<16x512xi32>
      %xor3A_1037 = arith.xori %or3A_1036, %add3A_1029 : vector<16x512xi32>
      %add3A_1038 = arith.constant 270669613 : i32
      %add3A_1039 = vector.broadcast %add3A_1038 : i32 to vector<16x512xi32>
      %add3A_1040 = arith.addi %add3A_1029, %add3A_1039 : vector<16x512xi32>
      %add3A_1041 = arith.constant 1724713084 : i32
      %add3A_1042 = vector.broadcast %add3A_1041 : i32 to vector<16x512xi32>
      %add3A_1043 = arith.addi %xor3A_1037, %add3A_1042 : vector<16x512xi32>
      %add3A_1044 = arith.addi %add3A_1040, %add3A_1043 : vector<16x512xi32>
      %shift_left3A_1045 = arith.constant 13 : i32
      %shift_left3A_1046 = vector.broadcast %shift_left3A_1045 : i32 to vector<16x512xi32>
      %shift_left3A_1047 = arith.shli %add3A_1043, %shift_left3A_1046 : vector<16x512xi32>
      %shift_right_logical3A_1048 = arith.constant 19 : i32
      %shift_right_logical3A_1049 = vector.broadcast %shift_right_logical3A_1048 : i32 to vector<16x512xi32>
      %shift_right_logical3A_1050 = arith.shrui %add3A_1043, %shift_right_logical3A_1049 : vector<16x512xi32>
      %or3A_1051 = arith.ori %shift_left3A_1047, %shift_right_logical3A_1050 : vector<16x512xi32>
      %xor3A_1052 = arith.xori %or3A_1051, %add3A_1044 : vector<16x512xi32>
      %add3A_1053 = arith.addi %add3A_1044, %xor3A_1052 : vector<16x512xi32>
      %shift_left3A_1054 = arith.constant 15 : i32
      %shift_left3A_1055 = vector.broadcast %shift_left3A_1054 : i32 to vector<16x512xi32>
      %shift_left3A_1056 = arith.shli %xor3A_1052, %shift_left3A_1055 : vector<16x512xi32>
      %shift_right_logical3A_1057 = arith.constant 17 : i32
      %shift_right_logical3A_1058 = vector.broadcast %shift_right_logical3A_1057 : i32 to vector<16x512xi32>
      %shift_right_logical3A_1059 = arith.shrui %xor3A_1052, %shift_right_logical3A_1058 : vector<16x512xi32>
      %or3A_1060 = arith.ori %shift_left3A_1056, %shift_right_logical3A_1059 : vector<16x512xi32>
      %xor3A_1061 = arith.xori %or3A_1060, %add3A_1053 : vector<16x512xi32>
      %add3A_1062 = arith.addi %add3A_1053, %xor3A_1061 : vector<16x512xi32>
      %shift_left3A_1063 = arith.constant 26 : i32
      %shift_left3A_1064 = vector.broadcast %shift_left3A_1063 : i32 to vector<16x512xi32>
      %shift_left3A_1065 = arith.shli %xor3A_1061, %shift_left3A_1064 : vector<16x512xi32>
      %shift_right_logical3A_1066 = arith.constant 6 : i32
      %shift_right_logical3A_1067 = vector.broadcast %shift_right_logical3A_1066 : i32 to vector<16x512xi32>
      %shift_right_logical3A_1068 = arith.shrui %xor3A_1061, %shift_right_logical3A_1067 : vector<16x512xi32>
      %or3A_1069 = arith.ori %shift_left3A_1065, %shift_right_logical3A_1068 : vector<16x512xi32>
      %xor3A_1070 = arith.xori %or3A_1069, %add3A_1062 : vector<16x512xi32>
      %add3A_1071 = arith.addi %add3A_1062, %xor3A_1070 : vector<16x512xi32>
      %shift_left3A_1072 = arith.constant 6 : i32
      %shift_left3A_1073 = vector.broadcast %shift_left3A_1072 : i32 to vector<16x512xi32>
      %shift_left3A_1074 = arith.shli %xor3A_1070, %shift_left3A_1073 : vector<16x512xi32>
      %shift_right_logical3A_1075 = arith.constant 26 : i32
      %shift_right_logical3A_1076 = vector.broadcast %shift_right_logical3A_1075 : i32 to vector<16x512xi32>
      %shift_right_logical3A_1077 = arith.shrui %xor3A_1070, %shift_right_logical3A_1076 : vector<16x512xi32>
      %or3A_1078 = arith.ori %shift_left3A_1074, %shift_right_logical3A_1077 : vector<16x512xi32>
      %xor3A_1079 = arith.xori %or3A_1078, %add3A_1071 : vector<16x512xi32>
      %add3A_1080 = arith.constant 1724713080 : i32
      %add3A_1081 = vector.broadcast %add3A_1080 : i32 to vector<16x512xi32>
      %add3A_1082 = arith.addi %add3A_1071, %add3A_1081 : vector<16x512xi32>
      %add3A_1083 = arith.constant 1832780948 : i32
      %add3A_1084 = vector.broadcast %add3A_1083 : i32 to vector<16x512xi32>
      %add3A_1085 = arith.addi %xor3A_1079, %add3A_1084 : vector<16x512xi32>
      %xor3A_1086 = arith.xori %add3A_1082, %add3A_1085 : vector<16x512xi32>
      %shift_right_logical3A_1087 = arith.constant 9 : i32
      %shift_right_logical3A_1088 = vector.broadcast %shift_right_logical3A_1087 : i32 to vector<16x512xi32>
      %shift_right_logical3A_1089 = arith.shrui %xor3A_1086, %shift_right_logical3A_1088 : vector<16x512xi32>
      %broadcast_in_dim3A_1090 = vector.shape_cast %get3A_41 : vector<512xi32> to vector<1x512xi32>
      %eq3A_1091 = vector.broadcast %broadcast_in_dim3A_1090 : vector<1x512xi32> to vector<16x512xi32>
      %eq3A_1092 = arith.cmpi eq, %add3A_140, %eq3A_1091 : vector<16x512xi32>
      %jit3A_1093 = arith.constant -1 : i32
      %broadcast_in_dim3A_1094 = vector.broadcast %jit3A_1093 : i32 to vector<16x512xi32>
      %select_n3A_1095 = arith.select %eq3A_1092, %broadcast_in_dim3A_1094, %shift_right_logical3A_1089 : vector<16x512xi1>, vector<16x512xi32>
      %reduce_max3A_1096 = arith.constant dense<-2147483648> : vector<512xi32>
      %reduce_max3A_1097 = vector.multi_reduction <maxsi>, %select_n3A_1095, %reduce_max3A_1096 [0] : vector<16x512xi32> to vector<512xi32>
      %broadcast_in_dim3A_1098 = vector.shape_cast %reduce_max3A_1097 : vector<512xi32> to vector<1x512xi32>
      %eq3A_1099 = vector.broadcast %broadcast_in_dim3A_1098 : vector<1x512xi32> to vector<16x512xi32>
      %eq3A_1100 = arith.cmpi eq, %select_n3A_1095, %eq3A_1099 : vector<16x512xi32>
      %broadcast_in_dim3A_1101 = vector.broadcast %scan3A : i32 to vector<16x512xi32>
      %select_n3A_1102 = arith.select %eq3A_1100, %add3A_140, %broadcast_in_dim3A_1101 : vector<16x512xi1>, vector<16x512xi32>
      %reduce_min3A_1103 = arith.constant dense<2147483647> : vector<512xi32>
      %reduce_min3A_1104 = vector.multi_reduction <minsi>, %select_n3A_1102, %reduce_min3A_1103 [0] : vector<16x512xi32> to vector<512xi32>
      %gt3A_1105 = arith.cmpi sgt, %reduce_max3A_1097, %scan3A_134 : vector<512xi32>
      %select_n3A_1106 = arith.select %gt3A_1105, %reduce_max3A_1097, %scan3A_134 : vector<512xi1>, vector<512xi32>
      %select_n3A_1107 = arith.select %gt3A_1105, %reduce_min3A_1104, %scan3A_135 : vector<512xi1>, vector<512xi32>
      %jit3A_1108 = arith.constant -1 : i32
      %broadcast_in_dim3A_1109 = vector.broadcast %jit3A_1108 : i32 to vector<16x512xi32>
      %select_n3A_1110 = arith.select %eq3A_1092, %shift_right_logical3A_1089, %broadcast_in_dim3A_1109 : vector<16x512xi1>, vector<16x512xi32>
      %reduce_max3A_1111 = arith.constant dense<-2147483648> : vector<512xi32>
      %reduce_max3A_1112 = vector.multi_reduction <maxsi>, %select_n3A_1110, %reduce_max3A_1111 [0] : vector<16x512xi32> to vector<512xi32>
      %max3A_1113 = arith.maxsi %scan3A_136, %reduce_max3A_1112 : vector<512xi32>
      scf.yield %select_n3A_372, %select_n3A_373, %max3A, %select_n3A_616, %select_n3A_617, %max3A_623, %select_n3A_861, %select_n3A_862, %max3A_868, %select_n3A_1106, %select_n3A_1107, %max3A_1113 : vector<512xi32>, vector<512xi32>, vector<512xi32>, vector<512xi32>, vector<512xi32>, vector<512xi32>, vector<512xi32>, vector<512xi32>, vector<512xi32>, vector<512xi32>, vector<512xi32>, vector<512xi32>
    }
    %scan3A_52 = arith.constant 32 : i32
    %swap3A = arith.constant 0 : index
    %swap3A_53 = arith.constant 0 : index
    %swap3A_54 = arith.constant 0 : index
    %swap3A_55 = vector.load %arg2[%swap3A, %swap3A_53, %swap3A_54] : memref<4x1x512xi32, #tpu.memory_space<vmem>>, vector<1x1x512xi32>
    %swap3A_56 = vector.shape_cast %swap3A_55 : vector<1x1x512xi32> to vector<512xi32>
    %swap3A_57 = vector.shape_cast %scan3A_51#0 : vector<512xi32> to vector<1x1x512xi32>
    tpu.vector_store %arg2[%swap3A, %swap3A_53, %swap3A_54], %swap3A_57 {strides = array<i32>} : memref<4x1x512xi32, #tpu.memory_space<vmem>>, vector<1x1x512xi32>,
    %swap3A_58 = arith.constant 0 : index
    %swap3A_59 = arith.constant 0 : index
    %swap3A_60 = arith.constant 0 : index
    %swap3A_61 = vector.load %arg3[%swap3A_58, %swap3A_59, %swap3A_60] : memref<4x1x512xi32, #tpu.memory_space<vmem>>, vector<1x1x512xi32>
    %swap3A_62 = vector.shape_cast %swap3A_61 : vector<1x1x512xi32> to vector<512xi32>
    %swap3A_63 = vector.shape_cast %scan3A_51#1 : vector<512xi32> to vector<1x1x512xi32>
    tpu.vector_store %arg3[%swap3A_58, %swap3A_59, %swap3A_60], %swap3A_63 {strides = array<i32>} : memref<4x1x512xi32, #tpu.memory_space<vmem>>, vector<1x1x512xi32>,
    %swap3A_64 = arith.constant 0 : index
    %swap3A_65 = arith.constant 0 : index
    %swap3A_66 = arith.constant 0 : index
    %swap3A_67 = vector.load %arg4[%swap3A_64, %swap3A_65, %swap3A_66] : memref<4x1x512xi32, #tpu.memory_space<vmem>>, vector<1x1x512xi32>
    %swap3A_68 = vector.shape_cast %swap3A_67 : vector<1x1x512xi32> to vector<512xi32>
    %swap3A_69 = vector.shape_cast %scan3A_51#2 : vector<512xi32> to vector<1x1x512xi32>
    tpu.vector_store %arg4[%swap3A_64, %swap3A_65, %swap3A_66], %swap3A_69 {strides = array<i32>} : memref<4x1x512xi32, #tpu.memory_space<vmem>>, vector<1x1x512xi32>,
    %swap3A_70 = arith.constant 1 : index
    %swap3A_71 = arith.constant 0 : index
    %swap3A_72 = arith.constant 0 : index
    %swap3A_73 = vector.load %arg2[%swap3A_70, %swap3A_71, %swap3A_72] : memref<4x1x512xi32, #tpu.memory_space<vmem>>, vector<1x1x512xi32>
    %swap3A_74 = vector.shape_cast %swap3A_73 : vector<1x1x512xi32> to vector<512xi32>
    %swap3A_75 = vector.shape_cast %scan3A_51#3 : vector<512xi32> to vector<1x1x512xi32>
    tpu.vector_store %arg2[%swap3A_70, %swap3A_71, %swap3A_72], %swap3A_75 {strides = array<i32>} : memref<4x1x512xi32, #tpu.memory_space<vmem>>, vector<1x1x512xi32>,
    %swap3A_76 = arith.constant 1 : index
    %swap3A_77 = arith.constant 0 : index
    %swap3A_78 = arith.constant 0 : index
    %swap3A_79 = vector.load %arg3[%swap3A_76, %swap3A_77, %swap3A_78] : memref<4x1x512xi32, #tpu.memory_space<vmem>>, vector<1x1x512xi32>
    %swap3A_80 = vector.shape_cast %swap3A_79 : vector<1x1x512xi32> to vector<512xi32>
    %swap3A_81 = vector.shape_cast %scan3A_51#4 : vector<512xi32> to vector<1x1x512xi32>
    tpu.vector_store %arg3[%swap3A_76, %swap3A_77, %swap3A_78], %swap3A_81 {strides = array<i32>} : memref<4x1x512xi32, #tpu.memory_space<vmem>>, vector<1x1x512xi32>,
    %swap3A_82 = arith.constant 1 : index
    %swap3A_83 = arith.constant 0 : index
    %swap3A_84 = arith.constant 0 : index
    %swap3A_85 = vector.load %arg4[%swap3A_82, %swap3A_83, %swap3A_84] : memref<4x1x512xi32, #tpu.memory_space<vmem>>, vector<1x1x512xi32>
    %swap3A_86 = vector.shape_cast %swap3A_85 : vector<1x1x512xi32> to vector<512xi32>
    %swap3A_87 = vector.shape_cast %scan3A_51#5 : vector<512xi32> to vector<1x1x512xi32>
    tpu.vector_store %arg4[%swap3A_82, %swap3A_83, %swap3A_84], %swap3A_87 {strides = array<i32>} : memref<4x1x512xi32, #tpu.memory_space<vmem>>, vector<1x1x512xi32>,
    %swap3A_88 = arith.constant 2 : index
    %swap3A_89 = arith.constant 0 : index
    %swap3A_90 = arith.constant 0 : index
    %swap3A_91 = vector.load %arg2[%swap3A_88, %swap3A_89, %swap3A_90] : memref<4x1x512xi32, #tpu.memory_space<vmem>>, vector<1x1x512xi32>
    %swap3A_92 = vector.shape_cast %swap3A_91 : vector<1x1x512xi32> to vector<512xi32>
    %swap3A_93 = vector.shape_cast %scan3A_51#6 : vector<512xi32> to vector<1x1x512xi32>
    tpu.vector_store %arg2[%swap3A_88, %swap3A_89, %swap3A_90], %swap3A_93 {strides = array<i32>} : memref<4x1x512xi32, #tpu.memory_space<vmem>>, vector<1x1x512xi32>,
    %swap3A_94 = arith.constant 2 : index
    %swap3A_95 = arith.constant 0 : index
    %swap3A_96 = arith.constant 0 : index
    %swap3A_97 = vector.load %arg3[%swap3A_94, %swap3A_95, %swap3A_96] : memref<4x1x512xi32, #tpu.memory_space<vmem>>, vector<1x1x512xi32>
    %swap3A_98 = vector.shape_cast %swap3A_97 : vector<1x1x512xi32> to vector<512xi32>
    %swap3A_99 = vector.shape_cast %scan3A_51#7 : vector<512xi32> to vector<1x1x512xi32>
    tpu.vector_store %arg3[%swap3A_94, %swap3A_95, %swap3A_96], %swap3A_99 {strides = array<i32>} : memref<4x1x512xi32, #tpu.memory_space<vmem>>, vector<1x1x512xi32>,
    %swap3A_100 = arith.constant 2 : index
    %swap3A_101 = arith.constant 0 : index
    %swap3A_102 = arith.constant 0 : index
    %swap3A_103 = vector.load %arg4[%swap3A_100, %swap3A_101, %swap3A_102] : memref<4x1x512xi32, #tpu.memory_space<vmem>>, vector<1x1x512xi32>
    %swap3A_104 = vector.shape_cast %swap3A_103 : vector<1x1x512xi32> to vector<512xi32>
    %swap3A_105 = vector.shape_cast %scan3A_51#8 : vector<512xi32> to vector<1x1x512xi32>
    tpu.vector_store %arg4[%swap3A_100, %swap3A_101, %swap3A_102], %swap3A_105 {strides = array<i32>} : memref<4x1x512xi32, #tpu.memory_space<vmem>>, vector<1x1x512xi32>,
    %swap3A_106 = arith.constant 3 : index
    %swap3A_107 = arith.constant 0 : index
    %swap3A_108 = arith.constant 0 : index
    %swap3A_109 = vector.load %arg2[%swap3A_106, %swap3A_107, %swap3A_108] : memref<4x1x512xi32, #tpu.memory_space<vmem>>, vector<1x1x512xi32>
    %swap3A_110 = vector.shape_cast %swap3A_109 : vector<1x1x512xi32> to vector<512xi32>
    %swap3A_111 = vector.shape_cast %scan3A_51#9 : vector<512xi32> to vector<1x1x512xi32>
    tpu.vector_store %arg2[%swap3A_106, %swap3A_107, %swap3A_108], %swap3A_111 {strides = array<i32>} : memref<4x1x512xi32, #tpu.memory_space<vmem>>, vector<1x1x512xi32>,
    %swap3A_112 = arith.constant 3 : index
    %swap3A_113 = arith.constant 0 : index
    %swap3A_114 = arith.constant 0 : index
    %swap3A_115 = vector.load %arg3[%swap3A_112, %swap3A_113, %swap3A_114] : memref<4x1x512xi32, #tpu.memory_space<vmem>>, vector<1x1x512xi32>
    %swap3A_116 = vector.shape_cast %swap3A_115 : vector<1x1x512xi32> to vector<512xi32>
    %swap3A_117 = vector.shape_cast %scan3A_51#10 : vector<512xi32> to vector<1x1x512xi32>
    tpu.vector_store %arg3[%swap3A_112, %swap3A_113, %swap3A_114], %swap3A_117 {strides = array<i32>} : memref<4x1x512xi32, #tpu.memory_space<vmem>>, vector<1x1x512xi32>,
    %swap3A_118 = arith.constant 3 : index
    %swap3A_119 = arith.constant 0 : index
    %swap3A_120 = arith.constant 0 : index
    %swap3A_121 = vector.load %arg4[%swap3A_118, %swap3A_119, %swap3A_120] : memref<4x1x512xi32, #tpu.memory_space<vmem>>, vector<1x1x512xi32>
    %swap3A_122 = vector.shape_cast %swap3A_121 : vector<1x1x512xi32> to vector<512xi32>
    %swap3A_123 = vector.shape_cast %scan3A_51#11 : vector<512xi32> to vector<1x1x512xi32>
    tpu.vector_store %arg4[%swap3A_118, %swap3A_119, %swap3A_120], %swap3A_123 {strides = array<i32>} : memref<4x1x512xi32, #tpu.memory_space<vmem>>, vector<1x1x512xi32>,
    return
  }
  func.func @transform_0(%arg0: i32) -> (i32, i32, i32) {
    %c0_i32 = arith.constant 0 : i32
    %c0_i32_0 = arith.constant 0 : i32
    %c0_i32_1 = arith.constant 0 : i32
    return %arg0, %c0_i32, %c0_i32_0 : i32, i32, i32
  }
  func.func @transform_1(%arg0: i32) -> (i32, i32, i32) {
    %c0_i32 = arith.constant 0 : i32
    %c0_i32_0 = arith.constant 0 : i32
    %c0_i32_1 = arith.constant 0 : i32
    return %arg0, %c0_i32, %c0_i32_0 : i32, i32, i32
  }
  func.func @transform_2(%arg0: i32) -> (i32, i32, i32) {
    %c0_i32 = arith.constant 0 : i32
    %c0_i32_0 = arith.constant 0 : i32
    %c0_i32_1 = arith.constant 0 : i32
    return %arg0, %c0_i32, %c0_i32_0 : i32, i32, i32
  }
  func.func @transform_3(%arg0: i32) -> (i32, i32, i32) {
    %c0_i32 = arith.constant 0 : i32
    %c0_i32_0 = arith.constant 0 : i32
    %c0_i32_1 = arith.constant 0 : i32
    return %arg0, %c0_i32, %c0_i32_0 : i32, i32, i32
  }
}

module attributes {stable_mosaic.version = 14 : i64} {
  func.func @_finalize_body(%arg0: memref<128x1x512xi32, #tpu.memory_space<vmem>>, %arg1: memref<128x1x512xf32, #tpu.memory_space<vmem>>, %arg2: memref<128x1x512xf32, #tpu.memory_space<vmem>>, %arg3: memref<128x1x512xi32, #tpu.memory_space<vmem>>, %arg4: memref<128x1x512xi32, #tpu.memory_space<vmem>>, %arg5: memref<128x1x512xi32, #tpu.memory_space<vmem>>, %arg6: memref<128x512xi32, #tpu.memory_space<vmem>>) attributes {dimension_semantics = [], scalar_prefetch = 0 : i64, scratch_operands = 0 : i64, tpu.core_type = #tpu.core_type<tc>} {
    %get3A = arith.constant 0 : index
    %get3A_0 = arith.constant 0 : index
    %get3A_1 = arith.constant 0 : index
    %get3A_2 = vector.load %arg0[%get3A, %get3A_0, %get3A_1] : memref<128x1x512xi32, #tpu.memory_space<vmem>>, vector<128x1x512xi32>
    %get3A_3 = vector.shape_cast %get3A_2 : vector<128x1x512xi32> to vector<128x512xi32>
    %get3A_4 = arith.constant 0 : index
    %get3A_5 = arith.constant 0 : index
    %get3A_6 = arith.constant 0 : index
    %get3A_7 = vector.load %arg3[%get3A_4, %get3A_5, %get3A_6] : memref<128x1x512xi32, #tpu.memory_space<vmem>>, vector<128x1x512xi32>
    %get3A_8 = vector.shape_cast %get3A_7 : vector<128x1x512xi32> to vector<128x512xi32>
    %get3A_9 = arith.constant 0 : index
    %get3A_10 = arith.constant 0 : index
    %get3A_11 = arith.constant 0 : index
    %get3A_12 = vector.load %arg4[%get3A_9, %get3A_10, %get3A_11] : memref<128x1x512xi32, #tpu.memory_space<vmem>>, vector<128x1x512xi32>
    %get3A_13 = vector.shape_cast %get3A_12 : vector<128x1x512xi32> to vector<128x512xi32>
    %get3A_14 = arith.constant 0 : index
    %get3A_15 = arith.constant 0 : index
    %get3A_16 = arith.constant 0 : index
    %get3A_17 = vector.load %arg5[%get3A_14, %get3A_15, %get3A_16] : memref<128x1x512xi32, #tpu.memory_space<vmem>>, vector<128x1x512xi32>
    %get3A_18 = vector.shape_cast %get3A_17 : vector<128x1x512xi32> to vector<128x512xi32>
    %or3A = arith.constant 1065353216 : i32
    %or3A_19 = vector.broadcast %or3A : i32 to vector<128x512xi32>
    %or3A_20 = arith.ori %get3A_8, %or3A_19 : vector<128x512xi32>
    %bitcast_convert_type3A = tpu.bitcast %or3A_20 : vector<128x512xi32> -> vector<128x512xf32>
    %sub3A = arith.constant 1.000000e+00 : f32
    %sub3A_21 = vector.broadcast %sub3A : f32 to vector<128x512xf32>
    %sub3A_22 = arith.subf %bitcast_convert_type3A, %sub3A_21 : vector<128x512xf32>
    %add3A = arith.constant 1.17549435E-38 : f32
    %add3A_23 = vector.broadcast %add3A : f32 to vector<128x512xf32>
    %add3A_24 = arith.addf %sub3A_22, %add3A_23 : vector<128x512xf32>
    %max3A = arith.constant 1.17549435E-38 : f32
    %max3A_25 = vector.broadcast %max3A : f32 to vector<128x512xf32>
    %max3A_26 = arith.maximumf %max3A_25, %add3A_24 : vector<128x512xf32>
    %log3A = math.log %max3A_26 : vector<128x512xf32>
    %neg3A = arith.constant 0.000000e+00 : f32
    %neg3A_27 = vector.broadcast %neg3A : f32 to vector<128x512xf32>
    %neg3A_28 = arith.subf %neg3A_27, %log3A : vector<128x512xf32>
    %log3A_29 = math.log %neg3A_28 : vector<128x512xf32>
    %neg3A_30 = arith.constant 0.000000e+00 : f32
    %neg3A_31 = vector.broadcast %neg3A_30 : f32 to vector<128x512xf32>
    %neg3A_32 = arith.subf %neg3A_31, %log3A_29 : vector<128x512xf32>
    %get3A_33 = arith.constant 0 : index
    %get3A_34 = arith.constant 0 : index
    %get3A_35 = arith.constant 0 : index
    %get3A_36 = vector.load %arg1[%get3A_33, %get3A_34, %get3A_35] : memref<128x1x512xf32, #tpu.memory_space<vmem>>, vector<128x1x512xf32>
    %get3A_37 = vector.shape_cast %get3A_36 : vector<128x1x512xf32> to vector<128x512xf32>
    %add3A_38 = arith.addf %neg3A_32, %get3A_37 : vector<128x512xf32>
    %or3A_39 = arith.constant 1065353216 : i32
    %or3A_40 = vector.broadcast %or3A_39 : i32 to vector<128x512xi32>
    %or3A_41 = arith.ori %get3A_18, %or3A_40 : vector<128x512xi32>
    %bitcast_convert_type3A_42 = tpu.bitcast %or3A_41 : vector<128x512xi32> -> vector<128x512xf32>
    %sub3A_43 = arith.constant 1.000000e+00 : f32
    %sub3A_44 = vector.broadcast %sub3A_43 : f32 to vector<128x512xf32>
    %sub3A_45 = arith.subf %bitcast_convert_type3A_42, %sub3A_44 : vector<128x512xf32>
    %add3A_46 = arith.constant 1.17549435E-38 : f32
    %add3A_47 = vector.broadcast %add3A_46 : f32 to vector<128x512xf32>
    %add3A_48 = arith.addf %sub3A_45, %add3A_47 : vector<128x512xf32>
    %max3A_49 = arith.constant 1.17549435E-38 : f32
    %max3A_50 = vector.broadcast %max3A_49 : f32 to vector<128x512xf32>
    %max3A_51 = arith.maximumf %max3A_50, %add3A_48 : vector<128x512xf32>
    %log3A_52 = math.log %max3A_51 : vector<128x512xf32>
    %neg3A_53 = arith.constant 0.000000e+00 : f32
    %neg3A_54 = vector.broadcast %neg3A_53 : f32 to vector<128x512xf32>
    %neg3A_55 = arith.subf %neg3A_54, %log3A_52 : vector<128x512xf32>
    %log3A_56 = math.log %neg3A_55 : vector<128x512xf32>
    %neg3A_57 = arith.constant 0.000000e+00 : f32
    %neg3A_58 = vector.broadcast %neg3A_57 : f32 to vector<128x512xf32>
    %neg3A_59 = arith.subf %neg3A_58, %log3A_56 : vector<128x512xf32>
    %get3A_60 = arith.constant 0 : index
    %get3A_61 = arith.constant 0 : index
    %get3A_62 = arith.constant 0 : index
    %get3A_63 = vector.load %arg2[%get3A_60, %get3A_61, %get3A_62] : memref<128x1x512xf32, #tpu.memory_space<vmem>>, vector<128x1x512xf32>
    %get3A_64 = vector.shape_cast %get3A_63 : vector<128x1x512xf32> to vector<128x512xf32>
    %add3A_65 = arith.addf %neg3A_59, %get3A_64 : vector<128x512xf32>
    %gt3A = arith.cmpf ogt, %add3A_65, %add3A_38 : vector<128x512xf32>
    %select_n3A = arith.select %gt3A, %get3A_3, %get3A_13 : vector<128x512xi1>, vector<128x512xi32>
    %eq3A = arith.cmpf oeq, %add3A_65, %add3A_38 : vector<128x512xf32>
    %min3A = arith.minsi %get3A_3, %get3A_13 : vector<128x512xi32>
    %select_n3A_66 = arith.select %eq3A, %min3A, %select_n3A : vector<128x512xi1>, vector<128x512xi32>
    %iota3A = tpu.iota {dimensions = array<i32: 0>} : vector<128x512xi32>
    %iota3A_67 = tpu.iota {dimensions = array<i32: 1>} : vector<128x512xi32>
    %mul3A = arith.constant 512 : i32
    %mul3A_68 = vector.broadcast %mul3A : i32 to vector<128x512xi32>
    %mul3A_69 = arith.muli %iota3A, %mul3A_68 : vector<128x512xi32>
    %add3A_70 = arith.addi %mul3A_69, %iota3A_67 : vector<128x512xi32>
    %broadcast_in_dim3A = arith.constant 64467757 : i32
    %broadcast_in_dim3A_71 = vector.broadcast %broadcast_in_dim3A : i32 to vector<128x512xi32>
    %add3A_72 = arith.constant -1378843660 : i32
    %add3A_73 = vector.broadcast %add3A_72 : i32 to vector<128x512xi32>
    %add3A_74 = arith.addi %add3A_70, %add3A_73 : vector<128x512xi32>
    %add3A_75 = arith.addi %broadcast_in_dim3A_71, %add3A_74 : vector<128x512xi32>
    %shift_left3A = arith.constant 13 : i32
    %shift_left3A_76 = vector.broadcast %shift_left3A : i32 to vector<128x512xi32>
    %shift_left3A_77 = arith.shli %add3A_74, %shift_left3A_76 : vector<128x512xi32>
    %shift_right_logical3A = arith.constant 19 : i32
    %shift_right_logical3A_78 = vector.broadcast %shift_right_logical3A : i32 to vector<128x512xi32>
    %shift_right_logical3A_79 = arith.shrui %add3A_74, %shift_right_logical3A_78 : vector<128x512xi32>
    %or3A_80 = arith.ori %shift_left3A_77, %shift_right_logical3A_79 : vector<128x512xi32>
    %xor3A = arith.xori %or3A_80, %add3A_75 : vector<128x512xi32>
    %add3A_81 = arith.addi %add3A_75, %xor3A : vector<128x512xi32>
    %shift_left3A_82 = arith.constant 15 : i32
    %shift_left3A_83 = vector.broadcast %shift_left3A_82 : i32 to vector<128x512xi32>
    %shift_left3A_84 = arith.shli %xor3A, %shift_left3A_83 : vector<128x512xi32>
    %shift_right_logical3A_85 = arith.constant 17 : i32
    %shift_right_logical3A_86 = vector.broadcast %shift_right_logical3A_85 : i32 to vector<128x512xi32>
    %shift_right_logical3A_87 = arith.shrui %xor3A, %shift_right_logical3A_86 : vector<128x512xi32>
    %or3A_88 = arith.ori %shift_left3A_84, %shift_right_logical3A_87 : vector<128x512xi32>
    %xor3A_89 = arith.xori %or3A_88, %add3A_81 : vector<128x512xi32>
    %add3A_90 = arith.addi %add3A_81, %xor3A_89 : vector<128x512xi32>
    %shift_left3A_91 = arith.constant 26 : i32
    %shift_left3A_92 = vector.broadcast %shift_left3A_91 : i32 to vector<128x512xi32>
    %shift_left3A_93 = arith.shli %xor3A_89, %shift_left3A_92 : vector<128x512xi32>
    %shift_right_logical3A_94 = arith.constant 6 : i32
    %shift_right_logical3A_95 = vector.broadcast %shift_right_logical3A_94 : i32 to vector<128x512xi32>
    %shift_right_logical3A_96 = arith.shrui %xor3A_89, %shift_right_logical3A_95 : vector<128x512xi32>
    %or3A_97 = arith.ori %shift_left3A_93, %shift_right_logical3A_96 : vector<128x512xi32>
    %xor3A_98 = arith.xori %or3A_97, %add3A_90 : vector<128x512xi32>
    %add3A_99 = arith.addi %add3A_90, %xor3A_98 : vector<128x512xi32>
    %shift_left3A_100 = arith.constant 6 : i32
    %shift_left3A_101 = vector.broadcast %shift_left3A_100 : i32 to vector<128x512xi32>
    %shift_left3A_102 = arith.shli %xor3A_98, %shift_left3A_101 : vector<128x512xi32>
    %shift_right_logical3A_103 = arith.constant 26 : i32
    %shift_right_logical3A_104 = vector.broadcast %shift_right_logical3A_103 : i32 to vector<128x512xi32>
    %shift_right_logical3A_105 = arith.shrui %xor3A_98, %shift_right_logical3A_104 : vector<128x512xi32>
    %or3A_106 = arith.ori %shift_left3A_102, %shift_right_logical3A_105 : vector<128x512xi32>
    %xor3A_107 = arith.xori %or3A_106, %add3A_99 : vector<128x512xi32>
    %add3A_108 = arith.constant -1378843660 : i32
    %add3A_109 = vector.broadcast %add3A_108 : i32 to vector<128x512xi32>
    %add3A_110 = arith.addi %add3A_99, %add3A_109 : vector<128x512xi32>
    %add3A_111 = arith.constant -1244255484 : i32
    %add3A_112 = vector.broadcast %add3A_111 : i32 to vector<128x512xi32>
    %add3A_113 = arith.addi %xor3A_107, %add3A_112 : vector<128x512xi32>
    %add3A_114 = arith.addi %add3A_110, %add3A_113 : vector<128x512xi32>
    %shift_left3A_115 = arith.constant 17 : i32
    %shift_left3A_116 = vector.broadcast %shift_left3A_115 : i32 to vector<128x512xi32>
    %shift_left3A_117 = arith.shli %add3A_113, %shift_left3A_116 : vector<128x512xi32>
    %shift_right_logical3A_118 = arith.constant 15 : i32
    %shift_right_logical3A_119 = vector.broadcast %shift_right_logical3A_118 : i32 to vector<128x512xi32>
    %shift_right_logical3A_120 = arith.shrui %add3A_113, %shift_right_logical3A_119 : vector<128x512xi32>
    %or3A_121 = arith.ori %shift_left3A_117, %shift_right_logical3A_120 : vector<128x512xi32>
    %xor3A_122 = arith.xori %or3A_121, %add3A_114 : vector<128x512xi32>
    %add3A_123 = arith.addi %add3A_114, %xor3A_122 : vector<128x512xi32>
    %shift_left3A_124 = arith.constant 29 : i32
    %shift_left3A_125 = vector.broadcast %shift_left3A_124 : i32 to vector<128x512xi32>
    %shift_left3A_126 = arith.shli %xor3A_122, %shift_left3A_125 : vector<128x512xi32>
    %shift_right_logical3A_127 = arith.constant 3 : i32
    %shift_right_logical3A_128 = vector.broadcast %shift_right_logical3A_127 : i32 to vector<128x512xi32>
    %shift_right_logical3A_129 = arith.shrui %xor3A_122, %shift_right_logical3A_128 : vector<128x512xi32>
    %or3A_130 = arith.ori %shift_left3A_126, %shift_right_logical3A_129 : vector<128x512xi32>
    %xor3A_131 = arith.xori %or3A_130, %add3A_123 : vector<128x512xi32>
    %add3A_132 = arith.addi %add3A_123, %xor3A_131 : vector<128x512xi32>
    %shift_left3A_133 = arith.constant 16 : i32
    %shift_left3A_134 = vector.broadcast %shift_left3A_133 : i32 to vector<128x512xi32>
    %shift_left3A_135 = arith.shli %xor3A_131, %shift_left3A_134 : vector<128x512xi32>
    %shift_right_logical3A_136 = arith.constant 16 : i32
    %shift_right_logical3A_137 = vector.broadcast %shift_right_logical3A_136 : i32 to vector<128x512xi32>
    %shift_right_logical3A_138 = arith.shrui %xor3A_131, %shift_right_logical3A_137 : vector<128x512xi32>
    %or3A_139 = arith.ori %shift_left3A_135, %shift_right_logical3A_138 : vector<128x512xi32>
    %xor3A_140 = arith.xori %or3A_139, %add3A_132 : vector<128x512xi32>
    %add3A_141 = arith.addi %add3A_132, %xor3A_140 : vector<128x512xi32>
    %shift_left3A_142 = arith.constant 24 : i32
    %shift_left3A_143 = vector.broadcast %shift_left3A_142 : i32 to vector<128x512xi32>
    %shift_left3A_144 = arith.shli %xor3A_140, %shift_left3A_143 : vector<128x512xi32>
    %shift_right_logical3A_145 = arith.constant 8 : i32
    %shift_right_logical3A_146 = vector.broadcast %shift_right_logical3A_145 : i32 to vector<128x512xi32>
    %shift_right_logical3A_147 = arith.shrui %xor3A_140, %shift_right_logical3A_146 : vector<128x512xi32>
    %or3A_148 = arith.ori %shift_left3A_144, %shift_right_logical3A_147 : vector<128x512xi32>
    %xor3A_149 = arith.xori %or3A_148, %add3A_141 : vector<128x512xi32>
    %add3A_150 = arith.constant -1244255485 : i32
    %add3A_151 = vector.broadcast %add3A_150 : i32 to vector<128x512xi32>
    %add3A_152 = arith.addi %add3A_141, %add3A_151 : vector<128x512xi32>
    %add3A_153 = arith.constant 64467759 : i32
    %add3A_154 = vector.broadcast %add3A_153 : i32 to vector<128x512xi32>
    %add3A_155 = arith.addi %xor3A_149, %add3A_154 : vector<128x512xi32>
    %add3A_156 = arith.addi %add3A_152, %add3A_155 : vector<128x512xi32>
    %shift_left3A_157 = arith.constant 13 : i32
    %shift_left3A_158 = vector.broadcast %shift_left3A_157 : i32 to vector<128x512xi32>
    %shift_left3A_159 = arith.shli %add3A_155, %shift_left3A_158 : vector<128x512xi32>
    %shift_right_logical3A_160 = arith.constant 19 : i32
    %shift_right_logical3A_161 = vector.broadcast %shift_right_logical3A_160 : i32 to vector<128x512xi32>
    %shift_right_logical3A_162 = arith.shrui %add3A_155, %shift_right_logical3A_161 : vector<128x512xi32>
    %or3A_163 = arith.ori %shift_left3A_159, %shift_right_logical3A_162 : vector<128x512xi32>
    %xor3A_164 = arith.xori %or3A_163, %add3A_156 : vector<128x512xi32>
    %add3A_165 = arith.addi %add3A_156, %xor3A_164 : vector<128x512xi32>
    %shift_left3A_166 = arith.constant 15 : i32
    %shift_left3A_167 = vector.broadcast %shift_left3A_166 : i32 to vector<128x512xi32>
    %shift_left3A_168 = arith.shli %xor3A_164, %shift_left3A_167 : vector<128x512xi32>
    %shift_right_logical3A_169 = arith.constant 17 : i32
    %shift_right_logical3A_170 = vector.broadcast %shift_right_logical3A_169 : i32 to vector<128x512xi32>
    %shift_right_logical3A_171 = arith.shrui %xor3A_164, %shift_right_logical3A_170 : vector<128x512xi32>
    %or3A_172 = arith.ori %shift_left3A_168, %shift_right_logical3A_171 : vector<128x512xi32>
    %xor3A_173 = arith.xori %or3A_172, %add3A_165 : vector<128x512xi32>
    %add3A_174 = arith.addi %add3A_165, %xor3A_173 : vector<128x512xi32>
    %shift_left3A_175 = arith.constant 26 : i32
    %shift_left3A_176 = vector.broadcast %shift_left3A_175 : i32 to vector<128x512xi32>
    %shift_left3A_177 = arith.shli %xor3A_173, %shift_left3A_176 : vector<128x512xi32>
    %shift_right_logical3A_178 = arith.constant 6 : i32
    %shift_right_logical3A_179 = vector.broadcast %shift_right_logical3A_178 : i32 to vector<128x512xi32>
    %shift_right_logical3A_180 = arith.shrui %xor3A_173, %shift_right_logical3A_179 : vector<128x512xi32>
    %or3A_181 = arith.ori %shift_left3A_177, %shift_right_logical3A_180 : vector<128x512xi32>
    %xor3A_182 = arith.xori %or3A_181, %add3A_174 : vector<128x512xi32>
    %add3A_183 = arith.addi %add3A_174, %xor3A_182 : vector<128x512xi32>
    %shift_left3A_184 = arith.constant 6 : i32
    %shift_left3A_185 = vector.broadcast %shift_left3A_184 : i32 to vector<128x512xi32>
    %shift_left3A_186 = arith.shli %xor3A_182, %shift_left3A_185 : vector<128x512xi32>
    %shift_right_logical3A_187 = arith.constant 26 : i32
    %shift_right_logical3A_188 = vector.broadcast %shift_right_logical3A_187 : i32 to vector<128x512xi32>
    %shift_right_logical3A_189 = arith.shrui %xor3A_182, %shift_right_logical3A_188 : vector<128x512xi32>
    %or3A_190 = arith.ori %shift_left3A_186, %shift_right_logical3A_189 : vector<128x512xi32>
    %xor3A_191 = arith.xori %or3A_190, %add3A_183 : vector<128x512xi32>
    %add3A_192 = arith.constant 64467757 : i32
    %add3A_193 = vector.broadcast %add3A_192 : i32 to vector<128x512xi32>
    %add3A_194 = arith.addi %add3A_183, %add3A_193 : vector<128x512xi32>
    %add3A_195 = arith.constant -1378843657 : i32
    %add3A_196 = vector.broadcast %add3A_195 : i32 to vector<128x512xi32>
    %add3A_197 = arith.addi %xor3A_191, %add3A_196 : vector<128x512xi32>
    %add3A_198 = arith.addi %add3A_194, %add3A_197 : vector<128x512xi32>
    %shift_left3A_199 = arith.constant 17 : i32
    %shift_left3A_200 = vector.broadcast %shift_left3A_199 : i32 to vector<128x512xi32>
    %shift_left3A_201 = arith.shli %add3A_197, %shift_left3A_200 : vector<128x512xi32>
    %shift_right_logical3A_202 = arith.constant 15 : i32
    %shift_right_logical3A_203 = vector.broadcast %shift_right_logical3A_202 : i32 to vector<128x512xi32>
    %shift_right_logical3A_204 = arith.shrui %add3A_197, %shift_right_logical3A_203 : vector<128x512xi32>
    %or3A_205 = arith.ori %shift_left3A_201, %shift_right_logical3A_204 : vector<128x512xi32>
    %xor3A_206 = arith.xori %or3A_205, %add3A_198 : vector<128x512xi32>
    %add3A_207 = arith.addi %add3A_198, %xor3A_206 : vector<128x512xi32>
    %shift_left3A_208 = arith.constant 29 : i32
    %shift_left3A_209 = vector.broadcast %shift_left3A_208 : i32 to vector<128x512xi32>
    %shift_left3A_210 = arith.shli %xor3A_206, %shift_left3A_209 : vector<128x512xi32>
    %shift_right_logical3A_211 = arith.constant 3 : i32
    %shift_right_logical3A_212 = vector.broadcast %shift_right_logical3A_211 : i32 to vector<128x512xi32>
    %shift_right_logical3A_213 = arith.shrui %xor3A_206, %shift_right_logical3A_212 : vector<128x512xi32>
    %or3A_214 = arith.ori %shift_left3A_210, %shift_right_logical3A_213 : vector<128x512xi32>
    %xor3A_215 = arith.xori %or3A_214, %add3A_207 : vector<128x512xi32>
    %add3A_216 = arith.addi %add3A_207, %xor3A_215 : vector<128x512xi32>
    %shift_left3A_217 = arith.constant 16 : i32
    %shift_left3A_218 = vector.broadcast %shift_left3A_217 : i32 to vector<128x512xi32>
    %shift_left3A_219 = arith.shli %xor3A_215, %shift_left3A_218 : vector<128x512xi32>
    %shift_right_logical3A_220 = arith.constant 16 : i32
    %shift_right_logical3A_221 = vector.broadcast %shift_right_logical3A_220 : i32 to vector<128x512xi32>
    %shift_right_logical3A_222 = arith.shrui %xor3A_215, %shift_right_logical3A_221 : vector<128x512xi32>
    %or3A_223 = arith.ori %shift_left3A_219, %shift_right_logical3A_222 : vector<128x512xi32>
    %xor3A_224 = arith.xori %or3A_223, %add3A_216 : vector<128x512xi32>
    %add3A_225 = arith.addi %add3A_216, %xor3A_224 : vector<128x512xi32>
    %shift_left3A_226 = arith.constant 24 : i32
    %shift_left3A_227 = vector.broadcast %shift_left3A_226 : i32 to vector<128x512xi32>
    %shift_left3A_228 = arith.shli %xor3A_224, %shift_left3A_227 : vector<128x512xi32>
    %shift_right_logical3A_229 = arith.constant 8 : i32
    %shift_right_logical3A_230 = vector.broadcast %shift_right_logical3A_229 : i32 to vector<128x512xi32>
    %shift_right_logical3A_231 = arith.shrui %xor3A_224, %shift_right_logical3A_230 : vector<128x512xi32>
    %or3A_232 = arith.ori %shift_left3A_228, %shift_right_logical3A_231 : vector<128x512xi32>
    %xor3A_233 = arith.xori %or3A_232, %add3A_225 : vector<128x512xi32>
    %add3A_234 = arith.constant -1378843660 : i32
    %add3A_235 = vector.broadcast %add3A_234 : i32 to vector<128x512xi32>
    %add3A_236 = arith.addi %add3A_225, %add3A_235 : vector<128x512xi32>
    %add3A_237 = arith.constant -1244255481 : i32
    %add3A_238 = vector.broadcast %add3A_237 : i32 to vector<128x512xi32>
    %add3A_239 = arith.addi %xor3A_233, %add3A_238 : vector<128x512xi32>
    %add3A_240 = arith.addi %add3A_236, %add3A_239 : vector<128x512xi32>
    %shift_left3A_241 = arith.constant 13 : i32
    %shift_left3A_242 = vector.broadcast %shift_left3A_241 : i32 to vector<128x512xi32>
    %shift_left3A_243 = arith.shli %add3A_239, %shift_left3A_242 : vector<128x512xi32>
    %shift_right_logical3A_244 = arith.constant 19 : i32
    %shift_right_logical3A_245 = vector.broadcast %shift_right_logical3A_244 : i32 to vector<128x512xi32>
    %shift_right_logical3A_246 = arith.shrui %add3A_239, %shift_right_logical3A_245 : vector<128x512xi32>
    %or3A_247 = arith.ori %shift_left3A_243, %shift_right_logical3A_246 : vector<128x512xi32>
    %xor3A_248 = arith.xori %or3A_247, %add3A_240 : vector<128x512xi32>
    %add3A_249 = arith.addi %add3A_240, %xor3A_248 : vector<128x512xi32>
    %shift_left3A_250 = arith.constant 15 : i32
    %shift_left3A_251 = vector.broadcast %shift_left3A_250 : i32 to vector<128x512xi32>
    %shift_left3A_252 = arith.shli %xor3A_248, %shift_left3A_251 : vector<128x512xi32>
    %shift_right_logical3A_253 = arith.constant 17 : i32
    %shift_right_logical3A_254 = vector.broadcast %shift_right_logical3A_253 : i32 to vector<128x512xi32>
    %shift_right_logical3A_255 = arith.shrui %xor3A_248, %shift_right_logical3A_254 : vector<128x512xi32>
    %or3A_256 = arith.ori %shift_left3A_252, %shift_right_logical3A_255 : vector<128x512xi32>
    %xor3A_257 = arith.xori %or3A_256, %add3A_249 : vector<128x512xi32>
    %add3A_258 = arith.addi %add3A_249, %xor3A_257 : vector<128x512xi32>
    %shift_left3A_259 = arith.constant 26 : i32
    %shift_left3A_260 = vector.broadcast %shift_left3A_259 : i32 to vector<128x512xi32>
    %shift_left3A_261 = arith.shli %xor3A_257, %shift_left3A_260 : vector<128x512xi32>
    %shift_right_logical3A_262 = arith.constant 6 : i32
    %shift_right_logical3A_263 = vector.broadcast %shift_right_logical3A_262 : i32 to vector<128x512xi32>
    %shift_right_logical3A_264 = arith.shrui %xor3A_257, %shift_right_logical3A_263 : vector<128x512xi32>
    %or3A_265 = arith.ori %shift_left3A_261, %shift_right_logical3A_264 : vector<128x512xi32>
    %xor3A_266 = arith.xori %or3A_265, %add3A_258 : vector<128x512xi32>
    %add3A_267 = arith.addi %add3A_258, %xor3A_266 : vector<128x512xi32>
    %shift_left3A_268 = arith.constant 6 : i32
    %shift_left3A_269 = vector.broadcast %shift_left3A_268 : i32 to vector<128x512xi32>
    %shift_left3A_270 = arith.shli %xor3A_266, %shift_left3A_269 : vector<128x512xi32>
    %shift_right_logical3A_271 = arith.constant 26 : i32
    %shift_right_logical3A_272 = vector.broadcast %shift_right_logical3A_271 : i32 to vector<128x512xi32>
    %shift_right_logical3A_273 = arith.shrui %xor3A_266, %shift_right_logical3A_272 : vector<128x512xi32>
    %or3A_274 = arith.ori %shift_left3A_270, %shift_right_logical3A_273 : vector<128x512xi32>
    %xor3A_275 = arith.xori %or3A_274, %add3A_267 : vector<128x512xi32>
    %add3A_276 = arith.constant -1244255485 : i32
    %add3A_277 = vector.broadcast %add3A_276 : i32 to vector<128x512xi32>
    %add3A_278 = arith.addi %add3A_267, %add3A_277 : vector<128x512xi32>
    %add3A_279 = arith.constant 64467762 : i32
    %add3A_280 = vector.broadcast %add3A_279 : i32 to vector<128x512xi32>
    %add3A_281 = arith.addi %xor3A_275, %add3A_280 : vector<128x512xi32>
    %xor3A_282 = arith.xori %add3A_278, %add3A_281 : vector<128x512xi32>
    %shift_right_logical3A_283 = arith.constant 9 : i32
    %shift_right_logical3A_284 = vector.broadcast %shift_right_logical3A_283 : i32 to vector<128x512xi32>
    %shift_right_logical3A_285 = arith.shrui %xor3A_282, %shift_right_logical3A_284 : vector<128x512xi32>
    %reduce_max3A = arith.constant dense<-2147483648> : vector<128xi32>
    %reduce_max3A_286 = vector.multi_reduction <maxsi>, %shift_right_logical3A_285, %reduce_max3A [1] : vector<128x512xi32> to vector<128xi32>
    %broadcast_in_dim3A_287 = vector.shape_cast %reduce_max3A_286 : vector<128xi32> to vector<128x1xi32>
    %eq3A_288 = vector.broadcast %broadcast_in_dim3A_287 : vector<128x1xi32> to vector<128x512xi32>
    %eq3A_289 = arith.cmpi eq, %shift_right_logical3A_285, %eq3A_288 : vector<128x512xi32>
    %jit3A = arith.constant 1073741824 : i32
    %broadcast_in_dim3A_290 = vector.broadcast %jit3A : i32 to vector<128x512xi32>
    %select_n3A_291 = arith.select %eq3A_289, %iota3A_67, %broadcast_in_dim3A_290 : vector<128x512xi1>, vector<128x512xi32>
    %reduce_min3A = arith.constant dense<2147483647> : vector<128xi32>
    %reduce_min3A_292 = vector.multi_reduction <minsi>, %select_n3A_291, %reduce_min3A [1] : vector<128x512xi32> to vector<128xi32>
    %broadcast_in_dim3A_293 = vector.shape_cast %reduce_min3A_292 : vector<128xi32> to vector<128x1xi32>
    %eq3A_294 = vector.broadcast %broadcast_in_dim3A_293 : vector<128x1xi32> to vector<128x512xi32>
    %eq3A_295 = arith.cmpi eq, %iota3A_67, %eq3A_294 : vector<128x512xi32>
    %jit3A_296 = arith.constant -1 : i32
    %broadcast_in_dim3A_297 = vector.broadcast %jit3A_296 : i32 to vector<128x512xi32>
    %select_n3A_298 = arith.select %eq3A_295, %select_n3A_66, %broadcast_in_dim3A_297 : vector<128x512xi1>, vector<128x512xi32>
    %reduce_max3A_299 = arith.constant dense<-2147483648> : vector<128xi32>
    %reduce_max3A_300 = vector.multi_reduction <maxsi>, %select_n3A_298, %reduce_max3A_299 [1] : vector<128x512xi32> to vector<128xi32>
    %broadcast_in_dim3A_301 = vector.shape_cast %reduce_max3A_300 : vector<128xi32> to vector<128x1xi32>
    %broadcast_in_dim3A_302 = arith.constant -1829035798 : i32
    %broadcast_in_dim3A_303 = vector.broadcast %broadcast_in_dim3A_302 : i32 to vector<128x512xi32>
    %add3A_304 = arith.constant 255383827 : i32
    %add3A_305 = vector.broadcast %add3A_304 : i32 to vector<128x512xi32>
    %add3A_306 = arith.addi %add3A_70, %add3A_305 : vector<128x512xi32>
    %add3A_307 = arith.addi %broadcast_in_dim3A_303, %add3A_306 : vector<128x512xi32>
    %shift_left3A_308 = arith.constant 13 : i32
    %shift_left3A_309 = vector.broadcast %shift_left3A_308 : i32 to vector<128x512xi32>
    %shift_left3A_310 = arith.shli %add3A_306, %shift_left3A_309 : vector<128x512xi32>
    %shift_right_logical3A_311 = arith.constant 19 : i32
    %shift_right_logical3A_312 = vector.broadcast %shift_right_logical3A_311 : i32 to vector<128x512xi32>
    %shift_right_logical3A_313 = arith.shrui %add3A_306, %shift_right_logical3A_312 : vector<128x512xi32>
    %or3A_314 = arith.ori %shift_left3A_310, %shift_right_logical3A_313 : vector<128x512xi32>
    %xor3A_315 = arith.xori %or3A_314, %add3A_307 : vector<128x512xi32>
    %add3A_316 = arith.addi %add3A_307, %xor3A_315 : vector<128x512xi32>
    %shift_left3A_317 = arith.constant 15 : i32
    %shift_left3A_318 = vector.broadcast %shift_left3A_317 : i32 to vector<128x512xi32>
    %shift_left3A_319 = arith.shli %xor3A_315, %shift_left3A_318 : vector<128x512xi32>
    %shift_right_logical3A_320 = arith.constant 17 : i32
    %shift_right_logical3A_321 = vector.broadcast %shift_right_logical3A_320 : i32 to vector<128x512xi32>
    %shift_right_logical3A_322 = arith.shrui %xor3A_315, %shift_right_logical3A_321 : vector<128x512xi32>
    %or3A_323 = arith.ori %shift_left3A_319, %shift_right_logical3A_322 : vector<128x512xi32>
    %xor3A_324 = arith.xori %or3A_323, %add3A_316 : vector<128x512xi32>
    %add3A_325 = arith.addi %add3A_316, %xor3A_324 : vector<128x512xi32>
    %shift_left3A_326 = arith.constant 26 : i32
    %shift_left3A_327 = vector.broadcast %shift_left3A_326 : i32 to vector<128x512xi32>
    %shift_left3A_328 = arith.shli %xor3A_324, %shift_left3A_327 : vector<128x512xi32>
    %shift_right_logical3A_329 = arith.constant 6 : i32
    %shift_right_logical3A_330 = vector.broadcast %shift_right_logical3A_329 : i32 to vector<128x512xi32>
    %shift_right_logical3A_331 = arith.shrui %xor3A_324, %shift_right_logical3A_330 : vector<128x512xi32>
    %or3A_332 = arith.ori %shift_left3A_328, %shift_right_logical3A_331 : vector<128x512xi32>
    %xor3A_333 = arith.xori %or3A_332, %add3A_325 : vector<128x512xi32>
    %add3A_334 = arith.addi %add3A_325, %xor3A_333 : vector<128x512xi32>
    %shift_left3A_335 = arith.constant 6 : i32
    %shift_left3A_336 = vector.broadcast %shift_left3A_335 : i32 to vector<128x512xi32>
    %shift_left3A_337 = arith.shli %xor3A_333, %shift_left3A_336 : vector<128x512xi32>
    %shift_right_logical3A_338 = arith.constant 26 : i32
    %shift_right_logical3A_339 = vector.broadcast %shift_right_logical3A_338 : i32 to vector<128x512xi32>
    %shift_right_logical3A_340 = arith.shrui %xor3A_333, %shift_right_logical3A_339 : vector<128x512xi32>
    %or3A_341 = arith.ori %shift_left3A_337, %shift_right_logical3A_340 : vector<128x512xi32>
    %xor3A_342 = arith.xori %or3A_341, %add3A_334 : vector<128x512xi32>
    %add3A_343 = arith.constant 255383827 : i32
    %add3A_344 = vector.broadcast %add3A_343 : i32 to vector<128x512xi32>
    %add3A_345 = arith.addi %add3A_334, %add3A_344 : vector<128x512xi32>
    %add3A_346 = arith.constant -2045582812 : i32
    %add3A_347 = vector.broadcast %add3A_346 : i32 to vector<128x512xi32>
    %add3A_348 = arith.addi %xor3A_342, %add3A_347 : vector<128x512xi32>
    %add3A_349 = arith.addi %add3A_345, %add3A_348 : vector<128x512xi32>
    %shift_left3A_350 = arith.constant 17 : i32
    %shift_left3A_351 = vector.broadcast %shift_left3A_350 : i32 to vector<128x512xi32>
    %shift_left3A_352 = arith.shli %add3A_348, %shift_left3A_351 : vector<128x512xi32>
    %shift_right_logical3A_353 = arith.constant 15 : i32
    %shift_right_logical3A_354 = vector.broadcast %shift_right_logical3A_353 : i32 to vector<128x512xi32>
    %shift_right_logical3A_355 = arith.shrui %add3A_348, %shift_right_logical3A_354 : vector<128x512xi32>
    %or3A_356 = arith.ori %shift_left3A_352, %shift_right_logical3A_355 : vector<128x512xi32>
    %xor3A_357 = arith.xori %or3A_356, %add3A_349 : vector<128x512xi32>
    %add3A_358 = arith.addi %add3A_349, %xor3A_357 : vector<128x512xi32>
    %shift_left3A_359 = arith.constant 29 : i32
    %shift_left3A_360 = vector.broadcast %shift_left3A_359 : i32 to vector<128x512xi32>
    %shift_left3A_361 = arith.shli %xor3A_357, %shift_left3A_360 : vector<128x512xi32>
    %shift_right_logical3A_362 = arith.constant 3 : i32
    %shift_right_logical3A_363 = vector.broadcast %shift_right_logical3A_362 : i32 to vector<128x512xi32>
    %shift_right_logical3A_364 = arith.shrui %xor3A_357, %shift_right_logical3A_363 : vector<128x512xi32>
    %or3A_365 = arith.ori %shift_left3A_361, %shift_right_logical3A_364 : vector<128x512xi32>
    %xor3A_366 = arith.xori %or3A_365, %add3A_358 : vector<128x512xi32>
    %add3A_367 = arith.addi %add3A_358, %xor3A_366 : vector<128x512xi32>
    %shift_left3A_368 = arith.constant 16 : i32
    %shift_left3A_369 = vector.broadcast %shift_left3A_368 : i32 to vector<128x512xi32>
    %shift_left3A_370 = arith.shli %xor3A_366, %shift_left3A_369 : vector<128x512xi32>
    %shift_right_logical3A_371 = arith.constant 16 : i32
    %shift_right_logical3A_372 = vector.broadcast %shift_right_logical3A_371 : i32 to vector<128x512xi32>
    %shift_right_logical3A_373 = arith.shrui %xor3A_366, %shift_right_logical3A_372 : vector<128x512xi32>
    %or3A_374 = arith.ori %shift_left3A_370, %shift_right_logical3A_373 : vector<128x512xi32>
    %xor3A_375 = arith.xori %or3A_374, %add3A_367 : vector<128x512xi32>
    %add3A_376 = arith.addi %add3A_367, %xor3A_375 : vector<128x512xi32>
    %shift_left3A_377 = arith.constant 24 : i32
    %shift_left3A_378 = vector.broadcast %shift_left3A_377 : i32 to vector<128x512xi32>
    %shift_left3A_379 = arith.shli %xor3A_375, %shift_left3A_378 : vector<128x512xi32>
    %shift_right_logical3A_380 = arith.constant 8 : i32
    %shift_right_logical3A_381 = vector.broadcast %shift_right_logical3A_380 : i32 to vector<128x512xi32>
    %shift_right_logical3A_382 = arith.shrui %xor3A_375, %shift_right_logical3A_381 : vector<128x512xi32>
    %or3A_383 = arith.ori %shift_left3A_379, %shift_right_logical3A_382 : vector<128x512xi32>
    %xor3A_384 = arith.xori %or3A_383, %add3A_376 : vector<128x512xi32>
    %add3A_385 = arith.constant -2045582813 : i32
    %add3A_386 = vector.broadcast %add3A_385 : i32 to vector<128x512xi32>
    %add3A_387 = arith.addi %add3A_376, %add3A_386 : vector<128x512xi32>
    %add3A_388 = arith.constant -1829035796 : i32
    %add3A_389 = vector.broadcast %add3A_388 : i32 to vector<128x512xi32>
    %add3A_390 = arith.addi %xor3A_384, %add3A_389 : vector<128x512xi32>
    %add3A_391 = arith.addi %add3A_387, %add3A_390 : vector<128x512xi32>
    %shift_left3A_392 = arith.constant 13 : i32
    %shift_left3A_393 = vector.broadcast %shift_left3A_392 : i32 to vector<128x512xi32>
    %shift_left3A_394 = arith.shli %add3A_390, %shift_left3A_393 : vector<128x512xi32>
    %shift_right_logical3A_395 = arith.constant 19 : i32
    %shift_right_logical3A_396 = vector.broadcast %shift_right_logical3A_395 : i32 to vector<128x512xi32>
    %shift_right_logical3A_397 = arith.shrui %add3A_390, %shift_right_logical3A_396 : vector<128x512xi32>
    %or3A_398 = arith.ori %shift_left3A_394, %shift_right_logical3A_397 : vector<128x512xi32>
    %xor3A_399 = arith.xori %or3A_398, %add3A_391 : vector<128x512xi32>
    %add3A_400 = arith.addi %add3A_391, %xor3A_399 : vector<128x512xi32>
    %shift_left3A_401 = arith.constant 15 : i32
    %shift_left3A_402 = vector.broadcast %shift_left3A_401 : i32 to vector<128x512xi32>
    %shift_left3A_403 = arith.shli %xor3A_399, %shift_left3A_402 : vector<128x512xi32>
    %shift_right_logical3A_404 = arith.constant 17 : i32
    %shift_right_logical3A_405 = vector.broadcast %shift_right_logical3A_404 : i32 to vector<128x512xi32>
    %shift_right_logical3A_406 = arith.shrui %xor3A_399, %shift_right_logical3A_405 : vector<128x512xi32>
    %or3A_407 = arith.ori %shift_left3A_403, %shift_right_logical3A_406 : vector<128x512xi32>
    %xor3A_408 = arith.xori %or3A_407, %add3A_400 : vector<128x512xi32>
    %add3A_409 = arith.addi %add3A_400, %xor3A_408 : vector<128x512xi32>
    %shift_left3A_410 = arith.constant 26 : i32
    %shift_left3A_411 = vector.broadcast %shift_left3A_410 : i32 to vector<128x512xi32>
    %shift_left3A_412 = arith.shli %xor3A_408, %shift_left3A_411 : vector<128x512xi32>
    %shift_right_logical3A_413 = arith.constant 6 : i32
    %shift_right_logical3A_414 = vector.broadcast %shift_right_logical3A_413 : i32 to vector<128x512xi32>
    %shift_right_logical3A_415 = arith.shrui %xor3A_408, %shift_right_logical3A_414 : vector<128x512xi32>
    %or3A_416 = arith.ori %shift_left3A_412, %shift_right_logical3A_415 : vector<128x512xi32>
    %xor3A_417 = arith.xori %or3A_416, %add3A_409 : vector<128x512xi32>
    %add3A_418 = arith.addi %add3A_409, %xor3A_417 : vector<128x512xi32>
    %shift_left3A_419 = arith.constant 6 : i32
    %shift_left3A_420 = vector.broadcast %shift_left3A_419 : i32 to vector<128x512xi32>
    %shift_left3A_421 = arith.shli %xor3A_417, %shift_left3A_420 : vector<128x512xi32>
    %shift_right_logical3A_422 = arith.constant 26 : i32
    %shift_right_logical3A_423 = vector.broadcast %shift_right_logical3A_422 : i32 to vector<128x512xi32>
    %shift_right_logical3A_424 = arith.shrui %xor3A_417, %shift_right_logical3A_423 : vector<128x512xi32>
    %or3A_425 = arith.ori %shift_left3A_421, %shift_right_logical3A_424 : vector<128x512xi32>
    %xor3A_426 = arith.xori %or3A_425, %add3A_418 : vector<128x512xi32>
    %add3A_427 = arith.constant -1829035798 : i32
    %add3A_428 = vector.broadcast %add3A_427 : i32 to vector<128x512xi32>
    %add3A_429 = arith.addi %add3A_418, %add3A_428 : vector<128x512xi32>
    %add3A_430 = arith.constant 255383830 : i32
    %add3A_431 = vector.broadcast %add3A_430 : i32 to vector<128x512xi32>
    %add3A_432 = arith.addi %xor3A_426, %add3A_431 : vector<128x512xi32>
    %add3A_433 = arith.addi %add3A_429, %add3A_432 : vector<128x512xi32>
    %shift_left3A_434 = arith.constant 17 : i32
    %shift_left3A_435 = vector.broadcast %shift_left3A_434 : i32 to vector<128x512xi32>
    %shift_left3A_436 = arith.shli %add3A_432, %shift_left3A_435 : vector<128x512xi32>
    %shift_right_logical3A_437 = arith.constant 15 : i32
    %shift_right_logical3A_438 = vector.broadcast %shift_right_logical3A_437 : i32 to vector<128x512xi32>
    %shift_right_logical3A_439 = arith.shrui %add3A_432, %shift_right_logical3A_438 : vector<128x512xi32>
    %or3A_440 = arith.ori %shift_left3A_436, %shift_right_logical3A_439 : vector<128x512xi32>
    %xor3A_441 = arith.xori %or3A_440, %add3A_433 : vector<128x512xi32>
    %add3A_442 = arith.addi %add3A_433, %xor3A_441 : vector<128x512xi32>
    %shift_left3A_443 = arith.constant 29 : i32
    %shift_left3A_444 = vector.broadcast %shift_left3A_443 : i32 to vector<128x512xi32>
    %shift_left3A_445 = arith.shli %xor3A_441, %shift_left3A_444 : vector<128x512xi32>
    %shift_right_logical3A_446 = arith.constant 3 : i32
    %shift_right_logical3A_447 = vector.broadcast %shift_right_logical3A_446 : i32 to vector<128x512xi32>
    %shift_right_logical3A_448 = arith.shrui %xor3A_441, %shift_right_logical3A_447 : vector<128x512xi32>
    %or3A_449 = arith.ori %shift_left3A_445, %shift_right_logical3A_448 : vector<128x512xi32>
    %xor3A_450 = arith.xori %or3A_449, %add3A_442 : vector<128x512xi32>
    %add3A_451 = arith.addi %add3A_442, %xor3A_450 : vector<128x512xi32>
    %shift_left3A_452 = arith.constant 16 : i32
    %shift_left3A_453 = vector.broadcast %shift_left3A_452 : i32 to vector<128x512xi32>
    %shift_left3A_454 = arith.shli %xor3A_450, %shift_left3A_453 : vector<128x512xi32>
    %shift_right_logical3A_455 = arith.constant 16 : i32
    %shift_right_logical3A_456 = vector.broadcast %shift_right_logical3A_455 : i32 to vector<128x512xi32>
    %shift_right_logical3A_457 = arith.shrui %xor3A_450, %shift_right_logical3A_456 : vector<128x512xi32>
    %or3A_458 = arith.ori %shift_left3A_454, %shift_right_logical3A_457 : vector<128x512xi32>
    %xor3A_459 = arith.xori %or3A_458, %add3A_451 : vector<128x512xi32>
    %add3A_460 = arith.addi %add3A_451, %xor3A_459 : vector<128x512xi32>
    %shift_left3A_461 = arith.constant 24 : i32
    %shift_left3A_462 = vector.broadcast %shift_left3A_461 : i32 to vector<128x512xi32>
    %shift_left3A_463 = arith.shli %xor3A_459, %shift_left3A_462 : vector<128x512xi32>
    %shift_right_logical3A_464 = arith.constant 8 : i32
    %shift_right_logical3A_465 = vector.broadcast %shift_right_logical3A_464 : i32 to vector<128x512xi32>
    %shift_right_logical3A_466 = arith.shrui %xor3A_459, %shift_right_logical3A_465 : vector<128x512xi32>
    %or3A_467 = arith.ori %shift_left3A_463, %shift_right_logical3A_466 : vector<128x512xi32>
    %xor3A_468 = arith.xori %or3A_467, %add3A_460 : vector<128x512xi32>
    %add3A_469 = arith.constant 255383827 : i32
    %add3A_470 = vector.broadcast %add3A_469 : i32 to vector<128x512xi32>
    %add3A_471 = arith.addi %add3A_460, %add3A_470 : vector<128x512xi32>
    %add3A_472 = arith.constant -2045582809 : i32
    %add3A_473 = vector.broadcast %add3A_472 : i32 to vector<128x512xi32>
    %add3A_474 = arith.addi %xor3A_468, %add3A_473 : vector<128x512xi32>
    %add3A_475 = arith.addi %add3A_471, %add3A_474 : vector<128x512xi32>
    %shift_left3A_476 = arith.constant 13 : i32
    %shift_left3A_477 = vector.broadcast %shift_left3A_476 : i32 to vector<128x512xi32>
    %shift_left3A_478 = arith.shli %add3A_474, %shift_left3A_477 : vector<128x512xi32>
    %shift_right_logical3A_479 = arith.constant 19 : i32
    %shift_right_logical3A_480 = vector.broadcast %shift_right_logical3A_479 : i32 to vector<128x512xi32>
    %shift_right_logical3A_481 = arith.shrui %add3A_474, %shift_right_logical3A_480 : vector<128x512xi32>
    %or3A_482 = arith.ori %shift_left3A_478, %shift_right_logical3A_481 : vector<128x512xi32>
    %xor3A_483 = arith.xori %or3A_482, %add3A_475 : vector<128x512xi32>
    %add3A_484 = arith.addi %add3A_475, %xor3A_483 : vector<128x512xi32>
    %shift_left3A_485 = arith.constant 15 : i32
    %shift_left3A_486 = vector.broadcast %shift_left3A_485 : i32 to vector<128x512xi32>
    %shift_left3A_487 = arith.shli %xor3A_483, %shift_left3A_486 : vector<128x512xi32>
    %shift_right_logical3A_488 = arith.constant 17 : i32
    %shift_right_logical3A_489 = vector.broadcast %shift_right_logical3A_488 : i32 to vector<128x512xi32>
    %shift_right_logical3A_490 = arith.shrui %xor3A_483, %shift_right_logical3A_489 : vector<128x512xi32>
    %or3A_491 = arith.ori %shift_left3A_487, %shift_right_logical3A_490 : vector<128x512xi32>
    %xor3A_492 = arith.xori %or3A_491, %add3A_484 : vector<128x512xi32>
    %add3A_493 = arith.addi %add3A_484, %xor3A_492 : vector<128x512xi32>
    %shift_left3A_494 = arith.constant 26 : i32
    %shift_left3A_495 = vector.broadcast %shift_left3A_494 : i32 to vector<128x512xi32>
    %shift_left3A_496 = arith.shli %xor3A_492, %shift_left3A_495 : vector<128x512xi32>
    %shift_right_logical3A_497 = arith.constant 6 : i32
    %shift_right_logical3A_498 = vector.broadcast %shift_right_logical3A_497 : i32 to vector<128x512xi32>
    %shift_right_logical3A_499 = arith.shrui %xor3A_492, %shift_right_logical3A_498 : vector<128x512xi32>
    %or3A_500 = arith.ori %shift_left3A_496, %shift_right_logical3A_499 : vector<128x512xi32>
    %xor3A_501 = arith.xori %or3A_500, %add3A_493 : vector<128x512xi32>
    %add3A_502 = arith.addi %add3A_493, %xor3A_501 : vector<128x512xi32>
    %shift_left3A_503 = arith.constant 6 : i32
    %shift_left3A_504 = vector.broadcast %shift_left3A_503 : i32 to vector<128x512xi32>
    %shift_left3A_505 = arith.shli %xor3A_501, %shift_left3A_504 : vector<128x512xi32>
    %shift_right_logical3A_506 = arith.constant 26 : i32
    %shift_right_logical3A_507 = vector.broadcast %shift_right_logical3A_506 : i32 to vector<128x512xi32>
    %shift_right_logical3A_508 = arith.shrui %xor3A_501, %shift_right_logical3A_507 : vector<128x512xi32>
    %or3A_509 = arith.ori %shift_left3A_505, %shift_right_logical3A_508 : vector<128x512xi32>
    %xor3A_510 = arith.xori %or3A_509, %add3A_502 : vector<128x512xi32>
    %add3A_511 = arith.constant -2045582813 : i32
    %add3A_512 = vector.broadcast %add3A_511 : i32 to vector<128x512xi32>
    %add3A_513 = arith.addi %add3A_502, %add3A_512 : vector<128x512xi32>
    %add3A_514 = arith.constant -1829035793 : i32
    %add3A_515 = vector.broadcast %add3A_514 : i32 to vector<128x512xi32>
    %add3A_516 = arith.addi %xor3A_510, %add3A_515 : vector<128x512xi32>
    %xor3A_517 = arith.xori %add3A_513, %add3A_516 : vector<128x512xi32>
    %shift_right_logical3A_518 = arith.constant 9 : i32
    %shift_right_logical3A_519 = vector.broadcast %shift_right_logical3A_518 : i32 to vector<128x512xi32>
    %shift_right_logical3A_520 = arith.shrui %xor3A_517, %shift_right_logical3A_519 : vector<128x512xi32>
    %eq3A_521 = vector.broadcast %broadcast_in_dim3A_301 : vector<128x1xi32> to vector<128x512xi32>
    %eq3A_522 = arith.cmpi eq, %iota3A_67, %eq3A_521 : vector<128x512xi32>
    %jit3A_523 = arith.constant -1 : i32
    %broadcast_in_dim3A_524 = vector.broadcast %jit3A_523 : i32 to vector<128x512xi32>
    %select_n3A_525 = arith.select %eq3A_522, %broadcast_in_dim3A_524, %shift_right_logical3A_520 : vector<128x512xi1>, vector<128x512xi32>
    %reduce_max3A_526 = arith.constant dense<-2147483648> : vector<128xi32>
    %reduce_max3A_527 = vector.multi_reduction <maxsi>, %select_n3A_525, %reduce_max3A_526 [1] : vector<128x512xi32> to vector<128xi32>
    %broadcast_in_dim3A_528 = vector.shape_cast %reduce_max3A_527 : vector<128xi32> to vector<128x1xi32>
    %eq3A_529 = vector.broadcast %broadcast_in_dim3A_528 : vector<128x1xi32> to vector<128x512xi32>
    %eq3A_530 = arith.cmpi eq, %select_n3A_525, %eq3A_529 : vector<128x512xi32>
    %jit3A_531 = arith.constant 1073741824 : i32
    %broadcast_in_dim3A_532 = vector.broadcast %jit3A_531 : i32 to vector<128x512xi32>
    %select_n3A_533 = arith.select %eq3A_530, %iota3A_67, %broadcast_in_dim3A_532 : vector<128x512xi1>, vector<128x512xi32>
    %reduce_min3A_534 = arith.constant dense<2147483647> : vector<128xi32>
    %reduce_min3A_535 = vector.multi_reduction <minsi>, %select_n3A_533, %reduce_min3A_534 [1] : vector<128x512xi32> to vector<128xi32>
    %broadcast_in_dim3A_536 = vector.shape_cast %reduce_min3A_535 : vector<128xi32> to vector<128x1xi32>
    %eq3A_537 = vector.broadcast %broadcast_in_dim3A_293 : vector<128x1xi32> to vector<128x512xi32>
    %eq3A_538 = arith.cmpi eq, %iota3A_67, %eq3A_537 : vector<128x512xi32>
    %broadcast_in_dim3A_539 = vector.shape_cast %broadcast_in_dim3A_536 : vector<128x1xi32> to vector<128x1xi32>
    %broadcast_in_dim3A_540 = vector.broadcast %broadcast_in_dim3A_539 : vector<128x1xi32> to vector<128x512xi32>
    %select_n3A_541 = arith.select %eq3A_538, %broadcast_in_dim3A_540, %select_n3A_66 : vector<128x512xi1>, vector<128x512xi32>
    %swap3A = arith.constant 0 : index
    %swap3A_542 = arith.constant 0 : index
    %swap3A_543 = vector.load %arg6[%swap3A, %swap3A_542] : memref<128x512xi32, #tpu.memory_space<vmem>>, vector<128x512xi32>
    tpu.vector_store %arg6[%swap3A, %swap3A_542], %select_n3A_541 {strides = array<i32>} : memref<128x512xi32, #tpu.memory_space<vmem>>, vector<128x512xi32>,
    return
  }
}

</mosaic_0001>

<sc_bundles>
// kernel: kernel.5.cloned.1.call-start
scs
__scs_entry_jumppad:
0x0: {  	(pc) =	sbr.rel $0x88, $3  }
0x1: {  	(tag) =	ssettag $0x0;
	lr =	simm.s32 $0x1  }
0x2: {  	[smem:$0x3F9F] =	sst lr;
	_ =	strace $0xD0000000  }
0x3: {  	_ = 	snop  }
0x4: {  	_ = 	snop  }
0x5: {  	_ = 	snop  }
0x6: {  	_ = 	snop  }
0x7: {  	_ = 	snop  }
__scs_overlays_trampoline_lowered:
0x8: {  	[smem:$0x3FAE] =	sst s0  }
0x9: {  	[smem:$0x3FAF] =	sst s1  }
0xa: {  	[smem:$0x3FB0] =	sst s2  }
0xb: {  	[smem:$0x3FB1] =	sst s3  }
0xc: {  	[smem:$0x3FB2] =	sst s4  }
0xd: {  	[smem:$0x3FB3] =	sst s5  }
0xe: {  	[smem:$0x3FB4] =	sst s6  }
0xf: {  	[smem:$0x3FB5] =	sst s7  }
0x10: {  	[smem:$0x3FB6] =	sst s8  }
0x11: {  	[smem:$0x3FB7] =	sst s9;
	s0 =	simm.s32 @!p0 $0x0  }
0x12: {  	s1 =	sld [smem:$0x3F9D];
	s0 =	simm.s32 @p0 $0x1  }
0x13: {  	[smem:$0x3FB8] =	sst s0;
	s0 =	simm.s32 @!p1 $0x0  }
0x14: {  	s2 =	sld [smem:$0x3F9C];
	s0 =	simm.s32 @p1 $0x1  }
0x15: {  	[smem:$0x3FB9] =	sst s0;
	s0 =	simm.s32 @!p2 $0x0  }
0x16: {  	s3 =	sld [smem:$0x3FDB];
	s0 =	simm.s32 @p2 $0x1  }
0x17: {  	s4 =	simm.s32 $0x1BF5;
	[smem:$0x3FBB] =	sst s0  }
0x18: {  	s0 =	sld [smem:$0x3F9E];
	_ =	swait.ge [sflag:s4], $0x0  }
0x19: {  	s7 =	sld [smem:$0x3F9F]  }
0x1a: {  	s8 =	sadd.s32 $0xFFFFE003, lr  }
0x1b: {  	s9 =	sadd.s32 $0xFFFFFEF7, lr;
	s5 =	simm.s32 $0xFFFFFFFF;
	p2 =	slt.u32 s8, $0xFFFFF086  }
0x1c: {  	p1 =	slt.u32 s9, $0xF7A;
	s5 =	simm.s32 @!p2 $0x0  }
0x1d: {  	s5 =	simm.s32 @p1 $0x1;
	p0 =	seq.s32 s7, s2  }
0x1e: {  	s7 =	smul.u32 @!p0 $0xF7A, s2;
	p2 =	seq.s32 @!p0 s5, $0x0  }
0x1f: {  	s9 =	smul.u32 $0xF7A, s1;
	s8 =	simm.s32 @!p0 $0x1BF5;
	p2 =	por !p2, p0  }
0x20: {  	[sflag:s8] =	ssyncset.s32 @!p0 $0xFFFFF086;
	s6 =	sadd.s32 @!p0 s3, s7;
	s7 =	simm.s32 @!p0 $0x108  }
0x21: {  	s3 =	sadd.s32 s3, s9;
	s6 =	sadd.s32 @!p0 $0x88, s6;
	s7 =	simm.s32 @p2 $0x1082  }
0x22: {  	[simem:s7], [sflag:s8] =	dma.local @!p0 [hbm:s6], $0xF7A  }
0x23: {  	s9 =	sor.u32 $0xD0000000, s2;
	s6 =	simm.s32 $0x108;
	_ =	swait.ge @!p0 [sflag:s8], $0x0  }
0x24: {  	s3 =	sadd.s32 $0x88, s3;
	s6 =	simm.s32 @!p1 $0x1082;
	[sflag:s4] =	ssyncset.s32 $0xFFFFF086  }
0x25: {  	[simem:s6], [sflag:s4] =	dma.local [hbm:s3], $0xF7A  }
0x26: {  	[smem:$0x3F9F] =	sst s1;
	(tag) =	ssettag s2;
	_ =	strace s9  }
0x27: {  	s1 =	sld [smem:$0x3FAF]  }
0x28: {  	s2 =	sld [smem:$0x3FB0]  }
0x29: {  	s4 =	sld [smem:$0x3FB2]  }
0x2a: {  	p0 =	seq.s32 s5, $0x0;
	s5 =	sld [smem:$0x3FB3]  }
0x2b: {  	s6 =	sld [smem:$0x3FB4]  }
0x2c: {  	s7 =	sld [smem:$0x3FB5]  }
0x2d: {  	s3 =	simm.s32 $0x108;
	s8 =	sld [smem:$0x3FB6]  }
0x2e: {  	s3 =	simm.s32 @!p0 $0x1082;
	s9 =	sld [smem:$0x3FB7]  }
0x2f: {  	lr =	sadd.s32 s0, s3;
	s0 =	sld [smem:$0x3FAE]  }
0x30: {  	s3 =	sld [smem:$0x3FB1]  }
0x31: {  	[smem:$0x3FBA] =	sst s10  }
0x32: {  	s10 =	sld [smem:$0x3FB8];
	_ =	sdelay $0x3  }
0x33: {  	p0 =	seq.s32 s10, $0x1;
	s10 =	sld [smem:$0x3FBA];
	_ =	sdelay $0x3  }
0x34: {  	[smem:$0x3FBA] =	sst s10  }
0x35: {  	s10 =	sld [smem:$0x3FB9];
	_ =	sdelay $0x3  }
0x36: {  	p1 =	seq.s32 s10, $0x1;
	s10 =	sld [smem:$0x3FBA];
	_ =	sdelay $0x3  }
0x37: {  	[smem:$0x3FBA] =	sst s10  }
0x38: {  	s10 =	sld [smem:$0x3FBB]  }
0x39: {  	_ = 	snop;
	(pc) =	sbr.ind lr, $3  }
0x3a: {  	_ = 	snop  }
0x3b: {  	_ = 	snop  }
0x3c: {  	p2 =	seq.s32 s10, $0x1;
	s10 =	sld [smem:$0x3FBA]  }
0x3d: {  	_ =	shalt  }
0x3e: {  	_ =	shalt  }
0x3f: {  	_ =	shalt  }
0x40: {  	_ =	shalt  }
0x41: {  	_ =	shalt  }
0x42: {  	_ =	shalt  }
0x43: {  	_ =	shalt  }
0x44: {  	_ =	shalt  }
0x45: {  	_ =	shalt  }
0x46: {  	_ =	shalt  }
0x47: {  	_ =	shalt  }
0x48: {  	_ =	shalt  }
0x49: {  	_ =	shalt  }
0x4a: {  	_ =	shalt  }
0x4b: {  	_ =	shalt  }
0x4c: {  	_ =	shalt  }
0x4d: {  	_ =	shalt  }
0x4e: {  	_ =	shalt  }
0x4f: {  	_ =	shalt  }
0x50: {  	_ =	shalt  }
0x51: {  	_ =	shalt  }
0x52: {  	_ =	shalt  }
0x53: {  	_ =	shalt  }
0x54: {  	_ =	shalt  }
0x55: {  	_ =	shalt  }
0x56: {  	_ =	shalt  }
0x57: {  	_ =	shalt  }
0x58: {  	_ =	shalt  }
0x59: {  	_ =	shalt  }
0x5a: {  	_ =	shalt  }
0x5b: {  	_ =	shalt  }
0x5c: {  	_ =	shalt  }
0x5d: {  	_ =	shalt  }
0x5e: {  	_ =	shalt  }
0x5f: {  	_ =	shalt  }
0x60: {  	_ =	shalt  }
0x61: {  	_ =	shalt  }
0x62: {  	_ =	shalt  }
0x63: {  	_ =	shalt  }
0x64: {  	_ =	shalt  }
0x65: {  	_ =	shalt  }
0x66: {  	_ =	shalt  }
0x67: {  	_ =	shalt  }
0x68: {  	_ =	shalt  }
0x69: {  	_ =	shalt  }
0x6a: {  	_ =	shalt  }
0x6b: {  	_ =	shalt  }
0x6c: {  	_ =	shalt  }
0x6d: {  	_ =	shalt  }
0x6e: {  	_ =	shalt  }
0x6f: {  	_ =	shalt  }
0x70: {  	_ =	shalt  }
0x71: {  	_ =	shalt  }
0x72: {  	_ =	shalt  }
0x73: {  	_ =	shalt  }
0x74: {  	_ =	shalt  }
0x75: {  	_ =	shalt  }
0x76: {  	_ =	shalt  }
0x77: {  	_ =	shalt  }
0x78: {  	_ =	shalt  }
0x79: {  	_ =	shalt  }
0x7a: {  	_ =	shalt  }
0x7b: {  	_ =	shalt  }
0x7c: {  	_ =	shalt  }
0x7d: {  	_ =	shalt  }
0x7e: {  	_ =	shalt  }
0x7f: {  	_ =	shalt  }
0x80: {  	_ =	shalt  }
0x81: {  	_ =	shalt  }
0x82: {  	_ =	shalt  }
0x83: {  	_ =	shalt  }
0x84: {  	_ =	shalt  }
0x85: {  	_ =	shalt  }
0x86: {  	_ =	shalt  }
0x87: {  	_ =	shalt  }
.Lfunc_end0:
.L_simem_size_0:
called_computation_lowered:
.L_overlay_start_0:
0x88: {  	s2 =	sld [smem:$0x3FD9]  }
0x89: {  	s3 =	sld [smem:$0x3FFE];
	_ =	sdelay $0x1  }
0x8a: {  	s1 =	srdreg.scid  }
0x8b: {  	s0 =	sand.u32 $0x1, s1  }
0x8c: {  	s17 =	sshll.u32 s0, $0xA;
	s2 =	sadd.s32 s3, s2  }
0x8d: {  	s2 =	sadd.s32 s2, s17  }
0x8e: {  	[smem:$0x3FC6] =	sst s2  }
0x8f: {  	_ = 	snop  }
0x90: {  	s2 =	sld [smem:$0x3FD0];
	(tm) =	ssettm $0x1  }
0x91: {  	s18 =	sld [smem:$0x3FFB];
	_ =	sdelay $0x3  }
0x92: {  	_ =	strace s18  }
0x93: {  	s3 =	sld [smem:$0x3FFC];
	_ =	sdelay $0x3  }
0x94: {  	_ =	strace s3  }
0x95: {  	s3 =	sld [smem:$0x3FFD];
	_ =	sdelay $0x3  }
0x96: {  	_ =	strace s3  }
0x97: {  	_ =	strace $0x8FFFFFFF  }
0x98: {  	s19 =	sld [smem:$0x3FDB];
	_ =	sdelay $0x1  }
0x99: {  	s4 =	simm.s32 $_scs_section_size  }
0x9a: {  	s5 =	simm.s32 $_size__tile_overlayer_lowered;
	s6 =	simm.s32 $_tile_overlayer_lowered  }
0x9b: {  	s22 =	simm.s32 $0x1BFF;
	s21 =	sshll.u32 s6, $0x1;
	s3 =	sadd.s32 s4, s19  }
0x9c: {  	s7 =	simm.s32 $0x0;
	s20 =	sshll.u32 s5, $0x1;
	s5 =	sadd.s32 s21, s3  }
0x9d: {  	[timem:s7], [sflag:s22] =	dma.local [hbm:s5], s20  }
0x9e: {  	_ =	swait.ge [sflag:s22], s20  }
0x9f: {  	s4 =	ssub.s32 $0x0, s20;
	[sflag:s22] =	ssyncset.done $0x0  }
0xa0: {  	[sflag:s22] =	ssyncadd.s32 s4;
	_ =	sdelay $0x1  }
0xa1: {  	s23 =	simm.s32 $0x1B8B  }
0xa2: {  	_ =	swait.ge [sflag:s23], $0x1  }
0xa3: {  	[sflag:s23] =	ssyncset.done $0x0  }
0xa4: {  	s25 =	simm.s32 $0x1B8E;
	s24 =	sld [smem:$0x3FFE];
	[sflag:s23] =	ssyncadd.s32 $0xFFFFFFFF  }
0xa5: {  	s26 =	simm.s32 $execute0_lowered;
	[smem:$0x3FD2] =	sst s25  }
0xa6: {  	s5 =	sshll.u32 s26, $0x1;
	_ =	strace $0x80000046;
	[dreg:$0x1] =	wrdreg $0xFFFFFFFF  }
0xa7: {  	s28 =	simm.s32 $_size_execute0_lowered;
	s3 =	sadd.s32 s3, s5;
	[dreg:$0x0] =	wrdreg $0x0  }
0xa8: {  	s5 =	sshll.u32 s28, $0x1;
	[dreg:$0x2] =	wrdreg s3  }
0xa9: {  	[dreg:$0x3] =	wrdreg s5  }
0xaa: {  	[dreg:$0x4] =	wrdreg $0xC0  }
0xab: {  	_ =	task [dreg:s7], $0x5FFFF  }
0xac: {  	[dreg:$0x1] =	wrdreg $0xFFFFFFFF  }
0xad: {  	[dreg:$0x0] =	wrdreg $0x60  }
0xae: {  	[dreg:$0x2] =	wrdreg s2  }
0xaf: {  	[dreg:$0x3] =	wrdreg s24  }
0xb0: {  	[dreg:$0x4] =	wrdreg $0x9  }
0xb1: {  	_ =	task.clear_ibuf [dreg:s7], $0x5FFFF;
	_ =	strace $0x90000046  }
0xb2: {  	s29 =	simm.s32 $0x9;
	_ =	strace $0x80000048  }
0xb3: {  	_ =	swait.ge [sflag:s29], $0x1  }
0xb4: {  	[sflag:s29] =	ssyncadd.s32 $0xFFFFFFFF  }
0xb5: {  	_ =	strace $0x90000048  }
0xb6: {  	_ =	sfence  }
0xb7: {  	s30 =	sld [smem:$0x0];
	_ =	sdelay $0x2  }
0xb8: {  	s31 =	sshll.u32 s1, $0xD;
	s1 =	sshrl.u32 s1, $0x2  }
0xb9: {  	s3 =	sand.u32 $0x4000, s31;
	s1 =	sadd.s32 s1, s30  }
0xba: {  	s0 =	sor.u32 s3, s0;
	s1 =	sshll.u32 s1, $0x11  }
0xbb: {  	s0 =	sor.u32 s1, s0  }
0xbc: {  	s0 =	sadd.s32 $0x8F2B, s0  }
0xbd: {  	[sflag:s0] =	ssyncadd.remote.s32 $0x1  }
0xbe: {  	_ =	sfence.sel $0xFFFF  }
0xbf: {  	[dreg:$0x0] =	wrdreg $0xFFFFFFFF;
	(pc) =	sbr.abs _section_cstart, $3  }
0xc0: {  	[dreg:$0x1] =	wrdreg $0xFFFFFFFF  }
0xc1: {  	_ =	task.clear_ibuf [dreg:s7], $0x2FFFF;
	_ =	strace $0x9FFFFFFF  }
0xc2: {  	(tm) =	ssettm $0x7FFFFFFF  }
0xc3: {  	_ =	shalt  }
tec
execute0_lowered:
.L_overlay_start_1:
0x0: {  	(tag) =	ssettag $0x1  }
0x1: {  	s1 =	srdreg.scid  }
0x2: {  	s0 =	stileid.u32;
	s3 =	sand.u32 $0x1, s1  }
0x3: {  	s16 =	sshll.u32 s0, $0xC;
	s2 =	sshll.u32 s3, $0xB  }
0x4: {  	s5 =	sor.u32 s2, s16  }
0x5: {  	v0 =	vlaneseq.u32;
	s1 =	sor.u32 $0x10, s5  }
0x6: {  	v52 =	vmul.u32 $0x200, v0;
	v0 =	vmov s1  }
0x7: {  	v0 =	vshll.u32 v0, $0x9  }
0x8: {  	v1 =	vmov s5;
	s17 =	sor.u32 $0x20, s5;
	v0 =	vor.u32 v52, v0  }
0x9: {  	v1 =	vshll.u32 v1, $0x9;
	[tilespmem:$0x1FBA0] =	vst v0;
	v0 =	vmov s17  }
0xa: {  	s18 =	sor.u32 $0x30, s5;
	v1 =	vor.u32 v52, v1;
	v0 =	vshll.u32 v0, $0x9  }
0xb: {  	s2 =	sor.u32 $0x40, s5;
	[tilespmem:$0x1FB90] =	vst v1;
	v1 =	vmov s18;
	v0 =	vor.u32 v52, v0  }
0xc: {  	v2 =	vmov s2;
	[tilespmem:$0x1FBB0] =	vst v0;
	v0 =	vshll.u32 v1, $0x9  }
0xd: {  	v1 =	vshll.u32 v2, $0x9;
	v0 =	vor.u32 v52, v0  }
0xe: {  	s19 =	sor.u32 $0x50, s5;
	[tilespmem:$0x1FBC0] =	vst v0;
	v0 =	vor.u32 v52, v1  }
0xf: {  	[tilespmem:$0x1FBD0] =	vst v0;
	v0 =	vmov s19  }
0x10: {  	s20 =	sor.u32 $0x60, s5;
	v0 =	vshll.u32 v0, $0x9  }
0x11: {  	s21 =	sor.u32 $0x70, s5;
	v1 =	vmov s20;
	v0 =	vor.u32 v52, v0  }
0x12: {  	v2 =	vmov s21;
	[tilespmem:$0x1FBE0] =	vst v0;
	v0 =	vshll.u32 v1, $0x9  }
0x13: {  	v1 =	vshll.u32 v2, $0x9;
	v0 =	vor.u32 v52, v0  }
0x14: {  	s22 =	sor.u32 $0x80, s5;
	[tilespmem:$0x1FBF0] =	vst v0;
	v0 =	vor.u32 v52, v1  }
0x15: {  	[tilespmem:$0x1FC00] =	vst v0;
	v0 =	vmov s22  }
0x16: {  	s23 =	sor.u32 $0x90, s5;
	v0 =	vshll.u32 v0, $0x9  }
0x17: {  	s24 =	sor.u32 $0xA0, s5;
	v1 =	vmov s23;
	v0 =	vor.u32 v52, v0  }
0x18: {  	v2 =	vmov s24;
	[tilespmem:$0x1FC10] =	vst v0;
	v0 =	vshll.u32 v1, $0x9  }
0x19: {  	v1 =	vshll.u32 v2, $0x9;
	v0 =	vor.u32 v52, v0  }
0x1a: {  	s25 =	sor.u32 $0xB0, s5;
	[tilespmem:$0x1FC20] =	vst v0;
	v0 =	vor.u32 v52, v1  }
0x1b: {  	[tilespmem:$0x1FC30] =	vst v0;
	v0 =	vmov s25  }
0x1c: {  	s26 =	sor.u32 $0xC0, s5;
	v0 =	vshll.u32 v0, $0x9  }
0x1d: {  	s28 =	sor.u32 $0xD0, s5;
	v1 =	vmov s26;
	v0 =	vor.u32 v52, v0  }
0x1e: {  	v2 =	vmov s28;
	[tilespmem:$0x1FC40] =	vst v0;
	v0 =	vshll.u32 v1, $0x9  }
0x1f: {  	v1 =	vshll.u32 v2, $0x9;
	v0 =	vor.u32 v52, v0  }
0x20: {  	s29 =	sor.u32 $0xE0, s5;
	[tilespmem:$0x1FC50] =	vst v0;
	v0 =	vor.u32 v52, v1  }
0x21: {  	[tilespmem:$0x1FC60] =	vst v0;
	v0 =	vmov s29  }
0x22: {  	s30 =	sor.u32 $0xF0, s5;
	v0 =	vshll.u32 v0, $0x9  }
0x23: {  	s31 =	sor.u32 $0x100, s5;
	v1 =	vmov s30;
	v0 =	vor.u32 v52, v0  }
0x24: {  	v2 =	vmov s31;
	[tilespmem:$0x1FC70] =	vst v0;
	v0 =	vshll.u32 v1, $0x9  }
0x25: {  	v1 =	vshll.u32 v2, $0x9;
	v0 =	vor.u32 v52, v0  }
0x26: {  	s2 =	sor.u32 $0x110, s5;
	[tilespmem:$0x1FC80] =	vst v0;
	v0 =	vor.u32 v52, v1  }
0x27: {  	[tilespmem:$0x1FC90] =	vst v0;
	v0 =	vmov s2  }
0x28: {  	s4 =	sor.u32 $0x120, s5;
	v0 =	vshll.u32 v0, $0x9  }
0x29: {  	s6 =	sor.u32 $0x130, s5;
	v1 =	vmov s4;
	v0 =	vor.u32 v52, v0  }
0x2a: {  	v2 =	vmov s6;
	[tilespmem:$0x1FCA0] =	vst v0;
	v0 =	vshll.u32 v1, $0x9  }
0x2b: {  	v1 =	vshll.u32 v2, $0x9;
	v0 =	vor.u32 v52, v0  }
0x2c: {  	s7 =	sor.u32 $0x140, s5;
	[tilespmem:$0x1FCB0] =	vst v0;
	v0 =	vor.u32 v52, v1  }
0x2d: {  	[tilespmem:$0x1FCC0] =	vst v0;
	v0 =	vmov s7  }
0x2e: {  	s8 =	sor.u32 $0x150, s5;
	v0 =	vshll.u32 v0, $0x9  }
0x2f: {  	s9 =	sor.u32 $0x160, s5;
	v1 =	vmov s8;
	v0 =	vor.u32 v52, v0  }
0x30: {  	v2 =	vmov s9;
	[tilespmem:$0x1FCD0] =	vst v0;
	v0 =	vshll.u32 v1, $0x9  }
0x31: {  	v1 =	vshll.u32 v2, $0x9;
	v0 =	vor.u32 v52, v0  }
0x32: {  	s10 =	sor.u32 $0x170, s5;
	[tilespmem:$0x1FCE0] =	vst v0;
	v0 =	vor.u32 v52, v1  }
0x33: {  	[tilespmem:$0x1FCF0] =	vst v0;
	v0 =	vmov s10  }
0x34: {  	s11 =	sor.u32 $0x180, s5;
	v0 =	vshll.u32 v0, $0x9  }
0x35: {  	s12 =	sor.u32 $0x190, s5;
	v1 =	vmov s11;
	v0 =	vor.u32 v52, v0  }
0x36: {  	v2 =	vmov s12;
	[tilespmem:$0x1FD00] =	vst v0;
	v0 =	vshll.u32 v1, $0x9  }
0x37: {  	v1 =	vshll.u32 v2, $0x9;
	v0 =	vor.u32 v52, v0  }
0x38: {  	s13 =	sor.u32 $0x1A0, s5;
	[tilespmem:$0x1FD10] =	vst v0;
	v0 =	vor.u32 v52, v1  }
0x39: {  	[tilespmem:$0x1FD20] =	vst v0;
	v0 =	vmov s13  }
0x3a: {  	s14 =	sor.u32 $0x1B0, s5;
	v0 =	vshll.u32 v0, $0x9  }
0x3b: {  	s15 =	sor.u32 $0x1C0, s5;
	v1 =	vmov s14;
	v0 =	vor.u32 v52, v0  }
0x3c: {  	v2 =	vmov s15;
	[tilespmem:$0x1FD30] =	vst v0;
	v0 =	vshll.u32 v1, $0x9  }
0x3d: {  	v1 =	vshll.u32 v2, $0x9;
	v0 =	vor.u32 v52, v0  }
0x3e: {  	s16 =	sor.u32 $0x1D0, s5;
	[tilespmem:$0x1FD40] =	vst v0;
	v0 =	vor.u32 v52, v1  }
0x3f: {  	[tilespmem:$0x1FD50] =	vst v0;
	v0 =	vmov s16  }
0x40: {  	s17 =	sor.u32 $0x1E0, s5;
	v0 =	vshll.u32 v0, $0x9  }
0x41: {  	s18 =	sor.u32 $0x1F0, s5;
	v1 =	vmov s17;
	v0 =	vor.u32 v52, v0  }
0x42: {  	v2 =	vmov s18;
	[tilespmem:$0x1FD60] =	vst v0;
	v0 =	vshll.u32 v1, $0x9  }
0x43: {  	v1 =	vshll.u32 v2, $0x9;
	v0 =	vor.u32 v52, v0  }
0x44: {  	s19 =	sor.u32 $0x200, s5;
	[tilespmem:$0x1FD70] =	vst v0;
	v0 =	vor.u32 v52, v1  }
0x45: {  	[tilespmem:$0x1FD80] =	vst v0;
	v0 =	vmov s19  }
0x46: {  	s20 =	sor.u32 $0x210, s5;
	v0 =	vshll.u32 v0, $0x9  }
0x47: {  	s21 =	sor.u32 $0x220, s5;
	v1 =	vmov s20;
	v0 =	vor.u32 v52, v0  }
0x48: {  	v2 =	vmov s21;
	[tilespmem:$0x1FD90] =	vst v0;
	v0 =	vshll.u32 v1, $0x9  }
0x49: {  	v1 =	vshll.u32 v2, $0x9;
	v0 =	vor.u32 v52, v0  }
0x4a: {  	s22 =	sor.u32 $0x230, s5;
	[tilespmem:$0x1FDA0] =	vst v0;
	v0 =	vor.u32 v52, v1  }
0x4b: {  	[tilespmem:$0x1FDB0] =	vst v0;
	v0 =	vmov s22  }
0x4c: {  	s23 =	sor.u32 $0x240, s5;
	v0 =	vshll.u32 v0, $0x9  }
0x4d: {  	s24 =	sor.u32 $0x250, s5;
	v1 =	vmov s23;
	v0 =	vor.u32 v52, v0  }
0x4e: {  	v2 =	vmov s24;
	[tilespmem:$0x1FDC0] =	vst v0;
	v0 =	vshll.u32 v1, $0x9  }
0x4f: {  	v1 =	vshll.u32 v2, $0x9;
	v0 =	vor.u32 v52, v0  }
0x50: {  	s25 =	sor.u32 $0x260, s5;
	[tilespmem:$0x1FDD0] =	vst v0;
	v0 =	vor.u32 v52, v1  }
0x51: {  	[tilespmem:$0x1FDE0] =	vst v0;
	v0 =	vmov s25  }
0x52: {  	s26 =	sor.u32 $0x270, s5;
	v0 =	vshll.u32 v0, $0x9  }
0x53: {  	s28 =	sor.u32 $0x280, s5;
	v1 =	vmov s26;
	v0 =	vor.u32 v52, v0  }
0x54: {  	v2 =	vmov s28;
	[tilespmem:$0x1FDF0] =	vst v0;
	v0 =	vshll.u32 v1, $0x9  }
0x55: {  	v1 =	vshll.u32 v2, $0x9;
	v0 =	vor.u32 v52, v0  }
0x56: {  	s29 =	sor.u32 $0x290, s5;
	[tilespmem:$0x1FE00] =	vst v0;
	v0 =	vor.u32 v52, v1  }
0x57: {  	[tilespmem:$0x1FE10] =	vst v0;
	v0 =	vmov s29  }
0x58: {  	s30 =	sor.u32 $0x2A0, s5;
	v0 =	vshll.u32 v0, $0x9  }
0x59: {  	s31 =	sor.u32 $0x2B0, s5;
	v1 =	vmov s30;
	v0 =	vor.u32 v52, v0  }
0x5a: {  	v2 =	vmov s31;
	[tilespmem:$0x1FE20] =	vst v0;
	v0 =	vshll.u32 v1, $0x9  }
0x5b: {  	v1 =	vshll.u32 v2, $0x9;
	v0 =	vor.u32 v52, v0  }
0x5c: {  	s4 =	sor.u32 $0x2C0, s5;
	[tilespmem:$0x1FE30] =	vst v0;
	v0 =	vor.u32 v52, v1  }
0x5d: {  	[tilespmem:$0x1FE40] =	vst v0;
	v0 =	vmov s4  }
0x5e: {  	s6 =	sor.u32 $0x2D0, s5;
	v0 =	vshll.u32 v0, $0x9  }
0x5f: {  	s7 =	sor.u32 $0x2E0, s5;
	v1 =	vmov s6;
	v0 =	vor.u32 v52, v0  }
0x60: {  	v2 =	vmov s7;
	[tilespmem:$0x1FE50] =	vst v0;
	v0 =	vshll.u32 v1, $0x9  }
0x61: {  	v1 =	vshll.u32 v2, $0x9;
	v0 =	vor.u32 v52, v0  }
0x62: {  	s8 =	sor.u32 $0x2F0, s5;
	[tilespmem:$0x1FE60] =	vst v0;
	v0 =	vor.u32 v52, v1  }
0x63: {  	[tilespmem:$0x1FE70] =	vst v0;
	v0 =	vmov s8  }
0x64: {  	s9 =	sor.u32 $0x300, s5;
	v0 =	vshll.u32 v0, $0x9  }
0x65: {  	s10 =	sor.u32 $0x310, s5;
	v1 =	vmov s9;
	v0 =	vor.u32 v52, v0  }
0x66: {  	v2 =	vmov s10;
	[tilespmem:$0x1FE80] =	vst v0;
	v0 =	vshll.u32 v1, $0x9  }
0x67: {  	v1 =	vshll.u32 v2, $0x9;
	v0 =	vor.u32 v52, v0  }
0x68: {  	s11 =	sor.u32 $0x320, s5;
	[tilespmem:$0x1FE90] =	vst v0;
	v0 =	vor.u32 v52, v1  }
0x69: {  	[tilespmem:$0x1FEA0] =	vst v0;
	v0 =	vmov s11  }
0x6a: {  	s12 =	sor.u32 $0x330, s5;
	v0 =	vshll.u32 v0, $0x9  }
0x6b: {  	s13 =	sor.u32 $0x340, s5;
	v1 =	vmov s12;
	v0 =	vor.u32 v52, v0  }
0x6c: {  	v2 =	vmov s13;
	[tilespmem:$0x1FEB0] =	vst v0;
	v0 =	vshll.u32 v1, $0x9  }
0x6d: {  	v1 =	vshll.u32 v2, $0x9;
	v0 =	vor.u32 v52, v0  }
0x6e: {  	s14 =	sor.u32 $0x350, s5;
	[tilespmem:$0x1FEC0] =	vst v0;
	v0 =	vor.u32 v52, v1  }
0x6f: {  	[tilespmem:$0x1FED0] =	vst v0;
	v0 =	vmov s14  }
0x70: {  	s15 =	sor.u32 $0x360, s5;
	v0 =	vshll.u32 v0, $0x9  }
0x71: {  	s16 =	sor.u32 $0x370, s5;
	v1 =	vmov s15;
	v0 =	vor.u32 v52, v0  }
0x72: {  	v2 =	vmov s16;
	[tilespmem:$0x1FEE0] =	vst v0;
	v0 =	vshll.u32 v1, $0x9  }
0x73: {  	v1 =	vshll.u32 v2, $0x9;
	v0 =	vor.u32 v52, v0  }
0x74: {  	s17 =	sor.u32 $0x380, s5;
	[tilespmem:$0x1FEF0] =	vst v0;
	v0 =	vor.u32 v52, v1  }
0x75: {  	[tilespmem:$0x1FF00] =	vst v0;
	v0 =	vmov s17  }
0x76: {  	s18 =	sor.u32 $0x390, s5;
	v0 =	vshll.u32 v0, $0x9  }
0x77: {  	s19 =	sor.u32 $0x3A0, s5;
	v1 =	vmov s18;
	v0 =	vor.u32 v52, v0  }
0x78: {  	v2 =	vmov s19;
	[tilespmem:$0x1FF10] =	vst v0;
	v0 =	vshll.u32 v1, $0x9  }
0x79: {  	v1 =	vshll.u32 v2, $0x9;
	v0 =	vor.u32 v52, v0  }
0x7a: {  	s20 =	sor.u32 $0x3B0, s5;
	[tilespmem:$0x1FF20] =	vst v0;
	v0 =	vor.u32 v52, v1  }
0x7b: {  	[tilespmem:$0x1FF30] =	vst v0;
	v0 =	vmov s20  }
0x7c: {  	s21 =	sor.u32 $0x3C0, s5;
	v0 =	vshll.u32 v0, $0x9  }
0x7d: {  	s22 =	sor.u32 $0x3D0, s5;
	v1 =	vmov s21;
	v0 =	vor.u32 v52, v0  }
0x7e: {  	v2 =	vmov s22;
	[tilespmem:$0x1FF40] =	vst v0;
	v0 =	vshll.u32 v1, $0x9  }
0x7f: {  	v1 =	vshll.u32 v2, $0x9;
	v0 =	vor.u32 v52, v0  }
0x80: {  	s23 =	sor.u32 $0x3E0, s5;
	[tilespmem:$0x1FF50] =	vst v0;
	v0 =	vor.u32 v52, v1  }
0x81: {  	[tilespmem:$0x1FF60] =	vst v0;
	v0 =	vmov s23  }
0x82: {  	s24 =	sor.u32 $0x3F0, s5;
	v0 =	vshll.u32 v0, $0x9  }
0x83: {  	s25 =	sor.u32 $0x400, s5;
	v1 =	vmov s24;
	v0 =	vor.u32 v52, v0  }
0x84: {  	v2 =	vmov s25;
	[tilespmem:$0x1FF70] =	vst v0;
	v0 =	vshll.u32 v1, $0x9  }
0x85: {  	v1 =	vshll.u32 v2, $0x9;
	v0 =	vor.u32 v52, v0  }
0x86: {  	s26 =	sor.u32 $0x410, s5;
	[tilespmem:$0x1FF80] =	vst v0;
	v0 =	vor.u32 v52, v1  }
0x87: {  	[tilespmem:$0x1FF90] =	vst v0;
	v0 =	vmov s26  }
0x88: {  	s28 =	sor.u32 $0x420, s5;
	v0 =	vshll.u32 v0, $0x9  }
0x89: {  	s4 =	sor.u32 $0x430, s5;
	v2 =	vmov s28;
	v0 =	vor.u32 v52, v0  }
0x8a: {  	v3 =	vmov s4;
	[tilespmem:$0x1FFA0] =	vst v0;
	v0 =	vshll.u32 v2, $0x9  }
0x8b: {  	v3 =	vshll.u32 v3, $0x9;
	v0 =	vor.u32 v52, v0  }
0x8c: {  	s29 =	sor.u32 $0x440, s5;
	[tilespmem:$0x1FFB0] =	vst v0;
	v0 =	vor.u32 v52, v3  }
0x8d: {  	[tilespmem:$0x1FFC0] =	vst v0;
	v0 =	vmov s29  }
0x8e: {  	s30 =	sor.u32 $0x450, s5;
	v0 =	vshll.u32 v0, $0x9  }
0x8f: {  	s31 =	sor.u32 $0x460, s5;
	v5 =	vmov s30;
	v0 =	vor.u32 v52, v0  }
0x90: {  	v6 =	vmov s31;
	[tilespmem:$0x1FFD0] =	vst v0;
	v0 =	vshll.u32 v5, $0x9  }
0x91: {  	v6 =	vshll.u32 v6, $0x9;
	v0 =	vor.u32 v52, v0  }
0x92: {  	s2 =	sor.u32 $0x470, s5;
	[tilespmem:$0x1FFE0] =	vst v0;
	v0 =	vor.u32 v52, v6  }
0x93: {  	s31 =	sor.u32 $0x610, s5;
	s4 =	sor.u32 $0x480, s5;
	[tilespmem:$0x1FFF0] =	vst v0;
	v0 =	vmov s2  }
0x94: {  	v33 =	vmov s31;
	v8 =	vmov s4;
	v0 =	vshll.u32 v0, $0x9  }
0x95: {  	s31 =	sor.u32 $0x7C0, s5;
	v33 =	vshll.u32 v33, $0x9;
	s7 =	sor.u32 $0x4A0, s5;
	v7 =	vor.u32 v52, v0;
	v0 =	vshll.u32 v8, $0x9  }
0x96: {  	s30 =	sor.u32 $0x600, s5;
	v61 =	vmov s31;
	s8 =	sor.u32 $0x4B0, s5;
	v8 =	vor.u32 v52, v0;
	v0 =	vmov s7  }
0x97: {  	v32 =	vmov s30;
	v11 =	vmov s8;
	v0 =	vshll.u32 v0, $0x9  }
0x98: {  	v33 =	vor.u32 v52, v33;
	s10 =	sor.u32 $0x4D0, s5;
	v10 =	vor.u32 v52, v0;
	v0 =	vshll.u32 v11, $0x9  }
0x99: {  	v61 =	vshll.u32 v61, $0x9;
	s11 =	sor.u32 $0x4E0, s5;
	v11 =	vor.u32 v52, v0;
	v0 =	vmov s10  }
0x9a: {  	v61 =	vor.u32 v52, v61;
	s6 =	sor.u32 $0x490, s5;
	v14 =	vmov s11;
	v0 =	vshll.u32 v0, $0x9  }
0x9b: {  	v9 =	vmov s6;
	s13 =	sor.u32 $0x500, s5;
	v13 =	vor.u32 v52, v0;
	v0 =	vshll.u32 v14, $0x9  }
0x9c: {  	s6 =	sor.u32 $0x640, s5;
	v9 =	vshll.u32 v9, $0x9;
	s14 =	sor.u32 $0x510, s5;
	v14 =	vor.u32 v52, v0;
	v0 =	vmov s13  }
0x9d: {  	v36 =	vmov s6;
	v17 =	vmov s14;
	v0 =	vshll.u32 v0, $0x9  }
0x9e: {  	v9 =	vor.u32 v52, v9;
	s16 =	sor.u32 $0x530, s5;
	v16 =	vor.u32 v52, v0;
	v0 =	vshll.u32 v17, $0x9  }
0x9f: {  	s4 =	sor.u32 $0x630, s5;
	v36 =	vshll.u32 v36, $0x9;
	s17 =	sor.u32 $0x540, s5;
	v17 =	vor.u32 v52, v0;
	v0 =	vmov s16  }
0xa0: {  	v35 =	vmov s4;
	v20 =	vmov s17;
	v0 =	vshll.u32 v0, $0x9  }
0xa1: {  	v36 =	vor.u32 v52, v36;
	s9 =	sor.u32 $0x4C0, s5;
	s19 =	sor.u32 $0x560, s5;
	v19 =	vor.u32 v52, v0;
	v0 =	vshll.u32 v20, $0x9  }
0xa2: {  	v12 =	vmov s9;
	s20 =	sor.u32 $0x570, s5;
	v20 =	vor.u32 v52, v0;
	v0 =	vmov s19  }
0xa3: {  	s9 =	sor.u32 $0x670, s5;
	v12 =	vshll.u32 v12, $0x9;
	v23 =	vmov s20;
	v0 =	vshll.u32 v0, $0x9  }
0xa4: {  	v39 =	vmov s9;
	s22 =	sor.u32 $0x590, s5;
	v22 =	vor.u32 v52, v0;
	v0 =	vshll.u32 v23, $0x9  }
0xa5: {  	s8 =	sor.u32 $0x660, s5;
	v12 =	vor.u32 v52, v12;
	s23 =	sor.u32 $0x5A0, s5;
	v23 =	vor.u32 v52, v0;
	v0 =	vmov s22  }
0xa6: {  	v38 =	vmov s8;
	v26 =	vmov s23;
	v0 =	vshll.u32 v0, $0x9  }
0xa7: {  	s9 =	sor.u32 $0x760, s5;
	v39 =	vshll.u32 v39, $0x9;
	s25 =	sor.u32 $0x5C0, s5;
	v25 =	vor.u32 v52, v0;
	v0 =	vshll.u32 v26, $0x9  }
0xa8: {  	v55 =	vmov s9;
	s26 =	sor.u32 $0x5D0, s5;
	v26 =	vor.u32 v52, v0;
	v0 =	vmov s25  }
0xa9: {  	s8 =	sor.u32 $0x730, s5;
	v39 =	vor.u32 v52, v39;
	v29 =	vmov s26;
	v0 =	vshll.u32 v0, $0x9  }
0xaa: {  	v51 =	vmov s8;
	s29 =	sor.u32 $0x5F0, s5;
	v28 =	vor.u32 v52, v0;
	v0 =	vshll.u32 v29, $0x9  }
0xab: {  	v55 =	vshll.u32 v55, $0x9;
	v29 =	vor.u32 v52, v0;
	v0 =	vmov s29  }
0xac: {  	v51 =	vshll.u32 v51, $0x9;
	v55 =	vor.u32 v52, v55;
	v0 =	vshll.u32 v0, $0x9  }
0xad: {  	s12 =	sor.u32 $0x4F0, s5;
	v51 =	vor.u32 v52, v51;
	s2 =	sor.u32 $0x620, s5;
	v31 =	vor.u32 v52, v0;
	v0 =	vshll.u32 v32, $0x9  }
0xae: {  	v15 =	vmov s12;
	s12 =	sor.u32 $0x6A0, s5;
	v32 =	vor.u32 v52, v0;
	v0 =	vmov s2  }
0xaf: {  	v15 =	vshll.u32 v15, $0x9;
	v42 =	vmov s12;
	v0 =	vshll.u32 v0, $0x9  }
0xb0: {  	v15 =	vor.u32 v52, v15;
	s7 =	sor.u32 $0x650, s5;
	v34 =	vor.u32 v52, v0;
	v0 =	vshll.u32 v35, $0x9  }
0xb1: {  	s11 =	sor.u32 $0x690, s5;
	v42 =	vshll.u32 v42, $0x9;
	v35 =	vor.u32 v52, v0;
	v0 =	vmov s7  }
0xb2: {  	v41 =	vmov s11;
	s11 =	sor.u32 $0x7B0, s5;
	v42 =	vor.u32 v52, v42;
	v0 =	vshll.u32 v0, $0x9  }
0xb3: {  	v60 =	vmov s11;
	s15 =	sor.u32 $0x520, s5;
	s10 =	sor.u32 $0x680, s5;
	v37 =	vor.u32 v52, v0;
	v0 =	vshll.u32 v38, $0x9  }
0xb4: {  	v18 =	vmov s15;
	s15 =	sor.u32 $0x6D0, s5;
	v38 =	vor.u32 v52, v0;
	v0 =	vmov s10  }
0xb5: {  	v18 =	vshll.u32 v18, $0x9;
	v45 =	vmov s15;
	v0 =	vshll.u32 v0, $0x9  }
0xb6: {  	v18 =	vor.u32 v52, v18;
	s13 =	sor.u32 $0x6B0, s5;
	v40 =	vor.u32 v52, v0;
	v0 =	vshll.u32 v41, $0x9  }
0xb7: {  	s14 =	sor.u32 $0x6C0, s5;
	v45 =	vshll.u32 v45, $0x9;
	v41 =	vor.u32 v52, v0;
	v0 =	vmov s13  }
0xb8: {  	v44 =	vmov s14;
	v45 =	vor.u32 v52, v45;
	s18 =	sor.u32 $0x550, s5;
	v0 =	vshll.u32 v0, $0x9  }
0xb9: {  	v21 =	vmov s18;
	s16 =	sor.u32 $0x6E0, s5;
	v43 =	vor.u32 v52, v0;
	v0 =	vshll.u32 v44, $0x9  }
0xba: {  	s18 =	sor.u32 $0x700, s5;
	v21 =	vshll.u32 v21, $0x9;
	s17 =	sor.u32 $0x6F0, s5;
	v44 =	vor.u32 v52, v0;
	v0 =	vmov s16  }
0xbb: {  	v48 =	vmov s18;
	v47 =	vmov s17;
	v0 =	vshll.u32 v0, $0x9  }
0xbc: {  	v21 =	vor.u32 v52, v21;
	s20 =	sor.u32 $0x710, s5;
	v46 =	vor.u32 v52, v0;
	v0 =	vshll.u32 v47, $0x9  }
0xbd: {  	v48 =	vshll.u32 v48, $0x9;
	s7 =	sor.u32 $0x720, s5;
	v47 =	vor.u32 v52, v0;
	v0 =	vmov s20  }
0xbe: {  	s1 =	rddreg [dreg:$0x2];
	v48 =	vor.u32 v52, v48;
	s21 =	sor.u32 $0x580, s5;
	v50 =	vmov s7;
	v0 =	vshll.u32 v0, $0x9  }
0xbf: {  	s30 =	sor.u32 $0x7A0, s5;
	s6 =	rddreg [dreg:$0x1];
	v24 =	vmov s21;
	s21 =	sor.u32 $0x740, s5;
	v49 =	vor.u32 v52, v0;
	v0 =	vshll.u32 v50, $0x9  }
0xc0: {  	s9 =	simm.s32 $0x1000;
	s8 =	simm.s32 $0x800;
	v24 =	vshll.u32 v24, $0x9;
	s23 =	sor.u32 $0x750, s5;
	v50 =	vor.u32 v52, v0;
	v0 =	vmov s21  }
0xc1: {  	s12 =	simm.s32 $0x980;
	s11 =	simm.s32 $0x900;
	v24 =	vor.u32 v52, v24;
	s24 =	sor.u32 $0x5B0, s5;
	v54 =	vmov s23;
	v0 =	vshll.u32 v0, $0x9  }
0xc2: {  	s15 =	simm.s32 $0xB00;
	s14 =	simm.s32 $0xA80;
	v27 =	vmov s24;
	s26 =	sor.u32 $0x770, s5;
	v53 =	vor.u32 v52, v0;
	v0 =	vshll.u32 v54, $0x9  }
0xc3: {  	s18 =	simm.s32 $0xC80;
	v27 =	vshll.u32 v27, $0x9;
	s28 =	sor.u32 $0x5E0, s5;
	s29 =	sor.u32 $0x780, s5;
	v54 =	vor.u32 v52, v0;
	v0 =	vmov s26  }
0xc4: {  	s17 =	simm.s32 $0xC00;
	v30 =	vmov s28;
	s28 =	sshrl.u32 s5, $0x3;
	s19 =	rddreg [dreg:$0x0];
	v57 =	vmov s29;
	v0 =	vshll.u32 v0, $0x9  }
0xc5: {  	s23 =	simm.s32 $0xF00;
	v30 =	vshll.u32 v30, $0x9;
	s4 =	sadd.s32 s19, s28;
	s19 =	sor.u32 $0x7E0, s5;
	v56 =	vor.u32 v52, v0;
	v0 =	vshll.u32 v57, $0x9  }
0xc6: {  	v63 =	vmov s19;
	s19 =	simm.s32 $0xD00;
	s22 =	ssub.s32 $0x2, s3;
	s3 =	sadd.s32 $0x800, s6;
	v57 =	vor.u32 v52, v0;
	v0 =	vmov s30  }
0xc7: {  	v27 =	vor.u32 v52, v27;
	v30 =	vor.u32 v52, v30;
	s6 =	simm.s32 $0x1;
	s24 =	sshrl.u32 s22, $0x1;
	s10 =	sor.u32 $0x790, s5;
	v0 =	vshll.u32 v0, $0x9  }
0xc8: {  	s25 =	ssub.s32 s22, s24;
	s2 =	simm.s32 $0x0;
	v58 =	vmov s10;
	s16 =	sor.u32 $0x7D0, s5;
	v59 =	vor.u32 v52, v0;
	v0 =	vshll.u32 v60, $0x9  }
0xc9: {  	s22 =	simm.s32 $0xE80;
	[smem:$0x7FF] =	sst s2;
	v58 =	vshll.u32 v58, $0x9;
	s20 =	sor.u32 $0x7F0, s5;
	v60 =	vor.u32 v52, v0;
	v0 =	vmov s16  }
0xca: {  	s24 =	simm.s32 $0xF80;
	_ =	strace $0x80000047;
	s7 =	simm.s32 $0x80;
	v58 =	vor.u32 v52, v58;
	v1 =	vmov s20;
	v0 =	vshll.u32 v0, $0x9  }
0xcb: {  	s10 =	simm.s32 $0x880;
	s13 =	simm.s32 $0xA00;
	s5 =	smax.u32 s25, $0x1;
	v1 =	vshll.u32 v1, $0x9;
	v62 =	vor.u32 v52, v0;
	v0 =	vshll.u32 v63, $0x9  }
0xcc: {  	s20 =	simm.s32 $0xD80;
	s21 =	simm.s32 $0xE00;
	s16 =	simm.s32 $0xB80;
	v63 =	vor.u32 v52, v0;
	v52 =	vor.u32 v52, v1;
	v0 =	vimm.f32 $1.000000000e+00  }
.LBB2_1:
0xcd: {  	[tilespmem:s2], [sflag:$0x1] =	stream.linear.gather [hbm4b:s4+s2], $0x800, $0x38;
	[tilespmem:$0x1080] =	vst v63  }
0xce: {  	_ =	swait.ge [sflag:s6], $0x800  }
0xcf: {  	[sflag:s6] =	ssyncset.done $0x0  }
0xd0: {  	v6 =	vld [tilespmem:$0x1FB90];
	[sflag:s6] =	ssyncadd.s32 $0xFFFFF800  }
0xd1: {  	v1 =	vld [tilespmem:$0x0];
	_ =	sdelay $0x4  }
0xd2: {  	v2 =	vld [tilespmem:$0x10];
	v1 =	vadd.s32 v6, v1  }
0xd3: {  	[tilespmem:$0x800] =	vst v1;
	v1 =	vld [tilespmem:$0x1FBA0];
	_ =	sdelay $0x4  }
0xd4: {  	v3 =	vld [tilespmem:$0x20];
	v1 =	vadd.s32 v1, v2  }
0xd5: {  	[tilespmem:$0x810] =	vst v1;
	v1 =	vld [tilespmem:$0x1FBB0];
	_ =	sdelay $0x4  }
0xd6: {  	v4 =	vld [tilespmem:$0x30];
	v1 =	vadd.s32 v1, v3  }
0xd7: {  	[tilespmem:$0x820] =	vst v1;
	v1 =	vld [tilespmem:$0x1FBC0];
	_ =	sdelay $0x4  }
0xd8: {  	v5 =	vld [tilespmem:$0x40];
	v1 =	vadd.s32 v1, v4  }
0xd9: {  	[tilespmem:$0x830] =	vst v1;
	v1 =	vld [tilespmem:$0x1FBD0];
	_ =	sdelay $0x4  }
0xda: {  	v6 =	vld [tilespmem:$0x50];
	v1 =	vadd.s32 v1, v5  }
0xdb: {  	[tilespmem:$0x840] =	vst v1;
	v1 =	vld [tilespmem:$0x1FBE0];
	_ =	sdelay $0x4  }
0xdc: {  	v2 =	vld [tilespmem:$0x60];
	v1 =	vadd.s32 v1, v6  }
0xdd: {  	[tilespmem:$0x850] =	vst v1;
	v1 =	vld [tilespmem:$0x1FBF0];
	_ =	sdelay $0x4  }
0xde: {  	v3 =	vld [tilespmem:$0x70];
	v1 =	vadd.s32 v1, v2  }
0xdf: {  	[tilespmem:$0x860] =	vst v1;
	v1 =	vld [tilespmem:$0x1FC00];
	_ =	sdelay $0x4  }
0xe0: {  	v4 =	vld [tilespmem:$0x80];
	v1 =	vadd.s32 v1, v3  }
0xe1: {  	[tilespmem:$0x870] =	vst v1;
	v1 =	vld [tilespmem:$0x1FC10];
	_ =	sdelay $0x4  }
0xe2: {  	v5 =	vld [tilespmem:$0x90];
	v1 =	vadd.s32 v1, v4  }
0xe3: {  	[tilespmem:$0x880] =	vst v1;
	v1 =	vld [tilespmem:$0x1FC20];
	_ =	sdelay $0x4  }
0xe4: {  	v6 =	vld [tilespmem:$0xA0];
	v1 =	vadd.s32 v1, v5  }
0xe5: {  	[tilespmem:$0x890] =	vst v1;
	v1 =	vld [tilespmem:$0x1FC30];
	_ =	sdelay $0x4  }
0xe6: {  	v2 =	vld [tilespmem:$0xB0];
	v1 =	vadd.s32 v1, v6  }
0xe7: {  	[tilespmem:$0x8A0] =	vst v1;
	v1 =	vld [tilespmem:$0x1FC40];
	_ =	sdelay $0x4  }
0xe8: {  	v3 =	vld [tilespmem:$0xC0];
	v1 =	vadd.s32 v1, v2  }
0xe9: {  	[tilespmem:$0x8B0] =	vst v1;
	v1 =	vld [tilespmem:$0x1FC50];
	_ =	sdelay $0x4  }
0xea: {  	v4 =	vld [tilespmem:$0xD0];
	v1 =	vadd.s32 v1, v3  }
0xeb: {  	[tilespmem:$0x8C0] =	vst v1;
	v1 =	vld [tilespmem:$0x1FC60];
	_ =	sdelay $0x4  }
0xec: {  	v5 =	vld [tilespmem:$0xE0];
	v1 =	vadd.s32 v1, v4  }
0xed: {  	[tilespmem:$0x8D0] =	vst v1;
	v1 =	vld [tilespmem:$0x1FC70];
	_ =	sdelay $0x4  }
0xee: {  	v6 =	vld [tilespmem:$0xF0];
	v1 =	vadd.s32 v1, v5  }
0xef: {  	[tilespmem:$0x8E0] =	vst v1;
	v1 =	vld [tilespmem:$0x1FC80];
	_ =	sdelay $0x4  }
0xf0: {  	v2 =	vld [tilespmem:$0x100];
	v1 =	vadd.s32 v1, v6  }
0xf1: {  	[tilespmem:$0x8F0] =	vst v1;
	v1 =	vld [tilespmem:$0x1FC90];
	_ =	sdelay $0x4  }
0xf2: {  	v3 =	vld [tilespmem:$0x110];
	v1 =	vadd.s32 v1, v2  }
0xf3: {  	[tilespmem:$0x900] =	vst v1;
	v1 =	vld [tilespmem:$0x1FCA0];
	_ =	sdelay $0x4  }
0xf4: {  	v4 =	vld [tilespmem:$0x120];
	v1 =	vadd.s32 v1, v3  }
0xf5: {  	[tilespmem:$0x910] =	vst v1;
	v1 =	vld [tilespmem:$0x1FCB0];
	_ =	sdelay $0x4  }
0xf6: {  	v5 =	vld [tilespmem:$0x130];
	v1 =	vadd.s32 v1, v4  }
0xf7: {  	[tilespmem:$0x920] =	vst v1;
	v1 =	vld [tilespmem:$0x1FCC0];
	_ =	sdelay $0x4  }
0xf8: {  	v6 =	vld [tilespmem:$0x140];
	v1 =	vadd.s32 v1, v5  }
0xf9: {  	[tilespmem:$0x930] =	vst v1;
	v1 =	vld [tilespmem:$0x1FCD0];
	_ =	sdelay $0x4  }
0xfa: {  	v2 =	vld [tilespmem:$0x150];
	v1 =	vadd.s32 v1, v6  }
0xfb: {  	[tilespmem:$0x940] =	vst v1;
	v1 =	vld [tilespmem:$0x1FCE0];
	_ =	sdelay $0x4  }
0xfc: {  	v3 =	vld [tilespmem:$0x160];
	v1 =	vadd.s32 v1, v2  }
0xfd: {  	[tilespmem:$0x950] =	vst v1;
	v1 =	vld [tilespmem:$0x1FCF0];
	_ =	sdelay $0x4  }
0xfe: {  	v4 =	vld [tilespmem:$0x170];
	v1 =	vadd.s32 v1, v3  }
0xff: {  	[tilespmem:$0x960] =	vst v1;
	v1 =	vld [tilespmem:$0x1FD00];
	_ =	sdelay $0x4  }
0x100: {  	v5 =	vld [tilespmem:$0x180];
	v1 =	vadd.s32 v1, v4  }
0x101: {  	[tilespmem:$0x970] =	vst v1;
	v1 =	vld [tilespmem:$0x1FD10];
	_ =	sdelay $0x4  }
0x102: {  	v6 =	vld [tilespmem:$0x190];
	v1 =	vadd.s32 v1, v5  }
0x103: {  	[tilespmem:$0x980] =	vst v1;
	v1 =	vld [tilespmem:$0x1FD20];
	_ =	sdelay $0x4  }
0x104: {  	v2 =	vld [tilespmem:$0x1A0];
	v1 =	vadd.s32 v1, v6  }
0x105: {  	[tilespmem:$0x990] =	vst v1;
	v1 =	vld [tilespmem:$0x1FD30];
	_ =	sdelay $0x4  }
0x106: {  	v3 =	vld [tilespmem:$0x1B0];
	v1 =	vadd.s32 v1, v2  }
0x107: {  	[tilespmem:$0x9A0] =	vst v1;
	v1 =	vld [tilespmem:$0x1FD40];
	_ =	sdelay $0x4  }
0x108: {  	v4 =	vld [tilespmem:$0x1C0];
	v1 =	vadd.s32 v1, v3  }
0x109: {  	[tilespmem:$0x9B0] =	vst v1;
	v1 =	vld [tilespmem:$0x1FD50];
	_ =	sdelay $0x4  }
0x10a: {  	v5 =	vld [tilespmem:$0x1D0];
	v1 =	vadd.s32 v1, v4  }
0x10b: {  	[tilespmem:$0x9C0] =	vst v1;
	v1 =	vld [tilespmem:$0x1FD60];
	_ =	sdelay $0x4  }
0x10c: {  	v6 =	vld [tilespmem:$0x1E0];
	v1 =	vadd.s32 v1, v5  }
0x10d: {  	[tilespmem:$0x9D0] =	vst v1;
	v1 =	vld [tilespmem:$0x1FD70];
	_ =	sdelay $0x4  }
0x10e: {  	v2 =	vld [tilespmem:$0x1F0];
	v1 =	vadd.s32 v1, v6  }
0x10f: {  	[tilespmem:$0x9E0] =	vst v1;
	v1 =	vld [tilespmem:$0x1FD80];
	_ =	sdelay $0x4  }
0x110: {  	v3 =	vld [tilespmem:$0x200];
	v1 =	vadd.s32 v1, v2  }
0x111: {  	[tilespmem:$0x9F0] =	vst v1;
	v1 =	vld [tilespmem:$0x1FD90];
	_ =	sdelay $0x4  }
0x112: {  	v4 =	vld [tilespmem:$0x210];
	v1 =	vadd.s32 v1, v3  }
0x113: {  	[tilespmem:$0xA00] =	vst v1;
	v1 =	vld [tilespmem:$0x1FDA0];
	_ =	sdelay $0x4  }
0x114: {  	v5 =	vld [tilespmem:$0x220];
	v1 =	vadd.s32 v1, v4  }
0x115: {  	[tilespmem:$0xA10] =	vst v1;
	v1 =	vld [tilespmem:$0x1FDB0];
	_ =	sdelay $0x4  }
0x116: {  	v6 =	vld [tilespmem:$0x230];
	v1 =	vadd.s32 v1, v5  }
0x117: {  	[tilespmem:$0xA20] =	vst v1;
	v1 =	vld [tilespmem:$0x1FDC0];
	_ =	sdelay $0x4  }
0x118: {  	v2 =	vld [tilespmem:$0x240];
	v1 =	vadd.s32 v1, v6  }
0x119: {  	[tilespmem:$0xA30] =	vst v1;
	v1 =	vld [tilespmem:$0x1FDD0];
	_ =	sdelay $0x4  }
0x11a: {  	v3 =	vld [tilespmem:$0x250];
	v1 =	vadd.s32 v1, v2  }
0x11b: {  	[tilespmem:$0xA40] =	vst v1;
	v1 =	vld [tilespmem:$0x1FDE0];
	_ =	sdelay $0x4  }
0x11c: {  	v4 =	vld [tilespmem:$0x260];
	v1 =	vadd.s32 v1, v3  }
0x11d: {  	[tilespmem:$0xA50] =	vst v1;
	v1 =	vld [tilespmem:$0x1FDF0];
	_ =	sdelay $0x4  }
0x11e: {  	v5 =	vld [tilespmem:$0x270];
	v1 =	vadd.s32 v1, v4  }
0x11f: {  	[tilespmem:$0xA60] =	vst v1;
	v1 =	vld [tilespmem:$0x1FE00];
	_ =	sdelay $0x4  }
0x120: {  	v6 =	vld [tilespmem:$0x280];
	v1 =	vadd.s32 v1, v5  }
0x121: {  	[tilespmem:$0xA70] =	vst v1;
	v1 =	vld [tilespmem:$0x1FE10];
	_ =	sdelay $0x4  }
0x122: {  	v2 =	vld [tilespmem:$0x290];
	v1 =	vadd.s32 v1, v6  }
0x123: {  	[tilespmem:$0xA80] =	vst v1;
	v1 =	vld [tilespmem:$0x1FE20];
	_ =	sdelay $0x4  }
0x124: {  	v3 =	vld [tilespmem:$0x2A0];
	v1 =	vadd.s32 v1, v2  }
0x125: {  	[tilespmem:$0xA90] =	vst v1;
	v1 =	vld [tilespmem:$0x1FE30];
	_ =	sdelay $0x4  }
0x126: {  	v4 =	vld [tilespmem:$0x2B0];
	v1 =	vadd.s32 v1, v3  }
0x127: {  	[tilespmem:$0xAA0] =	vst v1;
	v1 =	vld [tilespmem:$0x1FE40];
	_ =	sdelay $0x4  }
0x128: {  	v5 =	vld [tilespmem:$0x2C0];
	v1 =	vadd.s32 v1, v4  }
0x129: {  	[tilespmem:$0xAB0] =	vst v1;
	v1 =	vld [tilespmem:$0x1FE50];
	_ =	sdelay $0x4  }
0x12a: {  	v6 =	vld [tilespmem:$0x2D0];
	v1 =	vadd.s32 v1, v5  }
0x12b: {  	[tilespmem:$0xAC0] =	vst v1;
	v1 =	vld [tilespmem:$0x1FE60];
	_ =	sdelay $0x4  }
0x12c: {  	v2 =	vld [tilespmem:$0x2E0];
	v1 =	vadd.s32 v1, v6  }
0x12d: {  	[tilespmem:$0xAD0] =	vst v1;
	v1 =	vld [tilespmem:$0x1FE70];
	_ =	sdelay $0x4  }
0x12e: {  	v3 =	vld [tilespmem:$0x2F0];
	v1 =	vadd.s32 v1, v2  }
0x12f: {  	[tilespmem:$0xAE0] =	vst v1;
	v1 =	vld [tilespmem:$0x1FE80];
	_ =	sdelay $0x4  }
0x130: {  	v4 =	vld [tilespmem:$0x300];
	v1 =	vadd.s32 v1, v3  }
0x131: {  	[tilespmem:$0xAF0] =	vst v1;
	v1 =	vld [tilespmem:$0x1FE90];
	_ =	sdelay $0x4  }
0x132: {  	v5 =	vld [tilespmem:$0x310];
	v1 =	vadd.s32 v1, v4  }
0x133: {  	[tilespmem:$0xB00] =	vst v1;
	v1 =	vld [tilespmem:$0x1FEA0];
	_ =	sdelay $0x4  }
0x134: {  	v6 =	vld [tilespmem:$0x320];
	v1 =	vadd.s32 v1, v5  }
0x135: {  	[tilespmem:$0xB10] =	vst v1;
	v1 =	vld [tilespmem:$0x1FEB0];
	_ =	sdelay $0x4  }
0x136: {  	v2 =	vld [tilespmem:$0x330];
	v1 =	vadd.s32 v1, v6  }
0x137: {  	[tilespmem:$0xB20] =	vst v1;
	v1 =	vld [tilespmem:$0x1FEC0];
	_ =	sdelay $0x4  }
0x138: {  	v3 =	vld [tilespmem:$0x340];
	v1 =	vadd.s32 v1, v2  }
0x139: {  	[tilespmem:$0xB30] =	vst v1;
	v1 =	vld [tilespmem:$0x1FED0];
	_ =	sdelay $0x4  }
0x13a: {  	v4 =	vld [tilespmem:$0x350];
	v1 =	vadd.s32 v1, v3  }
0x13b: {  	[tilespmem:$0xB40] =	vst v1;
	v1 =	vld [tilespmem:$0x1FEE0];
	_ =	sdelay $0x4  }
0x13c: {  	v5 =	vld [tilespmem:$0x360];
	v1 =	vadd.s32 v1, v4  }
0x13d: {  	[tilespmem:$0xB50] =	vst v1;
	v1 =	vld [tilespmem:$0x1FEF0];
	_ =	sdelay $0x4  }
0x13e: {  	v6 =	vld [tilespmem:$0x370];
	v1 =	vadd.s32 v1, v5  }
0x13f: {  	[tilespmem:$0xB60] =	vst v1;
	v1 =	vld [tilespmem:$0x1FF00];
	_ =	sdelay $0x4  }
0x140: {  	v2 =	vld [tilespmem:$0x380];
	v1 =	vadd.s32 v1, v6  }
0x141: {  	[tilespmem:$0xB70] =	vst v1;
	v1 =	vld [tilespmem:$0x1FF10];
	_ =	sdelay $0x4  }
0x142: {  	v3 =	vld [tilespmem:$0x390];
	v1 =	vadd.s32 v1, v2  }
0x143: {  	[tilespmem:$0xB80] =	vst v1;
	v1 =	vld [tilespmem:$0x1FF20];
	_ =	sdelay $0x4  }
0x144: {  	v4 =	vld [tilespmem:$0x3A0];
	v1 =	vadd.s32 v1, v3  }
0x145: {  	[tilespmem:$0xB90] =	vst v1;
	v1 =	vld [tilespmem:$0x1FF30];
	_ =	sdelay $0x4  }
0x146: {  	v5 =	vld [tilespmem:$0x3B0];
	v1 =	vadd.s32 v1, v4  }
0x147: {  	[tilespmem:$0xBA0] =	vst v1;
	v1 =	vld [tilespmem:$0x1FF40];
	_ =	sdelay $0x4  }
0x148: {  	v6 =	vld [tilespmem:$0x3C0];
	v1 =	vadd.s32 v1, v5  }
0x149: {  	[tilespmem:$0xBB0] =	vst v1;
	v1 =	vld [tilespmem:$0x1FF50];
	_ =	sdelay $0x4  }
0x14a: {  	v2 =	vld [tilespmem:$0x3D0];
	v1 =	vadd.s32 v1, v6  }
0x14b: {  	[tilespmem:$0xBC0] =	vst v1;
	v1 =	vld [tilespmem:$0x1FF60];
	_ =	sdelay $0x4  }
0x14c: {  	v3 =	vld [tilespmem:$0x3E0];
	v1 =	vadd.s32 v1, v2  }
0x14d: {  	[tilespmem:$0xBD0] =	vst v1;
	v1 =	vld [tilespmem:$0x1FF70];
	_ =	sdelay $0x4  }
0x14e: {  	v4 =	vld [tilespmem:$0x3F0];
	v1 =	vadd.s32 v1, v3  }
0x14f: {  	[tilespmem:$0xBE0] =	vst v1;
	v1 =	vld [tilespmem:$0x1FF80];
	_ =	sdelay $0x4  }
0x150: {  	v5 =	vld [tilespmem:$0x400];
	v1 =	vadd.s32 v1, v4  }
0x151: {  	[tilespmem:$0xBF0] =	vst v1;
	v1 =	vld [tilespmem:$0x1FF90];
	_ =	sdelay $0x4  }
0x152: {  	v6 =	vld [tilespmem:$0x410];
	v1 =	vadd.s32 v1, v5  }
0x153: {  	[tilespmem:$0xC00] =	vst v1;
	v1 =	vld [tilespmem:$0x1FFA0];
	_ =	sdelay $0x4  }
0x154: {  	v2 =	vld [tilespmem:$0x420];
	v1 =	vadd.s32 v1, v6  }
0x155: {  	[tilespmem:$0xC10] =	vst v1;
	v1 =	vld [tilespmem:$0x1FFB0];
	_ =	sdelay $0x4  }
0x156: {  	v3 =	vld [tilespmem:$0x430];
	v1 =	vadd.s32 v1, v2  }
0x157: {  	[tilespmem:$0xC20] =	vst v1;
	v1 =	vld [tilespmem:$0x1FFC0];
	_ =	sdelay $0x4  }
0x158: {  	v4 =	vld [tilespmem:$0x440];
	v1 =	vadd.s32 v1, v3  }
0x159: {  	[tilespmem:$0xC30] =	vst v1;
	v1 =	vld [tilespmem:$0x1FFD0];
	_ =	sdelay $0x4  }
0x15a: {  	v5 =	vld [tilespmem:$0x450];
	v1 =	vadd.s32 v1, v4  }
0x15b: {  	[tilespmem:$0xC40] =	vst v1;
	v1 =	vld [tilespmem:$0x1FFE0];
	_ =	sdelay $0x2  }
0x15c: {  	[tilespmem:$0x1000] =	vst v0  }
0x15d: {  	[tilespmem:$0x1010] =	vst v0  }
0x15e: {  	[tilespmem:$0x1020] =	vst v0;
	v6 =	vld [tilespmem:$0x460];
	v1 =	vadd.s32 v1, v5  }
0x15f: {  	[tilespmem:$0xC50] =	vst v1;
	v1 =	vld [tilespmem:$0x1FFF0]  }
0x160: {  	[tilespmem:$0x1030] =	vst v0;
	v2 =	vld [tilespmem:$0x470]  }
0x161: {  	[tilespmem:$0x1040] =	vst v0;
	v3 =	vld [tilespmem:$0x480]  }
0x162: {  	[tilespmem:$0x1050] =	vst v0;
	v4 =	vld [tilespmem:$0x490]  }
0x163: {  	[tilespmem:$0x1060] =	vst v0;
	v5 =	vld [tilespmem:$0x4A0]  }
0x164: {  	[tilespmem:$0x1070] =	vst v0;
	v1 =	vadd.s32 v1, v6;
	v6 =	vld [tilespmem:$0x4B0]  }
0x165: {  	[tilespmem:$0xC60] =	vst v1;
	v1 =	vadd.s32 v7, v2;
	v2 =	vld [tilespmem:$0x4C0]  }
0x166: {  	[tilespmem:$0xC70] =	vst v1;
	v1 =	vadd.s32 v8, v3;
	v3 =	vld [tilespmem:$0x4D0]  }
0x167: {  	[tilespmem:$0xC80] =	vst v1;
	v1 =	vadd.s32 v9, v4;
	v4 =	vld [tilespmem:$0x4E0]  }
0x168: {  	[tilespmem:$0xC90] =	vst v1;
	v1 =	vadd.s32 v10, v5;
	v5 =	vld [tilespmem:$0x4F0]  }
0x169: {  	[tilespmem:$0xCA0] =	vst v1;
	v1 =	vadd.s32 v11, v6;
	v6 =	vld [tilespmem:$0x500]  }
0x16a: {  	[tilespmem:$0xCB0] =	vst v1;
	v1 =	vadd.s32 v12, v2;
	v2 =	vld [tilespmem:$0x510]  }
0x16b: {  	[tilespmem:$0xCC0] =	vst v1;
	v1 =	vadd.s32 v13, v3;
	v3 =	vld [tilespmem:$0x520]  }
0x16c: {  	[tilespmem:$0xCD0] =	vst v1;
	v1 =	vadd.s32 v14, v4;
	v4 =	vld [tilespmem:$0x530]  }
0x16d: {  	[tilespmem:$0xCE0] =	vst v1;
	v1 =	vadd.s32 v15, v5;
	v5 =	vld [tilespmem:$0x540]  }
0x16e: {  	[tilespmem:$0xCF0] =	vst v1;
	v1 =	vadd.s32 v16, v6;
	v6 =	vld [tilespmem:$0x550]  }
0x16f: {  	[tilespmem:$0xD00] =	vst v1;
	v1 =	vadd.s32 v17, v2;
	v2 =	vld [tilespmem:$0x560]  }
0x170: {  	[tilespmem:$0xD10] =	vst v1;
	v1 =	vadd.s32 v18, v3;
	v3 =	vld [tilespmem:$0x570]  }
0x171: {  	[tilespmem:$0xD20] =	vst v1;
	v1 =	vadd.s32 v19, v4;
	v4 =	vld [tilespmem:$0x580]  }
0x172: {  	[tilespmem:$0xD30] =	vst v1;
	v1 =	vadd.s32 v20, v5;
	v5 =	vld [tilespmem:$0x590]  }
0x173: {  	[tilespmem:$0xD40] =	vst v1;
	v1 =	vadd.s32 v21, v6;
	v6 =	vld [tilespmem:$0x5A0]  }
0x174: {  	[tilespmem:$0xD50] =	vst v1;
	v1 =	vadd.s32 v22, v2;
	v2 =	vld [tilespmem:$0x5B0]  }
0x175: {  	[tilespmem:$0xD60] =	vst v1;
	v1 =	vadd.s32 v23, v3;
	v3 =	vld [tilespmem:$0x5C0]  }
0x176: {  	[tilespmem:$0xD70] =	vst v1;
	v1 =	vadd.s32 v24, v4;
	v4 =	vld [tilespmem:$0x5D0]  }
0x177: {  	[tilespmem:$0xD80] =	vst v1;
	v1 =	vadd.s32 v25, v5;
	v5 =	vld [tilespmem:$0x5E0]  }
0x178: {  	[tilespmem:$0xD90] =	vst v1;
	v1 =	vadd.s32 v26, v6;
	v6 =	vld [tilespmem:$0x5F0]  }
0x179: {  	[tilespmem:$0xDA0] =	vst v1;
	v1 =	vadd.s32 v27, v2;
	v2 =	vld [tilespmem:$0x600]  }
0x17a: {  	[tilespmem:$0xDB0] =	vst v1;
	v1 =	vadd.s32 v28, v3;
	v3 =	vld [tilespmem:$0x610]  }
0x17b: {  	[tilespmem:$0xDC0] =	vst v1;
	v1 =	vadd.s32 v29, v4;
	v4 =	vld [tilespmem:$0x620]  }
0x17c: {  	[tilespmem:$0xDD0] =	vst v1;
	v1 =	vadd.s32 v30, v5;
	v5 =	vld [tilespmem:$0x630]  }
0x17d: {  	[tilespmem:$0xDE0] =	vst v1;
	v1 =	vadd.s32 v31, v6;
	v6 =	vld [tilespmem:$0x640]  }
0x17e: {  	[tilespmem:$0xDF0] =	vst v1;
	v1 =	vadd.s32 v32, v2;
	v2 =	vld [tilespmem:$0x650]  }
0x17f: {  	[tilespmem:$0xE00] =	vst v1;
	v1 =	vadd.s32 v33, v3;
	v3 =	vld [tilespmem:$0x660]  }
0x180: {  	[tilespmem:$0xE10] =	vst v1;
	v1 =	vadd.s32 v34, v4;
	v4 =	vld [tilespmem:$0x670]  }
0x181: {  	[tilespmem:$0xE20] =	vst v1;
	v1 =	vadd.s32 v35, v5;
	v5 =	vld [tilespmem:$0x680]  }
0x182: {  	[tilespmem:$0xE30] =	vst v1;
	v1 =	vadd.s32 v36, v6;
	v6 =	vld [tilespmem:$0x690]  }
0x183: {  	[tilespmem:$0xE40] =	vst v1;
	v1 =	vadd.s32 v37, v2;
	v2 =	vld [tilespmem:$0x6A0]  }
0x184: {  	[tilespmem:$0xE50] =	vst v1;
	v1 =	vadd.s32 v38, v3;
	v3 =	vld [tilespmem:$0x6B0]  }
0x185: {  	[tilespmem:$0xE60] =	vst v1;
	v1 =	vadd.s32 v39, v4;
	v4 =	vld [tilespmem:$0x6C0]  }
0x186: {  	[tilespmem:$0xE70] =	vst v1;
	v1 =	vadd.s32 v40, v5;
	v5 =	vld [tilespmem:$0x6D0]  }
0x187: {  	[tilespmem:$0xE80] =	vst v1;
	v1 =	vadd.s32 v41, v6;
	v6 =	vld [tilespmem:$0x6E0]  }
0x188: {  	[tilespmem:$0xE90] =	vst v1;
	v1 =	vadd.s32 v42, v2;
	v2 =	vld [tilespmem:$0x6F0]  }
0x189: {  	[tilespmem:$0xEA0] =	vst v1;
	v1 =	vadd.s32 v43, v3;
	v3 =	vld [tilespmem:$0x700]  }
0x18a: {  	[tilespmem:$0xEB0] =	vst v1;
	v1 =	vadd.s32 v44, v4;
	v4 =	vld [tilespmem:$0x710]  }
0x18b: {  	[tilespmem:$0xEC0] =	vst v1;
	v1 =	vadd.s32 v45, v5;
	v5 =	vld [tilespmem:$0x720]  }
0x18c: {  	[tilespmem:$0xED0] =	vst v1;
	v1 =	vadd.s32 v46, v6;
	v6 =	vld [tilespmem:$0x730]  }
0x18d: {  	[tilespmem:$0xEE0] =	vst v1;
	v1 =	vadd.s32 v47, v2;
	v2 =	vld [tilespmem:$0x740]  }
0x18e: {  	[tilespmem:$0xEF0] =	vst v1;
	v1 =	vadd.s32 v48, v3;
	v3 =	vld [tilespmem:$0x750]  }
0x18f: {  	[tilespmem:$0xF00] =	vst v1;
	v1 =	vadd.s32 v49, v4;
	v4 =	vld [tilespmem:$0x760]  }
0x190: {  	[tilespmem:$0xF10] =	vst v1;
	v1 =	vadd.s32 v50, v5;
	v5 =	vld [tilespmem:$0x770]  }
0x191: {  	[tilespmem:$0xF20] =	vst v1;
	v1 =	vadd.s32 v51, v6;
	v6 =	vld [tilespmem:$0x780]  }
0x192: {  	[tilespmem:$0xF30] =	vst v1;
	v1 =	vadd.s32 v53, v2;
	v2 =	vld [tilespmem:$0x790]  }
0x193: {  	[tilespmem:$0xF40] =	vst v1;
	v1 =	vadd.s32 v54, v3;
	v3 =	vld [tilespmem:$0x7A0]  }
0x194: {  	[tilespmem:$0xF50] =	vst v1;
	v1 =	vadd.s32 v55, v4;
	v4 =	vld [tilespmem:$0x7B0]  }
0x195: {  	[tilespmem:$0xF60] =	vst v1;
	v1 =	vadd.s32 v56, v5;
	v5 =	vld [tilespmem:$0x7C0]  }
0x196: {  	[tilespmem:$0xF70] =	vst v1;
	v1 =	vadd.s32 v57, v6;
	v6 =	vld [tilespmem:$0x7D0]  }
0x197: {  	[tilespmem:$0xF80] =	vst v1;
	v1 =	vadd.s32 v58, v2;
	v2 =	vld [tilespmem:$0x7E0]  }
0x198: {  	[tilespmem:$0xF90] =	vst v1;
	v1 =	vadd.s32 v59, v3;
	v3 =	vld [tilespmem:$0x7F0]  }
0x199: {  	[tilespmem:$0xFA0] =	vst v1;
	v1 =	vadd.s32 v60, v4  }
0x19a: {  	[tilespmem:$0xFB0] =	vst v1;
	v1 =	vadd.s32 v61, v5  }
0x19b: {  	[tilespmem:$0xFC0] =	vst v1;
	v1 =	vadd.s32 v62, v6  }
0x19c: {  	[tilespmem:$0xFD0] =	vst v1;
	v1 =	vadd.s32 v63, v2  }
0x19d: {  	[tilespmem:$0xFE0] =	vst v1;
	v1 =	vadd.s32 v52, v3  }
0x19e: {  	[tilespmem:$0xFF0] =	vst v1  }
0x19f: {  	[hbm4b:s3+s7] =	stream.indirect.scatter [tilespmem:s9], [sflag:$0x1], $0x1, s8, s7, $0xb8;
	[tilespmem:$0x1080] =	vst v63  }
0x1a0: {  	_ =	swait.ge [sflag:s6], $0x80  }
0x1a1: {  	[sflag:s6] =	ssyncset.done $0x0  }
0x1a2: {  	[sflag:s6] =	ssyncadd.s32 $0xFFFFFF80  }
0x1a3: {  	[hbm4b:s3+s7] =	stream.indirect.scatter [tilespmem:s9], [sflag:$0x1], $0x1, s10, s7, $0xb8;
	[tilespmem:$0x1080] =	vst v63  }
0x1a4: {  	_ =	swait.ge [sflag:s6], $0x80  }
0x1a5: {  	[sflag:s6] =	ssyncset.done $0x0  }
0x1a6: {  	[sflag:s6] =	ssyncadd.s32 $0xFFFFFF80  }
0x1a7: {  	[hbm4b:s3+s7] =	stream.indirect.scatter [tilespmem:s9], [sflag:$0x1], $0x1, s11, s7, $0xb8;
	[tilespmem:$0x1080] =	vst v63  }
0x1a8: {  	_ =	swait.ge [sflag:s6], $0x80  }
0x1a9: {  	[sflag:s6] =	ssyncset.done $0x0  }
0x1aa: {  	[sflag:s6] =	ssyncadd.s32 $0xFFFFFF80  }
0x1ab: {  	[hbm4b:s3+s7] =	stream.indirect.scatter [tilespmem:s9], [sflag:$0x1], $0x1, s12, s7, $0xb8;
	[tilespmem:$0x1080] =	vst v63  }
0x1ac: {  	_ =	swait.ge [sflag:s6], $0x80  }
0x1ad: {  	[sflag:s6] =	ssyncset.done $0x0  }
0x1ae: {  	[sflag:s6] =	ssyncadd.s32 $0xFFFFFF80  }
0x1af: {  	[hbm4b:s3+s7] =	stream.indirect.scatter [tilespmem:s9], [sflag:$0x1], $0x1, s13, s7, $0xb8;
	[tilespmem:$0x1080] =	vst v63  }
0x1b0: {  	_ =	swait.ge [sflag:s6], $0x80  }
0x1b1: {  	[sflag:s6] =	ssyncset.done $0x0  }
0x1b2: {  	[sflag:s6] =	ssyncadd.s32 $0xFFFFFF80  }
0x1b3: {  	[hbm4b:s3+s7] =	stream.indirect.scatter [tilespmem:s9], [sflag:$0x1], $0x1, s14, s7, $0xb8;
	[tilespmem:$0x1080] =	vst v63  }
0x1b4: {  	_ =	swait.ge [sflag:s6], $0x80  }
0x1b5: {  	[sflag:s6] =	ssyncset.done $0x0  }
0x1b6: {  	[sflag:s6] =	ssyncadd.s32 $0xFFFFFF80  }
0x1b7: {  	[hbm4b:s3+s7] =	stream.indirect.scatter [tilespmem:s9], [sflag:$0x1], $0x1, s15, s7, $0xb8;
	[tilespmem:$0x1080] =	vst v63  }
0x1b8: {  	_ =	swait.ge [sflag:s6], $0x80  }
0x1b9: {  	[sflag:s6] =	ssyncset.done $0x0  }
0x1ba: {  	[sflag:s6] =	ssyncadd.s32 $0xFFFFFF80  }
0x1bb: {  	[hbm4b:s3+s7] =	stream.indirect.scatter [tilespmem:s9], [sflag:$0x1], $0x1, s16, s7, $0xb8;
	[tilespmem:$0x1080] =	vst v63  }
0x1bc: {  	_ =	swait.ge [sflag:s6], $0x80  }
0x1bd: {  	[sflag:s6] =	ssyncset.done $0x0  }
0x1be: {  	[sflag:s6] =	ssyncadd.s32 $0xFFFFFF80  }
0x1bf: {  	[hbm4b:s3+s7] =	stream.indirect.scatter [tilespmem:s9], [sflag:$0x1], $0x1, s17, s7, $0xb8;
	[tilespmem:$0x1080] =	vst v63  }
0x1c0: {  	_ =	swait.ge [sflag:s6], $0x80  }
0x1c1: {  	[sflag:s6] =	ssyncset.done $0x0  }
0x1c2: {  	[sflag:s6] =	ssyncadd.s32 $0xFFFFFF80  }
0x1c3: {  	[hbm4b:s3+s7] =	stream.indirect.scatter [tilespmem:s9], [sflag:$0x1], $0x1, s18, s7, $0xb8;
	[tilespmem:$0x1080] =	vst v63  }
0x1c4: {  	_ =	swait.ge [sflag:s6], $0x80  }
0x1c5: {  	[sflag:s6] =	ssyncset.done $0x0  }
0x1c6: {  	[sflag:s6] =	ssyncadd.s32 $0xFFFFFF80  }
0x1c7: {  	[hbm4b:s3+s7] =	stream.indirect.scatter [tilespmem:s9], [sflag:$0x1], $0x1, s19, s7, $0xb8;
	[tilespmem:$0x1080] =	vst v63  }
0x1c8: {  	_ =	swait.ge [sflag:s6], $0x80  }
0x1c9: {  	[sflag:s6] =	ssyncset.done $0x0  }
0x1ca: {  	[sflag:s6] =	ssyncadd.s32 $0xFFFFFF80  }
0x1cb: {  	[hbm4b:s3+s7] =	stream.indirect.scatter [tilespmem:s9], [sflag:$0x1], $0x1, s20, s7, $0xb8;
	[tilespmem:$0x1080] =	vst v63  }
0x1cc: {  	_ =	swait.ge [sflag:s6], $0x80  }
0x1cd: {  	[sflag:s6] =	ssyncset.done $0x0  }
0x1ce: {  	[sflag:s6] =	ssyncadd.s32 $0xFFFFFF80  }
0x1cf: {  	[hbm4b:s3+s7] =	stream.indirect.scatter [tilespmem:s9], [sflag:$0x1], $0x1, s21, s7, $0xb8;
	[tilespmem:$0x1080] =	vst v63  }
0x1d0: {  	_ =	swait.ge [sflag:s6], $0x80  }
0x1d1: {  	[sflag:s6] =	ssyncset.done $0x0  }
0x1d2: {  	[sflag:s6] =	ssyncadd.s32 $0xFFFFFF80  }
0x1d3: {  	[hbm4b:s3+s7] =	stream.indirect.scatter [tilespmem:s9], [sflag:$0x1], $0x1, s22, s7, $0xb8;
	[tilespmem:$0x1080] =	vst v63  }
0x1d4: {  	_ =	swait.ge [sflag:s6], $0x80  }
0x1d5: {  	[sflag:s6] =	ssyncset.done $0x0  }
0x1d6: {  	[sflag:s6] =	ssyncadd.s32 $0xFFFFFF80  }
0x1d7: {  	[hbm4b:s3+s7] =	stream.indirect.scatter [tilespmem:s9], [sflag:$0x1], $0x1, s23, s7, $0xb8;
	[tilespmem:$0x1080] =	vst v63  }
0x1d8: {  	_ =	swait.ge [sflag:s6], $0x80  }
0x1d9: {  	p0 =	sne.s32 s5, $0x1;
	[sflag:s6] =	ssyncset.done $0x0  }
.Ltmp0:
0x1da: {  	[sflag:s6] =	ssyncadd.s32 $0xFFFFFF80;
	(pc) =	sbr.rel @p0 .LBB2_1-.Ltmp0, $4  }
0x1db: {  	[hbm4b:s3+s7] =	stream.indirect.scatter [tilespmem:s9], [sflag:$0x1], $0x1, s24, s7, $0xb8;
	[tilespmem:$0x1080] =	vst v63  }
0x1dc: {  	_ =	swait.ge [sflag:s6], $0x80  }
0x1dd: {  	[sflag:s6] =	ssyncset.done $0x0  }
0x1de: {  	s5 =	sadd.s32 $0xFFFFFFFF, s5;
	[sflag:s6] =	ssyncadd.s32 $0xFFFFFF80  }
0x1df: {  	_ =	sfence.sel $0x180000  }
0x1e0: {  	[bflag:$0x0] =	sbarrier.arrive $0xFFFF  }
0x1e1: {  	p0 =	sne.s32 s0, $0x0;
	_ =	strace $0x90000047  }
0x1e2: {  	s0 =	sadd.s32 @!p0 $0x100000, s1;
	[bflag:$0x2] =	sbarrier.arrive $0xFFFF  }
0x1e3: {  	[sflag:s0] =	ssyncadd.tile.s32 @!p0 $0x1;
	_ =	shalt  }
.Lfunc_end2:
_tile_overlayer_lowered:
.L_overlay_start_2:
0x1e4: {  	(tag) =	ssettag $0x2  }
0x1e5: {  	s0 =	rddreg [dreg:$0x0];
	s2 =	stileid.u32  }
0x1e6: {  	s1 =	rddreg [dreg:$0x1];
	p0 =	sne.s32 s2, $0x0  }
0x1e7: {  	s3 =	rddreg [dreg:$0x2];
	[bflag:$0x3] =	sbarrier.arrive $0xFFFF;
	s2 =	simm.s32 @!p0 $0x1C01  }
0x1e8: {  	[timem:s3], [sflag:s2] =	dma.local @!p0 [hbm:s0], s1  }
0x1e9: {  	s0 =	simm.s32 @!p0 $0x1  }
0x1ea: {  	_ =	swait.ge @!p0 [sflag:s0], s1  }
0x1eb: {  	s1 =	ssub.s32 @!p0 $0x0, s1;
	[sflag:s0] =	ssyncset.done @!p0 $0x0  }
0x1ec: {  	[sflag:s0] =	ssyncadd.s32 @!p0 s1  }
0x1ed: {  	[bflag:$0x3] =	sbarrier.arrive $0xFFFF  }
0x1ee: {  	_ =	shalt  }

</sc_bundles>
